<compile_context>
chip_gen: v7x
topology: tpu7x:2x2x1
jax: 0.10.2.dev20260603
libtpu: 0.0.44.dev20260713+nightly
codegen_flags: <defaults>
</compile_context>

<pallas_src>
import jax
import jax.numpy as jnp
from jax import lax
from jax.experimental import pallas as pl
from jax.experimental.pallas import tpu as pltpu
from jax.experimental.pallas import tpu_sc as plsc

N_NODES = 10000
D = 128
DH = 64
N_EDGES = 320000

NC = 2
NS = 16
NPAD = 10240
ROWS_PT = NPAD // NS
EPAD = 327680
ET = EPAD // NS
K = 128
NCHUNK = ET // K
NCHUNK_C = NCHUNK // NC
NBUF = 4

_mesh = plsc.VectorSubcoreMesh(core_axis_name="c", subcore_axis_name="s")


def _deg_body(src_hbm, dst_hbm, out_hbm, src_v, dst_v, ones_v, zrow_v,
              dsrc_sh, ddst_sh, ssems, dsems):
    cid = lax.axis_index("c")
    sid = lax.axis_index("s")

    o16 = jnp.ones((16,), jnp.float32)
    z16 = jnp.zeros((16,), jnp.float32)
    for l in range(K // 16):
        ones_v[pl.ds(l * 16, 16)] = o16
    for l in range(ROWS_PT // 16):
        zrow_v[pl.ds(l * 16, 16)] = z16

    pltpu.sync_copy(zrow_v, dsrc_sh.at[pl.ds(sid * ROWS_PT, ROWS_PT)])
    pltpu.sync_copy(zrow_v, ddst_sh.at[pl.ds(sid * ROWS_PT, ROWS_PT)])
    plsc.subcore_barrier()

    pltpu.sync_copy(src_hbm.at[sid].at[pl.ds(cid * NCHUNK_C, NCHUNK_C)], src_v)
    pltpu.sync_copy(dst_hbm.at[sid].at[pl.ds(cid * NCHUNK_C, NCHUNK_C)], dst_v)

    DBUF = 8

    def start_s(j, b):
        pltpu.async_copy(ones_v, dsrc_sh.at[src_v.at[j]], ssems.at[b],
                         add=True)
        pltpu.async_copy(ones_v, ddst_sh.at[dst_v.at[j]], dsems.at[b],
                         add=True)

    def wait_s(j, b):
        pltpu.make_async_copy(ones_v, dsrc_sh.at[src_v.at[j]],
                              ssems.at[b]).wait()
        pltpu.make_async_copy(ones_v, ddst_sh.at[dst_v.at[j]],
                              dsems.at[b]).wait()

    for b in range(DBUF):
        start_s(b, b)

    def chunk(i, _):
        for b in range(DBUF):
            j = i * DBUF + b
            wait_s(j - DBUF, b)
            start_s(j, b)
        return ()

    lax.fori_loop(1, NCHUNK_C // DBUF, chunk, ())
    for b in range(DBUF):
        wait_s(NCHUNK_C - DBUF + b, b)
    plsc.subcore_barrier()

    sl = pl.ds(sid * ROWS_PT, ROWS_PT)
    pltpu.sync_copy(dsrc_sh.at[sl], out_hbm.at[cid, 0, sl])
    pltpu.sync_copy(ddst_sh.at[sl], out_hbm.at[cid, 1, sl])


_deg_kernel = pl.kernel(
    _deg_body,
    out_type=jax.ShapeDtypeStruct((NC, 2, NPAD), jnp.float32),
    mesh=_mesh,
    scratch_types=[
        pltpu.VMEM((NCHUNK_C, K), jnp.int32),
        pltpu.VMEM((NCHUNK_C, K), jnp.int32),
        pltpu.VMEM((K,), jnp.float32),
        pltpu.VMEM((ROWS_PT,), jnp.float32),
        pltpu.VMEM_SHARED((NPAD,), jnp.float32),
        pltpu.VMEM_SHARED((NPAD,), jnp.float32),
        pltpu.SemaphoreType.DMA((8,)),
        pltpu.SemaphoreType.DMA((8,)),
    ],
)


def _spmm_body(z_hbm, src_hbm, dst_hbm, out_hbm, src_v, dst_v, stage,
               acc_sh, gsems, ssems):
    cid = lax.axis_index("c")
    sid = lax.axis_index("s")

    z16 = jnp.zeros((16,), jnp.float32)

    def zrow(r, _):
        for l in range(DH // 16):
            stage[0, r, pl.ds(l * 16, 16)] = z16
        return ()

    lax.fori_loop(0, K, zrow, ())
    for t in range(ROWS_PT // K):
        pltpu.sync_copy(stage.at[0],
                        acc_sh.at[pl.ds(sid * ROWS_PT + t * K, K)])
    plsc.subcore_barrier()

    pltpu.sync_copy(src_hbm.at[sid], src_v)
    pltpu.sync_copy(dst_hbm.at[sid], dst_v)
    zc = z_hbm.at[cid]

    def start_gather(j, b):
        pltpu.async_copy(zc.at[src_v.at[j]], stage.at[b], gsems.at[b])

    def wait_gather(j, b):
        pltpu.make_async_copy(zc.at[src_v.at[j]], stage.at[b],
                              gsems.at[b]).wait()

    def start_scat(j, b):
        pltpu.async_copy(stage.at[b], acc_sh.at[dst_v.at[j]], ssems.at[b],
                         add=True)

    def wait_scat(j, b):
        pltpu.make_async_copy(stage.at[b], acc_sh.at[dst_v.at[j]],
                              ssems.at[b]).wait()

    for b in range(NBUF):
        start_gather(b, b)
    for b in range(NBUF):
        wait_gather(b, b)
        start_scat(b, b)

    def body(i, _):
        for b in range(NBUF):
            j = i * NBUF + b
            wait_scat(j - NBUF, b)
            start_gather(j, b)
        for b in range(NBUF):
            j = i * NBUF + b
            wait_gather(j, b)
            start_scat(j, b)
        return ()

    lax.fori_loop(1, NCHUNK // NBUF, body, ())
    for b in range(NBUF):
        wait_scat(NCHUNK - NBUF + b, b)

    plsc.subcore_barrier()
    for t in range(ROWS_PT // K):
        sl = pl.ds(sid * ROWS_PT + t * K, K)
        pltpu.sync_copy(acc_sh.at[sl], out_hbm.at[cid].at[sl])


_spmm_kernel = pl.kernel(
    _spmm_body,
    out_type=jax.ShapeDtypeStruct((NC, NPAD, DH), jnp.float32),
    mesh=_mesh,
    scratch_types=[
        pltpu.VMEM((NCHUNK, K), jnp.int32),
        pltpu.VMEM((NCHUNK, K), jnp.int32),
        pltpu.VMEM((NBUF, K, DH), jnp.float32),
        pltpu.VMEM_SHARED((NPAD, DH), jnp.float32),
        pltpu.SemaphoreType.DMA((NBUF,)),
        pltpu.SemaphoreType.DMA((NBUF,)),
    ],
    compiler_params=pltpu.CompilerParams(use_tc_tiling_on_sc=False),
)


RB = 1024


def _norms(dp_ref):
    dsrc = dp_ref[0, 0, :] + dp_ref[1, 0, :]
    ddst = dp_ref[0, 1, :] + dp_ref[1, 1, :]
    ns = lax.rsqrt(jnp.maximum(dsrc, 1.0))
    nd = lax.rsqrt(jnp.maximum(ddst, 1.0))
    return ns, nd


def _tc1_body(x_ref, w_ref, dp_ref, o_ref):
    ns, _ = _norms(dp_ref)
    o_ref[0] = jnp.dot(x_ref[...], w_ref[0],
                       preferred_element_type=jnp.float32) * ns[:, None]


def _tc2_body(s_ref, dp_ref, b1_ref, w_ref, o_ref):
    ns, nd = _norms(dp_ref)
    s = jnp.concatenate([s_ref[0], s_ref[1]], axis=1)
    h = s * nd[:, None] + b1_ref[0][None, :]
    h = jnp.maximum(h, 0.0)
    o_ref[0] = jnp.dot(h, w_ref[0],
                       preferred_element_type=jnp.float32) * ns[:, None]


def _tc3_body(s_ref, dp_ref, b2_ref, o_ref):
    _, nd = _norms(dp_ref)
    s = jnp.concatenate([s_ref[0], s_ref[1]], axis=1)
    o_ref[...] = s * nd[:, None] + b2_ref[0][None, :]


_x_spec = pl.BlockSpec((RB, D), lambda i, c: (i, 0))
_wh_spec = pl.BlockSpec((1, D, DH), lambda i, c: (c, 0, 0))
_dp2_spec = pl.BlockSpec((NC, 2, RB), lambda i, c: (0, 0, i))
_b2d_spec = pl.BlockSpec((1, D), lambda i, c: (0, 0))
_sin_spec = pl.BlockSpec((NC, RB, DH), lambda i, c: (0, i, 0))
_oh_spec = pl.BlockSpec((1, RB, DH), lambda i, c: (c, i, 0))
_half_struct = jax.ShapeDtypeStruct((NC, NPAD, DH), jnp.float32)

_tc1 = pl.pallas_call(_tc1_body, grid=(NPAD // RB, NC),
                      in_specs=[_x_spec, _wh_spec, _dp2_spec],
                      out_specs=_oh_spec, out_shape=_half_struct)
_tc2 = pl.pallas_call(_tc2_body, grid=(NPAD // RB, NC),
                      in_specs=[_sin_spec, _dp2_spec, _b2d_spec, _wh_spec],
                      out_specs=_oh_spec, out_shape=_half_struct)
_tc3 = pl.pallas_call(
    _tc3_body, grid=(NPAD // RB,),
    in_specs=[pl.BlockSpec((NC, RB, DH), lambda i: (0, i, 0)),
              pl.BlockSpec((NC, 2, RB), lambda i: (0, 0, i)),
              pl.BlockSpec((1, D), lambda i: (0, 0))],
    out_specs=pl.BlockSpec((RB, D), lambda i: (i, 0)),
    out_shape=jax.ShapeDtypeStruct((NPAD, D), jnp.float32))


def kernel(x, edge_index, W1, b1, W2, b2):
    src = edge_index[0].astype(jnp.int32)
    dst = edge_index[1].astype(jnp.int32)
    npad_e = EPAD - N_EDGES
    pad_idx = N_NODES + (jnp.arange(npad_e, dtype=jnp.int32) % 16)
    src_p = jnp.concatenate([src, pad_idx]).reshape(NS, NCHUNK, K)
    dst_p = jnp.concatenate([dst, pad_idx]).reshape(NS, NCHUNK, K)

    x_p = jnp.pad(x, ((0, NPAD - N_NODES), (0, 0)))
    b1_2d = b1.reshape(1, D)
    b2_2d = b2.reshape(1, D)
    w1_s = jnp.moveaxis(W1.reshape(D, NC, DH), 1, 0)
    w2_s = jnp.moveaxis(W2.reshape(D, NC, DH), 1, 0)

    dp = _deg_kernel(src_p, dst_p)
    z1 = _tc1(x_p, w1_s, dp)
    s1 = _spmm_kernel(z1, src_p, dst_p)
    z2 = _tc2(s1, dp, b1_2d, w2_s)
    s2 = _spmm_kernel(z2, src_p, dst_p)
    out = _tc3(s2, dp, b2_2d)
    return out[:N_NODES]

# --- scband reference (transcript-rebuilt; emitter-appended) ---
"""Pipeline reference for scband-gcn-flatten-50835232916294 (READ-ONLY COPY).

The authoritative reference and input builder live on the scoring server;
editing this copy changes nothing except your own understanding.
"""

import jax, jax.numpy as jnp
import numpy as np

N_NODES = 10000
N_EDGES = 320000
D_IN = 128
D_HID = 128
D_OUT = 128


def setup_inputs(seed: int = 0) -> dict:
    key = jax.random.key(seed)
    k1, k2, k3, k4, k5, k6 = jax.random.split(key, 6)
    x = jax.random.normal(k1, (N_NODES, D_IN), dtype=jnp.float32)
    edge_index = jax.random.randint(k2, (2, N_EDGES), 0, N_NODES, dtype=jnp.int64)
    # GraphConv weights (glorot-like init)
    W1 = jax.random.normal(k3, (D_IN, D_HID), dtype=jnp.float32) * (1.0 / np.sqrt(D_IN))
    b1 = jnp.zeros((D_HID,), dtype=jnp.float32)
    W2 = jax.random.normal(k4, (D_HID, D_OUT), dtype=jnp.float32) * (1.0 / np.sqrt(D_HID))
    b2 = jnp.zeros((D_OUT,), dtype=jnp.float32)
    return {"x": x, "edge_index": edge_index, "W1": W1, "b1": b1, "W2": W2, "b2": b2}


def _graph_conv(x, src, dst, W, b, n_nodes):
    # DGL GraphConv with norm='both':
    #   h = D_dst^{-1/2} A D_src^{-1/2} X W + b
    ones = jnp.ones((src.shape[0],), dtype=jnp.float32)
    out_deg = jax.ops.segment_sum(ones, src, num_segments=n_nodes)
    in_deg = jax.ops.segment_sum(ones, dst, num_segments=n_nodes)
    out_deg = jnp.clip(out_deg, 1.0, None)
    in_deg = jnp.clip(in_deg, 1.0, None)
    norm_src = out_deg ** -0.5
    norm_dst = in_deg ** -0.5
    h = x * norm_src[:, None]
    msg = jnp.take(h, src, axis=0)
    agg = jax.ops.segment_sum(msg, dst, num_segments=n_nodes)
    agg = agg * norm_dst[:, None]
    return agg @ W + b


def reference(x, edge_index, W1, b1, W2, b2):
    # Dropout layers are identity in eval/inference mode.
    src = edge_index[0]
    dst = edge_index[1]
    h = _graph_conv(x, src, dst, W1, b1, N_NODES)
    h = jax.nn.relu(h)
    h = _graph_conv(h, src, dst, W2, b2, N_NODES)
    return h

if __name__ == "__main__":
    import jax
    _d = setup_inputs()
    print(jax.jit(kernel)(*tuple(_d.values())))

</pallas_src>

<mosaic_0001>
#map = affine_map<(d0, d1) -> (0, 0, 0)>
module attributes {stable_mosaic.version = 14 : i64} {
  func.func @_deg_body(%arg0: i32, %arg1: i32, %arg2: memref<16x160x128xi32, #tpu.memory_space<hbm>>, %arg3: memref<16x160x128xi32, #tpu.memory_space<hbm>>, %arg4: memref<2x2x10240xf32, #tpu.memory_space<hbm>>, %arg5: memref<80x128xi32, #tpu.memory_space<vmem>>, %arg6: memref<80x128xi32, #tpu.memory_space<vmem>>, %arg7: memref<128xf32, #tpu.memory_space<vmem>>, %arg8: memref<640xf32, #tpu.memory_space<vmem>>, %arg9: memref<10240xf32, #tpu.memory_space<vmem_shared>>, %arg10: memref<10240xf32, #tpu.memory_space<vmem_shared>>, %arg11: memref<8x!tpu.dma_semaphore, #tpu.memory_space<semaphore_mem>>, %arg12: memref<8x!tpu.dma_semaphore, #tpu.memory_space<semaphore_mem>>) attributes {dimension_semantics = [#tpu.dimension_semantics<core_parallel>, #tpu.dimension_semantics<subcore_parallel>], iteration_bounds = array<i64: 2, 16>, scalar_prefetch = 0 : i64, scratch_operands = 8 : i64, tpu.core_type = #tpu.core_type<sc_vector_subcore>, window_params = [{transform_indices = #map}, {transform_indices = #map}, {transform_indices = #map}]} {
    %broadcast_in_dim3A = arith.constant 1.000000e+00 : f32
    %broadcast_in_dim3A_0 = vector.broadcast %broadcast_in_dim3A : f32 to vector<16xf32>
    %broadcast_in_dim3A_1 = arith.constant 0.000000e+00 : f32
    %broadcast_in_dim3A_2 = vector.broadcast %broadcast_in_dim3A_1 : f32 to vector<16xf32>
    %swap3A = arith.constant 0 : index
    %swap3A_3 = tpu.vector_load %arg7[%swap3A] {strides = array<i32>} : memref<128xf32, #tpu.memory_space<vmem>>, vector<16xf32>,
    %swap3A_4 = vector.shape_cast %swap3A_3 : vector<16xf32> to vector<16xf32>
    %swap3A_5 = vector.shape_cast %broadcast_in_dim3A_0 : vector<16xf32> to vector<16xf32>
    tpu.vector_store %arg7[%swap3A], %swap3A_5 {strides = array<i32>} : memref<128xf32, #tpu.memory_space<vmem>>, vector<16xf32>,
    %swap3A_6 = arith.constant 16 : index
    %swap3A_7 = tpu.vector_load %arg7[%swap3A_6] {strides = array<i32>} : memref<128xf32, #tpu.memory_space<vmem>>, vector<16xf32>,
    %swap3A_8 = vector.shape_cast %swap3A_7 : vector<16xf32> to vector<16xf32>
    %swap3A_9 = vector.shape_cast %broadcast_in_dim3A_0 : vector<16xf32> to vector<16xf32>
    tpu.vector_store %arg7[%swap3A_6], %swap3A_9 {strides = array<i32>} : memref<128xf32, #tpu.memory_space<vmem>>, vector<16xf32>,
    %swap3A_10 = arith.constant 32 : index
    %swap3A_11 = tpu.vector_load %arg7[%swap3A_10] {strides = array<i32>} : memref<128xf32, #tpu.memory_space<vmem>>, vector<16xf32>,
    %swap3A_12 = vector.shape_cast %swap3A_11 : vector<16xf32> to vector<16xf32>
    %swap3A_13 = vector.shape_cast %broadcast_in_dim3A_0 : vector<16xf32> to vector<16xf32>
    tpu.vector_store %arg7[%swap3A_10], %swap3A_13 {strides = array<i32>} : memref<128xf32, #tpu.memory_space<vmem>>, vector<16xf32>,
    %swap3A_14 = arith.constant 48 : index
    %swap3A_15 = tpu.vector_load %arg7[%swap3A_14] {strides = array<i32>} : memref<128xf32, #tpu.memory_space<vmem>>, vector<16xf32>,
    %swap3A_16 = vector.shape_cast %swap3A_15 : vector<16xf32> to vector<16xf32>
    %swap3A_17 = vector.shape_cast %broadcast_in_dim3A_0 : vector<16xf32> to vector<16xf32>
    tpu.vector_store %arg7[%swap3A_14], %swap3A_17 {strides = array<i32>} : memref<128xf32, #tpu.memory_space<vmem>>, vector<16xf32>,
    %swap3A_18 = arith.constant 64 : index
    %swap3A_19 = tpu.vector_load %arg7[%swap3A_18] {strides = array<i32>} : memref<128xf32, #tpu.memory_space<vmem>>, vector<16xf32>,
    %swap3A_20 = vector.shape_cast %swap3A_19 : vector<16xf32> to vector<16xf32>
    %swap3A_21 = vector.shape_cast %broadcast_in_dim3A_0 : vector<16xf32> to vector<16xf32>
    tpu.vector_store %arg7[%swap3A_18], %swap3A_21 {strides = array<i32>} : memref<128xf32, #tpu.memory_space<vmem>>, vector<16xf32>,
    %swap3A_22 = arith.constant 80 : index
    %swap3A_23 = tpu.vector_load %arg7[%swap3A_22] {strides = array<i32>} : memref<128xf32, #tpu.memory_space<vmem>>, vector<16xf32>,
    %swap3A_24 = vector.shape_cast %swap3A_23 : vector<16xf32> to vector<16xf32>
    %swap3A_25 = vector.shape_cast %broadcast_in_dim3A_0 : vector<16xf32> to vector<16xf32>
    tpu.vector_store %arg7[%swap3A_22], %swap3A_25 {strides = array<i32>} : memref<128xf32, #tpu.memory_space<vmem>>, vector<16xf32>,
    %swap3A_26 = arith.constant 96 : index
    %swap3A_27 = tpu.vector_load %arg7[%swap3A_26] {strides = array<i32>} : memref<128xf32, #tpu.memory_space<vmem>>, vector<16xf32>,
    %swap3A_28 = vector.shape_cast %swap3A_27 : vector<16xf32> to vector<16xf32>
    %swap3A_29 = vector.shape_cast %broadcast_in_dim3A_0 : vector<16xf32> to vector<16xf32>
    tpu.vector_store %arg7[%swap3A_26], %swap3A_29 {strides = array<i32>} : memref<128xf32, #tpu.memory_space<vmem>>, vector<16xf32>,
    %swap3A_30 = arith.constant 112 : index
    %swap3A_31 = tpu.vector_load %arg7[%swap3A_30] {strides = array<i32>} : memref<128xf32, #tpu.memory_space<vmem>>, vector<16xf32>,
    %swap3A_32 = vector.shape_cast %swap3A_31 : vector<16xf32> to vector<16xf32>
    %swap3A_33 = vector.shape_cast %broadcast_in_dim3A_0 : vector<16xf32> to vector<16xf32>
    tpu.vector_store %arg7[%swap3A_30], %swap3A_33 {strides = array<i32>} : memref<128xf32, #tpu.memory_space<vmem>>, vector<16xf32>,
    %swap3A_34 = arith.constant 0 : index
    %swap3A_35 = tpu.vector_load %arg8[%swap3A_34] {strides = array<i32>} : memref<640xf32, #tpu.memory_space<vmem>>, vector<16xf32>,
    %swap3A_36 = vector.shape_cast %swap3A_35 : vector<16xf32> to vector<16xf32>
    %swap3A_37 = vector.shape_cast %broadcast_in_dim3A_2 : vector<16xf32> to vector<16xf32>
    tpu.vector_store %arg8[%swap3A_34], %swap3A_37 {strides = array<i32>} : memref<640xf32, #tpu.memory_space<vmem>>, vector<16xf32>,
    %swap3A_38 = arith.constant 16 : index
    %swap3A_39 = tpu.vector_load %arg8[%swap3A_38] {strides = array<i32>} : memref<640xf32, #tpu.memory_space<vmem>>, vector<16xf32>,
    %swap3A_40 = vector.shape_cast %swap3A_39 : vector<16xf32> to vector<16xf32>
    %swap3A_41 = vector.shape_cast %broadcast_in_dim3A_2 : vector<16xf32> to vector<16xf32>
    tpu.vector_store %arg8[%swap3A_38], %swap3A_41 {strides = array<i32>} : memref<640xf32, #tpu.memory_space<vmem>>, vector<16xf32>,
    %swap3A_42 = arith.constant 32 : index
    %swap3A_43 = tpu.vector_load %arg8[%swap3A_42] {strides = array<i32>} : memref<640xf32, #tpu.memory_space<vmem>>, vector<16xf32>,
    %swap3A_44 = vector.shape_cast %swap3A_43 : vector<16xf32> to vector<16xf32>
    %swap3A_45 = vector.shape_cast %broadcast_in_dim3A_2 : vector<16xf32> to vector<16xf32>
    tpu.vector_store %arg8[%swap3A_42], %swap3A_45 {strides = array<i32>} : memref<640xf32, #tpu.memory_space<vmem>>, vector<16xf32>,
    %swap3A_46 = arith.constant 48 : index
    %swap3A_47 = tpu.vector_load %arg8[%swap3A_46] {strides = array<i32>} : memref<640xf32, #tpu.memory_space<vmem>>, vector<16xf32>,
    %swap3A_48 = vector.shape_cast %swap3A_47 : vector<16xf32> to vector<16xf32>
    %swap3A_49 = vector.shape_cast %broadcast_in_dim3A_2 : vector<16xf32> to vector<16xf32>
    tpu.vector_store %arg8[%swap3A_46], %swap3A_49 {strides = array<i32>} : memref<640xf32, #tpu.memory_space<vmem>>, vector<16xf32>,
    %swap3A_50 = arith.constant 64 : index
    %swap3A_51 = tpu.vector_load %arg8[%swap3A_50] {strides = array<i32>} : memref<640xf32, #tpu.memory_space<vmem>>, vector<16xf32>,
    %swap3A_52 = vector.shape_cast %swap3A_51 : vector<16xf32> to vector<16xf32>
    %swap3A_53 = vector.shape_cast %broadcast_in_dim3A_2 : vector<16xf32> to vector<16xf32>
    tpu.vector_store %arg8[%swap3A_50], %swap3A_53 {strides = array<i32>} : memref<640xf32, #tpu.memory_space<vmem>>, vector<16xf32>,
    %swap3A_54 = arith.constant 80 : index
    %swap3A_55 = tpu.vector_load %arg8[%swap3A_54] {strides = array<i32>} : memref<640xf32, #tpu.memory_space<vmem>>, vector<16xf32>,
    %swap3A_56 = vector.shape_cast %swap3A_55 : vector<16xf32> to vector<16xf32>
    %swap3A_57 = vector.shape_cast %broadcast_in_dim3A_2 : vector<16xf32> to vector<16xf32>
    tpu.vector_store %arg8[%swap3A_54], %swap3A_57 {strides = array<i32>} : memref<640xf32, #tpu.memory_space<vmem>>, vector<16xf32>,
    %swap3A_58 = arith.constant 96 : index
    %swap3A_59 = tpu.vector_load %arg8[%swap3A_58] {strides = array<i32>} : memref<640xf32, #tpu.memory_space<vmem>>, vector<16xf32>,
    %swap3A_60 = vector.shape_cast %swap3A_59 : vector<16xf32> to vector<16xf32>
    %swap3A_61 = vector.shape_cast %broadcast_in_dim3A_2 : vector<16xf32> to vector<16xf32>
    tpu.vector_store %arg8[%swap3A_58], %swap3A_61 {strides = array<i32>} : memref<640xf32, #tpu.memory_space<vmem>>, vector<16xf32>,
    %swap3A_62 = arith.constant 112 : index
    %swap3A_63 = tpu.vector_load %arg8[%swap3A_62] {strides = array<i32>} : memref<640xf32, #tpu.memory_space<vmem>>, vector<16xf32>,
    %swap3A_64 = vector.shape_cast %swap3A_63 : vector<16xf32> to vector<16xf32>
    %swap3A_65 = vector.shape_cast %broadcast_in_dim3A_2 : vector<16xf32> to vector<16xf32>
    tpu.vector_store %arg8[%swap3A_62], %swap3A_65 {strides = array<i32>} : memref<640xf32, #tpu.memory_space<vmem>>, vector<16xf32>,
    %swap3A_66 = arith.constant 128 : index
    %swap3A_67 = tpu.vector_load %arg8[%swap3A_66] {strides = array<i32>} : memref<640xf32, #tpu.memory_space<vmem>>, vector<16xf32>,
    %swap3A_68 = vector.shape_cast %swap3A_67 : vector<16xf32> to vector<16xf32>
    %swap3A_69 = vector.shape_cast %broadcast_in_dim3A_2 : vector<16xf32> to vector<16xf32>
    tpu.vector_store %arg8[%swap3A_66], %swap3A_69 {strides = array<i32>} : memref<640xf32, #tpu.memory_space<vmem>>, vector<16xf32>,
    %swap3A_70 = arith.constant 144 : index
    %swap3A_71 = tpu.vector_load %arg8[%swap3A_70] {strides = array<i32>} : memref<640xf32, #tpu.memory_space<vmem>>, vector<16xf32>,
    %swap3A_72 = vector.shape_cast %swap3A_71 : vector<16xf32> to vector<16xf32>
    %swap3A_73 = vector.shape_cast %broadcast_in_dim3A_2 : vector<16xf32> to vector<16xf32>
    tpu.vector_store %arg8[%swap3A_70], %swap3A_73 {strides = array<i32>} : memref<640xf32, #tpu.memory_space<vmem>>, vector<16xf32>,
    %swap3A_74 = arith.constant 160 : index
    %swap3A_75 = tpu.vector_load %arg8[%swap3A_74] {strides = array<i32>} : memref<640xf32, #tpu.memory_space<vmem>>, vector<16xf32>,
    %swap3A_76 = vector.shape_cast %swap3A_75 : vector<16xf32> to vector<16xf32>
    %swap3A_77 = vector.shape_cast %broadcast_in_dim3A_2 : vector<16xf32> to vector<16xf32>
    tpu.vector_store %arg8[%swap3A_74], %swap3A_77 {strides = array<i32>} : memref<640xf32, #tpu.memory_space<vmem>>, vector<16xf32>,
    %swap3A_78 = arith.constant 176 : index
    %swap3A_79 = tpu.vector_load %arg8[%swap3A_78] {strides = array<i32>} : memref<640xf32, #tpu.memory_space<vmem>>, vector<16xf32>,
    %swap3A_80 = vector.shape_cast %swap3A_79 : vector<16xf32> to vector<16xf32>
    %swap3A_81 = vector.shape_cast %broadcast_in_dim3A_2 : vector<16xf32> to vector<16xf32>
    tpu.vector_store %arg8[%swap3A_78], %swap3A_81 {strides = array<i32>} : memref<640xf32, #tpu.memory_space<vmem>>, vector<16xf32>,
    %swap3A_82 = arith.constant 192 : index
    %swap3A_83 = tpu.vector_load %arg8[%swap3A_82] {strides = array<i32>} : memref<640xf32, #tpu.memory_space<vmem>>, vector<16xf32>,
    %swap3A_84 = vector.shape_cast %swap3A_83 : vector<16xf32> to vector<16xf32>
    %swap3A_85 = vector.shape_cast %broadcast_in_dim3A_2 : vector<16xf32> to vector<16xf32>
    tpu.vector_store %arg8[%swap3A_82], %swap3A_85 {strides = array<i32>} : memref<640xf32, #tpu.memory_space<vmem>>, vector<16xf32>,
    %swap3A_86 = arith.constant 208 : index
    %swap3A_87 = tpu.vector_load %arg8[%swap3A_86] {strides = array<i32>} : memref<640xf32, #tpu.memory_space<vmem>>, vector<16xf32>,
    %swap3A_88 = vector.shape_cast %swap3A_87 : vector<16xf32> to vector<16xf32>
    %swap3A_89 = vector.shape_cast %broadcast_in_dim3A_2 : vector<16xf32> to vector<16xf32>
    tpu.vector_store %arg8[%swap3A_86], %swap3A_89 {strides = array<i32>} : memref<640xf32, #tpu.memory_space<vmem>>, vector<16xf32>,
    %swap3A_90 = arith.constant 224 : index
    %swap3A_91 = tpu.vector_load %arg8[%swap3A_90] {strides = array<i32>} : memref<640xf32, #tpu.memory_space<vmem>>, vector<16xf32>,
    %swap3A_92 = vector.shape_cast %swap3A_91 : vector<16xf32> to vector<16xf32>
    %swap3A_93 = vector.shape_cast %broadcast_in_dim3A_2 : vector<16xf32> to vector<16xf32>
    tpu.vector_store %arg8[%swap3A_90], %swap3A_93 {strides = array<i32>} : memref<640xf32, #tpu.memory_space<vmem>>, vector<16xf32>,
    %swap3A_94 = arith.constant 240 : index
    %swap3A_95 = tpu.vector_load %arg8[%swap3A_94] {strides = array<i32>} : memref<640xf32, #tpu.memory_space<vmem>>, vector<16xf32>,
    %swap3A_96 = vector.shape_cast %swap3A_95 : vector<16xf32> to vector<16xf32>
    %swap3A_97 = vector.shape_cast %broadcast_in_dim3A_2 : vector<16xf32> to vector<16xf32>
    tpu.vector_store %arg8[%swap3A_94], %swap3A_97 {strides = array<i32>} : memref<640xf32, #tpu.memory_space<vmem>>, vector<16xf32>,
    %swap3A_98 = arith.constant 256 : index
    %swap3A_99 = tpu.vector_load %arg8[%swap3A_98] {strides = array<i32>} : memref<640xf32, #tpu.memory_space<vmem>>, vector<16xf32>,
    %swap3A_100 = vector.shape_cast %swap3A_99 : vector<16xf32> to vector<16xf32>
    %swap3A_101 = vector.shape_cast %broadcast_in_dim3A_2 : vector<16xf32> to vector<16xf32>
    tpu.vector_store %arg8[%swap3A_98], %swap3A_101 {strides = array<i32>} : memref<640xf32, #tpu.memory_space<vmem>>, vector<16xf32>,
    %swap3A_102 = arith.constant 272 : index
    %swap3A_103 = tpu.vector_load %arg8[%swap3A_102] {strides = array<i32>} : memref<640xf32, #tpu.memory_space<vmem>>, vector<16xf32>,
    %swap3A_104 = vector.shape_cast %swap3A_103 : vector<16xf32> to vector<16xf32>
    %swap3A_105 = vector.shape_cast %broadcast_in_dim3A_2 : vector<16xf32> to vector<16xf32>
    tpu.vector_store %arg8[%swap3A_102], %swap3A_105 {strides = array<i32>} : memref<640xf32, #tpu.memory_space<vmem>>, vector<16xf32>,
    %swap3A_106 = arith.constant 288 : index
    %swap3A_107 = tpu.vector_load %arg8[%swap3A_106] {strides = array<i32>} : memref<640xf32, #tpu.memory_space<vmem>>, vector<16xf32>,
    %swap3A_108 = vector.shape_cast %swap3A_107 : vector<16xf32> to vector<16xf32>
    %swap3A_109 = vector.shape_cast %broadcast_in_dim3A_2 : vector<16xf32> to vector<16xf32>
    tpu.vector_store %arg8[%swap3A_106], %swap3A_109 {strides = array<i32>} : memref<640xf32, #tpu.memory_space<vmem>>, vector<16xf32>,
    %swap3A_110 = arith.constant 304 : index
    %swap3A_111 = tpu.vector_load %arg8[%swap3A_110] {strides = array<i32>} : memref<640xf32, #tpu.memory_space<vmem>>, vector<16xf32>,
    %swap3A_112 = vector.shape_cast %swap3A_111 : vector<16xf32> to vector<16xf32>
    %swap3A_113 = vector.shape_cast %broadcast_in_dim3A_2 : vector<16xf32> to vector<16xf32>
    tpu.vector_store %arg8[%swap3A_110], %swap3A_113 {strides = array<i32>} : memref<640xf32, #tpu.memory_space<vmem>>, vector<16xf32>,
    %swap3A_114 = arith.constant 320 : index
    %swap3A_115 = tpu.vector_load %arg8[%swap3A_114] {strides = array<i32>} : memref<640xf32, #tpu.memory_space<vmem>>, vector<16xf32>,
    %swap3A_116 = vector.shape_cast %swap3A_115 : vector<16xf32> to vector<16xf32>
    %swap3A_117 = vector.shape_cast %broadcast_in_dim3A_2 : vector<16xf32> to vector<16xf32>
    tpu.vector_store %arg8[%swap3A_114], %swap3A_117 {strides = array<i32>} : memref<640xf32, #tpu.memory_space<vmem>>, vector<16xf32>,
    %swap3A_118 = arith.constant 336 : index
    %swap3A_119 = tpu.vector_load %arg8[%swap3A_118] {strides = array<i32>} : memref<640xf32, #tpu.memory_space<vmem>>, vector<16xf32>,
    %swap3A_120 = vector.shape_cast %swap3A_119 : vector<16xf32> to vector<16xf32>
    %swap3A_121 = vector.shape_cast %broadcast_in_dim3A_2 : vector<16xf32> to vector<16xf32>
    tpu.vector_store %arg8[%swap3A_118], %swap3A_121 {strides = array<i32>} : memref<640xf32, #tpu.memory_space<vmem>>, vector<16xf32>,
    %swap3A_122 = arith.constant 352 : index
    %swap3A_123 = tpu.vector_load %arg8[%swap3A_122] {strides = array<i32>} : memref<640xf32, #tpu.memory_space<vmem>>, vector<16xf32>,
    %swap3A_124 = vector.shape_cast %swap3A_123 : vector<16xf32> to vector<16xf32>
    %swap3A_125 = vector.shape_cast %broadcast_in_dim3A_2 : vector<16xf32> to vector<16xf32>
    tpu.vector_store %arg8[%swap3A_122], %swap3A_125 {strides = array<i32>} : memref<640xf32, #tpu.memory_space<vmem>>, vector<16xf32>,
    %swap3A_126 = arith.constant 368 : index
    %swap3A_127 = tpu.vector_load %arg8[%swap3A_126] {strides = array<i32>} : memref<640xf32, #tpu.memory_space<vmem>>, vector<16xf32>,
    %swap3A_128 = vector.shape_cast %swap3A_127 : vector<16xf32> to vector<16xf32>
    %swap3A_129 = vector.shape_cast %broadcast_in_dim3A_2 : vector<16xf32> to vector<16xf32>
    tpu.vector_store %arg8[%swap3A_126], %swap3A_129 {strides = array<i32>} : memref<640xf32, #tpu.memory_space<vmem>>, vector<16xf32>,
    %swap3A_130 = arith.constant 384 : index
    %swap3A_131 = tpu.vector_load %arg8[%swap3A_130] {strides = array<i32>} : memref<640xf32, #tpu.memory_space<vmem>>, vector<16xf32>,
    %swap3A_132 = vector.shape_cast %swap3A_131 : vector<16xf32> to vector<16xf32>
    %swap3A_133 = vector.shape_cast %broadcast_in_dim3A_2 : vector<16xf32> to vector<16xf32>
    tpu.vector_store %arg8[%swap3A_130], %swap3A_133 {strides = array<i32>} : memref<640xf32, #tpu.memory_space<vmem>>, vector<16xf32>,
    %swap3A_134 = arith.constant 400 : index
    %swap3A_135 = tpu.vector_load %arg8[%swap3A_134] {strides = array<i32>} : memref<640xf32, #tpu.memory_space<vmem>>, vector<16xf32>,
    %swap3A_136 = vector.shape_cast %swap3A_135 : vector<16xf32> to vector<16xf32>
    %swap3A_137 = vector.shape_cast %broadcast_in_dim3A_2 : vector<16xf32> to vector<16xf32>
    tpu.vector_store %arg8[%swap3A_134], %swap3A_137 {strides = array<i32>} : memref<640xf32, #tpu.memory_space<vmem>>, vector<16xf32>,
    %swap3A_138 = arith.constant 416 : index
    %swap3A_139 = tpu.vector_load %arg8[%swap3A_138] {strides = array<i32>} : memref<640xf32, #tpu.memory_space<vmem>>, vector<16xf32>,
    %swap3A_140 = vector.shape_cast %swap3A_139 : vector<16xf32> to vector<16xf32>
    %swap3A_141 = vector.shape_cast %broadcast_in_dim3A_2 : vector<16xf32> to vector<16xf32>
    tpu.vector_store %arg8[%swap3A_138], %swap3A_141 {strides = array<i32>} : memref<640xf32, #tpu.memory_space<vmem>>, vector<16xf32>,
    %swap3A_142 = arith.constant 432 : index
    %swap3A_143 = tpu.vector_load %arg8[%swap3A_142] {strides = array<i32>} : memref<640xf32, #tpu.memory_space<vmem>>, vector<16xf32>,
    %swap3A_144 = vector.shape_cast %swap3A_143 : vector<16xf32> to vector<16xf32>
    %swap3A_145 = vector.shape_cast %broadcast_in_dim3A_2 : vector<16xf32> to vector<16xf32>
    tpu.vector_store %arg8[%swap3A_142], %swap3A_145 {strides = array<i32>} : memref<640xf32, #tpu.memory_space<vmem>>, vector<16xf32>,
    %swap3A_146 = arith.constant 448 : index
    %swap3A_147 = tpu.vector_load %arg8[%swap3A_146] {strides = array<i32>} : memref<640xf32, #tpu.memory_space<vmem>>, vector<16xf32>,
    %swap3A_148 = vector.shape_cast %swap3A_147 : vector<16xf32> to vector<16xf32>
    %swap3A_149 = vector.shape_cast %broadcast_in_dim3A_2 : vector<16xf32> to vector<16xf32>
    tpu.vector_store %arg8[%swap3A_146], %swap3A_149 {strides = array<i32>} : memref<640xf32, #tpu.memory_space<vmem>>, vector<16xf32>,
    %swap3A_150 = arith.constant 464 : index
    %swap3A_151 = tpu.vector_load %arg8[%swap3A_150] {strides = array<i32>} : memref<640xf32, #tpu.memory_space<vmem>>, vector<16xf32>,
    %swap3A_152 = vector.shape_cast %swap3A_151 : vector<16xf32> to vector<16xf32>
    %swap3A_153 = vector.shape_cast %broadcast_in_dim3A_2 : vector<16xf32> to vector<16xf32>
    tpu.vector_store %arg8[%swap3A_150], %swap3A_153 {strides = array<i32>} : memref<640xf32, #tpu.memory_space<vmem>>, vector<16xf32>,
    %swap3A_154 = arith.constant 480 : index
    %swap3A_155 = tpu.vector_load %arg8[%swap3A_154] {strides = array<i32>} : memref<640xf32, #tpu.memory_space<vmem>>, vector<16xf32>,
    %swap3A_156 = vector.shape_cast %swap3A_155 : vector<16xf32> to vector<16xf32>
    %swap3A_157 = vector.shape_cast %broadcast_in_dim3A_2 : vector<16xf32> to vector<16xf32>
    tpu.vector_store %arg8[%swap3A_154], %swap3A_157 {strides = array<i32>} : memref<640xf32, #tpu.memory_space<vmem>>, vector<16xf32>,
    %swap3A_158 = arith.constant 496 : index
    %swap3A_159 = tpu.vector_load %arg8[%swap3A_158] {strides = array<i32>} : memref<640xf32, #tpu.memory_space<vmem>>, vector<16xf32>,
    %swap3A_160 = vector.shape_cast %swap3A_159 : vector<16xf32> to vector<16xf32>
    %swap3A_161 = vector.shape_cast %broadcast_in_dim3A_2 : vector<16xf32> to vector<16xf32>
    tpu.vector_store %arg8[%swap3A_158], %swap3A_161 {strides = array<i32>} : memref<640xf32, #tpu.memory_space<vmem>>, vector<16xf32>,
    %swap3A_162 = arith.constant 512 : index
    %swap3A_163 = tpu.vector_load %arg8[%swap3A_162] {strides = array<i32>} : memref<640xf32, #tpu.memory_space<vmem>>, vector<16xf32>,
    %swap3A_164 = vector.shape_cast %swap3A_163 : vector<16xf32> to vector<16xf32>
    %swap3A_165 = vector.shape_cast %broadcast_in_dim3A_2 : vector<16xf32> to vector<16xf32>
    tpu.vector_store %arg8[%swap3A_162], %swap3A_165 {strides = array<i32>} : memref<640xf32, #tpu.memory_space<vmem>>, vector<16xf32>,
    %swap3A_166 = arith.constant 528 : index
    %swap3A_167 = tpu.vector_load %arg8[%swap3A_166] {strides = array<i32>} : memref<640xf32, #tpu.memory_space<vmem>>, vector<16xf32>,
    %swap3A_168 = vector.shape_cast %swap3A_167 : vector<16xf32> to vector<16xf32>
    %swap3A_169 = vector.shape_cast %broadcast_in_dim3A_2 : vector<16xf32> to vector<16xf32>
    tpu.vector_store %arg8[%swap3A_166], %swap3A_169 {strides = array<i32>} : memref<640xf32, #tpu.memory_space<vmem>>, vector<16xf32>,
    %swap3A_170 = arith.constant 544 : index
    %swap3A_171 = tpu.vector_load %arg8[%swap3A_170] {strides = array<i32>} : memref<640xf32, #tpu.memory_space<vmem>>, vector<16xf32>,
    %swap3A_172 = vector.shape_cast %swap3A_171 : vector<16xf32> to vector<16xf32>
    %swap3A_173 = vector.shape_cast %broadcast_in_dim3A_2 : vector<16xf32> to vector<16xf32>
    tpu.vector_store %arg8[%swap3A_170], %swap3A_173 {strides = array<i32>} : memref<640xf32, #tpu.memory_space<vmem>>, vector<16xf32>,
    %swap3A_174 = arith.constant 560 : index
    %swap3A_175 = tpu.vector_load %arg8[%swap3A_174] {strides = array<i32>} : memref<640xf32, #tpu.memory_space<vmem>>, vector<16xf32>,
    %swap3A_176 = vector.shape_cast %swap3A_175 : vector<16xf32> to vector<16xf32>
    %swap3A_177 = vector.shape_cast %broadcast_in_dim3A_2 : vector<16xf32> to vector<16xf32>
    tpu.vector_store %arg8[%swap3A_174], %swap3A_177 {strides = array<i32>} : memref<640xf32, #tpu.memory_space<vmem>>, vector<16xf32>,
    %swap3A_178 = arith.constant 576 : index
    %swap3A_179 = tpu.vector_load %arg8[%swap3A_178] {strides = array<i32>} : memref<640xf32, #tpu.memory_space<vmem>>, vector<16xf32>,
    %swap3A_180 = vector.shape_cast %swap3A_179 : vector<16xf32> to vector<16xf32>
    %swap3A_181 = vector.shape_cast %broadcast_in_dim3A_2 : vector<16xf32> to vector<16xf32>
    tpu.vector_store %arg8[%swap3A_178], %swap3A_181 {strides = array<i32>} : memref<640xf32, #tpu.memory_space<vmem>>, vector<16xf32>,
    %swap3A_182 = arith.constant 592 : index
    %swap3A_183 = tpu.vector_load %arg8[%swap3A_182] {strides = array<i32>} : memref<640xf32, #tpu.memory_space<vmem>>, vector<16xf32>,
    %swap3A_184 = vector.shape_cast %swap3A_183 : vector<16xf32> to vector<16xf32>
    %swap3A_185 = vector.shape_cast %broadcast_in_dim3A_2 : vector<16xf32> to vector<16xf32>
    tpu.vector_store %arg8[%swap3A_182], %swap3A_185 {strides = array<i32>} : memref<640xf32, #tpu.memory_space<vmem>>, vector<16xf32>,
    %swap3A_186 = arith.constant 608 : index
    %swap3A_187 = tpu.vector_load %arg8[%swap3A_186] {strides = array<i32>} : memref<640xf32, #tpu.memory_space<vmem>>, vector<16xf32>,
    %swap3A_188 = vector.shape_cast %swap3A_187 : vector<16xf32> to vector<16xf32>
    %swap3A_189 = vector.shape_cast %broadcast_in_dim3A_2 : vector<16xf32> to vector<16xf32>
    tpu.vector_store %arg8[%swap3A_186], %swap3A_189 {strides = array<i32>} : memref<640xf32, #tpu.memory_space<vmem>>, vector<16xf32>,
    %swap3A_190 = arith.constant 624 : index
    %swap3A_191 = tpu.vector_load %arg8[%swap3A_190] {strides = array<i32>} : memref<640xf32, #tpu.memory_space<vmem>>, vector<16xf32>,
    %swap3A_192 = vector.shape_cast %swap3A_191 : vector<16xf32> to vector<16xf32>
    %swap3A_193 = vector.shape_cast %broadcast_in_dim3A_2 : vector<16xf32> to vector<16xf32>
    tpu.vector_store %arg8[%swap3A_190], %swap3A_193 {strides = array<i32>} : memref<640xf32, #tpu.memory_space<vmem>>, vector<16xf32>,
    %mul3A = arith.constant 640 : i32
    %mul3A_194 = arith.muli %arg1, %mul3A : i32
    "tpu.region"() ({
      %run_scoped3A_495 = tpu.sem_alloc : memref<!tpu.dma_semaphore, #tpu.memory_space<semaphore_mem>>
      %dma_start3A_496 = tpu.memref_slice %arg9[%mul3A_194] : memref<10240xf32, #tpu.memory_space<vmem_shared>> -> memref<640xf32, #tpu.memory_space<vmem_shared>>
      %dma_start3A_497 = tpu.memref_slice %arg9[%mul3A_194] : memref<10240xf32, #tpu.memory_space<vmem_shared>> -> memref<640xf32, #tpu.memory_space<vmem_shared>>
      tpu.enqueue_dma source(%arg8 : memref<640xf32, #tpu.memory_space<vmem>>) target(%dma_start3A_497 : memref<640xf32, #tpu.memory_space<vmem_shared>>) target_semaphore(%run_scoped3A_495 : memref<!tpu.dma_semaphore, #tpu.memory_space<semaphore_mem>>)
      %dma_wait3A_498 = tpu.memref_slice %arg9[%mul3A_194] : memref<10240xf32, #tpu.memory_space<vmem_shared>> -> memref<640xf32, #tpu.memory_space<vmem_shared>>
      %dma_wait3A_499 = tpu.memref_slice %arg9[%mul3A_194] : memref<10240xf32, #tpu.memory_space<vmem_shared>> -> memref<640xf32, #tpu.memory_space<vmem_shared>>
      tpu.wait_dma2 semaphore(%run_scoped3A_495 : memref<!tpu.dma_semaphore, #tpu.memory_space<semaphore_mem>>) src(%arg8 : memref<640xf32, #tpu.memory_space<vmem>>) dst(%dma_wait3A_499 : memref<640xf32, #tpu.memory_space<vmem_shared>>)
      tpu.yield
    }) : () -> ()
    %mul3A_195 = arith.constant 640 : i32
    %mul3A_196 = arith.muli %arg1, %mul3A_195 : i32
    "tpu.region"() ({
      %run_scoped3A_495 = tpu.sem_alloc : memref<!tpu.dma_semaphore, #tpu.memory_space<semaphore_mem>>
      %dma_start3A_496 = tpu.memref_slice %arg10[%mul3A_196] : memref<10240xf32, #tpu.memory_space<vmem_shared>> -> memref<640xf32, #tpu.memory_space<vmem_shared>>
      %dma_start3A_497 = tpu.memref_slice %arg10[%mul3A_196] : memref<10240xf32, #tpu.memory_space<vmem_shared>> -> memref<640xf32, #tpu.memory_space<vmem_shared>>
      tpu.enqueue_dma source(%arg8 : memref<640xf32, #tpu.memory_space<vmem>>) target(%dma_start3A_497 : memref<640xf32, #tpu.memory_space<vmem_shared>>) target_semaphore(%run_scoped3A_495 : memref<!tpu.dma_semaphore, #tpu.memory_space<semaphore_mem>>)
      %dma_wait3A_498 = tpu.memref_slice %arg10[%mul3A_196] : memref<10240xf32, #tpu.memory_space<vmem_shared>> -> memref<640xf32, #tpu.memory_space<vmem_shared>>
      %dma_wait3A_499 = tpu.memref_slice %arg10[%mul3A_196] : memref<10240xf32, #tpu.memory_space<vmem_shared>> -> memref<640xf32, #tpu.memory_space<vmem_shared>>
      tpu.wait_dma2 semaphore(%run_scoped3A_495 : memref<!tpu.dma_semaphore, #tpu.memory_space<semaphore_mem>>) src(%arg8 : memref<640xf32, #tpu.memory_space<vmem>>) dst(%dma_wait3A_499 : memref<640xf32, #tpu.memory_space<vmem_shared>>)
      tpu.yield
    }) : () -> ()
    %barrier3A = arith.constant 0 : index
    tpu.barrier barrier_id(%barrier3A)
    %mul3A_197 = arith.constant 80 : i32
    %mul3A_198 = arith.muli %arg0, %mul3A_197 : i32
    "tpu.region"() ({
      %run_scoped3A_495 = tpu.sem_alloc : memref<!tpu.dma_semaphore, #tpu.memory_space<semaphore_mem>>
      %dma_start3A_496 = arith.constant 0 : i32
      %dma_start3A_497 = arith.constant 0 : i32
      %dma_start3A_498 = tpu.memref_slice %arg2[%arg1, %dma_start3A_496, %dma_start3A_497] : memref<16x160x128xi32, #tpu.memory_space<hbm>> -> memref<1x160x128xi32, #tpu.memory_space<hbm>>
      %dma_start3A_499 = tpu.memref_squeeze %dma_start3A_498 : memref<1x160x128xi32, #tpu.memory_space<hbm>> -> memref<160x128xi32, #tpu.memory_space<hbm>>
      %dma_start3A_500 = arith.constant 0 : i32
      %dma_start3A_501 = tpu.memref_slice %dma_start3A_499[%mul3A_198, %dma_start3A_500] : memref<160x128xi32, #tpu.memory_space<hbm>> -> memref<80x128xi32, #tpu.memory_space<hbm>>
      %dma_start3A_502 = arith.constant 0 : i32
      %dma_start3A_503 = arith.constant 0 : i32
      %dma_start3A_504 = tpu.memref_slice %arg2[%arg1, %dma_start3A_502, %dma_start3A_503] : memref<16x160x128xi32, #tpu.memory_space<hbm>> -> memref<1x160x128xi32, #tpu.memory_space<hbm>>
      %dma_start3A_505 = tpu.memref_squeeze %dma_start3A_504 : memref<1x160x128xi32, #tpu.memory_space<hbm>> -> memref<160x128xi32, #tpu.memory_space<hbm>>
      %dma_start3A_506 = arith.constant 0 : i32
      %dma_start3A_507 = tpu.memref_slice %dma_start3A_505[%mul3A_198, %dma_start3A_506] : memref<160x128xi32, #tpu.memory_space<hbm>> -> memref<80x128xi32, #tpu.memory_space<hbm>>
      tpu.enqueue_dma source(%dma_start3A_507 : memref<80x128xi32, #tpu.memory_space<hbm>>) target(%arg5 : memref<80x128xi32, #tpu.memory_space<vmem>>) target_semaphore(%run_scoped3A_495 : memref<!tpu.dma_semaphore, #tpu.memory_space<semaphore_mem>>)
      %dma_wait3A_508 = arith.constant 0 : i32
      %dma_wait3A_509 = arith.constant 0 : i32
      %dma_wait3A_510 = tpu.memref_slice %arg2[%arg1, %dma_wait3A_508, %dma_wait3A_509] : memref<16x160x128xi32, #tpu.memory_space<hbm>> -> memref<1x160x128xi32, #tpu.memory_space<hbm>>
      %dma_wait3A_511 = tpu.memref_squeeze %dma_wait3A_510 : memref<1x160x128xi32, #tpu.memory_space<hbm>> -> memref<160x128xi32, #tpu.memory_space<hbm>>
      %dma_wait3A_512 = arith.constant 0 : i32
      %dma_wait3A_513 = tpu.memref_slice %dma_wait3A_511[%mul3A_198, %dma_wait3A_512] : memref<160x128xi32, #tpu.memory_space<hbm>> -> memref<80x128xi32, #tpu.memory_space<hbm>>
      %dma_wait3A_514 = arith.constant 0 : i32
      %dma_wait3A_515 = arith.constant 0 : i32
      %dma_wait3A_516 = tpu.memref_slice %arg2[%arg1, %dma_wait3A_514, %dma_wait3A_515] : memref<16x160x128xi32, #tpu.memory_space<hbm>> -> memref<1x160x128xi32, #tpu.memory_space<hbm>>
      %dma_wait3A_517 = tpu.memref_squeeze %dma_wait3A_516 : memref<1x160x128xi32, #tpu.memory_space<hbm>> -> memref<160x128xi32, #tpu.memory_space<hbm>>
      %dma_wait3A_518 = arith.constant 0 : i32
      %dma_wait3A_519 = tpu.memref_slice %dma_wait3A_517[%mul3A_198, %dma_wait3A_518] : memref<160x128xi32, #tpu.memory_space<hbm>> -> memref<80x128xi32, #tpu.memory_space<hbm>>
      tpu.wait_dma2 semaphore(%run_scoped3A_495 : memref<!tpu.dma_semaphore, #tpu.memory_space<semaphore_mem>>) src(%dma_wait3A_519 : memref<80x128xi32, #tpu.memory_space<hbm>>) dst(%arg5 : memref<80x128xi32, #tpu.memory_space<vmem>>)
      tpu.yield
    }) : () -> ()
    %mul3A_199 = arith.constant 80 : i32
    %mul3A_200 = arith.muli %arg0, %mul3A_199 : i32
    "tpu.region"() ({
      %run_scoped3A_495 = tpu.sem_alloc : memref<!tpu.dma_semaphore, #tpu.memory_space<semaphore_mem>>
      %dma_start3A_496 = arith.constant 0 : i32
      %dma_start3A_497 = arith.constant 0 : i32
      %dma_start3A_498 = tpu.memref_slice %arg3[%arg1, %dma_start3A_496, %dma_start3A_497] : memref<16x160x128xi32, #tpu.memory_space<hbm>> -> memref<1x160x128xi32, #tpu.memory_space<hbm>>
      %dma_start3A_499 = tpu.memref_squeeze %dma_start3A_498 : memref<1x160x128xi32, #tpu.memory_space<hbm>> -> memref<160x128xi32, #tpu.memory_space<hbm>>
      %dma_start3A_500 = arith.constant 0 : i32
      %dma_start3A_501 = tpu.memref_slice %dma_start3A_499[%mul3A_200, %dma_start3A_500] : memref<160x128xi32, #tpu.memory_space<hbm>> -> memref<80x128xi32, #tpu.memory_space<hbm>>
      %dma_start3A_502 = arith.constant 0 : i32
      %dma_start3A_503 = arith.constant 0 : i32
      %dma_start3A_504 = tpu.memref_slice %arg3[%arg1, %dma_start3A_502, %dma_start3A_503] : memref<16x160x128xi32, #tpu.memory_space<hbm>> -> memref<1x160x128xi32, #tpu.memory_space<hbm>>
      %dma_start3A_505 = tpu.memref_squeeze %dma_start3A_504 : memref<1x160x128xi32, #tpu.memory_space<hbm>> -> memref<160x128xi32, #tpu.memory_space<hbm>>
      %dma_start3A_506 = arith.constant 0 : i32
      %dma_start3A_507 = tpu.memref_slice %dma_start3A_505[%mul3A_200, %dma_start3A_506] : memref<160x128xi32, #tpu.memory_space<hbm>> -> memref<80x128xi32, #tpu.memory_space<hbm>>
      tpu.enqueue_dma source(%dma_start3A_507 : memref<80x128xi32, #tpu.memory_space<hbm>>) target(%arg6 : memref<80x128xi32, #tpu.memory_space<vmem>>) target_semaphore(%run_scoped3A_495 : memref<!tpu.dma_semaphore, #tpu.memory_space<semaphore_mem>>)
      %dma_wait3A_508 = arith.constant 0 : i32
      %dma_wait3A_509 = arith.constant 0 : i32
      %dma_wait3A_510 = tpu.memref_slice %arg3[%arg1, %dma_wait3A_508, %dma_wait3A_509] : memref<16x160x128xi32, #tpu.memory_space<hbm>> -> memref<1x160x128xi32, #tpu.memory_space<hbm>>
      %dma_wait3A_511 = tpu.memref_squeeze %dma_wait3A_510 : memref<1x160x128xi32, #tpu.memory_space<hbm>> -> memref<160x128xi32, #tpu.memory_space<hbm>>
      %dma_wait3A_512 = arith.constant 0 : i32
      %dma_wait3A_513 = tpu.memref_slice %dma_wait3A_511[%mul3A_200, %dma_wait3A_512] : memref<160x128xi32, #tpu.memory_space<hbm>> -> memref<80x128xi32, #tpu.memory_space<hbm>>
      %dma_wait3A_514 = arith.constant 0 : i32
      %dma_wait3A_515 = arith.constant 0 : i32
      %dma_wait3A_516 = tpu.memref_slice %arg3[%arg1, %dma_wait3A_514, %dma_wait3A_515] : memref<16x160x128xi32, #tpu.memory_space<hbm>> -> memref<1x160x128xi32, #tpu.memory_space<hbm>>
      %dma_wait3A_517 = tpu.memref_squeeze %dma_wait3A_516 : memref<1x160x128xi32, #tpu.memory_space<hbm>> -> memref<160x128xi32, #tpu.memory_space<hbm>>
      %dma_wait3A_518 = arith.constant 0 : i32
      %dma_wait3A_519 = tpu.memref_slice %dma_wait3A_517[%mul3A_200, %dma_wait3A_518] : memref<160x128xi32, #tpu.memory_space<hbm>> -> memref<80x128xi32, #tpu.memory_space<hbm>>
      tpu.wait_dma2 semaphore(%run_scoped3A_495 : memref<!tpu.dma_semaphore, #tpu.memory_space<semaphore_mem>>) src(%dma_wait3A_519 : memref<80x128xi32, #tpu.memory_space<hbm>>) dst(%arg6 : memref<80x128xi32, #tpu.memory_space<vmem>>)
      tpu.yield
    }) : () -> ()
    %dma_start3A = arith.constant 0 : i32
    %dma_start3A_201 = arith.constant 0 : i32
    %dma_start3A_202 = arith.constant 0 : i32
    %dma_start3A_203 = tpu.memref_slice %arg5[%dma_start3A, %dma_start3A_202] : memref<80x128xi32, #tpu.memory_space<vmem>> -> memref<1x128xi32, #tpu.memory_space<vmem>>
    %dma_start3A_204 = tpu.memref_squeeze %dma_start3A_203 : memref<1x128xi32, #tpu.memory_space<vmem>> -> memref<128xi32, #tpu.memory_space<vmem>>
    %dma_start3A_205 = arith.constant 0 : i32
    %dma_start3A_206 = tpu.memref_slice %arg9[%dma_start3A_205] : memref<10240xf32, #tpu.memory_space<vmem_shared>> -> memref<10240xf32, #tpu.memory_space<vmem_shared>>
    %dma_start3A_207 = tpu.memref_slice %arg11[%dma_start3A_201] : memref<8x!tpu.dma_semaphore, #tpu.memory_space<semaphore_mem>> -> memref<1x!tpu.dma_semaphore, #tpu.memory_space<semaphore_mem>>
    %dma_start3A_208 = tpu.memref_squeeze %dma_start3A_207 : memref<1x!tpu.dma_semaphore, #tpu.memory_space<semaphore_mem>> -> memref<!tpu.dma_semaphore, #tpu.memory_space<semaphore_mem>>
    tpu.enqueue_indirect_dma source(%arg7 : memref<128xf32, #tpu.memory_space<vmem>>) target(%dma_start3A_206 : memref<10240xf32, #tpu.memory_space<vmem_shared>>) offsets(%dma_start3A_204 : memref<128xi32, #tpu.memory_space<vmem>>) semaphore(%dma_start3A_208 : memref<!tpu.dma_semaphore, #tpu.memory_space<semaphore_mem>>) {add = true}
    %dma_start3A_209 = arith.constant 0 : i32
    %dma_start3A_210 = arith.constant 0 : i32
    %dma_start3A_211 = arith.constant 0 : i32
    %dma_start3A_212 = tpu.memref_slice %arg6[%dma_start3A_209, %dma_start3A_211] : memref<80x128xi32, #tpu.memory_space<vmem>> -> memref<1x128xi32, #tpu.memory_space<vmem>>
    %dma_start3A_213 = tpu.memref_squeeze %dma_start3A_212 : memref<1x128xi32, #tpu.memory_space<vmem>> -> memref<128xi32, #tpu.memory_space<vmem>>
    %dma_start3A_214 = arith.constant 0 : i32
    %dma_start3A_215 = tpu.memref_slice %arg10[%dma_start3A_214] : memref<10240xf32, #tpu.memory_space<vmem_shared>> -> memref<10240xf32, #tpu.memory_space<vmem_shared>>
    %dma_start3A_216 = tpu.memref_slice %arg12[%dma_start3A_210] : memref<8x!tpu.dma_semaphore, #tpu.memory_space<semaphore_mem>> -> memref<1x!tpu.dma_semaphore, #tpu.memory_space<semaphore_mem>>
    %dma_start3A_217 = tpu.memref_squeeze %dma_start3A_216 : memref<1x!tpu.dma_semaphore, #tpu.memory_space<semaphore_mem>> -> memref<!tpu.dma_semaphore, #tpu.memory_space<semaphore_mem>>
    tpu.enqueue_indirect_dma source(%arg7 : memref<128xf32, #tpu.memory_space<vmem>>) target(%dma_start3A_215 : memref<10240xf32, #tpu.memory_space<vmem_shared>>) offsets(%dma_start3A_213 : memref<128xi32, #tpu.memory_space<vmem>>) semaphore(%dma_start3A_217 : memref<!tpu.dma_semaphore, #tpu.memory_space<semaphore_mem>>) {add = true}
    %dma_start3A_218 = arith.constant 1 : i32
    %dma_start3A_219 = arith.constant 1 : i32
    %dma_start3A_220 = arith.constant 0 : i32
    %dma_start3A_221 = tpu.memref_slice %arg5[%dma_start3A_218, %dma_start3A_220] : memref<80x128xi32, #tpu.memory_space<vmem>> -> memref<1x128xi32, #tpu.memory_space<vmem>>
    %dma_start3A_222 = tpu.memref_squeeze %dma_start3A_221 : memref<1x128xi32, #tpu.memory_space<vmem>> -> memref<128xi32, #tpu.memory_space<vmem>>
    %dma_start3A_223 = arith.constant 0 : i32
    %dma_start3A_224 = tpu.memref_slice %arg9[%dma_start3A_223] : memref<10240xf32, #tpu.memory_space<vmem_shared>> -> memref<10240xf32, #tpu.memory_space<vmem_shared>>
    %dma_start3A_225 = tpu.memref_slice %arg11[%dma_start3A_219] : memref<8x!tpu.dma_semaphore, #tpu.memory_space<semaphore_mem>> -> memref<1x!tpu.dma_semaphore, #tpu.memory_space<semaphore_mem>>
    %dma_start3A_226 = tpu.memref_squeeze %dma_start3A_225 : memref<1x!tpu.dma_semaphore, #tpu.memory_space<semaphore_mem>> -> memref<!tpu.dma_semaphore, #tpu.memory_space<semaphore_mem>>
    tpu.enqueue_indirect_dma source(%arg7 : memref<128xf32, #tpu.memory_space<vmem>>) target(%dma_start3A_224 : memref<10240xf32, #tpu.memory_space<vmem_shared>>) offsets(%dma_start3A_222 : memref<128xi32, #tpu.memory_space<vmem>>) semaphore(%dma_start3A_226 : memref<!tpu.dma_semaphore, #tpu.memory_space<semaphore_mem>>) {add = true}
    %dma_start3A_227 = arith.constant 1 : i32
    %dma_start3A_228 = arith.constant 1 : i32
    %dma_start3A_229 = arith.constant 0 : i32
    %dma_start3A_230 = tpu.memref_slice %arg6[%dma_start3A_227, %dma_start3A_229] : memref<80x128xi32, #tpu.memory_space<vmem>> -> memref<1x128xi32, #tpu.memory_space<vmem>>
    %dma_start3A_231 = tpu.memref_squeeze %dma_start3A_230 : memref<1x128xi32, #tpu.memory_space<vmem>> -> memref<128xi32, #tpu.memory_space<vmem>>
    %dma_start3A_232 = arith.constant 0 : i32
    %dma_start3A_233 = tpu.memref_slice %arg10[%dma_start3A_232] : memref<10240xf32, #tpu.memory_space<vmem_shared>> -> memref<10240xf32, #tpu.memory_space<vmem_shared>>
    %dma_start3A_234 = tpu.memref_slice %arg12[%dma_start3A_228] : memref<8x!tpu.dma_semaphore, #tpu.memory_space<semaphore_mem>> -> memref<1x!tpu.dma_semaphore, #tpu.memory_space<semaphore_mem>>
    %dma_start3A_235 = tpu.memref_squeeze %dma_start3A_234 : memref<1x!tpu.dma_semaphore, #tpu.memory_space<semaphore_mem>> -> memref<!tpu.dma_semaphore, #tpu.memory_space<semaphore_mem>>
    tpu.enqueue_indirect_dma source(%arg7 : memref<128xf32, #tpu.memory_space<vmem>>) target(%dma_start3A_233 : memref<10240xf32, #tpu.memory_space<vmem_shared>>) offsets(%dma_start3A_231 : memref<128xi32, #tpu.memory_space<vmem>>) semaphore(%dma_start3A_235 : memref<!tpu.dma_semaphore, #tpu.memory_space<semaphore_mem>>) {add = true}
    %dma_start3A_236 = arith.constant 2 : i32
    %dma_start3A_237 = arith.constant 2 : i32
    %dma_start3A_238 = arith.constant 0 : i32
    %dma_start3A_239 = tpu.memref_slice %arg5[%dma_start3A_236, %dma_start3A_238] : memref<80x128xi32, #tpu.memory_space<vmem>> -> memref<1x128xi32, #tpu.memory_space<vmem>>
    %dma_start3A_240 = tpu.memref_squeeze %dma_start3A_239 : memref<1x128xi32, #tpu.memory_space<vmem>> -> memref<128xi32, #tpu.memory_space<vmem>>
    %dma_start3A_241 = arith.constant 0 : i32
    %dma_start3A_242 = tpu.memref_slice %arg9[%dma_start3A_241] : memref<10240xf32, #tpu.memory_space<vmem_shared>> -> memref<10240xf32, #tpu.memory_space<vmem_shared>>
    %dma_start3A_243 = tpu.memref_slice %arg11[%dma_start3A_237] : memref<8x!tpu.dma_semaphore, #tpu.memory_space<semaphore_mem>> -> memref<1x!tpu.dma_semaphore, #tpu.memory_space<semaphore_mem>>
    %dma_start3A_244 = tpu.memref_squeeze %dma_start3A_243 : memref<1x!tpu.dma_semaphore, #tpu.memory_space<semaphore_mem>> -> memref<!tpu.dma_semaphore, #tpu.memory_space<semaphore_mem>>
    tpu.enqueue_indirect_dma source(%arg7 : memref<128xf32, #tpu.memory_space<vmem>>) target(%dma_start3A_242 : memref<10240xf32, #tpu.memory_space<vmem_shared>>) offsets(%dma_start3A_240 : memref<128xi32, #tpu.memory_space<vmem>>) semaphore(%dma_start3A_244 : memref<!tpu.dma_semaphore, #tpu.memory_space<semaphore_mem>>) {add = true}
    %dma_start3A_245 = arith.constant 2 : i32
    %dma_start3A_246 = arith.constant 2 : i32
    %dma_start3A_247 = arith.constant 0 : i32
    %dma_start3A_248 = tpu.memref_slice %arg6[%dma_start3A_245, %dma_start3A_247] : memref<80x128xi32, #tpu.memory_space<vmem>> -> memref<1x128xi32, #tpu.memory_space<vmem>>
    %dma_start3A_249 = tpu.memref_squeeze %dma_start3A_248 : memref<1x128xi32, #tpu.memory_space<vmem>> -> memref<128xi32, #tpu.memory_space<vmem>>
    %dma_start3A_250 = arith.constant 0 : i32
    %dma_start3A_251 = tpu.memref_slice %arg10[%dma_start3A_250] : memref<10240xf32, #tpu.memory_space<vmem_shared>> -> memref<10240xf32, #tpu.memory_space<vmem_shared>>
    %dma_start3A_252 = tpu.memref_slice %arg12[%dma_start3A_246] : memref<8x!tpu.dma_semaphore, #tpu.memory_space<semaphore_mem>> -> memref<1x!tpu.dma_semaphore, #tpu.memory_space<semaphore_mem>>
    %dma_start3A_253 = tpu.memref_squeeze %dma_start3A_252 : memref<1x!tpu.dma_semaphore, #tpu.memory_space<semaphore_mem>> -> memref<!tpu.dma_semaphore, #tpu.memory_space<semaphore_mem>>
    tpu.enqueue_indirect_dma source(%arg7 : memref<128xf32, #tpu.memory_space<vmem>>) target(%dma_start3A_251 : memref<10240xf32, #tpu.memory_space<vmem_shared>>) offsets(%dma_start3A_249 : memref<128xi32, #tpu.memory_space<vmem>>) semaphore(%dma_start3A_253 : memref<!tpu.dma_semaphore, #tpu.memory_space<semaphore_mem>>) {add = true}
    %dma_start3A_254 = arith.constant 3 : i32
    %dma_start3A_255 = arith.constant 3 : i32
    %dma_start3A_256 = arith.constant 0 : i32
    %dma_start3A_257 = tpu.memref_slice %arg5[%dma_start3A_254, %dma_start3A_256] : memref<80x128xi32, #tpu.memory_space<vmem>> -> memref<1x128xi32, #tpu.memory_space<vmem>>
    %dma_start3A_258 = tpu.memref_squeeze %dma_start3A_257 : memref<1x128xi32, #tpu.memory_space<vmem>> -> memref<128xi32, #tpu.memory_space<vmem>>
    %dma_start3A_259 = arith.constant 0 : i32
    %dma_start3A_260 = tpu.memref_slice %arg9[%dma_start3A_259] : memref<10240xf32, #tpu.memory_space<vmem_shared>> -> memref<10240xf32, #tpu.memory_space<vmem_shared>>
    %dma_start3A_261 = tpu.memref_slice %arg11[%dma_start3A_255] : memref<8x!tpu.dma_semaphore, #tpu.memory_space<semaphore_mem>> -> memref<1x!tpu.dma_semaphore, #tpu.memory_space<semaphore_mem>>
    %dma_start3A_262 = tpu.memref_squeeze %dma_start3A_261 : memref<1x!tpu.dma_semaphore, #tpu.memory_space<semaphore_mem>> -> memref<!tpu.dma_semaphore, #tpu.memory_space<semaphore_mem>>
    tpu.enqueue_indirect_dma source(%arg7 : memref<128xf32, #tpu.memory_space<vmem>>) target(%dma_start3A_260 : memref<10240xf32, #tpu.memory_space<vmem_shared>>) offsets(%dma_start3A_258 : memref<128xi32, #tpu.memory_space<vmem>>) semaphore(%dma_start3A_262 : memref<!tpu.dma_semaphore, #tpu.memory_space<semaphore_mem>>) {add = true}
    %dma_start3A_263 = arith.constant 3 : i32
    %dma_start3A_264 = arith.constant 3 : i32
    %dma_start3A_265 = arith.constant 0 : i32
    %dma_start3A_266 = tpu.memref_slice %arg6[%dma_start3A_263, %dma_start3A_265] : memref<80x128xi32, #tpu.memory_space<vmem>> -> memref<1x128xi32, #tpu.memory_space<vmem>>
    %dma_start3A_267 = tpu.memref_squeeze %dma_start3A_266 : memref<1x128xi32, #tpu.memory_space<vmem>> -> memref<128xi32, #tpu.memory_space<vmem>>
    %dma_start3A_268 = arith.constant 0 : i32
    %dma_start3A_269 = tpu.memref_slice %arg10[%dma_start3A_268] : memref<10240xf32, #tpu.memory_space<vmem_shared>> -> memref<10240xf32, #tpu.memory_space<vmem_shared>>
    %dma_start3A_270 = tpu.memref_slice %arg12[%dma_start3A_264] : memref<8x!tpu.dma_semaphore, #tpu.memory_space<semaphore_mem>> -> memref<1x!tpu.dma_semaphore, #tpu.memory_space<semaphore_mem>>
    %dma_start3A_271 = tpu.memref_squeeze %dma_start3A_270 : memref<1x!tpu.dma_semaphore, #tpu.memory_space<semaphore_mem>> -> memref<!tpu.dma_semaphore, #tpu.memory_space<semaphore_mem>>
    tpu.enqueue_indirect_dma source(%arg7 : memref<128xf32, #tpu.memory_space<vmem>>) target(%dma_start3A_269 : memref<10240xf32, #tpu.memory_space<vmem_shared>>) offsets(%dma_start3A_267 : memref<128xi32, #tpu.memory_space<vmem>>) semaphore(%dma_start3A_271 : memref<!tpu.dma_semaphore, #tpu.memory_space<semaphore_mem>>) {add = true}
    %dma_start3A_272 = arith.constant 4 : i32
    %dma_start3A_273 = arith.constant 4 : i32
    %dma_start3A_274 = arith.constant 0 : i32
    %dma_start3A_275 = tpu.memref_slice %arg5[%dma_start3A_272, %dma_start3A_274] : memref<80x128xi32, #tpu.memory_space<vmem>> -> memref<1x128xi32, #tpu.memory_space<vmem>>
    %dma_start3A_276 = tpu.memref_squeeze %dma_start3A_275 : memref<1x128xi32, #tpu.memory_space<vmem>> -> memref<128xi32, #tpu.memory_space<vmem>>
    %dma_start3A_277 = arith.constant 0 : i32
    %dma_start3A_278 = tpu.memref_slice %arg9[%dma_start3A_277] : memref<10240xf32, #tpu.memory_space<vmem_shared>> -> memref<10240xf32, #tpu.memory_space<vmem_shared>>
    %dma_start3A_279 = tpu.memref_slice %arg11[%dma_start3A_273] : memref<8x!tpu.dma_semaphore, #tpu.memory_space<semaphore_mem>> -> memref<1x!tpu.dma_semaphore, #tpu.memory_space<semaphore_mem>>
    %dma_start3A_280 = tpu.memref_squeeze %dma_start3A_279 : memref<1x!tpu.dma_semaphore, #tpu.memory_space<semaphore_mem>> -> memref<!tpu.dma_semaphore, #tpu.memory_space<semaphore_mem>>
    tpu.enqueue_indirect_dma source(%arg7 : memref<128xf32, #tpu.memory_space<vmem>>) target(%dma_start3A_278 : memref<10240xf32, #tpu.memory_space<vmem_shared>>) offsets(%dma_start3A_276 : memref<128xi32, #tpu.memory_space<vmem>>) semaphore(%dma_start3A_280 : memref<!tpu.dma_semaphore, #tpu.memory_space<semaphore_mem>>) {add = true}
    %dma_start3A_281 = arith.constant 4 : i32
    %dma_start3A_282 = arith.constant 4 : i32
    %dma_start3A_283 = arith.constant 0 : i32
    %dma_start3A_284 = tpu.memref_slice %arg6[%dma_start3A_281, %dma_start3A_283] : memref<80x128xi32, #tpu.memory_space<vmem>> -> memref<1x128xi32, #tpu.memory_space<vmem>>
    %dma_start3A_285 = tpu.memref_squeeze %dma_start3A_284 : memref<1x128xi32, #tpu.memory_space<vmem>> -> memref<128xi32, #tpu.memory_space<vmem>>
    %dma_start3A_286 = arith.constant 0 : i32
    %dma_start3A_287 = tpu.memref_slice %arg10[%dma_start3A_286] : memref<10240xf32, #tpu.memory_space<vmem_shared>> -> memref<10240xf32, #tpu.memory_space<vmem_shared>>
    %dma_start3A_288 = tpu.memref_slice %arg12[%dma_start3A_282] : memref<8x!tpu.dma_semaphore, #tpu.memory_space<semaphore_mem>> -> memref<1x!tpu.dma_semaphore, #tpu.memory_space<semaphore_mem>>
    %dma_start3A_289 = tpu.memref_squeeze %dma_start3A_288 : memref<1x!tpu.dma_semaphore, #tpu.memory_space<semaphore_mem>> -> memref<!tpu.dma_semaphore, #tpu.memory_space<semaphore_mem>>
    tpu.enqueue_indirect_dma source(%arg7 : memref<128xf32, #tpu.memory_space<vmem>>) target(%dma_start3A_287 : memref<10240xf32, #tpu.memory_space<vmem_shared>>) offsets(%dma_start3A_285 : memref<128xi32, #tpu.memory_space<vmem>>) semaphore(%dma_start3A_289 : memref<!tpu.dma_semaphore, #tpu.memory_space<semaphore_mem>>) {add = true}
    %dma_start3A_290 = arith.constant 5 : i32
    %dma_start3A_291 = arith.constant 5 : i32
    %dma_start3A_292 = arith.constant 0 : i32
    %dma_start3A_293 = tpu.memref_slice %arg5[%dma_start3A_290, %dma_start3A_292] : memref<80x128xi32, #tpu.memory_space<vmem>> -> memref<1x128xi32, #tpu.memory_space<vmem>>
    %dma_start3A_294 = tpu.memref_squeeze %dma_start3A_293 : memref<1x128xi32, #tpu.memory_space<vmem>> -> memref<128xi32, #tpu.memory_space<vmem>>
    %dma_start3A_295 = arith.constant 0 : i32
    %dma_start3A_296 = tpu.memref_slice %arg9[%dma_start3A_295] : memref<10240xf32, #tpu.memory_space<vmem_shared>> -> memref<10240xf32, #tpu.memory_space<vmem_shared>>
    %dma_start3A_297 = tpu.memref_slice %arg11[%dma_start3A_291] : memref<8x!tpu.dma_semaphore, #tpu.memory_space<semaphore_mem>> -> memref<1x!tpu.dma_semaphore, #tpu.memory_space<semaphore_mem>>
    %dma_start3A_298 = tpu.memref_squeeze %dma_start3A_297 : memref<1x!tpu.dma_semaphore, #tpu.memory_space<semaphore_mem>> -> memref<!tpu.dma_semaphore, #tpu.memory_space<semaphore_mem>>
    tpu.enqueue_indirect_dma source(%arg7 : memref<128xf32, #tpu.memory_space<vmem>>) target(%dma_start3A_296 : memref<10240xf32, #tpu.memory_space<vmem_shared>>) offsets(%dma_start3A_294 : memref<128xi32, #tpu.memory_space<vmem>>) semaphore(%dma_start3A_298 : memref<!tpu.dma_semaphore, #tpu.memory_space<semaphore_mem>>) {add = true}
    %dma_start3A_299 = arith.constant 5 : i32
    %dma_start3A_300 = arith.constant 5 : i32
    %dma_start3A_301 = arith.constant 0 : i32
    %dma_start3A_302 = tpu.memref_slice %arg6[%dma_start3A_299, %dma_start3A_301] : memref<80x128xi32, #tpu.memory_space<vmem>> -> memref<1x128xi32, #tpu.memory_space<vmem>>
    %dma_start3A_303 = tpu.memref_squeeze %dma_start3A_302 : memref<1x128xi32, #tpu.memory_space<vmem>> -> memref<128xi32, #tpu.memory_space<vmem>>
    %dma_start3A_304 = arith.constant 0 : i32
    %dma_start3A_305 = tpu.memref_slice %arg10[%dma_start3A_304] : memref<10240xf32, #tpu.memory_space<vmem_shared>> -> memref<10240xf32, #tpu.memory_space<vmem_shared>>
    %dma_start3A_306 = tpu.memref_slice %arg12[%dma_start3A_300] : memref<8x!tpu.dma_semaphore, #tpu.memory_space<semaphore_mem>> -> memref<1x!tpu.dma_semaphore, #tpu.memory_space<semaphore_mem>>
    %dma_start3A_307 = tpu.memref_squeeze %dma_start3A_306 : memref<1x!tpu.dma_semaphore, #tpu.memory_space<semaphore_mem>> -> memref<!tpu.dma_semaphore, #tpu.memory_space<semaphore_mem>>
    tpu.enqueue_indirect_dma source(%arg7 : memref<128xf32, #tpu.memory_space<vmem>>) target(%dma_start3A_305 : memref<10240xf32, #tpu.memory_space<vmem_shared>>) offsets(%dma_start3A_303 : memref<128xi32, #tpu.memory_space<vmem>>) semaphore(%dma_start3A_307 : memref<!tpu.dma_semaphore, #tpu.memory_space<semaphore_mem>>) {add = true}
    %dma_start3A_308 = arith.constant 6 : i32
    %dma_start3A_309 = arith.constant 6 : i32
    %dma_start3A_310 = arith.constant 0 : i32
    %dma_start3A_311 = tpu.memref_slice %arg5[%dma_start3A_308, %dma_start3A_310] : memref<80x128xi32, #tpu.memory_space<vmem>> -> memref<1x128xi32, #tpu.memory_space<vmem>>
    %dma_start3A_312 = tpu.memref_squeeze %dma_start3A_311 : memref<1x128xi32, #tpu.memory_space<vmem>> -> memref<128xi32, #tpu.memory_space<vmem>>
    %dma_start3A_313 = arith.constant 0 : i32
    %dma_start3A_314 = tpu.memref_slice %arg9[%dma_start3A_313] : memref<10240xf32, #tpu.memory_space<vmem_shared>> -> memref<10240xf32, #tpu.memory_space<vmem_shared>>
    %dma_start3A_315 = tpu.memref_slice %arg11[%dma_start3A_309] : memref<8x!tpu.dma_semaphore, #tpu.memory_space<semaphore_mem>> -> memref<1x!tpu.dma_semaphore, #tpu.memory_space<semaphore_mem>>
    %dma_start3A_316 = tpu.memref_squeeze %dma_start3A_315 : memref<1x!tpu.dma_semaphore, #tpu.memory_space<semaphore_mem>> -> memref<!tpu.dma_semaphore, #tpu.memory_space<semaphore_mem>>
    tpu.enqueue_indirect_dma source(%arg7 : memref<128xf32, #tpu.memory_space<vmem>>) target(%dma_start3A_314 : memref<10240xf32, #tpu.memory_space<vmem_shared>>) offsets(%dma_start3A_312 : memref<128xi32, #tpu.memory_space<vmem>>) semaphore(%dma_start3A_316 : memref<!tpu.dma_semaphore, #tpu.memory_space<semaphore_mem>>) {add = true}
    %dma_start3A_317 = arith.constant 6 : i32
    %dma_start3A_318 = arith.constant 6 : i32
    %dma_start3A_319 = arith.constant 0 : i32
    %dma_start3A_320 = tpu.memref_slice %arg6[%dma_start3A_317, %dma_start3A_319] : memref<80x128xi32, #tpu.memory_space<vmem>> -> memref<1x128xi32, #tpu.memory_space<vmem>>
    %dma_start3A_321 = tpu.memref_squeeze %dma_start3A_320 : memref<1x128xi32, #tpu.memory_space<vmem>> -> memref<128xi32, #tpu.memory_space<vmem>>
    %dma_start3A_322 = arith.constant 0 : i32
    %dma_start3A_323 = tpu.memref_slice %arg10[%dma_start3A_322] : memref<10240xf32, #tpu.memory_space<vmem_shared>> -> memref<10240xf32, #tpu.memory_space<vmem_shared>>
    %dma_start3A_324 = tpu.memref_slice %arg12[%dma_start3A_318] : memref<8x!tpu.dma_semaphore, #tpu.memory_space<semaphore_mem>> -> memref<1x!tpu.dma_semaphore, #tpu.memory_space<semaphore_mem>>
    %dma_start3A_325 = tpu.memref_squeeze %dma_start3A_324 : memref<1x!tpu.dma_semaphore, #tpu.memory_space<semaphore_mem>> -> memref<!tpu.dma_semaphore, #tpu.memory_space<semaphore_mem>>
    tpu.enqueue_indirect_dma source(%arg7 : memref<128xf32, #tpu.memory_space<vmem>>) target(%dma_start3A_323 : memref<10240xf32, #tpu.memory_space<vmem_shared>>) offsets(%dma_start3A_321 : memref<128xi32, #tpu.memory_space<vmem>>) semaphore(%dma_start3A_325 : memref<!tpu.dma_semaphore, #tpu.memory_space<semaphore_mem>>) {add = true}
    %dma_start3A_326 = arith.constant 7 : i32
    %dma_start3A_327 = arith.constant 7 : i32
    %dma_start3A_328 = arith.constant 0 : i32
    %dma_start3A_329 = tpu.memref_slice %arg5[%dma_start3A_326, %dma_start3A_328] : memref<80x128xi32, #tpu.memory_space<vmem>> -> memref<1x128xi32, #tpu.memory_space<vmem>>
    %dma_start3A_330 = tpu.memref_squeeze %dma_start3A_329 : memref<1x128xi32, #tpu.memory_space<vmem>> -> memref<128xi32, #tpu.memory_space<vmem>>
    %dma_start3A_331 = arith.constant 0 : i32
    %dma_start3A_332 = tpu.memref_slice %arg9[%dma_start3A_331] : memref<10240xf32, #tpu.memory_space<vmem_shared>> -> memref<10240xf32, #tpu.memory_space<vmem_shared>>
    %dma_start3A_333 = tpu.memref_slice %arg11[%dma_start3A_327] : memref<8x!tpu.dma_semaphore, #tpu.memory_space<semaphore_mem>> -> memref<1x!tpu.dma_semaphore, #tpu.memory_space<semaphore_mem>>
    %dma_start3A_334 = tpu.memref_squeeze %dma_start3A_333 : memref<1x!tpu.dma_semaphore, #tpu.memory_space<semaphore_mem>> -> memref<!tpu.dma_semaphore, #tpu.memory_space<semaphore_mem>>
    tpu.enqueue_indirect_dma source(%arg7 : memref<128xf32, #tpu.memory_space<vmem>>) target(%dma_start3A_332 : memref<10240xf32, #tpu.memory_space<vmem_shared>>) offsets(%dma_start3A_330 : memref<128xi32, #tpu.memory_space<vmem>>) semaphore(%dma_start3A_334 : memref<!tpu.dma_semaphore, #tpu.memory_space<semaphore_mem>>) {add = true}
    %dma_start3A_335 = arith.constant 7 : i32
    %dma_start3A_336 = arith.constant 7 : i32
    %dma_start3A_337 = arith.constant 0 : i32
    %dma_start3A_338 = tpu.memref_slice %arg6[%dma_start3A_335, %dma_start3A_337] : memref<80x128xi32, #tpu.memory_space<vmem>> -> memref<1x128xi32, #tpu.memory_space<vmem>>
    %dma_start3A_339 = tpu.memref_squeeze %dma_start3A_338 : memref<1x128xi32, #tpu.memory_space<vmem>> -> memref<128xi32, #tpu.memory_space<vmem>>
    %dma_start3A_340 = arith.constant 0 : i32
    %dma_start3A_341 = tpu.memref_slice %arg10[%dma_start3A_340] : memref<10240xf32, #tpu.memory_space<vmem_shared>> -> memref<10240xf32, #tpu.memory_space<vmem_shared>>
    %dma_start3A_342 = tpu.memref_slice %arg12[%dma_start3A_336] : memref<8x!tpu.dma_semaphore, #tpu.memory_space<semaphore_mem>> -> memref<1x!tpu.dma_semaphore, #tpu.memory_space<semaphore_mem>>
    %dma_start3A_343 = tpu.memref_squeeze %dma_start3A_342 : memref<1x!tpu.dma_semaphore, #tpu.memory_space<semaphore_mem>> -> memref<!tpu.dma_semaphore, #tpu.memory_space<semaphore_mem>>
    tpu.enqueue_indirect_dma source(%arg7 : memref<128xf32, #tpu.memory_space<vmem>>) target(%dma_start3A_341 : memref<10240xf32, #tpu.memory_space<vmem_shared>>) offsets(%dma_start3A_339 : memref<128xi32, #tpu.memory_space<vmem>>) semaphore(%dma_start3A_343 : memref<!tpu.dma_semaphore, #tpu.memory_space<semaphore_mem>>) {add = true}
    %scan3A = arith.constant 1 : i32
    %scan3A_344 = arith.constant 9 : i32
    %scan3A_345 = arith.addi %scan3A, %scan3A_344 : i32
    %scan3A_346 = arith.constant 1 : i32
    scf.for %scan3A_495 = %scan3A to %scan3A_345 step %scan3A_346  : i32 {
      %mul3A_496 = arith.constant 8 : i32
      %mul3A_497 = arith.muli %scan3A_495, %mul3A_496 : i32
      %add3A = arith.constant 0 : i32
      %add3A_498 = arith.addi %mul3A_497, %add3A : i32
      %sub3A = arith.constant 8 : i32
      %sub3A_499 = arith.subi %add3A_498, %sub3A : i32
      %dma_wait3A_500 = arith.constant 0 : i32
      %dma_wait3A_501 = arith.constant 0 : i32
      %dma_wait3A_502 = tpu.memref_slice %arg5[%sub3A_499, %dma_wait3A_501] : memref<80x128xi32, #tpu.memory_space<vmem>> -> memref<1x128xi32, #tpu.memory_space<vmem>>
      %dma_wait3A_503 = tpu.memref_squeeze %dma_wait3A_502 : memref<1x128xi32, #tpu.memory_space<vmem>> -> memref<128xi32, #tpu.memory_space<vmem>>
      %dma_wait3A_504 = arith.constant 0 : i32
      %dma_wait3A_505 = tpu.memref_slice %arg9[%dma_wait3A_504] : memref<10240xf32, #tpu.memory_space<vmem_shared>> -> memref<10240xf32, #tpu.memory_space<vmem_shared>>
      %dma_wait3A_506 = tpu.memref_slice %arg11[%dma_wait3A_500] : memref<8x!tpu.dma_semaphore, #tpu.memory_space<semaphore_mem>> -> memref<1x!tpu.dma_semaphore, #tpu.memory_space<semaphore_mem>>
      %dma_wait3A_507 = tpu.memref_squeeze %dma_wait3A_506 : memref<1x!tpu.dma_semaphore, #tpu.memory_space<semaphore_mem>> -> memref<!tpu.dma_semaphore, #tpu.memory_space<semaphore_mem>>
      tpu.wait_indirect_dma semaphore(%dma_wait3A_507 : memref<!tpu.dma_semaphore, #tpu.memory_space<semaphore_mem>>) src(%arg7 : memref<128xf32, #tpu.memory_space<vmem>>) dst(%dma_wait3A_505 : memref<10240xf32, #tpu.memory_space<vmem_shared>>)
      %dma_wait3A_508 = arith.constant 0 : i32
      %dma_wait3A_509 = arith.constant 0 : i32
      %dma_wait3A_510 = tpu.memref_slice %arg6[%sub3A_499, %dma_wait3A_509] : memref<80x128xi32, #tpu.memory_space<vmem>> -> memref<1x128xi32, #tpu.memory_space<vmem>>
      %dma_wait3A_511 = tpu.memref_squeeze %dma_wait3A_510 : memref<1x128xi32, #tpu.memory_space<vmem>> -> memref<128xi32, #tpu.memory_space<vmem>>
      %dma_wait3A_512 = arith.constant 0 : i32
      %dma_wait3A_513 = tpu.memref_slice %arg10[%dma_wait3A_512] : memref<10240xf32, #tpu.memory_space<vmem_shared>> -> memref<10240xf32, #tpu.memory_space<vmem_shared>>
      %dma_wait3A_514 = tpu.memref_slice %arg12[%dma_wait3A_508] : memref<8x!tpu.dma_semaphore, #tpu.memory_space<semaphore_mem>> -> memref<1x!tpu.dma_semaphore, #tpu.memory_space<semaphore_mem>>
      %dma_wait3A_515 = tpu.memref_squeeze %dma_wait3A_514 : memref<1x!tpu.dma_semaphore, #tpu.memory_space<semaphore_mem>> -> memref<!tpu.dma_semaphore, #tpu.memory_space<semaphore_mem>>
      tpu.wait_indirect_dma semaphore(%dma_wait3A_515 : memref<!tpu.dma_semaphore, #tpu.memory_space<semaphore_mem>>) src(%arg7 : memref<128xf32, #tpu.memory_space<vmem>>) dst(%dma_wait3A_513 : memref<10240xf32, #tpu.memory_space<vmem_shared>>)
      %dma_start3A_516 = arith.constant 0 : i32
      %dma_start3A_517 = arith.constant 0 : i32
      %dma_start3A_518 = tpu.memref_slice %arg5[%add3A_498, %dma_start3A_517] : memref<80x128xi32, #tpu.memory_space<vmem>> -> memref<1x128xi32, #tpu.memory_space<vmem>>
      %dma_start3A_519 = tpu.memref_squeeze %dma_start3A_518 : memref<1x128xi32, #tpu.memory_space<vmem>> -> memref<128xi32, #tpu.memory_space<vmem>>
      %dma_start3A_520 = arith.constant 0 : i32
      %dma_start3A_521 = tpu.memref_slice %arg9[%dma_start3A_520] : memref<10240xf32, #tpu.memory_space<vmem_shared>> -> memref<10240xf32, #tpu.memory_space<vmem_shared>>
      %dma_start3A_522 = tpu.memref_slice %arg11[%dma_start3A_516] : memref<8x!tpu.dma_semaphore, #tpu.memory_space<semaphore_mem>> -> memref<1x!tpu.dma_semaphore, #tpu.memory_space<semaphore_mem>>
      %dma_start3A_523 = tpu.memref_squeeze %dma_start3A_522 : memref<1x!tpu.dma_semaphore, #tpu.memory_space<semaphore_mem>> -> memref<!tpu.dma_semaphore, #tpu.memory_space<semaphore_mem>>
      tpu.enqueue_indirect_dma source(%arg7 : memref<128xf32, #tpu.memory_space<vmem>>) target(%dma_start3A_521 : memref<10240xf32, #tpu.memory_space<vmem_shared>>) offsets(%dma_start3A_519 : memref<128xi32, #tpu.memory_space<vmem>>) semaphore(%dma_start3A_523 : memref<!tpu.dma_semaphore, #tpu.memory_space<semaphore_mem>>) {add = true}
      %dma_start3A_524 = arith.constant 0 : i32
      %dma_start3A_525 = arith.constant 0 : i32
      %dma_start3A_526 = tpu.memref_slice %arg6[%add3A_498, %dma_start3A_525] : memref<80x128xi32, #tpu.memory_space<vmem>> -> memref<1x128xi32, #tpu.memory_space<vmem>>
      %dma_start3A_527 = tpu.memref_squeeze %dma_start3A_526 : memref<1x128xi32, #tpu.memory_space<vmem>> -> memref<128xi32, #tpu.memory_space<vmem>>
      %dma_start3A_528 = arith.constant 0 : i32
      %dma_start3A_529 = tpu.memref_slice %arg10[%dma_start3A_528] : memref<10240xf32, #tpu.memory_space<vmem_shared>> -> memref<10240xf32, #tpu.memory_space<vmem_shared>>
      %dma_start3A_530 = tpu.memref_slice %arg12[%dma_start3A_524] : memref<8x!tpu.dma_semaphore, #tpu.memory_space<semaphore_mem>> -> memref<1x!tpu.dma_semaphore, #tpu.memory_space<semaphore_mem>>
      %dma_start3A_531 = tpu.memref_squeeze %dma_start3A_530 : memref<1x!tpu.dma_semaphore, #tpu.memory_space<semaphore_mem>> -> memref<!tpu.dma_semaphore, #tpu.memory_space<semaphore_mem>>
      tpu.enqueue_indirect_dma source(%arg7 : memref<128xf32, #tpu.memory_space<vmem>>) target(%dma_start3A_529 : memref<10240xf32, #tpu.memory_space<vmem_shared>>) offsets(%dma_start3A_527 : memref<128xi32, #tpu.memory_space<vmem>>) semaphore(%dma_start3A_531 : memref<!tpu.dma_semaphore, #tpu.memory_space<semaphore_mem>>) {add = true}
      %mul3A_532 = arith.constant 8 : i32
      %mul3A_533 = arith.muli %scan3A_495, %mul3A_532 : i32
      %add3A_534 = arith.constant 1 : i32
      %add3A_535 = arith.addi %mul3A_533, %add3A_534 : i32
      %sub3A_536 = arith.constant 8 : i32
      %sub3A_537 = arith.subi %add3A_535, %sub3A_536 : i32
      %dma_wait3A_538 = arith.constant 1 : i32
      %dma_wait3A_539 = arith.constant 0 : i32
      %dma_wait3A_540 = tpu.memref_slice %arg5[%sub3A_537, %dma_wait3A_539] : memref<80x128xi32, #tpu.memory_space<vmem>> -> memref<1x128xi32, #tpu.memory_space<vmem>>
      %dma_wait3A_541 = tpu.memref_squeeze %dma_wait3A_540 : memref<1x128xi32, #tpu.memory_space<vmem>> -> memref<128xi32, #tpu.memory_space<vmem>>
      %dma_wait3A_542 = arith.constant 0 : i32
      %dma_wait3A_543 = tpu.memref_slice %arg9[%dma_wait3A_542] : memref<10240xf32, #tpu.memory_space<vmem_shared>> -> memref<10240xf32, #tpu.memory_space<vmem_shared>>
      %dma_wait3A_544 = tpu.memref_slice %arg11[%dma_wait3A_538] : memref<8x!tpu.dma_semaphore, #tpu.memory_space<semaphore_mem>> -> memref<1x!tpu.dma_semaphore, #tpu.memory_space<semaphore_mem>>
      %dma_wait3A_545 = tpu.memref_squeeze %dma_wait3A_544 : memref<1x!tpu.dma_semaphore, #tpu.memory_space<semaphore_mem>> -> memref<!tpu.dma_semaphore, #tpu.memory_space<semaphore_mem>>
      tpu.wait_indirect_dma semaphore(%dma_wait3A_545 : memref<!tpu.dma_semaphore, #tpu.memory_space<semaphore_mem>>) src(%arg7 : memref<128xf32, #tpu.memory_space<vmem>>) dst(%dma_wait3A_543 : memref<10240xf32, #tpu.memory_space<vmem_shared>>)
      %dma_wait3A_546 = arith.constant 1 : i32
      %dma_wait3A_547 = arith.constant 0 : i32
      %dma_wait3A_548 = tpu.memref_slice %arg6[%sub3A_537, %dma_wait3A_547] : memref<80x128xi32, #tpu.memory_space<vmem>> -> memref<1x128xi32, #tpu.memory_space<vmem>>
      %dma_wait3A_549 = tpu.memref_squeeze %dma_wait3A_548 : memref<1x128xi32, #tpu.memory_space<vmem>> -> memref<128xi32, #tpu.memory_space<vmem>>
      %dma_wait3A_550 = arith.constant 0 : i32
      %dma_wait3A_551 = tpu.memref_slice %arg10[%dma_wait3A_550] : memref<10240xf32, #tpu.memory_space<vmem_shared>> -> memref<10240xf32, #tpu.memory_space<vmem_shared>>
      %dma_wait3A_552 = tpu.memref_slice %arg12[%dma_wait3A_546] : memref<8x!tpu.dma_semaphore, #tpu.memory_space<semaphore_mem>> -> memref<1x!tpu.dma_semaphore, #tpu.memory_space<semaphore_mem>>
      %dma_wait3A_553 = tpu.memref_squeeze %dma_wait3A_552 : memref<1x!tpu.dma_semaphore, #tpu.memory_space<semaphore_mem>> -> memref<!tpu.dma_semaphore, #tpu.memory_space<semaphore_mem>>
      tpu.wait_indirect_dma semaphore(%dma_wait3A_553 : memref<!tpu.dma_semaphore, #tpu.memory_space<semaphore_mem>>) src(%arg7 : memref<128xf32, #tpu.memory_space<vmem>>) dst(%dma_wait3A_551 : memref<10240xf32, #tpu.memory_space<vmem_shared>>)
      %dma_start3A_554 = arith.constant 1 : i32
      %dma_start3A_555 = arith.constant 0 : i32
      %dma_start3A_556 = tpu.memref_slice %arg5[%add3A_535, %dma_start3A_555] : memref<80x128xi32, #tpu.memory_space<vmem>> -> memref<1x128xi32, #tpu.memory_space<vmem>>
      %dma_start3A_557 = tpu.memref_squeeze %dma_start3A_556 : memref<1x128xi32, #tpu.memory_space<vmem>> -> memref<128xi32, #tpu.memory_space<vmem>>
      %dma_start3A_558 = arith.constant 0 : i32
      %dma_start3A_559 = tpu.memref_slice %arg9[%dma_start3A_558] : memref<10240xf32, #tpu.memory_space<vmem_shared>> -> memref<10240xf32, #tpu.memory_space<vmem_shared>>
      %dma_start3A_560 = tpu.memref_slice %arg11[%dma_start3A_554] : memref<8x!tpu.dma_semaphore, #tpu.memory_space<semaphore_mem>> -> memref<1x!tpu.dma_semaphore, #tpu.memory_space<semaphore_mem>>
      %dma_start3A_561 = tpu.memref_squeeze %dma_start3A_560 : memref<1x!tpu.dma_semaphore, #tpu.memory_space<semaphore_mem>> -> memref<!tpu.dma_semaphore, #tpu.memory_space<semaphore_mem>>
      tpu.enqueue_indirect_dma source(%arg7 : memref<128xf32, #tpu.memory_space<vmem>>) target(%dma_start3A_559 : memref<10240xf32, #tpu.memory_space<vmem_shared>>) offsets(%dma_start3A_557 : memref<128xi32, #tpu.memory_space<vmem>>) semaphore(%dma_start3A_561 : memref<!tpu.dma_semaphore, #tpu.memory_space<semaphore_mem>>) {add = true}
      %dma_start3A_562 = arith.constant 1 : i32
      %dma_start3A_563 = arith.constant 0 : i32
      %dma_start3A_564 = tpu.memref_slice %arg6[%add3A_535, %dma_start3A_563] : memref<80x128xi32, #tpu.memory_space<vmem>> -> memref<1x128xi32, #tpu.memory_space<vmem>>
      %dma_start3A_565 = tpu.memref_squeeze %dma_start3A_564 : memref<1x128xi32, #tpu.memory_space<vmem>> -> memref<128xi32, #tpu.memory_space<vmem>>
      %dma_start3A_566 = arith.constant 0 : i32
      %dma_start3A_567 = tpu.memref_slice %arg10[%dma_start3A_566] : memref<10240xf32, #tpu.memory_space<vmem_shared>> -> memref<10240xf32, #tpu.memory_space<vmem_shared>>
      %dma_start3A_568 = tpu.memref_slice %arg12[%dma_start3A_562] : memref<8x!tpu.dma_semaphore, #tpu.memory_space<semaphore_mem>> -> memref<1x!tpu.dma_semaphore, #tpu.memory_space<semaphore_mem>>
      %dma_start3A_569 = tpu.memref_squeeze %dma_start3A_568 : memref<1x!tpu.dma_semaphore, #tpu.memory_space<semaphore_mem>> -> memref<!tpu.dma_semaphore, #tpu.memory_space<semaphore_mem>>
      tpu.enqueue_indirect_dma source(%arg7 : memref<128xf32, #tpu.memory_space<vmem>>) target(%dma_start3A_567 : memref<10240xf32, #tpu.memory_space<vmem_shared>>) offsets(%dma_start3A_565 : memref<128xi32, #tpu.memory_space<vmem>>) semaphore(%dma_start3A_569 : memref<!tpu.dma_semaphore, #tpu.memory_space<semaphore_mem>>) {add = true}
      %mul3A_570 = arith.constant 8 : i32
      %mul3A_571 = arith.muli %scan3A_495, %mul3A_570 : i32
      %add3A_572 = arith.constant 2 : i32
      %add3A_573 = arith.addi %mul3A_571, %add3A_572 : i32
      %sub3A_574 = arith.constant 8 : i32
      %sub3A_575 = arith.subi %add3A_573, %sub3A_574 : i32
      %dma_wait3A_576 = arith.constant 2 : i32
      %dma_wait3A_577 = arith.constant 0 : i32
      %dma_wait3A_578 = tpu.memref_slice %arg5[%sub3A_575, %dma_wait3A_577] : memref<80x128xi32, #tpu.memory_space<vmem>> -> memref<1x128xi32, #tpu.memory_space<vmem>>
      %dma_wait3A_579 = tpu.memref_squeeze %dma_wait3A_578 : memref<1x128xi32, #tpu.memory_space<vmem>> -> memref<128xi32, #tpu.memory_space<vmem>>
      %dma_wait3A_580 = arith.constant 0 : i32
      %dma_wait3A_581 = tpu.memref_slice %arg9[%dma_wait3A_580] : memref<10240xf32, #tpu.memory_space<vmem_shared>> -> memref<10240xf32, #tpu.memory_space<vmem_shared>>
      %dma_wait3A_582 = tpu.memref_slice %arg11[%dma_wait3A_576] : memref<8x!tpu.dma_semaphore, #tpu.memory_space<semaphore_mem>> -> memref<1x!tpu.dma_semaphore, #tpu.memory_space<semaphore_mem>>
      %dma_wait3A_583 = tpu.memref_squeeze %dma_wait3A_582 : memref<1x!tpu.dma_semaphore, #tpu.memory_space<semaphore_mem>> -> memref<!tpu.dma_semaphore, #tpu.memory_space<semaphore_mem>>
      tpu.wait_indirect_dma semaphore(%dma_wait3A_583 : memref<!tpu.dma_semaphore, #tpu.memory_space<semaphore_mem>>) src(%arg7 : memref<128xf32, #tpu.memory_space<vmem>>) dst(%dma_wait3A_581 : memref<10240xf32, #tpu.memory_space<vmem_shared>>)
      %dma_wait3A_584 = arith.constant 2 : i32
      %dma_wait3A_585 = arith.constant 0 : i32
      %dma_wait3A_586 = tpu.memref_slice %arg6[%sub3A_575, %dma_wait3A_585] : memref<80x128xi32, #tpu.memory_space<vmem>> -> memref<1x128xi32, #tpu.memory_space<vmem>>
      %dma_wait3A_587 = tpu.memref_squeeze %dma_wait3A_586 : memref<1x128xi32, #tpu.memory_space<vmem>> -> memref<128xi32, #tpu.memory_space<vmem>>
      %dma_wait3A_588 = arith.constant 0 : i32
      %dma_wait3A_589 = tpu.memref_slice %arg10[%dma_wait3A_588] : memref<10240xf32, #tpu.memory_space<vmem_shared>> -> memref<10240xf32, #tpu.memory_space<vmem_shared>>
      %dma_wait3A_590 = tpu.memref_slice %arg12[%dma_wait3A_584] : memref<8x!tpu.dma_semaphore, #tpu.memory_space<semaphore_mem>> -> memref<1x!tpu.dma_semaphore, #tpu.memory_space<semaphore_mem>>
      %dma_wait3A_591 = tpu.memref_squeeze %dma_wait3A_590 : memref<1x!tpu.dma_semaphore, #tpu.memory_space<semaphore_mem>> -> memref<!tpu.dma_semaphore, #tpu.memory_space<semaphore_mem>>
      tpu.wait_indirect_dma semaphore(%dma_wait3A_591 : memref<!tpu.dma_semaphore, #tpu.memory_space<semaphore_mem>>) src(%arg7 : memref<128xf32, #tpu.memory_space<vmem>>) dst(%dma_wait3A_589 : memref<10240xf32, #tpu.memory_space<vmem_shared>>)
      %dma_start3A_592 = arith.constant 2 : i32
      %dma_start3A_593 = arith.constant 0 : i32
      %dma_start3A_594 = tpu.memref_slice %arg5[%add3A_573, %dma_start3A_593] : memref<80x128xi32, #tpu.memory_space<vmem>> -> memref<1x128xi32, #tpu.memory_space<vmem>>
      %dma_start3A_595 = tpu.memref_squeeze %dma_start3A_594 : memref<1x128xi32, #tpu.memory_space<vmem>> -> memref<128xi32, #tpu.memory_space<vmem>>
      %dma_start3A_596 = arith.constant 0 : i32
      %dma_start3A_597 = tpu.memref_slice %arg9[%dma_start3A_596] : memref<10240xf32, #tpu.memory_space<vmem_shared>> -> memref<10240xf32, #tpu.memory_space<vmem_shared>>
      %dma_start3A_598 = tpu.memref_slice %arg11[%dma_start3A_592] : memref<8x!tpu.dma_semaphore, #tpu.memory_space<semaphore_mem>> -> memref<1x!tpu.dma_semaphore, #tpu.memory_space<semaphore_mem>>
      %dma_start3A_599 = tpu.memref_squeeze %dma_start3A_598 : memref<1x!tpu.dma_semaphore, #tpu.memory_space<semaphore_mem>> -> memref<!tpu.dma_semaphore, #tpu.memory_space<semaphore_mem>>
      tpu.enqueue_indirect_dma source(%arg7 : memref<128xf32, #tpu.memory_space<vmem>>) target(%dma_start3A_597 : memref<10240xf32, #tpu.memory_space<vmem_shared>>) offsets(%dma_start3A_595 : memref<128xi32, #tpu.memory_space<vmem>>) semaphore(%dma_start3A_599 : memref<!tpu.dma_semaphore, #tpu.memory_space<semaphore_mem>>) {add = true}
      %dma_start3A_600 = arith.constant 2 : i32
      %dma_start3A_601 = arith.constant 0 : i32
      %dma_start3A_602 = tpu.memref_slice %arg6[%add3A_573, %dma_start3A_601] : memref<80x128xi32, #tpu.memory_space<vmem>> -> memref<1x128xi32, #tpu.memory_space<vmem>>
      %dma_start3A_603 = tpu.memref_squeeze %dma_start3A_602 : memref<1x128xi32, #tpu.memory_space<vmem>> -> memref<128xi32, #tpu.memory_space<vmem>>
      %dma_start3A_604 = arith.constant 0 : i32
      %dma_start3A_605 = tpu.memref_slice %arg10[%dma_start3A_604] : memref<10240xf32, #tpu.memory_space<vmem_shared>> -> memref<10240xf32, #tpu.memory_space<vmem_shared>>
      %dma_start3A_606 = tpu.memref_slice %arg12[%dma_start3A_600] : memref<8x!tpu.dma_semaphore, #tpu.memory_space<semaphore_mem>> -> memref<1x!tpu.dma_semaphore, #tpu.memory_space<semaphore_mem>>
      %dma_start3A_607 = tpu.memref_squeeze %dma_start3A_606 : memref<1x!tpu.dma_semaphore, #tpu.memory_space<semaphore_mem>> -> memref<!tpu.dma_semaphore, #tpu.memory_space<semaphore_mem>>
      tpu.enqueue_indirect_dma source(%arg7 : memref<128xf32, #tpu.memory_space<vmem>>) target(%dma_start3A_605 : memref<10240xf32, #tpu.memory_space<vmem_shared>>) offsets(%dma_start3A_603 : memref<128xi32, #tpu.memory_space<vmem>>) semaphore(%dma_start3A_607 : memref<!tpu.dma_semaphore, #tpu.memory_space<semaphore_mem>>) {add = true}
      %mul3A_608 = arith.constant 8 : i32
      %mul3A_609 = arith.muli %scan3A_495, %mul3A_608 : i32
      %add3A_610 = arith.constant 3 : i32
      %add3A_611 = arith.addi %mul3A_609, %add3A_610 : i32
      %sub3A_612 = arith.constant 8 : i32
      %sub3A_613 = arith.subi %add3A_611, %sub3A_612 : i32
      %dma_wait3A_614 = arith.constant 3 : i32
      %dma_wait3A_615 = arith.constant 0 : i32
      %dma_wait3A_616 = tpu.memref_slice %arg5[%sub3A_613, %dma_wait3A_615] : memref<80x128xi32, #tpu.memory_space<vmem>> -> memref<1x128xi32, #tpu.memory_space<vmem>>
      %dma_wait3A_617 = tpu.memref_squeeze %dma_wait3A_616 : memref<1x128xi32, #tpu.memory_space<vmem>> -> memref<128xi32, #tpu.memory_space<vmem>>
      %dma_wait3A_618 = arith.constant 0 : i32
      %dma_wait3A_619 = tpu.memref_slice %arg9[%dma_wait3A_618] : memref<10240xf32, #tpu.memory_space<vmem_shared>> -> memref<10240xf32, #tpu.memory_space<vmem_shared>>
      %dma_wait3A_620 = tpu.memref_slice %arg11[%dma_wait3A_614] : memref<8x!tpu.dma_semaphore, #tpu.memory_space<semaphore_mem>> -> memref<1x!tpu.dma_semaphore, #tpu.memory_space<semaphore_mem>>
      %dma_wait3A_621 = tpu.memref_squeeze %dma_wait3A_620 : memref<1x!tpu.dma_semaphore, #tpu.memory_space<semaphore_mem>> -> memref<!tpu.dma_semaphore, #tpu.memory_space<semaphore_mem>>
      tpu.wait_indirect_dma semaphore(%dma_wait3A_621 : memref<!tpu.dma_semaphore, #tpu.memory_space<semaphore_mem>>) src(%arg7 : memref<128xf32, #tpu.memory_space<vmem>>) dst(%dma_wait3A_619 : memref<10240xf32, #tpu.memory_space<vmem_shared>>)
      %dma_wait3A_622 = arith.constant 3 : i32
      %dma_wait3A_623 = arith.constant 0 : i32
      %dma_wait3A_624 = tpu.memref_slice %arg6[%sub3A_613, %dma_wait3A_623] : memref<80x128xi32, #tpu.memory_space<vmem>> -> memref<1x128xi32, #tpu.memory_space<vmem>>
      %dma_wait3A_625 = tpu.memref_squeeze %dma_wait3A_624 : memref<1x128xi32, #tpu.memory_space<vmem>> -> memref<128xi32, #tpu.memory_space<vmem>>
      %dma_wait3A_626 = arith.constant 0 : i32
      %dma_wait3A_627 = tpu.memref_slice %arg10[%dma_wait3A_626] : memref<10240xf32, #tpu.memory_space<vmem_shared>> -> memref<10240xf32, #tpu.memory_space<vmem_shared>>
      %dma_wait3A_628 = tpu.memref_slice %arg12[%dma_wait3A_622] : memref<8x!tpu.dma_semaphore, #tpu.memory_space<semaphore_mem>> -> memref<1x!tpu.dma_semaphore, #tpu.memory_space<semaphore_mem>>
      %dma_wait3A_629 = tpu.memref_squeeze %dma_wait3A_628 : memref<1x!tpu.dma_semaphore, #tpu.memory_space<semaphore_mem>> -> memref<!tpu.dma_semaphore, #tpu.memory_space<semaphore_mem>>
      tpu.wait_indirect_dma semaphore(%dma_wait3A_629 : memref<!tpu.dma_semaphore, #tpu.memory_space<semaphore_mem>>) src(%arg7 : memref<128xf32, #tpu.memory_space<vmem>>) dst(%dma_wait3A_627 : memref<10240xf32, #tpu.memory_space<vmem_shared>>)
      %dma_start3A_630 = arith.constant 3 : i32
      %dma_start3A_631 = arith.constant 0 : i32
      %dma_start3A_632 = tpu.memref_slice %arg5[%add3A_611, %dma_start3A_631] : memref<80x128xi32, #tpu.memory_space<vmem>> -> memref<1x128xi32, #tpu.memory_space<vmem>>
      %dma_start3A_633 = tpu.memref_squeeze %dma_start3A_632 : memref<1x128xi32, #tpu.memory_space<vmem>> -> memref<128xi32, #tpu.memory_space<vmem>>
      %dma_start3A_634 = arith.constant 0 : i32
      %dma_start3A_635 = tpu.memref_slice %arg9[%dma_start3A_634] : memref<10240xf32, #tpu.memory_space<vmem_shared>> -> memref<10240xf32, #tpu.memory_space<vmem_shared>>
      %dma_start3A_636 = tpu.memref_slice %arg11[%dma_start3A_630] : memref<8x!tpu.dma_semaphore, #tpu.memory_space<semaphore_mem>> -> memref<1x!tpu.dma_semaphore, #tpu.memory_space<semaphore_mem>>
      %dma_start3A_637 = tpu.memref_squeeze %dma_start3A_636 : memref<1x!tpu.dma_semaphore, #tpu.memory_space<semaphore_mem>> -> memref<!tpu.dma_semaphore, #tpu.memory_space<semaphore_mem>>
      tpu.enqueue_indirect_dma source(%arg7 : memref<128xf32, #tpu.memory_space<vmem>>) target(%dma_start3A_635 : memref<10240xf32, #tpu.memory_space<vmem_shared>>) offsets(%dma_start3A_633 : memref<128xi32, #tpu.memory_space<vmem>>) semaphore(%dma_start3A_637 : memref<!tpu.dma_semaphore, #tpu.memory_space<semaphore_mem>>) {add = true}
      %dma_start3A_638 = arith.constant 3 : i32
      %dma_start3A_639 = arith.constant 0 : i32
      %dma_start3A_640 = tpu.memref_slice %arg6[%add3A_611, %dma_start3A_639] : memref<80x128xi32, #tpu.memory_space<vmem>> -> memref<1x128xi32, #tpu.memory_space<vmem>>
      %dma_start3A_641 = tpu.memref_squeeze %dma_start3A_640 : memref<1x128xi32, #tpu.memory_space<vmem>> -> memref<128xi32, #tpu.memory_space<vmem>>
      %dma_start3A_642 = arith.constant 0 : i32
      %dma_start3A_643 = tpu.memref_slice %arg10[%dma_start3A_642] : memref<10240xf32, #tpu.memory_space<vmem_shared>> -> memref<10240xf32, #tpu.memory_space<vmem_shared>>
      %dma_start3A_644 = tpu.memref_slice %arg12[%dma_start3A_638] : memref<8x!tpu.dma_semaphore, #tpu.memory_space<semaphore_mem>> -> memref<1x!tpu.dma_semaphore, #tpu.memory_space<semaphore_mem>>
      %dma_start3A_645 = tpu.memref_squeeze %dma_start3A_644 : memref<1x!tpu.dma_semaphore, #tpu.memory_space<semaphore_mem>> -> memref<!tpu.dma_semaphore, #tpu.memory_space<semaphore_mem>>
      tpu.enqueue_indirect_dma source(%arg7 : memref<128xf32, #tpu.memory_space<vmem>>) target(%dma_start3A_643 : memref<10240xf32, #tpu.memory_space<vmem_shared>>) offsets(%dma_start3A_641 : memref<128xi32, #tpu.memory_space<vmem>>) semaphore(%dma_start3A_645 : memref<!tpu.dma_semaphore, #tpu.memory_space<semaphore_mem>>) {add = true}
      %mul3A_646 = arith.constant 8 : i32
      %mul3A_647 = arith.muli %scan3A_495, %mul3A_646 : i32
      %add3A_648 = arith.constant 4 : i32
      %add3A_649 = arith.addi %mul3A_647, %add3A_648 : i32
      %sub3A_650 = arith.constant 8 : i32
      %sub3A_651 = arith.subi %add3A_649, %sub3A_650 : i32
      %dma_wait3A_652 = arith.constant 4 : i32
      %dma_wait3A_653 = arith.constant 0 : i32
      %dma_wait3A_654 = tpu.memref_slice %arg5[%sub3A_651, %dma_wait3A_653] : memref<80x128xi32, #tpu.memory_space<vmem>> -> memref<1x128xi32, #tpu.memory_space<vmem>>
      %dma_wait3A_655 = tpu.memref_squeeze %dma_wait3A_654 : memref<1x128xi32, #tpu.memory_space<vmem>> -> memref<128xi32, #tpu.memory_space<vmem>>
      %dma_wait3A_656 = arith.constant 0 : i32
      %dma_wait3A_657 = tpu.memref_slice %arg9[%dma_wait3A_656] : memref<10240xf32, #tpu.memory_space<vmem_shared>> -> memref<10240xf32, #tpu.memory_space<vmem_shared>>
      %dma_wait3A_658 = tpu.memref_slice %arg11[%dma_wait3A_652] : memref<8x!tpu.dma_semaphore, #tpu.memory_space<semaphore_mem>> -> memref<1x!tpu.dma_semaphore, #tpu.memory_space<semaphore_mem>>
      %dma_wait3A_659 = tpu.memref_squeeze %dma_wait3A_658 : memref<1x!tpu.dma_semaphore, #tpu.memory_space<semaphore_mem>> -> memref<!tpu.dma_semaphore, #tpu.memory_space<semaphore_mem>>
      tpu.wait_indirect_dma semaphore(%dma_wait3A_659 : memref<!tpu.dma_semaphore, #tpu.memory_space<semaphore_mem>>) src(%arg7 : memref<128xf32, #tpu.memory_space<vmem>>) dst(%dma_wait3A_657 : memref<10240xf32, #tpu.memory_space<vmem_shared>>)
      %dma_wait3A_660 = arith.constant 4 : i32
      %dma_wait3A_661 = arith.constant 0 : i32
      %dma_wait3A_662 = tpu.memref_slice %arg6[%sub3A_651, %dma_wait3A_661] : memref<80x128xi32, #tpu.memory_space<vmem>> -> memref<1x128xi32, #tpu.memory_space<vmem>>
      %dma_wait3A_663 = tpu.memref_squeeze %dma_wait3A_662 : memref<1x128xi32, #tpu.memory_space<vmem>> -> memref<128xi32, #tpu.memory_space<vmem>>
      %dma_wait3A_664 = arith.constant 0 : i32
      %dma_wait3A_665 = tpu.memref_slice %arg10[%dma_wait3A_664] : memref<10240xf32, #tpu.memory_space<vmem_shared>> -> memref<10240xf32, #tpu.memory_space<vmem_shared>>
      %dma_wait3A_666 = tpu.memref_slice %arg12[%dma_wait3A_660] : memref<8x!tpu.dma_semaphore, #tpu.memory_space<semaphore_mem>> -> memref<1x!tpu.dma_semaphore, #tpu.memory_space<semaphore_mem>>
      %dma_wait3A_667 = tpu.memref_squeeze %dma_wait3A_666 : memref<1x!tpu.dma_semaphore, #tpu.memory_space<semaphore_mem>> -> memref<!tpu.dma_semaphore, #tpu.memory_space<semaphore_mem>>
      tpu.wait_indirect_dma semaphore(%dma_wait3A_667 : memref<!tpu.dma_semaphore, #tpu.memory_space<semaphore_mem>>) src(%arg7 : memref<128xf32, #tpu.memory_space<vmem>>) dst(%dma_wait3A_665 : memref<10240xf32, #tpu.memory_space<vmem_shared>>)
      %dma_start3A_668 = arith.constant 4 : i32
      %dma_start3A_669 = arith.constant 0 : i32
      %dma_start3A_670 = tpu.memref_slice %arg5[%add3A_649, %dma_start3A_669] : memref<80x128xi32, #tpu.memory_space<vmem>> -> memref<1x128xi32, #tpu.memory_space<vmem>>
      %dma_start3A_671 = tpu.memref_squeeze %dma_start3A_670 : memref<1x128xi32, #tpu.memory_space<vmem>> -> memref<128xi32, #tpu.memory_space<vmem>>
      %dma_start3A_672 = arith.constant 0 : i32
      %dma_start3A_673 = tpu.memref_slice %arg9[%dma_start3A_672] : memref<10240xf32, #tpu.memory_space<vmem_shared>> -> memref<10240xf32, #tpu.memory_space<vmem_shared>>
      %dma_start3A_674 = tpu.memref_slice %arg11[%dma_start3A_668] : memref<8x!tpu.dma_semaphore, #tpu.memory_space<semaphore_mem>> -> memref<1x!tpu.dma_semaphore, #tpu.memory_space<semaphore_mem>>
      %dma_start3A_675 = tpu.memref_squeeze %dma_start3A_674 : memref<1x!tpu.dma_semaphore, #tpu.memory_space<semaphore_mem>> -> memref<!tpu.dma_semaphore, #tpu.memory_space<semaphore_mem>>
      tpu.enqueue_indirect_dma source(%arg7 : memref<128xf32, #tpu.memory_space<vmem>>) target(%dma_start3A_673 : memref<10240xf32, #tpu.memory_space<vmem_shared>>) offsets(%dma_start3A_671 : memref<128xi32, #tpu.memory_space<vmem>>) semaphore(%dma_start3A_675 : memref<!tpu.dma_semaphore, #tpu.memory_space<semaphore_mem>>) {add = true}
      %dma_start3A_676 = arith.constant 4 : i32
      %dma_start3A_677 = arith.constant 0 : i32
      %dma_start3A_678 = tpu.memref_slice %arg6[%add3A_649, %dma_start3A_677] : memref<80x128xi32, #tpu.memory_space<vmem>> -> memref<1x128xi32, #tpu.memory_space<vmem>>
      %dma_start3A_679 = tpu.memref_squeeze %dma_start3A_678 : memref<1x128xi32, #tpu.memory_space<vmem>> -> memref<128xi32, #tpu.memory_space<vmem>>
      %dma_start3A_680 = arith.constant 0 : i32
      %dma_start3A_681 = tpu.memref_slice %arg10[%dma_start3A_680] : memref<10240xf32, #tpu.memory_space<vmem_shared>> -> memref<10240xf32, #tpu.memory_space<vmem_shared>>
      %dma_start3A_682 = tpu.memref_slice %arg12[%dma_start3A_676] : memref<8x!tpu.dma_semaphore, #tpu.memory_space<semaphore_mem>> -> memref<1x!tpu.dma_semaphore, #tpu.memory_space<semaphore_mem>>
      %dma_start3A_683 = tpu.memref_squeeze %dma_start3A_682 : memref<1x!tpu.dma_semaphore, #tpu.memory_space<semaphore_mem>> -> memref<!tpu.dma_semaphore, #tpu.memory_space<semaphore_mem>>
      tpu.enqueue_indirect_dma source(%arg7 : memref<128xf32, #tpu.memory_space<vmem>>) target(%dma_start3A_681 : memref<10240xf32, #tpu.memory_space<vmem_shared>>) offsets(%dma_start3A_679 : memref<128xi32, #tpu.memory_space<vmem>>) semaphore(%dma_start3A_683 : memref<!tpu.dma_semaphore, #tpu.memory_space<semaphore_mem>>) {add = true}
      %mul3A_684 = arith.constant 8 : i32
      %mul3A_685 = arith.muli %scan3A_495, %mul3A_684 : i32
      %add3A_686 = arith.constant 5 : i32
      %add3A_687 = arith.addi %mul3A_685, %add3A_686 : i32
      %sub3A_688 = arith.constant 8 : i32
      %sub3A_689 = arith.subi %add3A_687, %sub3A_688 : i32
      %dma_wait3A_690 = arith.constant 5 : i32
      %dma_wait3A_691 = arith.constant 0 : i32
      %dma_wait3A_692 = tpu.memref_slice %arg5[%sub3A_689, %dma_wait3A_691] : memref<80x128xi32, #tpu.memory_space<vmem>> -> memref<1x128xi32, #tpu.memory_space<vmem>>
      %dma_wait3A_693 = tpu.memref_squeeze %dma_wait3A_692 : memref<1x128xi32, #tpu.memory_space<vmem>> -> memref<128xi32, #tpu.memory_space<vmem>>
      %dma_wait3A_694 = arith.constant 0 : i32
      %dma_wait3A_695 = tpu.memref_slice %arg9[%dma_wait3A_694] : memref<10240xf32, #tpu.memory_space<vmem_shared>> -> memref<10240xf32, #tpu.memory_space<vmem_shared>>
      %dma_wait3A_696 = tpu.memref_slice %arg11[%dma_wait3A_690] : memref<8x!tpu.dma_semaphore, #tpu.memory_space<semaphore_mem>> -> memref<1x!tpu.dma_semaphore, #tpu.memory_space<semaphore_mem>>
      %dma_wait3A_697 = tpu.memref_squeeze %dma_wait3A_696 : memref<1x!tpu.dma_semaphore, #tpu.memory_space<semaphore_mem>> -> memref<!tpu.dma_semaphore, #tpu.memory_space<semaphore_mem>>
      tpu.wait_indirect_dma semaphore(%dma_wait3A_697 : memref<!tpu.dma_semaphore, #tpu.memory_space<semaphore_mem>>) src(%arg7 : memref<128xf32, #tpu.memory_space<vmem>>) dst(%dma_wait3A_695 : memref<10240xf32, #tpu.memory_space<vmem_shared>>)
      %dma_wait3A_698 = arith.constant 5 : i32
      %dma_wait3A_699 = arith.constant 0 : i32
      %dma_wait3A_700 = tpu.memref_slice %arg6[%sub3A_689, %dma_wait3A_699] : memref<80x128xi32, #tpu.memory_space<vmem>> -> memref<1x128xi32, #tpu.memory_space<vmem>>
      %dma_wait3A_701 = tpu.memref_squeeze %dma_wait3A_700 : memref<1x128xi32, #tpu.memory_space<vmem>> -> memref<128xi32, #tpu.memory_space<vmem>>
      %dma_wait3A_702 = arith.constant 0 : i32
      %dma_wait3A_703 = tpu.memref_slice %arg10[%dma_wait3A_702] : memref<10240xf32, #tpu.memory_space<vmem_shared>> -> memref<10240xf32, #tpu.memory_space<vmem_shared>>
      %dma_wait3A_704 = tpu.memref_slice %arg12[%dma_wait3A_698] : memref<8x!tpu.dma_semaphore, #tpu.memory_space<semaphore_mem>> -> memref<1x!tpu.dma_semaphore, #tpu.memory_space<semaphore_mem>>
      %dma_wait3A_705 = tpu.memref_squeeze %dma_wait3A_704 : memref<1x!tpu.dma_semaphore, #tpu.memory_space<semaphore_mem>> -> memref<!tpu.dma_semaphore, #tpu.memory_space<semaphore_mem>>
      tpu.wait_indirect_dma semaphore(%dma_wait3A_705 : memref<!tpu.dma_semaphore, #tpu.memory_space<semaphore_mem>>) src(%arg7 : memref<128xf32, #tpu.memory_space<vmem>>) dst(%dma_wait3A_703 : memref<10240xf32, #tpu.memory_space<vmem_shared>>)
      %dma_start3A_706 = arith.constant 5 : i32
      %dma_start3A_707 = arith.constant 0 : i32
      %dma_start3A_708 = tpu.memref_slice %arg5[%add3A_687, %dma_start3A_707] : memref<80x128xi32, #tpu.memory_space<vmem>> -> memref<1x128xi32, #tpu.memory_space<vmem>>
      %dma_start3A_709 = tpu.memref_squeeze %dma_start3A_708 : memref<1x128xi32, #tpu.memory_space<vmem>> -> memref<128xi32, #tpu.memory_space<vmem>>
      %dma_start3A_710 = arith.constant 0 : i32
      %dma_start3A_711 = tpu.memref_slice %arg9[%dma_start3A_710] : memref<10240xf32, #tpu.memory_space<vmem_shared>> -> memref<10240xf32, #tpu.memory_space<vmem_shared>>
      %dma_start3A_712 = tpu.memref_slice %arg11[%dma_start3A_706] : memref<8x!tpu.dma_semaphore, #tpu.memory_space<semaphore_mem>> -> memref<1x!tpu.dma_semaphore, #tpu.memory_space<semaphore_mem>>
      %dma_start3A_713 = tpu.memref_squeeze %dma_start3A_712 : memref<1x!tpu.dma_semaphore, #tpu.memory_space<semaphore_mem>> -> memref<!tpu.dma_semaphore, #tpu.memory_space<semaphore_mem>>
      tpu.enqueue_indirect_dma source(%arg7 : memref<128xf32, #tpu.memory_space<vmem>>) target(%dma_start3A_711 : memref<10240xf32, #tpu.memory_space<vmem_shared>>) offsets(%dma_start3A_709 : memref<128xi32, #tpu.memory_space<vmem>>) semaphore(%dma_start3A_713 : memref<!tpu.dma_semaphore, #tpu.memory_space<semaphore_mem>>) {add = true}
      %dma_start3A_714 = arith.constant 5 : i32
      %dma_start3A_715 = arith.constant 0 : i32
      %dma_start3A_716 = tpu.memref_slice %arg6[%add3A_687, %dma_start3A_715] : memref<80x128xi32, #tpu.memory_space<vmem>> -> memref<1x128xi32, #tpu.memory_space<vmem>>
      %dma_start3A_717 = tpu.memref_squeeze %dma_start3A_716 : memref<1x128xi32, #tpu.memory_space<vmem>> -> memref<128xi32, #tpu.memory_space<vmem>>
      %dma_start3A_718 = arith.constant 0 : i32
      %dma_start3A_719 = tpu.memref_slice %arg10[%dma_start3A_718] : memref<10240xf32, #tpu.memory_space<vmem_shared>> -> memref<10240xf32, #tpu.memory_space<vmem_shared>>
      %dma_start3A_720 = tpu.memref_slice %arg12[%dma_start3A_714] : memref<8x!tpu.dma_semaphore, #tpu.memory_space<semaphore_mem>> -> memref<1x!tpu.dma_semaphore, #tpu.memory_space<semaphore_mem>>
      %dma_start3A_721 = tpu.memref_squeeze %dma_start3A_720 : memref<1x!tpu.dma_semaphore, #tpu.memory_space<semaphore_mem>> -> memref<!tpu.dma_semaphore, #tpu.memory_space<semaphore_mem>>
      tpu.enqueue_indirect_dma source(%arg7 : memref<128xf32, #tpu.memory_space<vmem>>) target(%dma_start3A_719 : memref<10240xf32, #tpu.memory_space<vmem_shared>>) offsets(%dma_start3A_717 : memref<128xi32, #tpu.memory_space<vmem>>) semaphore(%dma_start3A_721 : memref<!tpu.dma_semaphore, #tpu.memory_space<semaphore_mem>>) {add = true}
      %mul3A_722 = arith.constant 8 : i32
      %mul3A_723 = arith.muli %scan3A_495, %mul3A_722 : i32
      %add3A_724 = arith.constant 6 : i32
      %add3A_725 = arith.addi %mul3A_723, %add3A_724 : i32
      %sub3A_726 = arith.constant 8 : i32
      %sub3A_727 = arith.subi %add3A_725, %sub3A_726 : i32
      %dma_wait3A_728 = arith.constant 6 : i32
      %dma_wait3A_729 = arith.constant 0 : i32
      %dma_wait3A_730 = tpu.memref_slice %arg5[%sub3A_727, %dma_wait3A_729] : memref<80x128xi32, #tpu.memory_space<vmem>> -> memref<1x128xi32, #tpu.memory_space<vmem>>
      %dma_wait3A_731 = tpu.memref_squeeze %dma_wait3A_730 : memref<1x128xi32, #tpu.memory_space<vmem>> -> memref<128xi32, #tpu.memory_space<vmem>>
      %dma_wait3A_732 = arith.constant 0 : i32
      %dma_wait3A_733 = tpu.memref_slice %arg9[%dma_wait3A_732] : memref<10240xf32, #tpu.memory_space<vmem_shared>> -> memref<10240xf32, #tpu.memory_space<vmem_shared>>
      %dma_wait3A_734 = tpu.memref_slice %arg11[%dma_wait3A_728] : memref<8x!tpu.dma_semaphore, #tpu.memory_space<semaphore_mem>> -> memref<1x!tpu.dma_semaphore, #tpu.memory_space<semaphore_mem>>
      %dma_wait3A_735 = tpu.memref_squeeze %dma_wait3A_734 : memref<1x!tpu.dma_semaphore, #tpu.memory_space<semaphore_mem>> -> memref<!tpu.dma_semaphore, #tpu.memory_space<semaphore_mem>>
      tpu.wait_indirect_dma semaphore(%dma_wait3A_735 : memref<!tpu.dma_semaphore, #tpu.memory_space<semaphore_mem>>) src(%arg7 : memref<128xf32, #tpu.memory_space<vmem>>) dst(%dma_wait3A_733 : memref<10240xf32, #tpu.memory_space<vmem_shared>>)
      %dma_wait3A_736 = arith.constant 6 : i32
      %dma_wait3A_737 = arith.constant 0 : i32
      %dma_wait3A_738 = tpu.memref_slice %arg6[%sub3A_727, %dma_wait3A_737] : memref<80x128xi32, #tpu.memory_space<vmem>> -> memref<1x128xi32, #tpu.memory_space<vmem>>
      %dma_wait3A_739 = tpu.memref_squeeze %dma_wait3A_738 : memref<1x128xi32, #tpu.memory_space<vmem>> -> memref<128xi32, #tpu.memory_space<vmem>>
      %dma_wait3A_740 = arith.constant 0 : i32
      %dma_wait3A_741 = tpu.memref_slice %arg10[%dma_wait3A_740] : memref<10240xf32, #tpu.memory_space<vmem_shared>> -> memref<10240xf32, #tpu.memory_space<vmem_shared>>
      %dma_wait3A_742 = tpu.memref_slice %arg12[%dma_wait3A_736] : memref<8x!tpu.dma_semaphore, #tpu.memory_space<semaphore_mem>> -> memref<1x!tpu.dma_semaphore, #tpu.memory_space<semaphore_mem>>
      %dma_wait3A_743 = tpu.memref_squeeze %dma_wait3A_742 : memref<1x!tpu.dma_semaphore, #tpu.memory_space<semaphore_mem>> -> memref<!tpu.dma_semaphore, #tpu.memory_space<semaphore_mem>>
      tpu.wait_indirect_dma semaphore(%dma_wait3A_743 : memref<!tpu.dma_semaphore, #tpu.memory_space<semaphore_mem>>) src(%arg7 : memref<128xf32, #tpu.memory_space<vmem>>) dst(%dma_wait3A_741 : memref<10240xf32, #tpu.memory_space<vmem_shared>>)
      %dma_start3A_744 = arith.constant 6 : i32
      %dma_start3A_745 = arith.constant 0 : i32
      %dma_start3A_746 = tpu.memref_slice %arg5[%add3A_725, %dma_start3A_745] : memref<80x128xi32, #tpu.memory_space<vmem>> -> memref<1x128xi32, #tpu.memory_space<vmem>>
      %dma_start3A_747 = tpu.memref_squeeze %dma_start3A_746 : memref<1x128xi32, #tpu.memory_space<vmem>> -> memref<128xi32, #tpu.memory_space<vmem>>
      %dma_start3A_748 = arith.constant 0 : i32
      %dma_start3A_749 = tpu.memref_slice %arg9[%dma_start3A_748] : memref<10240xf32, #tpu.memory_space<vmem_shared>> -> memref<10240xf32, #tpu.memory_space<vmem_shared>>
      %dma_start3A_750 = tpu.memref_slice %arg11[%dma_start3A_744] : memref<8x!tpu.dma_semaphore, #tpu.memory_space<semaphore_mem>> -> memref<1x!tpu.dma_semaphore, #tpu.memory_space<semaphore_mem>>
      %dma_start3A_751 = tpu.memref_squeeze %dma_start3A_750 : memref<1x!tpu.dma_semaphore, #tpu.memory_space<semaphore_mem>> -> memref<!tpu.dma_semaphore, #tpu.memory_space<semaphore_mem>>
      tpu.enqueue_indirect_dma source(%arg7 : memref<128xf32, #tpu.memory_space<vmem>>) target(%dma_start3A_749 : memref<10240xf32, #tpu.memory_space<vmem_shared>>) offsets(%dma_start3A_747 : memref<128xi32, #tpu.memory_space<vmem>>) semaphore(%dma_start3A_751 : memref<!tpu.dma_semaphore, #tpu.memory_space<semaphore_mem>>) {add = true}
      %dma_start3A_752 = arith.constant 6 : i32
      %dma_start3A_753 = arith.constant 0 : i32
      %dma_start3A_754 = tpu.memref_slice %arg6[%add3A_725, %dma_start3A_753] : memref<80x128xi32, #tpu.memory_space<vmem>> -> memref<1x128xi32, #tpu.memory_space<vmem>>
      %dma_start3A_755 = tpu.memref_squeeze %dma_start3A_754 : memref<1x128xi32, #tpu.memory_space<vmem>> -> memref<128xi32, #tpu.memory_space<vmem>>
      %dma_start3A_756 = arith.constant 0 : i32
      %dma_start3A_757 = tpu.memref_slice %arg10[%dma_start3A_756] : memref<10240xf32, #tpu.memory_space<vmem_shared>> -> memref<10240xf32, #tpu.memory_space<vmem_shared>>
      %dma_start3A_758 = tpu.memref_slice %arg12[%dma_start3A_752] : memref<8x!tpu.dma_semaphore, #tpu.memory_space<semaphore_mem>> -> memref<1x!tpu.dma_semaphore, #tpu.memory_space<semaphore_mem>>
      %dma_start3A_759 = tpu.memref_squeeze %dma_start3A_758 : memref<1x!tpu.dma_semaphore, #tpu.memory_space<semaphore_mem>> -> memref<!tpu.dma_semaphore, #tpu.memory_space<semaphore_mem>>
      tpu.enqueue_indirect_dma source(%arg7 : memref<128xf32, #tpu.memory_space<vmem>>) target(%dma_start3A_757 : memref<10240xf32, #tpu.memory_space<vmem_shared>>) offsets(%dma_start3A_755 : memref<128xi32, #tpu.memory_space<vmem>>) semaphore(%dma_start3A_759 : memref<!tpu.dma_semaphore, #tpu.memory_space<semaphore_mem>>) {add = true}
      %mul3A_760 = arith.constant 8 : i32
      %mul3A_761 = arith.muli %scan3A_495, %mul3A_760 : i32
      %add3A_762 = arith.constant 7 : i32
      %add3A_763 = arith.addi %mul3A_761, %add3A_762 : i32
      %sub3A_764 = arith.constant 8 : i32
      %sub3A_765 = arith.subi %add3A_763, %sub3A_764 : i32
      %dma_wait3A_766 = arith.constant 7 : i32
      %dma_wait3A_767 = arith.constant 0 : i32
      %dma_wait3A_768 = tpu.memref_slice %arg5[%sub3A_765, %dma_wait3A_767] : memref<80x128xi32, #tpu.memory_space<vmem>> -> memref<1x128xi32, #tpu.memory_space<vmem>>
      %dma_wait3A_769 = tpu.memref_squeeze %dma_wait3A_768 : memref<1x128xi32, #tpu.memory_space<vmem>> -> memref<128xi32, #tpu.memory_space<vmem>>
      %dma_wait3A_770 = arith.constant 0 : i32
      %dma_wait3A_771 = tpu.memref_slice %arg9[%dma_wait3A_770] : memref<10240xf32, #tpu.memory_space<vmem_shared>> -> memref<10240xf32, #tpu.memory_space<vmem_shared>>
      %dma_wait3A_772 = tpu.memref_slice %arg11[%dma_wait3A_766] : memref<8x!tpu.dma_semaphore, #tpu.memory_space<semaphore_mem>> -> memref<1x!tpu.dma_semaphore, #tpu.memory_space<semaphore_mem>>
      %dma_wait3A_773 = tpu.memref_squeeze %dma_wait3A_772 : memref<1x!tpu.dma_semaphore, #tpu.memory_space<semaphore_mem>> -> memref<!tpu.dma_semaphore, #tpu.memory_space<semaphore_mem>>
      tpu.wait_indirect_dma semaphore(%dma_wait3A_773 : memref<!tpu.dma_semaphore, #tpu.memory_space<semaphore_mem>>) src(%arg7 : memref<128xf32, #tpu.memory_space<vmem>>) dst(%dma_wait3A_771 : memref<10240xf32, #tpu.memory_space<vmem_shared>>)
      %dma_wait3A_774 = arith.constant 7 : i32
      %dma_wait3A_775 = arith.constant 0 : i32
      %dma_wait3A_776 = tpu.memref_slice %arg6[%sub3A_765, %dma_wait3A_775] : memref<80x128xi32, #tpu.memory_space<vmem>> -> memref<1x128xi32, #tpu.memory_space<vmem>>
      %dma_wait3A_777 = tpu.memref_squeeze %dma_wait3A_776 : memref<1x128xi32, #tpu.memory_space<vmem>> -> memref<128xi32, #tpu.memory_space<vmem>>
      %dma_wait3A_778 = arith.constant 0 : i32
      %dma_wait3A_779 = tpu.memref_slice %arg10[%dma_wait3A_778] : memref<10240xf32, #tpu.memory_space<vmem_shared>> -> memref<10240xf32, #tpu.memory_space<vmem_shared>>
      %dma_wait3A_780 = tpu.memref_slice %arg12[%dma_wait3A_774] : memref<8x!tpu.dma_semaphore, #tpu.memory_space<semaphore_mem>> -> memref<1x!tpu.dma_semaphore, #tpu.memory_space<semaphore_mem>>
      %dma_wait3A_781 = tpu.memref_squeeze %dma_wait3A_780 : memref<1x!tpu.dma_semaphore, #tpu.memory_space<semaphore_mem>> -> memref<!tpu.dma_semaphore, #tpu.memory_space<semaphore_mem>>
      tpu.wait_indirect_dma semaphore(%dma_wait3A_781 : memref<!tpu.dma_semaphore, #tpu.memory_space<semaphore_mem>>) src(%arg7 : memref<128xf32, #tpu.memory_space<vmem>>) dst(%dma_wait3A_779 : memref<10240xf32, #tpu.memory_space<vmem_shared>>)
      %dma_start3A_782 = arith.constant 7 : i32
      %dma_start3A_783 = arith.constant 0 : i32
      %dma_start3A_784 = tpu.memref_slice %arg5[%add3A_763, %dma_start3A_783] : memref<80x128xi32, #tpu.memory_space<vmem>> -> memref<1x128xi32, #tpu.memory_space<vmem>>
      %dma_start3A_785 = tpu.memref_squeeze %dma_start3A_784 : memref<1x128xi32, #tpu.memory_space<vmem>> -> memref<128xi32, #tpu.memory_space<vmem>>
      %dma_start3A_786 = arith.constant 0 : i32
      %dma_start3A_787 = tpu.memref_slice %arg9[%dma_start3A_786] : memref<10240xf32, #tpu.memory_space<vmem_shared>> -> memref<10240xf32, #tpu.memory_space<vmem_shared>>
      %dma_start3A_788 = tpu.memref_slice %arg11[%dma_start3A_782] : memref<8x!tpu.dma_semaphore, #tpu.memory_space<semaphore_mem>> -> memref<1x!tpu.dma_semaphore, #tpu.memory_space<semaphore_mem>>
      %dma_start3A_789 = tpu.memref_squeeze %dma_start3A_788 : memref<1x!tpu.dma_semaphore, #tpu.memory_space<semaphore_mem>> -> memref<!tpu.dma_semaphore, #tpu.memory_space<semaphore_mem>>
      tpu.enqueue_indirect_dma source(%arg7 : memref<128xf32, #tpu.memory_space<vmem>>) target(%dma_start3A_787 : memref<10240xf32, #tpu.memory_space<vmem_shared>>) offsets(%dma_start3A_785 : memref<128xi32, #tpu.memory_space<vmem>>) semaphore(%dma_start3A_789 : memref<!tpu.dma_semaphore, #tpu.memory_space<semaphore_mem>>) {add = true}
      %dma_start3A_790 = arith.constant 7 : i32
      %dma_start3A_791 = arith.constant 0 : i32
      %dma_start3A_792 = tpu.memref_slice %arg6[%add3A_763, %dma_start3A_791] : memref<80x128xi32, #tpu.memory_space<vmem>> -> memref<1x128xi32, #tpu.memory_space<vmem>>
      %dma_start3A_793 = tpu.memref_squeeze %dma_start3A_792 : memref<1x128xi32, #tpu.memory_space<vmem>> -> memref<128xi32, #tpu.memory_space<vmem>>
      %dma_start3A_794 = arith.constant 0 : i32
      %dma_start3A_795 = tpu.memref_slice %arg10[%dma_start3A_794] : memref<10240xf32, #tpu.memory_space<vmem_shared>> -> memref<10240xf32, #tpu.memory_space<vmem_shared>>
      %dma_start3A_796 = tpu.memref_slice %arg12[%dma_start3A_790] : memref<8x!tpu.dma_semaphore, #tpu.memory_space<semaphore_mem>> -> memref<1x!tpu.dma_semaphore, #tpu.memory_space<semaphore_mem>>
      %dma_start3A_797 = tpu.memref_squeeze %dma_start3A_796 : memref<1x!tpu.dma_semaphore, #tpu.memory_space<semaphore_mem>> -> memref<!tpu.dma_semaphore, #tpu.memory_space<semaphore_mem>>
      tpu.enqueue_indirect_dma source(%arg7 : memref<128xf32, #tpu.memory_space<vmem>>) target(%dma_start3A_795 : memref<10240xf32, #tpu.memory_space<vmem_shared>>) offsets(%dma_start3A_793 : memref<128xi32, #tpu.memory_space<vmem>>) semaphore(%dma_start3A_797 : memref<!tpu.dma_semaphore, #tpu.memory_space<semaphore_mem>>) {add = true}
    }
    %scan3A_347 = arith.constant 9 : i32
    %dma_wait3A = arith.constant 72 : i32
    %dma_wait3A_348 = arith.constant 0 : i32
    %dma_wait3A_349 = arith.constant 0 : i32
    %dma_wait3A_350 = tpu.memref_slice %arg5[%dma_wait3A, %dma_wait3A_349] : memref<80x128xi32, #tpu.memory_space<vmem>> -> memref<1x128xi32, #tpu.memory_space<vmem>>
    %dma_wait3A_351 = tpu.memref_squeeze %dma_wait3A_350 : memref<1x128xi32, #tpu.memory_space<vmem>> -> memref<128xi32, #tpu.memory_space<vmem>>
    %dma_wait3A_352 = arith.constant 0 : i32
    %dma_wait3A_353 = tpu.memref_slice %arg9[%dma_wait3A_352] : memref<10240xf32, #tpu.memory_space<vmem_shared>> -> memref<10240xf32, #tpu.memory_space<vmem_shared>>
    %dma_wait3A_354 = tpu.memref_slice %arg11[%dma_wait3A_348] : memref<8x!tpu.dma_semaphore, #tpu.memory_space<semaphore_mem>> -> memref<1x!tpu.dma_semaphore, #tpu.memory_space<semaphore_mem>>
    %dma_wait3A_355 = tpu.memref_squeeze %dma_wait3A_354 : memref<1x!tpu.dma_semaphore, #tpu.memory_space<semaphore_mem>> -> memref<!tpu.dma_semaphore, #tpu.memory_space<semaphore_mem>>
    tpu.wait_indirect_dma semaphore(%dma_wait3A_355 : memref<!tpu.dma_semaphore, #tpu.memory_space<semaphore_mem>>) src(%arg7 : memref<128xf32, #tpu.memory_space<vmem>>) dst(%dma_wait3A_353 : memref<10240xf32, #tpu.memory_space<vmem_shared>>)
    %dma_wait3A_356 = arith.constant 72 : i32
    %dma_wait3A_357 = arith.constant 0 : i32
    %dma_wait3A_358 = arith.constant 0 : i32
    %dma_wait3A_359 = tpu.memref_slice %arg6[%dma_wait3A_356, %dma_wait3A_358] : memref<80x128xi32, #tpu.memory_space<vmem>> -> memref<1x128xi32, #tpu.memory_space<vmem>>
    %dma_wait3A_360 = tpu.memref_squeeze %dma_wait3A_359 : memref<1x128xi32, #tpu.memory_space<vmem>> -> memref<128xi32, #tpu.memory_space<vmem>>
    %dma_wait3A_361 = arith.constant 0 : i32
    %dma_wait3A_362 = tpu.memref_slice %arg10[%dma_wait3A_361] : memref<10240xf32, #tpu.memory_space<vmem_shared>> -> memref<10240xf32, #tpu.memory_space<vmem_shared>>
    %dma_wait3A_363 = tpu.memref_slice %arg12[%dma_wait3A_357] : memref<8x!tpu.dma_semaphore, #tpu.memory_space<semaphore_mem>> -> memref<1x!tpu.dma_semaphore, #tpu.memory_space<semaphore_mem>>
    %dma_wait3A_364 = tpu.memref_squeeze %dma_wait3A_363 : memref<1x!tpu.dma_semaphore, #tpu.memory_space<semaphore_mem>> -> memref<!tpu.dma_semaphore, #tpu.memory_space<semaphore_mem>>
    tpu.wait_indirect_dma semaphore(%dma_wait3A_364 : memref<!tpu.dma_semaphore, #tpu.memory_space<semaphore_mem>>) src(%arg7 : memref<128xf32, #tpu.memory_space<vmem>>) dst(%dma_wait3A_362 : memref<10240xf32, #tpu.memory_space<vmem_shared>>)
    %dma_wait3A_365 = arith.constant 73 : i32
    %dma_wait3A_366 = arith.constant 1 : i32
    %dma_wait3A_367 = arith.constant 0 : i32
    %dma_wait3A_368 = tpu.memref_slice %arg5[%dma_wait3A_365, %dma_wait3A_367] : memref<80x128xi32, #tpu.memory_space<vmem>> -> memref<1x128xi32, #tpu.memory_space<vmem>>
    %dma_wait3A_369 = tpu.memref_squeeze %dma_wait3A_368 : memref<1x128xi32, #tpu.memory_space<vmem>> -> memref<128xi32, #tpu.memory_space<vmem>>
    %dma_wait3A_370 = arith.constant 0 : i32
    %dma_wait3A_371 = tpu.memref_slice %arg9[%dma_wait3A_370] : memref<10240xf32, #tpu.memory_space<vmem_shared>> -> memref<10240xf32, #tpu.memory_space<vmem_shared>>
    %dma_wait3A_372 = tpu.memref_slice %arg11[%dma_wait3A_366] : memref<8x!tpu.dma_semaphore, #tpu.memory_space<semaphore_mem>> -> memref<1x!tpu.dma_semaphore, #tpu.memory_space<semaphore_mem>>
    %dma_wait3A_373 = tpu.memref_squeeze %dma_wait3A_372 : memref<1x!tpu.dma_semaphore, #tpu.memory_space<semaphore_mem>> -> memref<!tpu.dma_semaphore, #tpu.memory_space<semaphore_mem>>
    tpu.wait_indirect_dma semaphore(%dma_wait3A_373 : memref<!tpu.dma_semaphore, #tpu.memory_space<semaphore_mem>>) src(%arg7 : memref<128xf32, #tpu.memory_space<vmem>>) dst(%dma_wait3A_371 : memref<10240xf32, #tpu.memory_space<vmem_shared>>)
    %dma_wait3A_374 = arith.constant 73 : i32
    %dma_wait3A_375 = arith.constant 1 : i32
    %dma_wait3A_376 = arith.constant 0 : i32
    %dma_wait3A_377 = tpu.memref_slice %arg6[%dma_wait3A_374, %dma_wait3A_376] : memref<80x128xi32, #tpu.memory_space<vmem>> -> memref<1x128xi32, #tpu.memory_space<vmem>>
    %dma_wait3A_378 = tpu.memref_squeeze %dma_wait3A_377 : memref<1x128xi32, #tpu.memory_space<vmem>> -> memref<128xi32, #tpu.memory_space<vmem>>
    %dma_wait3A_379 = arith.constant 0 : i32
    %dma_wait3A_380 = tpu.memref_slice %arg10[%dma_wait3A_379] : memref<10240xf32, #tpu.memory_space<vmem_shared>> -> memref<10240xf32, #tpu.memory_space<vmem_shared>>
    %dma_wait3A_381 = tpu.memref_slice %arg12[%dma_wait3A_375] : memref<8x!tpu.dma_semaphore, #tpu.memory_space<semaphore_mem>> -> memref<1x!tpu.dma_semaphore, #tpu.memory_space<semaphore_mem>>
    %dma_wait3A_382 = tpu.memref_squeeze %dma_wait3A_381 : memref<1x!tpu.dma_semaphore, #tpu.memory_space<semaphore_mem>> -> memref<!tpu.dma_semaphore, #tpu.memory_space<semaphore_mem>>
    tpu.wait_indirect_dma semaphore(%dma_wait3A_382 : memref<!tpu.dma_semaphore, #tpu.memory_space<semaphore_mem>>) src(%arg7 : memref<128xf32, #tpu.memory_space<vmem>>) dst(%dma_wait3A_380 : memref<10240xf32, #tpu.memory_space<vmem_shared>>)
    %dma_wait3A_383 = arith.constant 74 : i32
    %dma_wait3A_384 = arith.constant 2 : i32
    %dma_wait3A_385 = arith.constant 0 : i32
    %dma_wait3A_386 = tpu.memref_slice %arg5[%dma_wait3A_383, %dma_wait3A_385] : memref<80x128xi32, #tpu.memory_space<vmem>> -> memref<1x128xi32, #tpu.memory_space<vmem>>
    %dma_wait3A_387 = tpu.memref_squeeze %dma_wait3A_386 : memref<1x128xi32, #tpu.memory_space<vmem>> -> memref<128xi32, #tpu.memory_space<vmem>>
    %dma_wait3A_388 = arith.constant 0 : i32
    %dma_wait3A_389 = tpu.memref_slice %arg9[%dma_wait3A_388] : memref<10240xf32, #tpu.memory_space<vmem_shared>> -> memref<10240xf32, #tpu.memory_space<vmem_shared>>
    %dma_wait3A_390 = tpu.memref_slice %arg11[%dma_wait3A_384] : memref<8x!tpu.dma_semaphore, #tpu.memory_space<semaphore_mem>> -> memref<1x!tpu.dma_semaphore, #tpu.memory_space<semaphore_mem>>
    %dma_wait3A_391 = tpu.memref_squeeze %dma_wait3A_390 : memref<1x!tpu.dma_semaphore, #tpu.memory_space<semaphore_mem>> -> memref<!tpu.dma_semaphore, #tpu.memory_space<semaphore_mem>>
    tpu.wait_indirect_dma semaphore(%dma_wait3A_391 : memref<!tpu.dma_semaphore, #tpu.memory_space<semaphore_mem>>) src(%arg7 : memref<128xf32, #tpu.memory_space<vmem>>) dst(%dma_wait3A_389 : memref<10240xf32, #tpu.memory_space<vmem_shared>>)
    %dma_wait3A_392 = arith.constant 74 : i32
    %dma_wait3A_393 = arith.constant 2 : i32
    %dma_wait3A_394 = arith.constant 0 : i32
    %dma_wait3A_395 = tpu.memref_slice %arg6[%dma_wait3A_392, %dma_wait3A_394] : memref<80x128xi32, #tpu.memory_space<vmem>> -> memref<1x128xi32, #tpu.memory_space<vmem>>
    %dma_wait3A_396 = tpu.memref_squeeze %dma_wait3A_395 : memref<1x128xi32, #tpu.memory_space<vmem>> -> memref<128xi32, #tpu.memory_space<vmem>>
    %dma_wait3A_397 = arith.constant 0 : i32
    %dma_wait3A_398 = tpu.memref_slice %arg10[%dma_wait3A_397] : memref<10240xf32, #tpu.memory_space<vmem_shared>> -> memref<10240xf32, #tpu.memory_space<vmem_shared>>
    %dma_wait3A_399 = tpu.memref_slice %arg12[%dma_wait3A_393] : memref<8x!tpu.dma_semaphore, #tpu.memory_space<semaphore_mem>> -> memref<1x!tpu.dma_semaphore, #tpu.memory_space<semaphore_mem>>
    %dma_wait3A_400 = tpu.memref_squeeze %dma_wait3A_399 : memref<1x!tpu.dma_semaphore, #tpu.memory_space<semaphore_mem>> -> memref<!tpu.dma_semaphore, #tpu.memory_space<semaphore_mem>>
    tpu.wait_indirect_dma semaphore(%dma_wait3A_400 : memref<!tpu.dma_semaphore, #tpu.memory_space<semaphore_mem>>) src(%arg7 : memref<128xf32, #tpu.memory_space<vmem>>) dst(%dma_wait3A_398 : memref<10240xf32, #tpu.memory_space<vmem_shared>>)
    %dma_wait3A_401 = arith.constant 75 : i32
    %dma_wait3A_402 = arith.constant 3 : i32
    %dma_wait3A_403 = arith.constant 0 : i32
    %dma_wait3A_404 = tpu.memref_slice %arg5[%dma_wait3A_401, %dma_wait3A_403] : memref<80x128xi32, #tpu.memory_space<vmem>> -> memref<1x128xi32, #tpu.memory_space<vmem>>
    %dma_wait3A_405 = tpu.memref_squeeze %dma_wait3A_404 : memref<1x128xi32, #tpu.memory_space<vmem>> -> memref<128xi32, #tpu.memory_space<vmem>>
    %dma_wait3A_406 = arith.constant 0 : i32
    %dma_wait3A_407 = tpu.memref_slice %arg9[%dma_wait3A_406] : memref<10240xf32, #tpu.memory_space<vmem_shared>> -> memref<10240xf32, #tpu.memory_space<vmem_shared>>
    %dma_wait3A_408 = tpu.memref_slice %arg11[%dma_wait3A_402] : memref<8x!tpu.dma_semaphore, #tpu.memory_space<semaphore_mem>> -> memref<1x!tpu.dma_semaphore, #tpu.memory_space<semaphore_mem>>
    %dma_wait3A_409 = tpu.memref_squeeze %dma_wait3A_408 : memref<1x!tpu.dma_semaphore, #tpu.memory_space<semaphore_mem>> -> memref<!tpu.dma_semaphore, #tpu.memory_space<semaphore_mem>>
    tpu.wait_indirect_dma semaphore(%dma_wait3A_409 : memref<!tpu.dma_semaphore, #tpu.memory_space<semaphore_mem>>) src(%arg7 : memref<128xf32, #tpu.memory_space<vmem>>) dst(%dma_wait3A_407 : memref<10240xf32, #tpu.memory_space<vmem_shared>>)
    %dma_wait3A_410 = arith.constant 75 : i32
    %dma_wait3A_411 = arith.constant 3 : i32
    %dma_wait3A_412 = arith.constant 0 : i32
    %dma_wait3A_413 = tpu.memref_slice %arg6[%dma_wait3A_410, %dma_wait3A_412] : memref<80x128xi32, #tpu.memory_space<vmem>> -> memref<1x128xi32, #tpu.memory_space<vmem>>
    %dma_wait3A_414 = tpu.memref_squeeze %dma_wait3A_413 : memref<1x128xi32, #tpu.memory_space<vmem>> -> memref<128xi32, #tpu.memory_space<vmem>>
    %dma_wait3A_415 = arith.constant 0 : i32
    %dma_wait3A_416 = tpu.memref_slice %arg10[%dma_wait3A_415] : memref<10240xf32, #tpu.memory_space<vmem_shared>> -> memref<10240xf32, #tpu.memory_space<vmem_shared>>
    %dma_wait3A_417 = tpu.memref_slice %arg12[%dma_wait3A_411] : memref<8x!tpu.dma_semaphore, #tpu.memory_space<semaphore_mem>> -> memref<1x!tpu.dma_semaphore, #tpu.memory_space<semaphore_mem>>
    %dma_wait3A_418 = tpu.memref_squeeze %dma_wait3A_417 : memref<1x!tpu.dma_semaphore, #tpu.memory_space<semaphore_mem>> -> memref<!tpu.dma_semaphore, #tpu.memory_space<semaphore_mem>>
    tpu.wait_indirect_dma semaphore(%dma_wait3A_418 : memref<!tpu.dma_semaphore, #tpu.memory_space<semaphore_mem>>) src(%arg7 : memref<128xf32, #tpu.memory_space<vmem>>) dst(%dma_wait3A_416 : memref<10240xf32, #tpu.memory_space<vmem_shared>>)
    %dma_wait3A_419 = arith.constant 76 : i32
    %dma_wait3A_420 = arith.constant 4 : i32
    %dma_wait3A_421 = arith.constant 0 : i32
    %dma_wait3A_422 = tpu.memref_slice %arg5[%dma_wait3A_419, %dma_wait3A_421] : memref<80x128xi32, #tpu.memory_space<vmem>> -> memref<1x128xi32, #tpu.memory_space<vmem>>
    %dma_wait3A_423 = tpu.memref_squeeze %dma_wait3A_422 : memref<1x128xi32, #tpu.memory_space<vmem>> -> memref<128xi32, #tpu.memory_space<vmem>>
    %dma_wait3A_424 = arith.constant 0 : i32
    %dma_wait3A_425 = tpu.memref_slice %arg9[%dma_wait3A_424] : memref<10240xf32, #tpu.memory_space<vmem_shared>> -> memref<10240xf32, #tpu.memory_space<vmem_shared>>
    %dma_wait3A_426 = tpu.memref_slice %arg11[%dma_wait3A_420] : memref<8x!tpu.dma_semaphore, #tpu.memory_space<semaphore_mem>> -> memref<1x!tpu.dma_semaphore, #tpu.memory_space<semaphore_mem>>
    %dma_wait3A_427 = tpu.memref_squeeze %dma_wait3A_426 : memref<1x!tpu.dma_semaphore, #tpu.memory_space<semaphore_mem>> -> memref<!tpu.dma_semaphore, #tpu.memory_space<semaphore_mem>>
    tpu.wait_indirect_dma semaphore(%dma_wait3A_427 : memref<!tpu.dma_semaphore, #tpu.memory_space<semaphore_mem>>) src(%arg7 : memref<128xf32, #tpu.memory_space<vmem>>) dst(%dma_wait3A_425 : memref<10240xf32, #tpu.memory_space<vmem_shared>>)
    %dma_wait3A_428 = arith.constant 76 : i32
    %dma_wait3A_429 = arith.constant 4 : i32
    %dma_wait3A_430 = arith.constant 0 : i32
    %dma_wait3A_431 = tpu.memref_slice %arg6[%dma_wait3A_428, %dma_wait3A_430] : memref<80x128xi32, #tpu.memory_space<vmem>> -> memref<1x128xi32, #tpu.memory_space<vmem>>
    %dma_wait3A_432 = tpu.memref_squeeze %dma_wait3A_431 : memref<1x128xi32, #tpu.memory_space<vmem>> -> memref<128xi32, #tpu.memory_space<vmem>>
    %dma_wait3A_433 = arith.constant 0 : i32
    %dma_wait3A_434 = tpu.memref_slice %arg10[%dma_wait3A_433] : memref<10240xf32, #tpu.memory_space<vmem_shared>> -> memref<10240xf32, #tpu.memory_space<vmem_shared>>
    %dma_wait3A_435 = tpu.memref_slice %arg12[%dma_wait3A_429] : memref<8x!tpu.dma_semaphore, #tpu.memory_space<semaphore_mem>> -> memref<1x!tpu.dma_semaphore, #tpu.memory_space<semaphore_mem>>
    %dma_wait3A_436 = tpu.memref_squeeze %dma_wait3A_435 : memref<1x!tpu.dma_semaphore, #tpu.memory_space<semaphore_mem>> -> memref<!tpu.dma_semaphore, #tpu.memory_space<semaphore_mem>>
    tpu.wait_indirect_dma semaphore(%dma_wait3A_436 : memref<!tpu.dma_semaphore, #tpu.memory_space<semaphore_mem>>) src(%arg7 : memref<128xf32, #tpu.memory_space<vmem>>) dst(%dma_wait3A_434 : memref<10240xf32, #tpu.memory_space<vmem_shared>>)
    %dma_wait3A_437 = arith.constant 77 : i32
    %dma_wait3A_438 = arith.constant 5 : i32
    %dma_wait3A_439 = arith.constant 0 : i32
    %dma_wait3A_440 = tpu.memref_slice %arg5[%dma_wait3A_437, %dma_wait3A_439] : memref<80x128xi32, #tpu.memory_space<vmem>> -> memref<1x128xi32, #tpu.memory_space<vmem>>
    %dma_wait3A_441 = tpu.memref_squeeze %dma_wait3A_440 : memref<1x128xi32, #tpu.memory_space<vmem>> -> memref<128xi32, #tpu.memory_space<vmem>>
    %dma_wait3A_442 = arith.constant 0 : i32
    %dma_wait3A_443 = tpu.memref_slice %arg9[%dma_wait3A_442] : memref<10240xf32, #tpu.memory_space<vmem_shared>> -> memref<10240xf32, #tpu.memory_space<vmem_shared>>
    %dma_wait3A_444 = tpu.memref_slice %arg11[%dma_wait3A_438] : memref<8x!tpu.dma_semaphore, #tpu.memory_space<semaphore_mem>> -> memref<1x!tpu.dma_semaphore, #tpu.memory_space<semaphore_mem>>
    %dma_wait3A_445 = tpu.memref_squeeze %dma_wait3A_444 : memref<1x!tpu.dma_semaphore, #tpu.memory_space<semaphore_mem>> -> memref<!tpu.dma_semaphore, #tpu.memory_space<semaphore_mem>>
    tpu.wait_indirect_dma semaphore(%dma_wait3A_445 : memref<!tpu.dma_semaphore, #tpu.memory_space<semaphore_mem>>) src(%arg7 : memref<128xf32, #tpu.memory_space<vmem>>) dst(%dma_wait3A_443 : memref<10240xf32, #tpu.memory_space<vmem_shared>>)
    %dma_wait3A_446 = arith.constant 77 : i32
    %dma_wait3A_447 = arith.constant 5 : i32
    %dma_wait3A_448 = arith.constant 0 : i32
    %dma_wait3A_449 = tpu.memref_slice %arg6[%dma_wait3A_446, %dma_wait3A_448] : memref<80x128xi32, #tpu.memory_space<vmem>> -> memref<1x128xi32, #tpu.memory_space<vmem>>
    %dma_wait3A_450 = tpu.memref_squeeze %dma_wait3A_449 : memref<1x128xi32, #tpu.memory_space<vmem>> -> memref<128xi32, #tpu.memory_space<vmem>>
    %dma_wait3A_451 = arith.constant 0 : i32
    %dma_wait3A_452 = tpu.memref_slice %arg10[%dma_wait3A_451] : memref<10240xf32, #tpu.memory_space<vmem_shared>> -> memref<10240xf32, #tpu.memory_space<vmem_shared>>
    %dma_wait3A_453 = tpu.memref_slice %arg12[%dma_wait3A_447] : memref<8x!tpu.dma_semaphore, #tpu.memory_space<semaphore_mem>> -> memref<1x!tpu.dma_semaphore, #tpu.memory_space<semaphore_mem>>
    %dma_wait3A_454 = tpu.memref_squeeze %dma_wait3A_453 : memref<1x!tpu.dma_semaphore, #tpu.memory_space<semaphore_mem>> -> memref<!tpu.dma_semaphore, #tpu.memory_space<semaphore_mem>>
    tpu.wait_indirect_dma semaphore(%dma_wait3A_454 : memref<!tpu.dma_semaphore, #tpu.memory_space<semaphore_mem>>) src(%arg7 : memref<128xf32, #tpu.memory_space<vmem>>) dst(%dma_wait3A_452 : memref<10240xf32, #tpu.memory_space<vmem_shared>>)
    %dma_wait3A_455 = arith.constant 78 : i32
    %dma_wait3A_456 = arith.constant 6 : i32
    %dma_wait3A_457 = arith.constant 0 : i32
    %dma_wait3A_458 = tpu.memref_slice %arg5[%dma_wait3A_455, %dma_wait3A_457] : memref<80x128xi32, #tpu.memory_space<vmem>> -> memref<1x128xi32, #tpu.memory_space<vmem>>
    %dma_wait3A_459 = tpu.memref_squeeze %dma_wait3A_458 : memref<1x128xi32, #tpu.memory_space<vmem>> -> memref<128xi32, #tpu.memory_space<vmem>>
    %dma_wait3A_460 = arith.constant 0 : i32
    %dma_wait3A_461 = tpu.memref_slice %arg9[%dma_wait3A_460] : memref<10240xf32, #tpu.memory_space<vmem_shared>> -> memref<10240xf32, #tpu.memory_space<vmem_shared>>
    %dma_wait3A_462 = tpu.memref_slice %arg11[%dma_wait3A_456] : memref<8x!tpu.dma_semaphore, #tpu.memory_space<semaphore_mem>> -> memref<1x!tpu.dma_semaphore, #tpu.memory_space<semaphore_mem>>
    %dma_wait3A_463 = tpu.memref_squeeze %dma_wait3A_462 : memref<1x!tpu.dma_semaphore, #tpu.memory_space<semaphore_mem>> -> memref<!tpu.dma_semaphore, #tpu.memory_space<semaphore_mem>>
    tpu.wait_indirect_dma semaphore(%dma_wait3A_463 : memref<!tpu.dma_semaphore, #tpu.memory_space<semaphore_mem>>) src(%arg7 : memref<128xf32, #tpu.memory_space<vmem>>) dst(%dma_wait3A_461 : memref<10240xf32, #tpu.memory_space<vmem_shared>>)
    %dma_wait3A_464 = arith.constant 78 : i32
    %dma_wait3A_465 = arith.constant 6 : i32
    %dma_wait3A_466 = arith.constant 0 : i32
    %dma_wait3A_467 = tpu.memref_slice %arg6[%dma_wait3A_464, %dma_wait3A_466] : memref<80x128xi32, #tpu.memory_space<vmem>> -> memref<1x128xi32, #tpu.memory_space<vmem>>
    %dma_wait3A_468 = tpu.memref_squeeze %dma_wait3A_467 : memref<1x128xi32, #tpu.memory_space<vmem>> -> memref<128xi32, #tpu.memory_space<vmem>>
    %dma_wait3A_469 = arith.constant 0 : i32
    %dma_wait3A_470 = tpu.memref_slice %arg10[%dma_wait3A_469] : memref<10240xf32, #tpu.memory_space<vmem_shared>> -> memref<10240xf32, #tpu.memory_space<vmem_shared>>
    %dma_wait3A_471 = tpu.memref_slice %arg12[%dma_wait3A_465] : memref<8x!tpu.dma_semaphore, #tpu.memory_space<semaphore_mem>> -> memref<1x!tpu.dma_semaphore, #tpu.memory_space<semaphore_mem>>
    %dma_wait3A_472 = tpu.memref_squeeze %dma_wait3A_471 : memref<1x!tpu.dma_semaphore, #tpu.memory_space<semaphore_mem>> -> memref<!tpu.dma_semaphore, #tpu.memory_space<semaphore_mem>>
    tpu.wait_indirect_dma semaphore(%dma_wait3A_472 : memref<!tpu.dma_semaphore, #tpu.memory_space<semaphore_mem>>) src(%arg7 : memref<128xf32, #tpu.memory_space<vmem>>) dst(%dma_wait3A_470 : memref<10240xf32, #tpu.memory_space<vmem_shared>>)
    %dma_wait3A_473 = arith.constant 79 : i32
    %dma_wait3A_474 = arith.constant 7 : i32
    %dma_wait3A_475 = arith.constant 0 : i32
    %dma_wait3A_476 = tpu.memref_slice %arg5[%dma_wait3A_473, %dma_wait3A_475] : memref<80x128xi32, #tpu.memory_space<vmem>> -> memref<1x128xi32, #tpu.memory_space<vmem>>
    %dma_wait3A_477 = tpu.memref_squeeze %dma_wait3A_476 : memref<1x128xi32, #tpu.memory_space<vmem>> -> memref<128xi32, #tpu.memory_space<vmem>>
    %dma_wait3A_478 = arith.constant 0 : i32
    %dma_wait3A_479 = tpu.memref_slice %arg9[%dma_wait3A_478] : memref<10240xf32, #tpu.memory_space<vmem_shared>> -> memref<10240xf32, #tpu.memory_space<vmem_shared>>
    %dma_wait3A_480 = tpu.memref_slice %arg11[%dma_wait3A_474] : memref<8x!tpu.dma_semaphore, #tpu.memory_space<semaphore_mem>> -> memref<1x!tpu.dma_semaphore, #tpu.memory_space<semaphore_mem>>
    %dma_wait3A_481 = tpu.memref_squeeze %dma_wait3A_480 : memref<1x!tpu.dma_semaphore, #tpu.memory_space<semaphore_mem>> -> memref<!tpu.dma_semaphore, #tpu.memory_space<semaphore_mem>>
    tpu.wait_indirect_dma semaphore(%dma_wait3A_481 : memref<!tpu.dma_semaphore, #tpu.memory_space<semaphore_mem>>) src(%arg7 : memref<128xf32, #tpu.memory_space<vmem>>) dst(%dma_wait3A_479 : memref<10240xf32, #tpu.memory_space<vmem_shared>>)
    %dma_wait3A_482 = arith.constant 79 : i32
    %dma_wait3A_483 = arith.constant 7 : i32
    %dma_wait3A_484 = arith.constant 0 : i32
    %dma_wait3A_485 = tpu.memref_slice %arg6[%dma_wait3A_482, %dma_wait3A_484] : memref<80x128xi32, #tpu.memory_space<vmem>> -> memref<1x128xi32, #tpu.memory_space<vmem>>
    %dma_wait3A_486 = tpu.memref_squeeze %dma_wait3A_485 : memref<1x128xi32, #tpu.memory_space<vmem>> -> memref<128xi32, #tpu.memory_space<vmem>>
    %dma_wait3A_487 = arith.constant 0 : i32
    %dma_wait3A_488 = tpu.memref_slice %arg10[%dma_wait3A_487] : memref<10240xf32, #tpu.memory_space<vmem_shared>> -> memref<10240xf32, #tpu.memory_space<vmem_shared>>
    %dma_wait3A_489 = tpu.memref_slice %arg12[%dma_wait3A_483] : memref<8x!tpu.dma_semaphore, #tpu.memory_space<semaphore_mem>> -> memref<1x!tpu.dma_semaphore, #tpu.memory_space<semaphore_mem>>
    %dma_wait3A_490 = tpu.memref_squeeze %dma_wait3A_489 : memref<1x!tpu.dma_semaphore, #tpu.memory_space<semaphore_mem>> -> memref<!tpu.dma_semaphore, #tpu.memory_space<semaphore_mem>>
    tpu.wait_indirect_dma semaphore(%dma_wait3A_490 : memref<!tpu.dma_semaphore, #tpu.memory_space<semaphore_mem>>) src(%arg7 : memref<128xf32, #tpu.memory_space<vmem>>) dst(%dma_wait3A_488 : memref<10240xf32, #tpu.memory_space<vmem_shared>>)
    %barrier3A_491 = arith.constant 0 : index
    tpu.barrier barrier_id(%barrier3A_491)
    %mul3A_492 = arith.constant 640 : i32
    %mul3A_493 = arith.muli %arg1, %mul3A_492 : i32
    %run_scoped3A = arith.constant 0 : i32
    "tpu.region"() ({
      %run_scoped3A_495 = tpu.sem_alloc : memref<!tpu.dma_semaphore, #tpu.memory_space<semaphore_mem>>
      %dma_start3A_496 = tpu.memref_slice %arg4[%arg0, %run_scoped3A, %mul3A_493] : memref<2x2x10240xf32, #tpu.memory_space<hbm>> -> memref<1x1x640xf32, #tpu.memory_space<hbm>>
      %dma_start3A_497 = tpu.memref_squeeze %dma_start3A_496 : memref<1x1x640xf32, #tpu.memory_space<hbm>> -> memref<640xf32, #tpu.memory_space<hbm>>
      %dma_start3A_498 = tpu.memref_slice %arg9[%mul3A_493] : memref<10240xf32, #tpu.memory_space<vmem_shared>> -> memref<640xf32, #tpu.memory_space<vmem_shared>>
      tpu.enqueue_dma source(%dma_start3A_498 : memref<640xf32, #tpu.memory_space<vmem_shared>>) target(%dma_start3A_497 : memref<640xf32, #tpu.memory_space<hbm>>) target_semaphore(%run_scoped3A_495 : memref<!tpu.dma_semaphore, #tpu.memory_space<semaphore_mem>>)
      %dma_wait3A_499 = tpu.memref_slice %arg4[%arg0, %run_scoped3A, %mul3A_493] : memref<2x2x10240xf32, #tpu.memory_space<hbm>> -> memref<1x1x640xf32, #tpu.memory_space<hbm>>
      %dma_wait3A_500 = tpu.memref_squeeze %dma_wait3A_499 : memref<1x1x640xf32, #tpu.memory_space<hbm>> -> memref<640xf32, #tpu.memory_space<hbm>>
      %dma_wait3A_501 = tpu.memref_slice %arg9[%mul3A_493] : memref<10240xf32, #tpu.memory_space<vmem_shared>> -> memref<640xf32, #tpu.memory_space<vmem_shared>>
      tpu.wait_dma2 semaphore(%run_scoped3A_495 : memref<!tpu.dma_semaphore, #tpu.memory_space<semaphore_mem>>) src(%dma_wait3A_501 : memref<640xf32, #tpu.memory_space<vmem_shared>>) dst(%dma_wait3A_500 : memref<640xf32, #tpu.memory_space<hbm>>)
      tpu.yield
    }) : () -> ()
    %run_scoped3A_494 = arith.constant 1 : i32
    "tpu.region"() ({
      %run_scoped3A_495 = tpu.sem_alloc : memref<!tpu.dma_semaphore, #tpu.memory_space<semaphore_mem>>
      %dma_start3A_496 = tpu.memref_slice %arg4[%arg0, %run_scoped3A_494, %mul3A_493] : memref<2x2x10240xf32, #tpu.memory_space<hbm>> -> memref<1x1x640xf32, #tpu.memory_space<hbm>>
      %dma_start3A_497 = tpu.memref_squeeze %dma_start3A_496 : memref<1x1x640xf32, #tpu.memory_space<hbm>> -> memref<640xf32, #tpu.memory_space<hbm>>
      %dma_start3A_498 = tpu.memref_slice %arg10[%mul3A_493] : memref<10240xf32, #tpu.memory_space<vmem_shared>> -> memref<640xf32, #tpu.memory_space<vmem_shared>>
      tpu.enqueue_dma source(%dma_start3A_498 : memref<640xf32, #tpu.memory_space<vmem_shared>>) target(%dma_start3A_497 : memref<640xf32, #tpu.memory_space<hbm>>) target_semaphore(%run_scoped3A_495 : memref<!tpu.dma_semaphore, #tpu.memory_space<semaphore_mem>>)
      %dma_wait3A_499 = tpu.memref_slice %arg4[%arg0, %run_scoped3A_494, %mul3A_493] : memref<2x2x10240xf32, #tpu.memory_space<hbm>> -> memref<1x1x640xf32, #tpu.memory_space<hbm>>
      %dma_wait3A_500 = tpu.memref_squeeze %dma_wait3A_499 : memref<1x1x640xf32, #tpu.memory_space<hbm>> -> memref<640xf32, #tpu.memory_space<hbm>>
      %dma_wait3A_501 = tpu.memref_slice %arg10[%mul3A_493] : memref<10240xf32, #tpu.memory_space<vmem_shared>> -> memref<640xf32, #tpu.memory_space<vmem_shared>>
      tpu.wait_dma2 semaphore(%run_scoped3A_495 : memref<!tpu.dma_semaphore, #tpu.memory_space<semaphore_mem>>) src(%dma_wait3A_501 : memref<640xf32, #tpu.memory_space<vmem_shared>>) dst(%dma_wait3A_500 : memref<640xf32, #tpu.memory_space<hbm>>)
      tpu.yield
    }) : () -> ()
    return
  }
}

#map = affine_map<(d0, d1) -> (0, 0, 0)>
module attributes {stable_mosaic.version = 14 : i64} {
  func.func @_spmm_body(%arg0: i32, %arg1: i32, %arg2: memref<2x10240x64xf32, #tpu.memory_space<hbm>>, %arg3: memref<16x160x128xi32, #tpu.memory_space<hbm>>, %arg4: memref<16x160x128xi32, #tpu.memory_space<hbm>>, %arg5: memref<2x10240x64xf32, #tpu.memory_space<hbm>>, %arg6: memref<160x128xi32, #tpu.memory_space<vmem>>, %arg7: memref<160x128xi32, #tpu.memory_space<vmem>>, %arg8: memref<4x128x64xf32, #tpu.memory_space<vmem>>, %arg9: memref<10240x64xf32, #tpu.memory_space<vmem_shared>>, %arg10: memref<4x!tpu.dma_semaphore, #tpu.memory_space<semaphore_mem>>, %arg11: memref<4x!tpu.dma_semaphore, #tpu.memory_space<semaphore_mem>>) attributes {dimension_semantics = [#tpu.dimension_semantics<core_parallel>, #tpu.dimension_semantics<subcore_parallel>], iteration_bounds = array<i64: 2, 16>, scalar_prefetch = 0 : i64, scratch_operands = 6 : i64, tpu.core_type = #tpu.core_type<sc_vector_subcore>, window_params = [{transform_indices = #map}, {transform_indices = #map}, {transform_indices = #map}, {transform_indices = #map}]} {
    %broadcast_in_dim3A = arith.constant 0.000000e+00 : f32
    %broadcast_in_dim3A_0 = vector.broadcast %broadcast_in_dim3A : f32 to vector<16xf32>
    %scan3A = arith.constant 0 : i32
    %scan3A_1 = arith.constant 128 : i32
    %scan3A_2 = arith.addi %scan3A, %scan3A_1 : i32
    %scan3A_3 = arith.constant 1 : i32
    scf.for %scan3A_323 = %scan3A to %scan3A_2 step %scan3A_3  : i32 {
      %swap3A = arith.constant 0 : i32
      %swap3A_324 = arith.index_cast %swap3A : i32 to index
      %swap3A_325 = arith.index_cast %scan3A_323 : i32 to index
      %swap3A_326 = arith.constant 0 : index
      %swap3A_327 = tpu.vector_load %arg8[%swap3A_324, %swap3A_325, %swap3A_326] {strides = array<i32>} : memref<4x128x64xf32, #tpu.memory_space<vmem>>, vector<1x1x16xf32>,
      %swap3A_328 = vector.shape_cast %swap3A_327 : vector<1x1x16xf32> to vector<16xf32>
      %swap3A_329 = vector.shape_cast %broadcast_in_dim3A_0 : vector<16xf32> to vector<1x1x16xf32>
      tpu.vector_store %arg8[%swap3A_324, %swap3A_325, %swap3A_326], %swap3A_329 {strides = array<i32>} : memref<4x128x64xf32, #tpu.memory_space<vmem>>, vector<1x1x16xf32>,
      %swap3A_330 = arith.constant 0 : i32
      %swap3A_331 = arith.index_cast %swap3A_330 : i32 to index
      %swap3A_332 = arith.index_cast %scan3A_323 : i32 to index
      %swap3A_333 = arith.constant 16 : index
      %swap3A_334 = tpu.vector_load %arg8[%swap3A_331, %swap3A_332, %swap3A_333] {strides = array<i32>} : memref<4x128x64xf32, #tpu.memory_space<vmem>>, vector<1x1x16xf32>,
      %swap3A_335 = vector.shape_cast %swap3A_334 : vector<1x1x16xf32> to vector<16xf32>
      %swap3A_336 = vector.shape_cast %broadcast_in_dim3A_0 : vector<16xf32> to vector<1x1x16xf32>
      tpu.vector_store %arg8[%swap3A_331, %swap3A_332, %swap3A_333], %swap3A_336 {strides = array<i32>} : memref<4x128x64xf32, #tpu.memory_space<vmem>>, vector<1x1x16xf32>,
      %swap3A_337 = arith.constant 0 : i32
      %swap3A_338 = arith.index_cast %swap3A_337 : i32 to index
      %swap3A_339 = arith.index_cast %scan3A_323 : i32 to index
      %swap3A_340 = arith.constant 32 : index
      %swap3A_341 = tpu.vector_load %arg8[%swap3A_338, %swap3A_339, %swap3A_340] {strides = array<i32>} : memref<4x128x64xf32, #tpu.memory_space<vmem>>, vector<1x1x16xf32>,
      %swap3A_342 = vector.shape_cast %swap3A_341 : vector<1x1x16xf32> to vector<16xf32>
      %swap3A_343 = vector.shape_cast %broadcast_in_dim3A_0 : vector<16xf32> to vector<1x1x16xf32>
      tpu.vector_store %arg8[%swap3A_338, %swap3A_339, %swap3A_340], %swap3A_343 {strides = array<i32>} : memref<4x128x64xf32, #tpu.memory_space<vmem>>, vector<1x1x16xf32>,
      %swap3A_344 = arith.constant 0 : i32
      %swap3A_345 = arith.index_cast %swap3A_344 : i32 to index
      %swap3A_346 = arith.index_cast %scan3A_323 : i32 to index
      %swap3A_347 = arith.constant 48 : index
      %swap3A_348 = tpu.vector_load %arg8[%swap3A_345, %swap3A_346, %swap3A_347] {strides = array<i32>} : memref<4x128x64xf32, #tpu.memory_space<vmem>>, vector<1x1x16xf32>,
      %swap3A_349 = vector.shape_cast %swap3A_348 : vector<1x1x16xf32> to vector<16xf32>
      %swap3A_350 = vector.shape_cast %broadcast_in_dim3A_0 : vector<16xf32> to vector<1x1x16xf32>
      tpu.vector_store %arg8[%swap3A_345, %swap3A_346, %swap3A_347], %swap3A_350 {strides = array<i32>} : memref<4x128x64xf32, #tpu.memory_space<vmem>>, vector<1x1x16xf32>,
    }
    %scan3A_4 = arith.constant 128 : i32
    %mul3A = arith.constant 640 : i32
    %mul3A_5 = arith.muli %arg1, %mul3A : i32
    %add3A = arith.constant 0 : i32
    %add3A_6 = arith.addi %mul3A_5, %add3A : i32
    %run_scoped3A = arith.constant 0 : i32
    "tpu.region"() ({
      %run_scoped3A_323 = tpu.sem_alloc : memref<!tpu.dma_semaphore, #tpu.memory_space<semaphore_mem>>
      %dma_start3A_324 = arith.constant 0 : i32
      %dma_start3A_325 = arith.constant 0 : i32
      %dma_start3A_326 = tpu.memref_slice %arg8[%run_scoped3A, %dma_start3A_324, %dma_start3A_325] : memref<4x128x64xf32, #tpu.memory_space<vmem>> -> memref<1x128x64xf32, #tpu.memory_space<vmem>>
      %dma_start3A_327 = tpu.memref_squeeze %dma_start3A_326 : memref<1x128x64xf32, #tpu.memory_space<vmem>> -> memref<128x64xf32, #tpu.memory_space<vmem>>
      %dma_start3A_328 = arith.constant 0 : i32
      %dma_start3A_329 = tpu.memref_slice %arg9[%add3A_6, %dma_start3A_328] : memref<10240x64xf32, #tpu.memory_space<vmem_shared>> -> memref<128x64xf32, #tpu.memory_space<vmem_shared>>
      %dma_start3A_330 = arith.constant 0 : i32
      %dma_start3A_331 = tpu.memref_slice %arg9[%add3A_6, %dma_start3A_330] : memref<10240x64xf32, #tpu.memory_space<vmem_shared>> -> memref<128x64xf32, #tpu.memory_space<vmem_shared>>
      %dma_start3A_332 = arith.constant 0 : i32
      %dma_start3A_333 = arith.constant 0 : i32
      %dma_start3A_334 = tpu.memref_slice %arg8[%run_scoped3A, %dma_start3A_332, %dma_start3A_333] : memref<4x128x64xf32, #tpu.memory_space<vmem>> -> memref<1x128x64xf32, #tpu.memory_space<vmem>>
      %dma_start3A_335 = tpu.memref_squeeze %dma_start3A_334 : memref<1x128x64xf32, #tpu.memory_space<vmem>> -> memref<128x64xf32, #tpu.memory_space<vmem>>
      tpu.enqueue_dma source(%dma_start3A_335 : memref<128x64xf32, #tpu.memory_space<vmem>>) target(%dma_start3A_331 : memref<128x64xf32, #tpu.memory_space<vmem_shared>>) target_semaphore(%run_scoped3A_323 : memref<!tpu.dma_semaphore, #tpu.memory_space<semaphore_mem>>)
      %dma_wait3A_336 = arith.constant 0 : i32
      %dma_wait3A_337 = arith.constant 0 : i32
      %dma_wait3A_338 = tpu.memref_slice %arg8[%run_scoped3A, %dma_wait3A_336, %dma_wait3A_337] : memref<4x128x64xf32, #tpu.memory_space<vmem>> -> memref<1x128x64xf32, #tpu.memory_space<vmem>>
      %dma_wait3A_339 = tpu.memref_squeeze %dma_wait3A_338 : memref<1x128x64xf32, #tpu.memory_space<vmem>> -> memref<128x64xf32, #tpu.memory_space<vmem>>
      %dma_wait3A_340 = arith.constant 0 : i32
      %dma_wait3A_341 = tpu.memref_slice %arg9[%add3A_6, %dma_wait3A_340] : memref<10240x64xf32, #tpu.memory_space<vmem_shared>> -> memref<128x64xf32, #tpu.memory_space<vmem_shared>>
      %dma_wait3A_342 = arith.constant 0 : i32
      %dma_wait3A_343 = tpu.memref_slice %arg9[%add3A_6, %dma_wait3A_342] : memref<10240x64xf32, #tpu.memory_space<vmem_shared>> -> memref<128x64xf32, #tpu.memory_space<vmem_shared>>
      %dma_wait3A_344 = arith.constant 0 : i32
      %dma_wait3A_345 = arith.constant 0 : i32
      %dma_wait3A_346 = tpu.memref_slice %arg8[%run_scoped3A, %dma_wait3A_344, %dma_wait3A_345] : memref<4x128x64xf32, #tpu.memory_space<vmem>> -> memref<1x128x64xf32, #tpu.memory_space<vmem>>
      %dma_wait3A_347 = tpu.memref_squeeze %dma_wait3A_346 : memref<1x128x64xf32, #tpu.memory_space<vmem>> -> memref<128x64xf32, #tpu.memory_space<vmem>>
      tpu.wait_dma2 semaphore(%run_scoped3A_323 : memref<!tpu.dma_semaphore, #tpu.memory_space<semaphore_mem>>) src(%dma_wait3A_347 : memref<128x64xf32, #tpu.memory_space<vmem>>) dst(%dma_wait3A_343 : memref<128x64xf32, #tpu.memory_space<vmem_shared>>)
      tpu.yield
    }) : () -> ()
    %mul3A_7 = arith.constant 640 : i32
    %mul3A_8 = arith.muli %arg1, %mul3A_7 : i32
    %add3A_9 = arith.constant 128 : i32
    %add3A_10 = arith.addi %mul3A_8, %add3A_9 : i32
    %run_scoped3A_11 = arith.constant 0 : i32
    "tpu.region"() ({
      %run_scoped3A_323 = tpu.sem_alloc : memref<!tpu.dma_semaphore, #tpu.memory_space<semaphore_mem>>
      %dma_start3A_324 = arith.constant 0 : i32
      %dma_start3A_325 = arith.constant 0 : i32
      %dma_start3A_326 = tpu.memref_slice %arg8[%run_scoped3A_11, %dma_start3A_324, %dma_start3A_325] : memref<4x128x64xf32, #tpu.memory_space<vmem>> -> memref<1x128x64xf32, #tpu.memory_space<vmem>>
      %dma_start3A_327 = tpu.memref_squeeze %dma_start3A_326 : memref<1x128x64xf32, #tpu.memory_space<vmem>> -> memref<128x64xf32, #tpu.memory_space<vmem>>
      %dma_start3A_328 = arith.constant 0 : i32
      %dma_start3A_329 = tpu.memref_slice %arg9[%add3A_10, %dma_start3A_328] : memref<10240x64xf32, #tpu.memory_space<vmem_shared>> -> memref<128x64xf32, #tpu.memory_space<vmem_shared>>
      %dma_start3A_330 = arith.constant 0 : i32
      %dma_start3A_331 = tpu.memref_slice %arg9[%add3A_10, %dma_start3A_330] : memref<10240x64xf32, #tpu.memory_space<vmem_shared>> -> memref<128x64xf32, #tpu.memory_space<vmem_shared>>
      %dma_start3A_332 = arith.constant 0 : i32
      %dma_start3A_333 = arith.constant 0 : i32
      %dma_start3A_334 = tpu.memref_slice %arg8[%run_scoped3A_11, %dma_start3A_332, %dma_start3A_333] : memref<4x128x64xf32, #tpu.memory_space<vmem>> -> memref<1x128x64xf32, #tpu.memory_space<vmem>>
      %dma_start3A_335 = tpu.memref_squeeze %dma_start3A_334 : memref<1x128x64xf32, #tpu.memory_space<vmem>> -> memref<128x64xf32, #tpu.memory_space<vmem>>
      tpu.enqueue_dma source(%dma_start3A_335 : memref<128x64xf32, #tpu.memory_space<vmem>>) target(%dma_start3A_331 : memref<128x64xf32, #tpu.memory_space<vmem_shared>>) target_semaphore(%run_scoped3A_323 : memref<!tpu.dma_semaphore, #tpu.memory_space<semaphore_mem>>)
      %dma_wait3A_336 = arith.constant 0 : i32
      %dma_wait3A_337 = arith.constant 0 : i32
      %dma_wait3A_338 = tpu.memref_slice %arg8[%run_scoped3A_11, %dma_wait3A_336, %dma_wait3A_337] : memref<4x128x64xf32, #tpu.memory_space<vmem>> -> memref<1x128x64xf32, #tpu.memory_space<vmem>>
      %dma_wait3A_339 = tpu.memref_squeeze %dma_wait3A_338 : memref<1x128x64xf32, #tpu.memory_space<vmem>> -> memref<128x64xf32, #tpu.memory_space<vmem>>
      %dma_wait3A_340 = arith.constant 0 : i32
      %dma_wait3A_341 = tpu.memref_slice %arg9[%add3A_10, %dma_wait3A_340] : memref<10240x64xf32, #tpu.memory_space<vmem_shared>> -> memref<128x64xf32, #tpu.memory_space<vmem_shared>>
      %dma_wait3A_342 = arith.constant 0 : i32
      %dma_wait3A_343 = tpu.memref_slice %arg9[%add3A_10, %dma_wait3A_342] : memref<10240x64xf32, #tpu.memory_space<vmem_shared>> -> memref<128x64xf32, #tpu.memory_space<vmem_shared>>
      %dma_wait3A_344 = arith.constant 0 : i32
      %dma_wait3A_345 = arith.constant 0 : i32
      %dma_wait3A_346 = tpu.memref_slice %arg8[%run_scoped3A_11, %dma_wait3A_344, %dma_wait3A_345] : memref<4x128x64xf32, #tpu.memory_space<vmem>> -> memref<1x128x64xf32, #tpu.memory_space<vmem>>
      %dma_wait3A_347 = tpu.memref_squeeze %dma_wait3A_346 : memref<1x128x64xf32, #tpu.memory_space<vmem>> -> memref<128x64xf32, #tpu.memory_space<vmem>>
      tpu.wait_dma2 semaphore(%run_scoped3A_323 : memref<!tpu.dma_semaphore, #tpu.memory_space<semaphore_mem>>) src(%dma_wait3A_347 : memref<128x64xf32, #tpu.memory_space<vmem>>) dst(%dma_wait3A_343 : memref<128x64xf32, #tpu.memory_space<vmem_shared>>)
      tpu.yield
    }) : () -> ()
    %mul3A_12 = arith.constant 640 : i32
    %mul3A_13 = arith.muli %arg1, %mul3A_12 : i32
    %add3A_14 = arith.constant 256 : i32
    %add3A_15 = arith.addi %mul3A_13, %add3A_14 : i32
    %run_scoped3A_16 = arith.constant 0 : i32
    "tpu.region"() ({
      %run_scoped3A_323 = tpu.sem_alloc : memref<!tpu.dma_semaphore, #tpu.memory_space<semaphore_mem>>
      %dma_start3A_324 = arith.constant 0 : i32
      %dma_start3A_325 = arith.constant 0 : i32
      %dma_start3A_326 = tpu.memref_slice %arg8[%run_scoped3A_16, %dma_start3A_324, %dma_start3A_325] : memref<4x128x64xf32, #tpu.memory_space<vmem>> -> memref<1x128x64xf32, #tpu.memory_space<vmem>>
      %dma_start3A_327 = tpu.memref_squeeze %dma_start3A_326 : memref<1x128x64xf32, #tpu.memory_space<vmem>> -> memref<128x64xf32, #tpu.memory_space<vmem>>
      %dma_start3A_328 = arith.constant 0 : i32
      %dma_start3A_329 = tpu.memref_slice %arg9[%add3A_15, %dma_start3A_328] : memref<10240x64xf32, #tpu.memory_space<vmem_shared>> -> memref<128x64xf32, #tpu.memory_space<vmem_shared>>
      %dma_start3A_330 = arith.constant 0 : i32
      %dma_start3A_331 = tpu.memref_slice %arg9[%add3A_15, %dma_start3A_330] : memref<10240x64xf32, #tpu.memory_space<vmem_shared>> -> memref<128x64xf32, #tpu.memory_space<vmem_shared>>
      %dma_start3A_332 = arith.constant 0 : i32
      %dma_start3A_333 = arith.constant 0 : i32
      %dma_start3A_334 = tpu.memref_slice %arg8[%run_scoped3A_16, %dma_start3A_332, %dma_start3A_333] : memref<4x128x64xf32, #tpu.memory_space<vmem>> -> memref<1x128x64xf32, #tpu.memory_space<vmem>>
      %dma_start3A_335 = tpu.memref_squeeze %dma_start3A_334 : memref<1x128x64xf32, #tpu.memory_space<vmem>> -> memref<128x64xf32, #tpu.memory_space<vmem>>
      tpu.enqueue_dma source(%dma_start3A_335 : memref<128x64xf32, #tpu.memory_space<vmem>>) target(%dma_start3A_331 : memref<128x64xf32, #tpu.memory_space<vmem_shared>>) target_semaphore(%run_scoped3A_323 : memref<!tpu.dma_semaphore, #tpu.memory_space<semaphore_mem>>)
      %dma_wait3A_336 = arith.constant 0 : i32
      %dma_wait3A_337 = arith.constant 0 : i32
      %dma_wait3A_338 = tpu.memref_slice %arg8[%run_scoped3A_16, %dma_wait3A_336, %dma_wait3A_337] : memref<4x128x64xf32, #tpu.memory_space<vmem>> -> memref<1x128x64xf32, #tpu.memory_space<vmem>>
      %dma_wait3A_339 = tpu.memref_squeeze %dma_wait3A_338 : memref<1x128x64xf32, #tpu.memory_space<vmem>> -> memref<128x64xf32, #tpu.memory_space<vmem>>
      %dma_wait3A_340 = arith.constant 0 : i32
      %dma_wait3A_341 = tpu.memref_slice %arg9[%add3A_15, %dma_wait3A_340] : memref<10240x64xf32, #tpu.memory_space<vmem_shared>> -> memref<128x64xf32, #tpu.memory_space<vmem_shared>>
      %dma_wait3A_342 = arith.constant 0 : i32
      %dma_wait3A_343 = tpu.memref_slice %arg9[%add3A_15, %dma_wait3A_342] : memref<10240x64xf32, #tpu.memory_space<vmem_shared>> -> memref<128x64xf32, #tpu.memory_space<vmem_shared>>
      %dma_wait3A_344 = arith.constant 0 : i32
      %dma_wait3A_345 = arith.constant 0 : i32
      %dma_wait3A_346 = tpu.memref_slice %arg8[%run_scoped3A_16, %dma_wait3A_344, %dma_wait3A_345] : memref<4x128x64xf32, #tpu.memory_space<vmem>> -> memref<1x128x64xf32, #tpu.memory_space<vmem>>
      %dma_wait3A_347 = tpu.memref_squeeze %dma_wait3A_346 : memref<1x128x64xf32, #tpu.memory_space<vmem>> -> memref<128x64xf32, #tpu.memory_space<vmem>>
      tpu.wait_dma2 semaphore(%run_scoped3A_323 : memref<!tpu.dma_semaphore, #tpu.memory_space<semaphore_mem>>) src(%dma_wait3A_347 : memref<128x64xf32, #tpu.memory_space<vmem>>) dst(%dma_wait3A_343 : memref<128x64xf32, #tpu.memory_space<vmem_shared>>)
      tpu.yield
    }) : () -> ()
    %mul3A_17 = arith.constant 640 : i32
    %mul3A_18 = arith.muli %arg1, %mul3A_17 : i32
    %add3A_19 = arith.constant 384 : i32
    %add3A_20 = arith.addi %mul3A_18, %add3A_19 : i32
    %run_scoped3A_21 = arith.constant 0 : i32
    "tpu.region"() ({
      %run_scoped3A_323 = tpu.sem_alloc : memref<!tpu.dma_semaphore, #tpu.memory_space<semaphore_mem>>
      %dma_start3A_324 = arith.constant 0 : i32
      %dma_start3A_325 = arith.constant 0 : i32
      %dma_start3A_326 = tpu.memref_slice %arg8[%run_scoped3A_21, %dma_start3A_324, %dma_start3A_325] : memref<4x128x64xf32, #tpu.memory_space<vmem>> -> memref<1x128x64xf32, #tpu.memory_space<vmem>>
      %dma_start3A_327 = tpu.memref_squeeze %dma_start3A_326 : memref<1x128x64xf32, #tpu.memory_space<vmem>> -> memref<128x64xf32, #tpu.memory_space<vmem>>
      %dma_start3A_328 = arith.constant 0 : i32
      %dma_start3A_329 = tpu.memref_slice %arg9[%add3A_20, %dma_start3A_328] : memref<10240x64xf32, #tpu.memory_space<vmem_shared>> -> memref<128x64xf32, #tpu.memory_space<vmem_shared>>
      %dma_start3A_330 = arith.constant 0 : i32
      %dma_start3A_331 = tpu.memref_slice %arg9[%add3A_20, %dma_start3A_330] : memref<10240x64xf32, #tpu.memory_space<vmem_shared>> -> memref<128x64xf32, #tpu.memory_space<vmem_shared>>
      %dma_start3A_332 = arith.constant 0 : i32
      %dma_start3A_333 = arith.constant 0 : i32
      %dma_start3A_334 = tpu.memref_slice %arg8[%run_scoped3A_21, %dma_start3A_332, %dma_start3A_333] : memref<4x128x64xf32, #tpu.memory_space<vmem>> -> memref<1x128x64xf32, #tpu.memory_space<vmem>>
      %dma_start3A_335 = tpu.memref_squeeze %dma_start3A_334 : memref<1x128x64xf32, #tpu.memory_space<vmem>> -> memref<128x64xf32, #tpu.memory_space<vmem>>
      tpu.enqueue_dma source(%dma_start3A_335 : memref<128x64xf32, #tpu.memory_space<vmem>>) target(%dma_start3A_331 : memref<128x64xf32, #tpu.memory_space<vmem_shared>>) target_semaphore(%run_scoped3A_323 : memref<!tpu.dma_semaphore, #tpu.memory_space<semaphore_mem>>)
      %dma_wait3A_336 = arith.constant 0 : i32
      %dma_wait3A_337 = arith.constant 0 : i32
      %dma_wait3A_338 = tpu.memref_slice %arg8[%run_scoped3A_21, %dma_wait3A_336, %dma_wait3A_337] : memref<4x128x64xf32, #tpu.memory_space<vmem>> -> memref<1x128x64xf32, #tpu.memory_space<vmem>>
      %dma_wait3A_339 = tpu.memref_squeeze %dma_wait3A_338 : memref<1x128x64xf32, #tpu.memory_space<vmem>> -> memref<128x64xf32, #tpu.memory_space<vmem>>
      %dma_wait3A_340 = arith.constant 0 : i32
      %dma_wait3A_341 = tpu.memref_slice %arg9[%add3A_20, %dma_wait3A_340] : memref<10240x64xf32, #tpu.memory_space<vmem_shared>> -> memref<128x64xf32, #tpu.memory_space<vmem_shared>>
      %dma_wait3A_342 = arith.constant 0 : i32
      %dma_wait3A_343 = tpu.memref_slice %arg9[%add3A_20, %dma_wait3A_342] : memref<10240x64xf32, #tpu.memory_space<vmem_shared>> -> memref<128x64xf32, #tpu.memory_space<vmem_shared>>
      %dma_wait3A_344 = arith.constant 0 : i32
      %dma_wait3A_345 = arith.constant 0 : i32
      %dma_wait3A_346 = tpu.memref_slice %arg8[%run_scoped3A_21, %dma_wait3A_344, %dma_wait3A_345] : memref<4x128x64xf32, #tpu.memory_space<vmem>> -> memref<1x128x64xf32, #tpu.memory_space<vmem>>
      %dma_wait3A_347 = tpu.memref_squeeze %dma_wait3A_346 : memref<1x128x64xf32, #tpu.memory_space<vmem>> -> memref<128x64xf32, #tpu.memory_space<vmem>>
      tpu.wait_dma2 semaphore(%run_scoped3A_323 : memref<!tpu.dma_semaphore, #tpu.memory_space<semaphore_mem>>) src(%dma_wait3A_347 : memref<128x64xf32, #tpu.memory_space<vmem>>) dst(%dma_wait3A_343 : memref<128x64xf32, #tpu.memory_space<vmem_shared>>)
      tpu.yield
    }) : () -> ()
    %mul3A_22 = arith.constant 640 : i32
    %mul3A_23 = arith.muli %arg1, %mul3A_22 : i32
    %add3A_24 = arith.constant 512 : i32
    %add3A_25 = arith.addi %mul3A_23, %add3A_24 : i32
    %run_scoped3A_26 = arith.constant 0 : i32
    "tpu.region"() ({
      %run_scoped3A_323 = tpu.sem_alloc : memref<!tpu.dma_semaphore, #tpu.memory_space<semaphore_mem>>
      %dma_start3A_324 = arith.constant 0 : i32
      %dma_start3A_325 = arith.constant 0 : i32
      %dma_start3A_326 = tpu.memref_slice %arg8[%run_scoped3A_26, %dma_start3A_324, %dma_start3A_325] : memref<4x128x64xf32, #tpu.memory_space<vmem>> -> memref<1x128x64xf32, #tpu.memory_space<vmem>>
      %dma_start3A_327 = tpu.memref_squeeze %dma_start3A_326 : memref<1x128x64xf32, #tpu.memory_space<vmem>> -> memref<128x64xf32, #tpu.memory_space<vmem>>
      %dma_start3A_328 = arith.constant 0 : i32
      %dma_start3A_329 = tpu.memref_slice %arg9[%add3A_25, %dma_start3A_328] : memref<10240x64xf32, #tpu.memory_space<vmem_shared>> -> memref<128x64xf32, #tpu.memory_space<vmem_shared>>
      %dma_start3A_330 = arith.constant 0 : i32
      %dma_start3A_331 = tpu.memref_slice %arg9[%add3A_25, %dma_start3A_330] : memref<10240x64xf32, #tpu.memory_space<vmem_shared>> -> memref<128x64xf32, #tpu.memory_space<vmem_shared>>
      %dma_start3A_332 = arith.constant 0 : i32
      %dma_start3A_333 = arith.constant 0 : i32
      %dma_start3A_334 = tpu.memref_slice %arg8[%run_scoped3A_26, %dma_start3A_332, %dma_start3A_333] : memref<4x128x64xf32, #tpu.memory_space<vmem>> -> memref<1x128x64xf32, #tpu.memory_space<vmem>>
      %dma_start3A_335 = tpu.memref_squeeze %dma_start3A_334 : memref<1x128x64xf32, #tpu.memory_space<vmem>> -> memref<128x64xf32, #tpu.memory_space<vmem>>
      tpu.enqueue_dma source(%dma_start3A_335 : memref<128x64xf32, #tpu.memory_space<vmem>>) target(%dma_start3A_331 : memref<128x64xf32, #tpu.memory_space<vmem_shared>>) target_semaphore(%run_scoped3A_323 : memref<!tpu.dma_semaphore, #tpu.memory_space<semaphore_mem>>)
      %dma_wait3A_336 = arith.constant 0 : i32
      %dma_wait3A_337 = arith.constant 0 : i32
      %dma_wait3A_338 = tpu.memref_slice %arg8[%run_scoped3A_26, %dma_wait3A_336, %dma_wait3A_337] : memref<4x128x64xf32, #tpu.memory_space<vmem>> -> memref<1x128x64xf32, #tpu.memory_space<vmem>>
      %dma_wait3A_339 = tpu.memref_squeeze %dma_wait3A_338 : memref<1x128x64xf32, #tpu.memory_space<vmem>> -> memref<128x64xf32, #tpu.memory_space<vmem>>
      %dma_wait3A_340 = arith.constant 0 : i32
      %dma_wait3A_341 = tpu.memref_slice %arg9[%add3A_25, %dma_wait3A_340] : memref<10240x64xf32, #tpu.memory_space<vmem_shared>> -> memref<128x64xf32, #tpu.memory_space<vmem_shared>>
      %dma_wait3A_342 = arith.constant 0 : i32
      %dma_wait3A_343 = tpu.memref_slice %arg9[%add3A_25, %dma_wait3A_342] : memref<10240x64xf32, #tpu.memory_space<vmem_shared>> -> memref<128x64xf32, #tpu.memory_space<vmem_shared>>
      %dma_wait3A_344 = arith.constant 0 : i32
      %dma_wait3A_345 = arith.constant 0 : i32
      %dma_wait3A_346 = tpu.memref_slice %arg8[%run_scoped3A_26, %dma_wait3A_344, %dma_wait3A_345] : memref<4x128x64xf32, #tpu.memory_space<vmem>> -> memref<1x128x64xf32, #tpu.memory_space<vmem>>
      %dma_wait3A_347 = tpu.memref_squeeze %dma_wait3A_346 : memref<1x128x64xf32, #tpu.memory_space<vmem>> -> memref<128x64xf32, #tpu.memory_space<vmem>>
      tpu.wait_dma2 semaphore(%run_scoped3A_323 : memref<!tpu.dma_semaphore, #tpu.memory_space<semaphore_mem>>) src(%dma_wait3A_347 : memref<128x64xf32, #tpu.memory_space<vmem>>) dst(%dma_wait3A_343 : memref<128x64xf32, #tpu.memory_space<vmem_shared>>)
      tpu.yield
    }) : () -> ()
    %barrier3A = arith.constant 0 : index
    tpu.barrier barrier_id(%barrier3A)
    "tpu.region"() ({
      %run_scoped3A_323 = tpu.sem_alloc : memref<!tpu.dma_semaphore, #tpu.memory_space<semaphore_mem>>
      %dma_start3A_324 = arith.constant 0 : i32
      %dma_start3A_325 = arith.constant 0 : i32
      %dma_start3A_326 = tpu.memref_slice %arg3[%arg1, %dma_start3A_324, %dma_start3A_325] : memref<16x160x128xi32, #tpu.memory_space<hbm>> -> memref<1x160x128xi32, #tpu.memory_space<hbm>>
      %dma_start3A_327 = tpu.memref_squeeze %dma_start3A_326 : memref<1x160x128xi32, #tpu.memory_space<hbm>> -> memref<160x128xi32, #tpu.memory_space<hbm>>
      %dma_start3A_328 = arith.constant 0 : i32
      %dma_start3A_329 = arith.constant 0 : i32
      %dma_start3A_330 = tpu.memref_slice %arg3[%arg1, %dma_start3A_328, %dma_start3A_329] : memref<16x160x128xi32, #tpu.memory_space<hbm>> -> memref<1x160x128xi32, #tpu.memory_space<hbm>>
      %dma_start3A_331 = tpu.memref_squeeze %dma_start3A_330 : memref<1x160x128xi32, #tpu.memory_space<hbm>> -> memref<160x128xi32, #tpu.memory_space<hbm>>
      tpu.enqueue_dma source(%dma_start3A_331 : memref<160x128xi32, #tpu.memory_space<hbm>>) target(%arg6 : memref<160x128xi32, #tpu.memory_space<vmem>>) target_semaphore(%run_scoped3A_323 : memref<!tpu.dma_semaphore, #tpu.memory_space<semaphore_mem>>)
      %dma_wait3A_332 = arith.constant 0 : i32
      %dma_wait3A_333 = arith.constant 0 : i32
      %dma_wait3A_334 = tpu.memref_slice %arg3[%arg1, %dma_wait3A_332, %dma_wait3A_333] : memref<16x160x128xi32, #tpu.memory_space<hbm>> -> memref<1x160x128xi32, #tpu.memory_space<hbm>>
      %dma_wait3A_335 = tpu.memref_squeeze %dma_wait3A_334 : memref<1x160x128xi32, #tpu.memory_space<hbm>> -> memref<160x128xi32, #tpu.memory_space<hbm>>
      %dma_wait3A_336 = arith.constant 0 : i32
      %dma_wait3A_337 = arith.constant 0 : i32
      %dma_wait3A_338 = tpu.memref_slice %arg3[%arg1, %dma_wait3A_336, %dma_wait3A_337] : memref<16x160x128xi32, #tpu.memory_space<hbm>> -> memref<1x160x128xi32, #tpu.memory_space<hbm>>
      %dma_wait3A_339 = tpu.memref_squeeze %dma_wait3A_338 : memref<1x160x128xi32, #tpu.memory_space<hbm>> -> memref<160x128xi32, #tpu.memory_space<hbm>>
      tpu.wait_dma2 semaphore(%run_scoped3A_323 : memref<!tpu.dma_semaphore, #tpu.memory_space<semaphore_mem>>) src(%dma_wait3A_339 : memref<160x128xi32, #tpu.memory_space<hbm>>) dst(%arg6 : memref<160x128xi32, #tpu.memory_space<vmem>>)
      tpu.yield
    }) : () -> ()
    "tpu.region"() ({
      %run_scoped3A_323 = tpu.sem_alloc : memref<!tpu.dma_semaphore, #tpu.memory_space<semaphore_mem>>
      %dma_start3A_324 = arith.constant 0 : i32
      %dma_start3A_325 = arith.constant 0 : i32
      %dma_start3A_326 = tpu.memref_slice %arg4[%arg1, %dma_start3A_324, %dma_start3A_325] : memref<16x160x128xi32, #tpu.memory_space<hbm>> -> memref<1x160x128xi32, #tpu.memory_space<hbm>>
      %dma_start3A_327 = tpu.memref_squeeze %dma_start3A_326 : memref<1x160x128xi32, #tpu.memory_space<hbm>> -> memref<160x128xi32, #tpu.memory_space<hbm>>
      %dma_start3A_328 = arith.constant 0 : i32
      %dma_start3A_329 = arith.constant 0 : i32
      %dma_start3A_330 = tpu.memref_slice %arg4[%arg1, %dma_start3A_328, %dma_start3A_329] : memref<16x160x128xi32, #tpu.memory_space<hbm>> -> memref<1x160x128xi32, #tpu.memory_space<hbm>>
      %dma_start3A_331 = tpu.memref_squeeze %dma_start3A_330 : memref<1x160x128xi32, #tpu.memory_space<hbm>> -> memref<160x128xi32, #tpu.memory_space<hbm>>
      tpu.enqueue_dma source(%dma_start3A_331 : memref<160x128xi32, #tpu.memory_space<hbm>>) target(%arg7 : memref<160x128xi32, #tpu.memory_space<vmem>>) target_semaphore(%run_scoped3A_323 : memref<!tpu.dma_semaphore, #tpu.memory_space<semaphore_mem>>)
      %dma_wait3A_332 = arith.constant 0 : i32
      %dma_wait3A_333 = arith.constant 0 : i32
      %dma_wait3A_334 = tpu.memref_slice %arg4[%arg1, %dma_wait3A_332, %dma_wait3A_333] : memref<16x160x128xi32, #tpu.memory_space<hbm>> -> memref<1x160x128xi32, #tpu.memory_space<hbm>>
      %dma_wait3A_335 = tpu.memref_squeeze %dma_wait3A_334 : memref<1x160x128xi32, #tpu.memory_space<hbm>> -> memref<160x128xi32, #tpu.memory_space<hbm>>
      %dma_wait3A_336 = arith.constant 0 : i32
      %dma_wait3A_337 = arith.constant 0 : i32
      %dma_wait3A_338 = tpu.memref_slice %arg4[%arg1, %dma_wait3A_336, %dma_wait3A_337] : memref<16x160x128xi32, #tpu.memory_space<hbm>> -> memref<1x160x128xi32, #tpu.memory_space<hbm>>
      %dma_wait3A_339 = tpu.memref_squeeze %dma_wait3A_338 : memref<1x160x128xi32, #tpu.memory_space<hbm>> -> memref<160x128xi32, #tpu.memory_space<hbm>>
      tpu.wait_dma2 semaphore(%run_scoped3A_323 : memref<!tpu.dma_semaphore, #tpu.memory_space<semaphore_mem>>) src(%dma_wait3A_339 : memref<160x128xi32, #tpu.memory_space<hbm>>) dst(%arg7 : memref<160x128xi32, #tpu.memory_space<vmem>>)
      tpu.yield
    }) : () -> ()
    %dma_start3A = arith.constant 0 : i32
    %dma_start3A_27 = arith.constant 0 : i32
    %dma_start3A_28 = arith.constant 0 : i32
    %dma_start3A_29 = arith.constant 0 : i32
    %dma_start3A_30 = arith.constant 0 : i32
    %dma_start3A_31 = tpu.memref_slice %arg8[%dma_start3A_27, %dma_start3A_29, %dma_start3A_30] : memref<4x128x64xf32, #tpu.memory_space<vmem>> -> memref<1x128x64xf32, #tpu.memory_space<vmem>>
    %dma_start3A_32 = tpu.memref_squeeze %dma_start3A_31 : memref<1x128x64xf32, #tpu.memory_space<vmem>> -> memref<128x64xf32, #tpu.memory_space<vmem>>
    %dma_start3A_33 = arith.constant 0 : i32
    %dma_start3A_34 = tpu.memref_slice %arg6[%dma_start3A, %dma_start3A_33] : memref<160x128xi32, #tpu.memory_space<vmem>> -> memref<1x128xi32, #tpu.memory_space<vmem>>
    %dma_start3A_35 = tpu.memref_squeeze %dma_start3A_34 : memref<1x128xi32, #tpu.memory_space<vmem>> -> memref<128xi32, #tpu.memory_space<vmem>>
    %dma_start3A_36 = arith.constant 0 : i32
    %dma_start3A_37 = arith.constant 0 : i32
    %dma_start3A_38 = tpu.memref_slice %arg2[%arg0, %dma_start3A_36, %dma_start3A_37] : memref<2x10240x64xf32, #tpu.memory_space<hbm>> -> memref<1x10240x64xf32, #tpu.memory_space<hbm>>
    %dma_start3A_39 = tpu.memref_squeeze %dma_start3A_38 : memref<1x10240x64xf32, #tpu.memory_space<hbm>> -> memref<10240x64xf32, #tpu.memory_space<hbm>>
    %dma_start3A_40 = arith.constant 0 : i32
    %dma_start3A_41 = arith.constant 0 : i32
    %dma_start3A_42 = tpu.memref_slice %dma_start3A_39[%dma_start3A_40, %dma_start3A_41] : memref<10240x64xf32, #tpu.memory_space<hbm>> -> memref<10240x64xf32, #tpu.memory_space<hbm>>
    %dma_start3A_43 = tpu.memref_slice %arg10[%dma_start3A_28] : memref<4x!tpu.dma_semaphore, #tpu.memory_space<semaphore_mem>> -> memref<1x!tpu.dma_semaphore, #tpu.memory_space<semaphore_mem>>
    %dma_start3A_44 = tpu.memref_squeeze %dma_start3A_43 : memref<1x!tpu.dma_semaphore, #tpu.memory_space<semaphore_mem>> -> memref<!tpu.dma_semaphore, #tpu.memory_space<semaphore_mem>>
    tpu.enqueue_indirect_dma source(%dma_start3A_42 : memref<10240x64xf32, #tpu.memory_space<hbm>>) target(%dma_start3A_32 : memref<128x64xf32, #tpu.memory_space<vmem>>) offsets(%dma_start3A_35 : memref<128xi32, #tpu.memory_space<vmem>>) semaphore(%dma_start3A_44 : memref<!tpu.dma_semaphore, #tpu.memory_space<semaphore_mem>>)
    %dma_start3A_45 = arith.constant 1 : i32
    %dma_start3A_46 = arith.constant 1 : i32
    %dma_start3A_47 = arith.constant 1 : i32
    %dma_start3A_48 = arith.constant 0 : i32
    %dma_start3A_49 = arith.constant 0 : i32
    %dma_start3A_50 = tpu.memref_slice %arg8[%dma_start3A_46, %dma_start3A_48, %dma_start3A_49] : memref<4x128x64xf32, #tpu.memory_space<vmem>> -> memref<1x128x64xf32, #tpu.memory_space<vmem>>
    %dma_start3A_51 = tpu.memref_squeeze %dma_start3A_50 : memref<1x128x64xf32, #tpu.memory_space<vmem>> -> memref<128x64xf32, #tpu.memory_space<vmem>>
    %dma_start3A_52 = arith.constant 0 : i32
    %dma_start3A_53 = tpu.memref_slice %arg6[%dma_start3A_45, %dma_start3A_52] : memref<160x128xi32, #tpu.memory_space<vmem>> -> memref<1x128xi32, #tpu.memory_space<vmem>>
    %dma_start3A_54 = tpu.memref_squeeze %dma_start3A_53 : memref<1x128xi32, #tpu.memory_space<vmem>> -> memref<128xi32, #tpu.memory_space<vmem>>
    %dma_start3A_55 = arith.constant 0 : i32
    %dma_start3A_56 = arith.constant 0 : i32
    %dma_start3A_57 = tpu.memref_slice %arg2[%arg0, %dma_start3A_55, %dma_start3A_56] : memref<2x10240x64xf32, #tpu.memory_space<hbm>> -> memref<1x10240x64xf32, #tpu.memory_space<hbm>>
    %dma_start3A_58 = tpu.memref_squeeze %dma_start3A_57 : memref<1x10240x64xf32, #tpu.memory_space<hbm>> -> memref<10240x64xf32, #tpu.memory_space<hbm>>
    %dma_start3A_59 = arith.constant 0 : i32
    %dma_start3A_60 = arith.constant 0 : i32
    %dma_start3A_61 = tpu.memref_slice %dma_start3A_58[%dma_start3A_59, %dma_start3A_60] : memref<10240x64xf32, #tpu.memory_space<hbm>> -> memref<10240x64xf32, #tpu.memory_space<hbm>>
    %dma_start3A_62 = tpu.memref_slice %arg10[%dma_start3A_47] : memref<4x!tpu.dma_semaphore, #tpu.memory_space<semaphore_mem>> -> memref<1x!tpu.dma_semaphore, #tpu.memory_space<semaphore_mem>>
    %dma_start3A_63 = tpu.memref_squeeze %dma_start3A_62 : memref<1x!tpu.dma_semaphore, #tpu.memory_space<semaphore_mem>> -> memref<!tpu.dma_semaphore, #tpu.memory_space<semaphore_mem>>
    tpu.enqueue_indirect_dma source(%dma_start3A_61 : memref<10240x64xf32, #tpu.memory_space<hbm>>) target(%dma_start3A_51 : memref<128x64xf32, #tpu.memory_space<vmem>>) offsets(%dma_start3A_54 : memref<128xi32, #tpu.memory_space<vmem>>) semaphore(%dma_start3A_63 : memref<!tpu.dma_semaphore, #tpu.memory_space<semaphore_mem>>)
    %dma_start3A_64 = arith.constant 2 : i32
    %dma_start3A_65 = arith.constant 2 : i32
    %dma_start3A_66 = arith.constant 2 : i32
    %dma_start3A_67 = arith.constant 0 : i32
    %dma_start3A_68 = arith.constant 0 : i32
    %dma_start3A_69 = tpu.memref_slice %arg8[%dma_start3A_65, %dma_start3A_67, %dma_start3A_68] : memref<4x128x64xf32, #tpu.memory_space<vmem>> -> memref<1x128x64xf32, #tpu.memory_space<vmem>>
    %dma_start3A_70 = tpu.memref_squeeze %dma_start3A_69 : memref<1x128x64xf32, #tpu.memory_space<vmem>> -> memref<128x64xf32, #tpu.memory_space<vmem>>
    %dma_start3A_71 = arith.constant 0 : i32
    %dma_start3A_72 = tpu.memref_slice %arg6[%dma_start3A_64, %dma_start3A_71] : memref<160x128xi32, #tpu.memory_space<vmem>> -> memref<1x128xi32, #tpu.memory_space<vmem>>
    %dma_start3A_73 = tpu.memref_squeeze %dma_start3A_72 : memref<1x128xi32, #tpu.memory_space<vmem>> -> memref<128xi32, #tpu.memory_space<vmem>>
    %dma_start3A_74 = arith.constant 0 : i32
    %dma_start3A_75 = arith.constant 0 : i32
    %dma_start3A_76 = tpu.memref_slice %arg2[%arg0, %dma_start3A_74, %dma_start3A_75] : memref<2x10240x64xf32, #tpu.memory_space<hbm>> -> memref<1x10240x64xf32, #tpu.memory_space<hbm>>
    %dma_start3A_77 = tpu.memref_squeeze %dma_start3A_76 : memref<1x10240x64xf32, #tpu.memory_space<hbm>> -> memref<10240x64xf32, #tpu.memory_space<hbm>>
    %dma_start3A_78 = arith.constant 0 : i32
    %dma_start3A_79 = arith.constant 0 : i32
    %dma_start3A_80 = tpu.memref_slice %dma_start3A_77[%dma_start3A_78, %dma_start3A_79] : memref<10240x64xf32, #tpu.memory_space<hbm>> -> memref<10240x64xf32, #tpu.memory_space<hbm>>
    %dma_start3A_81 = tpu.memref_slice %arg10[%dma_start3A_66] : memref<4x!tpu.dma_semaphore, #tpu.memory_space<semaphore_mem>> -> memref<1x!tpu.dma_semaphore, #tpu.memory_space<semaphore_mem>>
    %dma_start3A_82 = tpu.memref_squeeze %dma_start3A_81 : memref<1x!tpu.dma_semaphore, #tpu.memory_space<semaphore_mem>> -> memref<!tpu.dma_semaphore, #tpu.memory_space<semaphore_mem>>
    tpu.enqueue_indirect_dma source(%dma_start3A_80 : memref<10240x64xf32, #tpu.memory_space<hbm>>) target(%dma_start3A_70 : memref<128x64xf32, #tpu.memory_space<vmem>>) offsets(%dma_start3A_73 : memref<128xi32, #tpu.memory_space<vmem>>) semaphore(%dma_start3A_82 : memref<!tpu.dma_semaphore, #tpu.memory_space<semaphore_mem>>)
    %dma_start3A_83 = arith.constant 3 : i32
    %dma_start3A_84 = arith.constant 3 : i32
    %dma_start3A_85 = arith.constant 3 : i32
    %dma_start3A_86 = arith.constant 0 : i32
    %dma_start3A_87 = arith.constant 0 : i32
    %dma_start3A_88 = tpu.memref_slice %arg8[%dma_start3A_84, %dma_start3A_86, %dma_start3A_87] : memref<4x128x64xf32, #tpu.memory_space<vmem>> -> memref<1x128x64xf32, #tpu.memory_space<vmem>>
    %dma_start3A_89 = tpu.memref_squeeze %dma_start3A_88 : memref<1x128x64xf32, #tpu.memory_space<vmem>> -> memref<128x64xf32, #tpu.memory_space<vmem>>
    %dma_start3A_90 = arith.constant 0 : i32
    %dma_start3A_91 = tpu.memref_slice %arg6[%dma_start3A_83, %dma_start3A_90] : memref<160x128xi32, #tpu.memory_space<vmem>> -> memref<1x128xi32, #tpu.memory_space<vmem>>
    %dma_start3A_92 = tpu.memref_squeeze %dma_start3A_91 : memref<1x128xi32, #tpu.memory_space<vmem>> -> memref<128xi32, #tpu.memory_space<vmem>>
    %dma_start3A_93 = arith.constant 0 : i32
    %dma_start3A_94 = arith.constant 0 : i32
    %dma_start3A_95 = tpu.memref_slice %arg2[%arg0, %dma_start3A_93, %dma_start3A_94] : memref<2x10240x64xf32, #tpu.memory_space<hbm>> -> memref<1x10240x64xf32, #tpu.memory_space<hbm>>
    %dma_start3A_96 = tpu.memref_squeeze %dma_start3A_95 : memref<1x10240x64xf32, #tpu.memory_space<hbm>> -> memref<10240x64xf32, #tpu.memory_space<hbm>>
    %dma_start3A_97 = arith.constant 0 : i32
    %dma_start3A_98 = arith.constant 0 : i32
    %dma_start3A_99 = tpu.memref_slice %dma_start3A_96[%dma_start3A_97, %dma_start3A_98] : memref<10240x64xf32, #tpu.memory_space<hbm>> -> memref<10240x64xf32, #tpu.memory_space<hbm>>
    %dma_start3A_100 = tpu.memref_slice %arg10[%dma_start3A_85] : memref<4x!tpu.dma_semaphore, #tpu.memory_space<semaphore_mem>> -> memref<1x!tpu.dma_semaphore, #tpu.memory_space<semaphore_mem>>
    %dma_start3A_101 = tpu.memref_squeeze %dma_start3A_100 : memref<1x!tpu.dma_semaphore, #tpu.memory_space<semaphore_mem>> -> memref<!tpu.dma_semaphore, #tpu.memory_space<semaphore_mem>>
    tpu.enqueue_indirect_dma source(%dma_start3A_99 : memref<10240x64xf32, #tpu.memory_space<hbm>>) target(%dma_start3A_89 : memref<128x64xf32, #tpu.memory_space<vmem>>) offsets(%dma_start3A_92 : memref<128xi32, #tpu.memory_space<vmem>>) semaphore(%dma_start3A_101 : memref<!tpu.dma_semaphore, #tpu.memory_space<semaphore_mem>>)
    %dma_wait3A = arith.constant 0 : i32
    %dma_wait3A_102 = arith.constant 0 : i32
    %dma_wait3A_103 = arith.constant 0 : i32
    %dma_wait3A_104 = arith.constant 0 : i32
    %dma_wait3A_105 = arith.constant 0 : i32
    %dma_wait3A_106 = tpu.memref_slice %arg8[%dma_wait3A_102, %dma_wait3A_104, %dma_wait3A_105] : memref<4x128x64xf32, #tpu.memory_space<vmem>> -> memref<1x128x64xf32, #tpu.memory_space<vmem>>
    %dma_wait3A_107 = tpu.memref_squeeze %dma_wait3A_106 : memref<1x128x64xf32, #tpu.memory_space<vmem>> -> memref<128x64xf32, #tpu.memory_space<vmem>>
    %dma_wait3A_108 = arith.constant 0 : i32
    %dma_wait3A_109 = tpu.memref_slice %arg6[%dma_wait3A, %dma_wait3A_108] : memref<160x128xi32, #tpu.memory_space<vmem>> -> memref<1x128xi32, #tpu.memory_space<vmem>>
    %dma_wait3A_110 = tpu.memref_squeeze %dma_wait3A_109 : memref<1x128xi32, #tpu.memory_space<vmem>> -> memref<128xi32, #tpu.memory_space<vmem>>
    %dma_wait3A_111 = arith.constant 0 : i32
    %dma_wait3A_112 = arith.constant 0 : i32
    %dma_wait3A_113 = tpu.memref_slice %arg2[%arg0, %dma_wait3A_111, %dma_wait3A_112] : memref<2x10240x64xf32, #tpu.memory_space<hbm>> -> memref<1x10240x64xf32, #tpu.memory_space<hbm>>
    %dma_wait3A_114 = tpu.memref_squeeze %dma_wait3A_113 : memref<1x10240x64xf32, #tpu.memory_space<hbm>> -> memref<10240x64xf32, #tpu.memory_space<hbm>>
    %dma_wait3A_115 = arith.constant 0 : i32
    %dma_wait3A_116 = arith.constant 0 : i32
    %dma_wait3A_117 = tpu.memref_slice %dma_wait3A_114[%dma_wait3A_115, %dma_wait3A_116] : memref<10240x64xf32, #tpu.memory_space<hbm>> -> memref<10240x64xf32, #tpu.memory_space<hbm>>
    %dma_wait3A_118 = tpu.memref_slice %arg10[%dma_wait3A_103] : memref<4x!tpu.dma_semaphore, #tpu.memory_space<semaphore_mem>> -> memref<1x!tpu.dma_semaphore, #tpu.memory_space<semaphore_mem>>
    %dma_wait3A_119 = tpu.memref_squeeze %dma_wait3A_118 : memref<1x!tpu.dma_semaphore, #tpu.memory_space<semaphore_mem>> -> memref<!tpu.dma_semaphore, #tpu.memory_space<semaphore_mem>>
    tpu.wait_indirect_dma semaphore(%dma_wait3A_119 : memref<!tpu.dma_semaphore, #tpu.memory_space<semaphore_mem>>) src(%dma_wait3A_117 : memref<10240x64xf32, #tpu.memory_space<hbm>>) dst(%dma_wait3A_107 : memref<128x64xf32, #tpu.memory_space<vmem>>)
    %dma_start3A_120 = arith.constant 0 : i32
    %dma_start3A_121 = arith.constant 0 : i32
    %dma_start3A_122 = arith.constant 0 : i32
    %dma_start3A_123 = arith.constant 0 : i32
    %dma_start3A_124 = arith.constant 0 : i32
    %dma_start3A_125 = tpu.memref_slice %arg8[%dma_start3A_120, %dma_start3A_123, %dma_start3A_124] : memref<4x128x64xf32, #tpu.memory_space<vmem>> -> memref<1x128x64xf32, #tpu.memory_space<vmem>>
    %dma_start3A_126 = tpu.memref_squeeze %dma_start3A_125 : memref<1x128x64xf32, #tpu.memory_space<vmem>> -> memref<128x64xf32, #tpu.memory_space<vmem>>
    %dma_start3A_127 = arith.constant 0 : i32
    %dma_start3A_128 = tpu.memref_slice %arg7[%dma_start3A_121, %dma_start3A_127] : memref<160x128xi32, #tpu.memory_space<vmem>> -> memref<1x128xi32, #tpu.memory_space<vmem>>
    %dma_start3A_129 = tpu.memref_squeeze %dma_start3A_128 : memref<1x128xi32, #tpu.memory_space<vmem>> -> memref<128xi32, #tpu.memory_space<vmem>>
    %dma_start3A_130 = arith.constant 0 : i32
    %dma_start3A_131 = arith.constant 0 : i32
    %dma_start3A_132 = tpu.memref_slice %arg9[%dma_start3A_130, %dma_start3A_131] : memref<10240x64xf32, #tpu.memory_space<vmem_shared>> -> memref<10240x64xf32, #tpu.memory_space<vmem_shared>>
    %dma_start3A_133 = tpu.memref_slice %arg11[%dma_start3A_122] : memref<4x!tpu.dma_semaphore, #tpu.memory_space<semaphore_mem>> -> memref<1x!tpu.dma_semaphore, #tpu.memory_space<semaphore_mem>>
    %dma_start3A_134 = tpu.memref_squeeze %dma_start3A_133 : memref<1x!tpu.dma_semaphore, #tpu.memory_space<semaphore_mem>> -> memref<!tpu.dma_semaphore, #tpu.memory_space<semaphore_mem>>
    tpu.enqueue_indirect_dma source(%dma_start3A_126 : memref<128x64xf32, #tpu.memory_space<vmem>>) target(%dma_start3A_132 : memref<10240x64xf32, #tpu.memory_space<vmem_shared>>) offsets(%dma_start3A_129 : memref<128xi32, #tpu.memory_space<vmem>>) semaphore(%dma_start3A_134 : memref<!tpu.dma_semaphore, #tpu.memory_space<semaphore_mem>>) {add = true}
    %dma_wait3A_135 = arith.constant 1 : i32
    %dma_wait3A_136 = arith.constant 1 : i32
    %dma_wait3A_137 = arith.constant 1 : i32
    %dma_wait3A_138 = arith.constant 0 : i32
    %dma_wait3A_139 = arith.constant 0 : i32
    %dma_wait3A_140 = tpu.memref_slice %arg8[%dma_wait3A_136, %dma_wait3A_138, %dma_wait3A_139] : memref<4x128x64xf32, #tpu.memory_space<vmem>> -> memref<1x128x64xf32, #tpu.memory_space<vmem>>
    %dma_wait3A_141 = tpu.memref_squeeze %dma_wait3A_140 : memref<1x128x64xf32, #tpu.memory_space<vmem>> -> memref<128x64xf32, #tpu.memory_space<vmem>>
    %dma_wait3A_142 = arith.constant 0 : i32
    %dma_wait3A_143 = tpu.memref_slice %arg6[%dma_wait3A_135, %dma_wait3A_142] : memref<160x128xi32, #tpu.memory_space<vmem>> -> memref<1x128xi32, #tpu.memory_space<vmem>>
    %dma_wait3A_144 = tpu.memref_squeeze %dma_wait3A_143 : memref<1x128xi32, #tpu.memory_space<vmem>> -> memref<128xi32, #tpu.memory_space<vmem>>
    %dma_wait3A_145 = arith.constant 0 : i32
    %dma_wait3A_146 = arith.constant 0 : i32
    %dma_wait3A_147 = tpu.memref_slice %arg2[%arg0, %dma_wait3A_145, %dma_wait3A_146] : memref<2x10240x64xf32, #tpu.memory_space<hbm>> -> memref<1x10240x64xf32, #tpu.memory_space<hbm>>
    %dma_wait3A_148 = tpu.memref_squeeze %dma_wait3A_147 : memref<1x10240x64xf32, #tpu.memory_space<hbm>> -> memref<10240x64xf32, #tpu.memory_space<hbm>>
    %dma_wait3A_149 = arith.constant 0 : i32
    %dma_wait3A_150 = arith.constant 0 : i32
    %dma_wait3A_151 = tpu.memref_slice %dma_wait3A_148[%dma_wait3A_149, %dma_wait3A_150] : memref<10240x64xf32, #tpu.memory_space<hbm>> -> memref<10240x64xf32, #tpu.memory_space<hbm>>
    %dma_wait3A_152 = tpu.memref_slice %arg10[%dma_wait3A_137] : memref<4x!tpu.dma_semaphore, #tpu.memory_space<semaphore_mem>> -> memref<1x!tpu.dma_semaphore, #tpu.memory_space<semaphore_mem>>
    %dma_wait3A_153 = tpu.memref_squeeze %dma_wait3A_152 : memref<1x!tpu.dma_semaphore, #tpu.memory_space<semaphore_mem>> -> memref<!tpu.dma_semaphore, #tpu.memory_space<semaphore_mem>>
    tpu.wait_indirect_dma semaphore(%dma_wait3A_153 : memref<!tpu.dma_semaphore, #tpu.memory_space<semaphore_mem>>) src(%dma_wait3A_151 : memref<10240x64xf32, #tpu.memory_space<hbm>>) dst(%dma_wait3A_141 : memref<128x64xf32, #tpu.memory_space<vmem>>)
    %dma_start3A_154 = arith.constant 1 : i32
    %dma_start3A_155 = arith.constant 1 : i32
    %dma_start3A_156 = arith.constant 1 : i32
    %dma_start3A_157 = arith.constant 0 : i32
    %dma_start3A_158 = arith.constant 0 : i32
    %dma_start3A_159 = tpu.memref_slice %arg8[%dma_start3A_154, %dma_start3A_157, %dma_start3A_158] : memref<4x128x64xf32, #tpu.memory_space<vmem>> -> memref<1x128x64xf32, #tpu.memory_space<vmem>>
    %dma_start3A_160 = tpu.memref_squeeze %dma_start3A_159 : memref<1x128x64xf32, #tpu.memory_space<vmem>> -> memref<128x64xf32, #tpu.memory_space<vmem>>
    %dma_start3A_161 = arith.constant 0 : i32
    %dma_start3A_162 = tpu.memref_slice %arg7[%dma_start3A_155, %dma_start3A_161] : memref<160x128xi32, #tpu.memory_space<vmem>> -> memref<1x128xi32, #tpu.memory_space<vmem>>
    %dma_start3A_163 = tpu.memref_squeeze %dma_start3A_162 : memref<1x128xi32, #tpu.memory_space<vmem>> -> memref<128xi32, #tpu.memory_space<vmem>>
    %dma_start3A_164 = arith.constant 0 : i32
    %dma_start3A_165 = arith.constant 0 : i32
    %dma_start3A_166 = tpu.memref_slice %arg9[%dma_start3A_164, %dma_start3A_165] : memref<10240x64xf32, #tpu.memory_space<vmem_shared>> -> memref<10240x64xf32, #tpu.memory_space<vmem_shared>>
    %dma_start3A_167 = tpu.memref_slice %arg11[%dma_start3A_156] : memref<4x!tpu.dma_semaphore, #tpu.memory_space<semaphore_mem>> -> memref<1x!tpu.dma_semaphore, #tpu.memory_space<semaphore_mem>>
    %dma_start3A_168 = tpu.memref_squeeze %dma_start3A_167 : memref<1x!tpu.dma_semaphore, #tpu.memory_space<semaphore_mem>> -> memref<!tpu.dma_semaphore, #tpu.memory_space<semaphore_mem>>
    tpu.enqueue_indirect_dma source(%dma_start3A_160 : memref<128x64xf32, #tpu.memory_space<vmem>>) target(%dma_start3A_166 : memref<10240x64xf32, #tpu.memory_space<vmem_shared>>) offsets(%dma_start3A_163 : memref<128xi32, #tpu.memory_space<vmem>>) semaphore(%dma_start3A_168 : memref<!tpu.dma_semaphore, #tpu.memory_space<semaphore_mem>>) {add = true}
    %dma_wait3A_169 = arith.constant 2 : i32
    %dma_wait3A_170 = arith.constant 2 : i32
    %dma_wait3A_171 = arith.constant 2 : i32
    %dma_wait3A_172 = arith.constant 0 : i32
    %dma_wait3A_173 = arith.constant 0 : i32
    %dma_wait3A_174 = tpu.memref_slice %arg8[%dma_wait3A_170, %dma_wait3A_172, %dma_wait3A_173] : memref<4x128x64xf32, #tpu.memory_space<vmem>> -> memref<1x128x64xf32, #tpu.memory_space<vmem>>
    %dma_wait3A_175 = tpu.memref_squeeze %dma_wait3A_174 : memref<1x128x64xf32, #tpu.memory_space<vmem>> -> memref<128x64xf32, #tpu.memory_space<vmem>>
    %dma_wait3A_176 = arith.constant 0 : i32
    %dma_wait3A_177 = tpu.memref_slice %arg6[%dma_wait3A_169, %dma_wait3A_176] : memref<160x128xi32, #tpu.memory_space<vmem>> -> memref<1x128xi32, #tpu.memory_space<vmem>>
    %dma_wait3A_178 = tpu.memref_squeeze %dma_wait3A_177 : memref<1x128xi32, #tpu.memory_space<vmem>> -> memref<128xi32, #tpu.memory_space<vmem>>
    %dma_wait3A_179 = arith.constant 0 : i32
    %dma_wait3A_180 = arith.constant 0 : i32
    %dma_wait3A_181 = tpu.memref_slice %arg2[%arg0, %dma_wait3A_179, %dma_wait3A_180] : memref<2x10240x64xf32, #tpu.memory_space<hbm>> -> memref<1x10240x64xf32, #tpu.memory_space<hbm>>
    %dma_wait3A_182 = tpu.memref_squeeze %dma_wait3A_181 : memref<1x10240x64xf32, #tpu.memory_space<hbm>> -> memref<10240x64xf32, #tpu.memory_space<hbm>>
    %dma_wait3A_183 = arith.constant 0 : i32
    %dma_wait3A_184 = arith.constant 0 : i32
    %dma_wait3A_185 = tpu.memref_slice %dma_wait3A_182[%dma_wait3A_183, %dma_wait3A_184] : memref<10240x64xf32, #tpu.memory_space<hbm>> -> memref<10240x64xf32, #tpu.memory_space<hbm>>
    %dma_wait3A_186 = tpu.memref_slice %arg10[%dma_wait3A_171] : memref<4x!tpu.dma_semaphore, #tpu.memory_space<semaphore_mem>> -> memref<1x!tpu.dma_semaphore, #tpu.memory_space<semaphore_mem>>
    %dma_wait3A_187 = tpu.memref_squeeze %dma_wait3A_186 : memref<1x!tpu.dma_semaphore, #tpu.memory_space<semaphore_mem>> -> memref<!tpu.dma_semaphore, #tpu.memory_space<semaphore_mem>>
    tpu.wait_indirect_dma semaphore(%dma_wait3A_187 : memref<!tpu.dma_semaphore, #tpu.memory_space<semaphore_mem>>) src(%dma_wait3A_185 : memref<10240x64xf32, #tpu.memory_space<hbm>>) dst(%dma_wait3A_175 : memref<128x64xf32, #tpu.memory_space<vmem>>)
    %dma_start3A_188 = arith.constant 2 : i32
    %dma_start3A_189 = arith.constant 2 : i32
    %dma_start3A_190 = arith.constant 2 : i32
    %dma_start3A_191 = arith.constant 0 : i32
    %dma_start3A_192 = arith.constant 0 : i32
    %dma_start3A_193 = tpu.memref_slice %arg8[%dma_start3A_188, %dma_start3A_191, %dma_start3A_192] : memref<4x128x64xf32, #tpu.memory_space<vmem>> -> memref<1x128x64xf32, #tpu.memory_space<vmem>>
    %dma_start3A_194 = tpu.memref_squeeze %dma_start3A_193 : memref<1x128x64xf32, #tpu.memory_space<vmem>> -> memref<128x64xf32, #tpu.memory_space<vmem>>
    %dma_start3A_195 = arith.constant 0 : i32
    %dma_start3A_196 = tpu.memref_slice %arg7[%dma_start3A_189, %dma_start3A_195] : memref<160x128xi32, #tpu.memory_space<vmem>> -> memref<1x128xi32, #tpu.memory_space<vmem>>
    %dma_start3A_197 = tpu.memref_squeeze %dma_start3A_196 : memref<1x128xi32, #tpu.memory_space<vmem>> -> memref<128xi32, #tpu.memory_space<vmem>>
    %dma_start3A_198 = arith.constant 0 : i32
    %dma_start3A_199 = arith.constant 0 : i32
    %dma_start3A_200 = tpu.memref_slice %arg9[%dma_start3A_198, %dma_start3A_199] : memref<10240x64xf32, #tpu.memory_space<vmem_shared>> -> memref<10240x64xf32, #tpu.memory_space<vmem_shared>>
    %dma_start3A_201 = tpu.memref_slice %arg11[%dma_start3A_190] : memref<4x!tpu.dma_semaphore, #tpu.memory_space<semaphore_mem>> -> memref<1x!tpu.dma_semaphore, #tpu.memory_space<semaphore_mem>>
    %dma_start3A_202 = tpu.memref_squeeze %dma_start3A_201 : memref<1x!tpu.dma_semaphore, #tpu.memory_space<semaphore_mem>> -> memref<!tpu.dma_semaphore, #tpu.memory_space<semaphore_mem>>
    tpu.enqueue_indirect_dma source(%dma_start3A_194 : memref<128x64xf32, #tpu.memory_space<vmem>>) target(%dma_start3A_200 : memref<10240x64xf32, #tpu.memory_space<vmem_shared>>) offsets(%dma_start3A_197 : memref<128xi32, #tpu.memory_space<vmem>>) semaphore(%dma_start3A_202 : memref<!tpu.dma_semaphore, #tpu.memory_space<semaphore_mem>>) {add = true}
    %dma_wait3A_203 = arith.constant 3 : i32
    %dma_wait3A_204 = arith.constant 3 : i32
    %dma_wait3A_205 = arith.constant 3 : i32
    %dma_wait3A_206 = arith.constant 0 : i32
    %dma_wait3A_207 = arith.constant 0 : i32
    %dma_wait3A_208 = tpu.memref_slice %arg8[%dma_wait3A_204, %dma_wait3A_206, %dma_wait3A_207] : memref<4x128x64xf32, #tpu.memory_space<vmem>> -> memref<1x128x64xf32, #tpu.memory_space<vmem>>
    %dma_wait3A_209 = tpu.memref_squeeze %dma_wait3A_208 : memref<1x128x64xf32, #tpu.memory_space<vmem>> -> memref<128x64xf32, #tpu.memory_space<vmem>>
    %dma_wait3A_210 = arith.constant 0 : i32
    %dma_wait3A_211 = tpu.memref_slice %arg6[%dma_wait3A_203, %dma_wait3A_210] : memref<160x128xi32, #tpu.memory_space<vmem>> -> memref<1x128xi32, #tpu.memory_space<vmem>>
    %dma_wait3A_212 = tpu.memref_squeeze %dma_wait3A_211 : memref<1x128xi32, #tpu.memory_space<vmem>> -> memref<128xi32, #tpu.memory_space<vmem>>
    %dma_wait3A_213 = arith.constant 0 : i32
    %dma_wait3A_214 = arith.constant 0 : i32
    %dma_wait3A_215 = tpu.memref_slice %arg2[%arg0, %dma_wait3A_213, %dma_wait3A_214] : memref<2x10240x64xf32, #tpu.memory_space<hbm>> -> memref<1x10240x64xf32, #tpu.memory_space<hbm>>
    %dma_wait3A_216 = tpu.memref_squeeze %dma_wait3A_215 : memref<1x10240x64xf32, #tpu.memory_space<hbm>> -> memref<10240x64xf32, #tpu.memory_space<hbm>>
    %dma_wait3A_217 = arith.constant 0 : i32
    %dma_wait3A_218 = arith.constant 0 : i32
    %dma_wait3A_219 = tpu.memref_slice %dma_wait3A_216[%dma_wait3A_217, %dma_wait3A_218] : memref<10240x64xf32, #tpu.memory_space<hbm>> -> memref<10240x64xf32, #tpu.memory_space<hbm>>
    %dma_wait3A_220 = tpu.memref_slice %arg10[%dma_wait3A_205] : memref<4x!tpu.dma_semaphore, #tpu.memory_space<semaphore_mem>> -> memref<1x!tpu.dma_semaphore, #tpu.memory_space<semaphore_mem>>
    %dma_wait3A_221 = tpu.memref_squeeze %dma_wait3A_220 : memref<1x!tpu.dma_semaphore, #tpu.memory_space<semaphore_mem>> -> memref<!tpu.dma_semaphore, #tpu.memory_space<semaphore_mem>>
    tpu.wait_indirect_dma semaphore(%dma_wait3A_221 : memref<!tpu.dma_semaphore, #tpu.memory_space<semaphore_mem>>) src(%dma_wait3A_219 : memref<10240x64xf32, #tpu.memory_space<hbm>>) dst(%dma_wait3A_209 : memref<128x64xf32, #tpu.memory_space<vmem>>)
    %dma_start3A_222 = arith.constant 3 : i32
    %dma_start3A_223 = arith.constant 3 : i32
    %dma_start3A_224 = arith.constant 3 : i32
    %dma_start3A_225 = arith.constant 0 : i32
    %dma_start3A_226 = arith.constant 0 : i32
    %dma_start3A_227 = tpu.memref_slice %arg8[%dma_start3A_222, %dma_start3A_225, %dma_start3A_226] : memref<4x128x64xf32, #tpu.memory_space<vmem>> -> memref<1x128x64xf32, #tpu.memory_space<vmem>>
    %dma_start3A_228 = tpu.memref_squeeze %dma_start3A_227 : memref<1x128x64xf32, #tpu.memory_space<vmem>> -> memref<128x64xf32, #tpu.memory_space<vmem>>
    %dma_start3A_229 = arith.constant 0 : i32
    %dma_start3A_230 = tpu.memref_slice %arg7[%dma_start3A_223, %dma_start3A_229] : memref<160x128xi32, #tpu.memory_space<vmem>> -> memref<1x128xi32, #tpu.memory_space<vmem>>
    %dma_start3A_231 = tpu.memref_squeeze %dma_start3A_230 : memref<1x128xi32, #tpu.memory_space<vmem>> -> memref<128xi32, #tpu.memory_space<vmem>>
    %dma_start3A_232 = arith.constant 0 : i32
    %dma_start3A_233 = arith.constant 0 : i32
    %dma_start3A_234 = tpu.memref_slice %arg9[%dma_start3A_232, %dma_start3A_233] : memref<10240x64xf32, #tpu.memory_space<vmem_shared>> -> memref<10240x64xf32, #tpu.memory_space<vmem_shared>>
    %dma_start3A_235 = tpu.memref_slice %arg11[%dma_start3A_224] : memref<4x!tpu.dma_semaphore, #tpu.memory_space<semaphore_mem>> -> memref<1x!tpu.dma_semaphore, #tpu.memory_space<semaphore_mem>>
    %dma_start3A_236 = tpu.memref_squeeze %dma_start3A_235 : memref<1x!tpu.dma_semaphore, #tpu.memory_space<semaphore_mem>> -> memref<!tpu.dma_semaphore, #tpu.memory_space<semaphore_mem>>
    tpu.enqueue_indirect_dma source(%dma_start3A_228 : memref<128x64xf32, #tpu.memory_space<vmem>>) target(%dma_start3A_234 : memref<10240x64xf32, #tpu.memory_space<vmem_shared>>) offsets(%dma_start3A_231 : memref<128xi32, #tpu.memory_space<vmem>>) semaphore(%dma_start3A_236 : memref<!tpu.dma_semaphore, #tpu.memory_space<semaphore_mem>>) {add = true}
    %scan3A_237 = arith.constant 1 : i32
    %scan3A_238 = arith.constant 39 : i32
    %scan3A_239 = arith.addi %scan3A_237, %scan3A_238 : i32
    %scan3A_240 = arith.constant 1 : i32
    scf.for %scan3A_323 = %scan3A_237 to %scan3A_239 step %scan3A_240  : i32 {
      %mul3A_324 = arith.constant 4 : i32
      %mul3A_325 = arith.muli %scan3A_323, %mul3A_324 : i32
      %add3A_326 = arith.constant 0 : i32
      %add3A_327 = arith.addi %mul3A_325, %add3A_326 : i32
      %sub3A = arith.constant 4 : i32
      %sub3A_328 = arith.subi %add3A_327, %sub3A : i32
      %dma_wait3A_329 = arith.constant 0 : i32
      %dma_wait3A_330 = arith.constant 0 : i32
      %dma_wait3A_331 = arith.constant 0 : i32
      %dma_wait3A_332 = arith.constant 0 : i32
      %dma_wait3A_333 = tpu.memref_slice %arg8[%dma_wait3A_329, %dma_wait3A_331, %dma_wait3A_332] : memref<4x128x64xf32, #tpu.memory_space<vmem>> -> memref<1x128x64xf32, #tpu.memory_space<vmem>>
      %dma_wait3A_334 = tpu.memref_squeeze %dma_wait3A_333 : memref<1x128x64xf32, #tpu.memory_space<vmem>> -> memref<128x64xf32, #tpu.memory_space<vmem>>
      %dma_wait3A_335 = arith.constant 0 : i32
      %dma_wait3A_336 = tpu.memref_slice %arg7[%sub3A_328, %dma_wait3A_335] : memref<160x128xi32, #tpu.memory_space<vmem>> -> memref<1x128xi32, #tpu.memory_space<vmem>>
      %dma_wait3A_337 = tpu.memref_squeeze %dma_wait3A_336 : memref<1x128xi32, #tpu.memory_space<vmem>> -> memref<128xi32, #tpu.memory_space<vmem>>
      %dma_wait3A_338 = arith.constant 0 : i32
      %dma_wait3A_339 = arith.constant 0 : i32
      %dma_wait3A_340 = tpu.memref_slice %arg9[%dma_wait3A_338, %dma_wait3A_339] : memref<10240x64xf32, #tpu.memory_space<vmem_shared>> -> memref<10240x64xf32, #tpu.memory_space<vmem_shared>>
      %dma_wait3A_341 = tpu.memref_slice %arg11[%dma_wait3A_330] : memref<4x!tpu.dma_semaphore, #tpu.memory_space<semaphore_mem>> -> memref<1x!tpu.dma_semaphore, #tpu.memory_space<semaphore_mem>>
      %dma_wait3A_342 = tpu.memref_squeeze %dma_wait3A_341 : memref<1x!tpu.dma_semaphore, #tpu.memory_space<semaphore_mem>> -> memref<!tpu.dma_semaphore, #tpu.memory_space<semaphore_mem>>
      tpu.wait_indirect_dma semaphore(%dma_wait3A_342 : memref<!tpu.dma_semaphore, #tpu.memory_space<semaphore_mem>>) src(%dma_wait3A_334 : memref<128x64xf32, #tpu.memory_space<vmem>>) dst(%dma_wait3A_340 : memref<10240x64xf32, #tpu.memory_space<vmem_shared>>)
      %dma_start3A_343 = arith.constant 0 : i32
      %dma_start3A_344 = arith.constant 0 : i32
      %dma_start3A_345 = arith.constant 0 : i32
      %dma_start3A_346 = arith.constant 0 : i32
      %dma_start3A_347 = tpu.memref_slice %arg8[%dma_start3A_343, %dma_start3A_345, %dma_start3A_346] : memref<4x128x64xf32, #tpu.memory_space<vmem>> -> memref<1x128x64xf32, #tpu.memory_space<vmem>>
      %dma_start3A_348 = tpu.memref_squeeze %dma_start3A_347 : memref<1x128x64xf32, #tpu.memory_space<vmem>> -> memref<128x64xf32, #tpu.memory_space<vmem>>
      %dma_start3A_349 = arith.constant 0 : i32
      %dma_start3A_350 = tpu.memref_slice %arg6[%add3A_327, %dma_start3A_349] : memref<160x128xi32, #tpu.memory_space<vmem>> -> memref<1x128xi32, #tpu.memory_space<vmem>>
      %dma_start3A_351 = tpu.memref_squeeze %dma_start3A_350 : memref<1x128xi32, #tpu.memory_space<vmem>> -> memref<128xi32, #tpu.memory_space<vmem>>
      %dma_start3A_352 = arith.constant 0 : i32
      %dma_start3A_353 = arith.constant 0 : i32
      %dma_start3A_354 = tpu.memref_slice %arg2[%arg0, %dma_start3A_352, %dma_start3A_353] : memref<2x10240x64xf32, #tpu.memory_space<hbm>> -> memref<1x10240x64xf32, #tpu.memory_space<hbm>>
      %dma_start3A_355 = tpu.memref_squeeze %dma_start3A_354 : memref<1x10240x64xf32, #tpu.memory_space<hbm>> -> memref<10240x64xf32, #tpu.memory_space<hbm>>
      %dma_start3A_356 = arith.constant 0 : i32
      %dma_start3A_357 = arith.constant 0 : i32
      %dma_start3A_358 = tpu.memref_slice %dma_start3A_355[%dma_start3A_356, %dma_start3A_357] : memref<10240x64xf32, #tpu.memory_space<hbm>> -> memref<10240x64xf32, #tpu.memory_space<hbm>>
      %dma_start3A_359 = tpu.memref_slice %arg10[%dma_start3A_344] : memref<4x!tpu.dma_semaphore, #tpu.memory_space<semaphore_mem>> -> memref<1x!tpu.dma_semaphore, #tpu.memory_space<semaphore_mem>>
      %dma_start3A_360 = tpu.memref_squeeze %dma_start3A_359 : memref<1x!tpu.dma_semaphore, #tpu.memory_space<semaphore_mem>> -> memref<!tpu.dma_semaphore, #tpu.memory_space<semaphore_mem>>
      tpu.enqueue_indirect_dma source(%dma_start3A_358 : memref<10240x64xf32, #tpu.memory_space<hbm>>) target(%dma_start3A_348 : memref<128x64xf32, #tpu.memory_space<vmem>>) offsets(%dma_start3A_351 : memref<128xi32, #tpu.memory_space<vmem>>) semaphore(%dma_start3A_360 : memref<!tpu.dma_semaphore, #tpu.memory_space<semaphore_mem>>)
      %mul3A_361 = arith.constant 4 : i32
      %mul3A_362 = arith.muli %scan3A_323, %mul3A_361 : i32
      %add3A_363 = arith.constant 1 : i32
      %add3A_364 = arith.addi %mul3A_362, %add3A_363 : i32
      %sub3A_365 = arith.constant 4 : i32
      %sub3A_366 = arith.subi %add3A_364, %sub3A_365 : i32
      %dma_wait3A_367 = arith.constant 1 : i32
      %dma_wait3A_368 = arith.constant 1 : i32
      %dma_wait3A_369 = arith.constant 0 : i32
      %dma_wait3A_370 = arith.constant 0 : i32
      %dma_wait3A_371 = tpu.memref_slice %arg8[%dma_wait3A_367, %dma_wait3A_369, %dma_wait3A_370] : memref<4x128x64xf32, #tpu.memory_space<vmem>> -> memref<1x128x64xf32, #tpu.memory_space<vmem>>
      %dma_wait3A_372 = tpu.memref_squeeze %dma_wait3A_371 : memref<1x128x64xf32, #tpu.memory_space<vmem>> -> memref<128x64xf32, #tpu.memory_space<vmem>>
      %dma_wait3A_373 = arith.constant 0 : i32
      %dma_wait3A_374 = tpu.memref_slice %arg7[%sub3A_366, %dma_wait3A_373] : memref<160x128xi32, #tpu.memory_space<vmem>> -> memref<1x128xi32, #tpu.memory_space<vmem>>
      %dma_wait3A_375 = tpu.memref_squeeze %dma_wait3A_374 : memref<1x128xi32, #tpu.memory_space<vmem>> -> memref<128xi32, #tpu.memory_space<vmem>>
      %dma_wait3A_376 = arith.constant 0 : i32
      %dma_wait3A_377 = arith.constant 0 : i32
      %dma_wait3A_378 = tpu.memref_slice %arg9[%dma_wait3A_376, %dma_wait3A_377] : memref<10240x64xf32, #tpu.memory_space<vmem_shared>> -> memref<10240x64xf32, #tpu.memory_space<vmem_shared>>
      %dma_wait3A_379 = tpu.memref_slice %arg11[%dma_wait3A_368] : memref<4x!tpu.dma_semaphore, #tpu.memory_space<semaphore_mem>> -> memref<1x!tpu.dma_semaphore, #tpu.memory_space<semaphore_mem>>
      %dma_wait3A_380 = tpu.memref_squeeze %dma_wait3A_379 : memref<1x!tpu.dma_semaphore, #tpu.memory_space<semaphore_mem>> -> memref<!tpu.dma_semaphore, #tpu.memory_space<semaphore_mem>>
      tpu.wait_indirect_dma semaphore(%dma_wait3A_380 : memref<!tpu.dma_semaphore, #tpu.memory_space<semaphore_mem>>) src(%dma_wait3A_372 : memref<128x64xf32, #tpu.memory_space<vmem>>) dst(%dma_wait3A_378 : memref<10240x64xf32, #tpu.memory_space<vmem_shared>>)
      %dma_start3A_381 = arith.constant 1 : i32
      %dma_start3A_382 = arith.constant 1 : i32
      %dma_start3A_383 = arith.constant 0 : i32
      %dma_start3A_384 = arith.constant 0 : i32
      %dma_start3A_385 = tpu.memref_slice %arg8[%dma_start3A_381, %dma_start3A_383, %dma_start3A_384] : memref<4x128x64xf32, #tpu.memory_space<vmem>> -> memref<1x128x64xf32, #tpu.memory_space<vmem>>
      %dma_start3A_386 = tpu.memref_squeeze %dma_start3A_385 : memref<1x128x64xf32, #tpu.memory_space<vmem>> -> memref<128x64xf32, #tpu.memory_space<vmem>>
      %dma_start3A_387 = arith.constant 0 : i32
      %dma_start3A_388 = tpu.memref_slice %arg6[%add3A_364, %dma_start3A_387] : memref<160x128xi32, #tpu.memory_space<vmem>> -> memref<1x128xi32, #tpu.memory_space<vmem>>
      %dma_start3A_389 = tpu.memref_squeeze %dma_start3A_388 : memref<1x128xi32, #tpu.memory_space<vmem>> -> memref<128xi32, #tpu.memory_space<vmem>>
      %dma_start3A_390 = arith.constant 0 : i32
      %dma_start3A_391 = arith.constant 0 : i32
      %dma_start3A_392 = tpu.memref_slice %arg2[%arg0, %dma_start3A_390, %dma_start3A_391] : memref<2x10240x64xf32, #tpu.memory_space<hbm>> -> memref<1x10240x64xf32, #tpu.memory_space<hbm>>
      %dma_start3A_393 = tpu.memref_squeeze %dma_start3A_392 : memref<1x10240x64xf32, #tpu.memory_space<hbm>> -> memref<10240x64xf32, #tpu.memory_space<hbm>>
      %dma_start3A_394 = arith.constant 0 : i32
      %dma_start3A_395 = arith.constant 0 : i32
      %dma_start3A_396 = tpu.memref_slice %dma_start3A_393[%dma_start3A_394, %dma_start3A_395] : memref<10240x64xf32, #tpu.memory_space<hbm>> -> memref<10240x64xf32, #tpu.memory_space<hbm>>
      %dma_start3A_397 = tpu.memref_slice %arg10[%dma_start3A_382] : memref<4x!tpu.dma_semaphore, #tpu.memory_space<semaphore_mem>> -> memref<1x!tpu.dma_semaphore, #tpu.memory_space<semaphore_mem>>
      %dma_start3A_398 = tpu.memref_squeeze %dma_start3A_397 : memref<1x!tpu.dma_semaphore, #tpu.memory_space<semaphore_mem>> -> memref<!tpu.dma_semaphore, #tpu.memory_space<semaphore_mem>>
      tpu.enqueue_indirect_dma source(%dma_start3A_396 : memref<10240x64xf32, #tpu.memory_space<hbm>>) target(%dma_start3A_386 : memref<128x64xf32, #tpu.memory_space<vmem>>) offsets(%dma_start3A_389 : memref<128xi32, #tpu.memory_space<vmem>>) semaphore(%dma_start3A_398 : memref<!tpu.dma_semaphore, #tpu.memory_space<semaphore_mem>>)
      %mul3A_399 = arith.constant 4 : i32
      %mul3A_400 = arith.muli %scan3A_323, %mul3A_399 : i32
      %add3A_401 = arith.constant 2 : i32
      %add3A_402 = arith.addi %mul3A_400, %add3A_401 : i32
      %sub3A_403 = arith.constant 4 : i32
      %sub3A_404 = arith.subi %add3A_402, %sub3A_403 : i32
      %dma_wait3A_405 = arith.constant 2 : i32
      %dma_wait3A_406 = arith.constant 2 : i32
      %dma_wait3A_407 = arith.constant 0 : i32
      %dma_wait3A_408 = arith.constant 0 : i32
      %dma_wait3A_409 = tpu.memref_slice %arg8[%dma_wait3A_405, %dma_wait3A_407, %dma_wait3A_408] : memref<4x128x64xf32, #tpu.memory_space<vmem>> -> memref<1x128x64xf32, #tpu.memory_space<vmem>>
      %dma_wait3A_410 = tpu.memref_squeeze %dma_wait3A_409 : memref<1x128x64xf32, #tpu.memory_space<vmem>> -> memref<128x64xf32, #tpu.memory_space<vmem>>
      %dma_wait3A_411 = arith.constant 0 : i32
      %dma_wait3A_412 = tpu.memref_slice %arg7[%sub3A_404, %dma_wait3A_411] : memref<160x128xi32, #tpu.memory_space<vmem>> -> memref<1x128xi32, #tpu.memory_space<vmem>>
      %dma_wait3A_413 = tpu.memref_squeeze %dma_wait3A_412 : memref<1x128xi32, #tpu.memory_space<vmem>> -> memref<128xi32, #tpu.memory_space<vmem>>
      %dma_wait3A_414 = arith.constant 0 : i32
      %dma_wait3A_415 = arith.constant 0 : i32
      %dma_wait3A_416 = tpu.memref_slice %arg9[%dma_wait3A_414, %dma_wait3A_415] : memref<10240x64xf32, #tpu.memory_space<vmem_shared>> -> memref<10240x64xf32, #tpu.memory_space<vmem_shared>>
      %dma_wait3A_417 = tpu.memref_slice %arg11[%dma_wait3A_406] : memref<4x!tpu.dma_semaphore, #tpu.memory_space<semaphore_mem>> -> memref<1x!tpu.dma_semaphore, #tpu.memory_space<semaphore_mem>>
      %dma_wait3A_418 = tpu.memref_squeeze %dma_wait3A_417 : memref<1x!tpu.dma_semaphore, #tpu.memory_space<semaphore_mem>> -> memref<!tpu.dma_semaphore, #tpu.memory_space<semaphore_mem>>
      tpu.wait_indirect_dma semaphore(%dma_wait3A_418 : memref<!tpu.dma_semaphore, #tpu.memory_space<semaphore_mem>>) src(%dma_wait3A_410 : memref<128x64xf32, #tpu.memory_space<vmem>>) dst(%dma_wait3A_416 : memref<10240x64xf32, #tpu.memory_space<vmem_shared>>)
      %dma_start3A_419 = arith.constant 2 : i32
      %dma_start3A_420 = arith.constant 2 : i32
      %dma_start3A_421 = arith.constant 0 : i32
      %dma_start3A_422 = arith.constant 0 : i32
      %dma_start3A_423 = tpu.memref_slice %arg8[%dma_start3A_419, %dma_start3A_421, %dma_start3A_422] : memref<4x128x64xf32, #tpu.memory_space<vmem>> -> memref<1x128x64xf32, #tpu.memory_space<vmem>>
      %dma_start3A_424 = tpu.memref_squeeze %dma_start3A_423 : memref<1x128x64xf32, #tpu.memory_space<vmem>> -> memref<128x64xf32, #tpu.memory_space<vmem>>
      %dma_start3A_425 = arith.constant 0 : i32
      %dma_start3A_426 = tpu.memref_slice %arg6[%add3A_402, %dma_start3A_425] : memref<160x128xi32, #tpu.memory_space<vmem>> -> memref<1x128xi32, #tpu.memory_space<vmem>>
      %dma_start3A_427 = tpu.memref_squeeze %dma_start3A_426 : memref<1x128xi32, #tpu.memory_space<vmem>> -> memref<128xi32, #tpu.memory_space<vmem>>
      %dma_start3A_428 = arith.constant 0 : i32
      %dma_start3A_429 = arith.constant 0 : i32
      %dma_start3A_430 = tpu.memref_slice %arg2[%arg0, %dma_start3A_428, %dma_start3A_429] : memref<2x10240x64xf32, #tpu.memory_space<hbm>> -> memref<1x10240x64xf32, #tpu.memory_space<hbm>>
      %dma_start3A_431 = tpu.memref_squeeze %dma_start3A_430 : memref<1x10240x64xf32, #tpu.memory_space<hbm>> -> memref<10240x64xf32, #tpu.memory_space<hbm>>
      %dma_start3A_432 = arith.constant 0 : i32
      %dma_start3A_433 = arith.constant 0 : i32
      %dma_start3A_434 = tpu.memref_slice %dma_start3A_431[%dma_start3A_432, %dma_start3A_433] : memref<10240x64xf32, #tpu.memory_space<hbm>> -> memref<10240x64xf32, #tpu.memory_space<hbm>>
      %dma_start3A_435 = tpu.memref_slice %arg10[%dma_start3A_420] : memref<4x!tpu.dma_semaphore, #tpu.memory_space<semaphore_mem>> -> memref<1x!tpu.dma_semaphore, #tpu.memory_space<semaphore_mem>>
      %dma_start3A_436 = tpu.memref_squeeze %dma_start3A_435 : memref<1x!tpu.dma_semaphore, #tpu.memory_space<semaphore_mem>> -> memref<!tpu.dma_semaphore, #tpu.memory_space<semaphore_mem>>
      tpu.enqueue_indirect_dma source(%dma_start3A_434 : memref<10240x64xf32, #tpu.memory_space<hbm>>) target(%dma_start3A_424 : memref<128x64xf32, #tpu.memory_space<vmem>>) offsets(%dma_start3A_427 : memref<128xi32, #tpu.memory_space<vmem>>) semaphore(%dma_start3A_436 : memref<!tpu.dma_semaphore, #tpu.memory_space<semaphore_mem>>)
      %mul3A_437 = arith.constant 4 : i32
      %mul3A_438 = arith.muli %scan3A_323, %mul3A_437 : i32
      %add3A_439 = arith.constant 3 : i32
      %add3A_440 = arith.addi %mul3A_438, %add3A_439 : i32
      %sub3A_441 = arith.constant 4 : i32
      %sub3A_442 = arith.subi %add3A_440, %sub3A_441 : i32
      %dma_wait3A_443 = arith.constant 3 : i32
      %dma_wait3A_444 = arith.constant 3 : i32
      %dma_wait3A_445 = arith.constant 0 : i32
      %dma_wait3A_446 = arith.constant 0 : i32
      %dma_wait3A_447 = tpu.memref_slice %arg8[%dma_wait3A_443, %dma_wait3A_445, %dma_wait3A_446] : memref<4x128x64xf32, #tpu.memory_space<vmem>> -> memref<1x128x64xf32, #tpu.memory_space<vmem>>
      %dma_wait3A_448 = tpu.memref_squeeze %dma_wait3A_447 : memref<1x128x64xf32, #tpu.memory_space<vmem>> -> memref<128x64xf32, #tpu.memory_space<vmem>>
      %dma_wait3A_449 = arith.constant 0 : i32
      %dma_wait3A_450 = tpu.memref_slice %arg7[%sub3A_442, %dma_wait3A_449] : memref<160x128xi32, #tpu.memory_space<vmem>> -> memref<1x128xi32, #tpu.memory_space<vmem>>
      %dma_wait3A_451 = tpu.memref_squeeze %dma_wait3A_450 : memref<1x128xi32, #tpu.memory_space<vmem>> -> memref<128xi32, #tpu.memory_space<vmem>>
      %dma_wait3A_452 = arith.constant 0 : i32
      %dma_wait3A_453 = arith.constant 0 : i32
      %dma_wait3A_454 = tpu.memref_slice %arg9[%dma_wait3A_452, %dma_wait3A_453] : memref<10240x64xf32, #tpu.memory_space<vmem_shared>> -> memref<10240x64xf32, #tpu.memory_space<vmem_shared>>
      %dma_wait3A_455 = tpu.memref_slice %arg11[%dma_wait3A_444] : memref<4x!tpu.dma_semaphore, #tpu.memory_space<semaphore_mem>> -> memref<1x!tpu.dma_semaphore, #tpu.memory_space<semaphore_mem>>
      %dma_wait3A_456 = tpu.memref_squeeze %dma_wait3A_455 : memref<1x!tpu.dma_semaphore, #tpu.memory_space<semaphore_mem>> -> memref<!tpu.dma_semaphore, #tpu.memory_space<semaphore_mem>>
      tpu.wait_indirect_dma semaphore(%dma_wait3A_456 : memref<!tpu.dma_semaphore, #tpu.memory_space<semaphore_mem>>) src(%dma_wait3A_448 : memref<128x64xf32, #tpu.memory_space<vmem>>) dst(%dma_wait3A_454 : memref<10240x64xf32, #tpu.memory_space<vmem_shared>>)
      %dma_start3A_457 = arith.constant 3 : i32
      %dma_start3A_458 = arith.constant 3 : i32
      %dma_start3A_459 = arith.constant 0 : i32
      %dma_start3A_460 = arith.constant 0 : i32
      %dma_start3A_461 = tpu.memref_slice %arg8[%dma_start3A_457, %dma_start3A_459, %dma_start3A_460] : memref<4x128x64xf32, #tpu.memory_space<vmem>> -> memref<1x128x64xf32, #tpu.memory_space<vmem>>
      %dma_start3A_462 = tpu.memref_squeeze %dma_start3A_461 : memref<1x128x64xf32, #tpu.memory_space<vmem>> -> memref<128x64xf32, #tpu.memory_space<vmem>>
      %dma_start3A_463 = arith.constant 0 : i32
      %dma_start3A_464 = tpu.memref_slice %arg6[%add3A_440, %dma_start3A_463] : memref<160x128xi32, #tpu.memory_space<vmem>> -> memref<1x128xi32, #tpu.memory_space<vmem>>
      %dma_start3A_465 = tpu.memref_squeeze %dma_start3A_464 : memref<1x128xi32, #tpu.memory_space<vmem>> -> memref<128xi32, #tpu.memory_space<vmem>>
      %dma_start3A_466 = arith.constant 0 : i32
      %dma_start3A_467 = arith.constant 0 : i32
      %dma_start3A_468 = tpu.memref_slice %arg2[%arg0, %dma_start3A_466, %dma_start3A_467] : memref<2x10240x64xf32, #tpu.memory_space<hbm>> -> memref<1x10240x64xf32, #tpu.memory_space<hbm>>
      %dma_start3A_469 = tpu.memref_squeeze %dma_start3A_468 : memref<1x10240x64xf32, #tpu.memory_space<hbm>> -> memref<10240x64xf32, #tpu.memory_space<hbm>>
      %dma_start3A_470 = arith.constant 0 : i32
      %dma_start3A_471 = arith.constant 0 : i32
      %dma_start3A_472 = tpu.memref_slice %dma_start3A_469[%dma_start3A_470, %dma_start3A_471] : memref<10240x64xf32, #tpu.memory_space<hbm>> -> memref<10240x64xf32, #tpu.memory_space<hbm>>
      %dma_start3A_473 = tpu.memref_slice %arg10[%dma_start3A_458] : memref<4x!tpu.dma_semaphore, #tpu.memory_space<semaphore_mem>> -> memref<1x!tpu.dma_semaphore, #tpu.memory_space<semaphore_mem>>
      %dma_start3A_474 = tpu.memref_squeeze %dma_start3A_473 : memref<1x!tpu.dma_semaphore, #tpu.memory_space<semaphore_mem>> -> memref<!tpu.dma_semaphore, #tpu.memory_space<semaphore_mem>>
      tpu.enqueue_indirect_dma source(%dma_start3A_472 : memref<10240x64xf32, #tpu.memory_space<hbm>>) target(%dma_start3A_462 : memref<128x64xf32, #tpu.memory_space<vmem>>) offsets(%dma_start3A_465 : memref<128xi32, #tpu.memory_space<vmem>>) semaphore(%dma_start3A_474 : memref<!tpu.dma_semaphore, #tpu.memory_space<semaphore_mem>>)
      %mul3A_475 = arith.constant 4 : i32
      %mul3A_476 = arith.muli %scan3A_323, %mul3A_475 : i32
      %add3A_477 = arith.constant 0 : i32
      %add3A_478 = arith.addi %mul3A_476, %add3A_477 : i32
      %dma_wait3A_479 = arith.constant 0 : i32
      %dma_wait3A_480 = arith.constant 0 : i32
      %dma_wait3A_481 = arith.constant 0 : i32
      %dma_wait3A_482 = arith.constant 0 : i32
      %dma_wait3A_483 = tpu.memref_slice %arg8[%dma_wait3A_479, %dma_wait3A_481, %dma_wait3A_482] : memref<4x128x64xf32, #tpu.memory_space<vmem>> -> memref<1x128x64xf32, #tpu.memory_space<vmem>>
      %dma_wait3A_484 = tpu.memref_squeeze %dma_wait3A_483 : memref<1x128x64xf32, #tpu.memory_space<vmem>> -> memref<128x64xf32, #tpu.memory_space<vmem>>
      %dma_wait3A_485 = arith.constant 0 : i32
      %dma_wait3A_486 = tpu.memref_slice %arg6[%add3A_478, %dma_wait3A_485] : memref<160x128xi32, #tpu.memory_space<vmem>> -> memref<1x128xi32, #tpu.memory_space<vmem>>
      %dma_wait3A_487 = tpu.memref_squeeze %dma_wait3A_486 : memref<1x128xi32, #tpu.memory_space<vmem>> -> memref<128xi32, #tpu.memory_space<vmem>>
      %dma_wait3A_488 = arith.constant 0 : i32
      %dma_wait3A_489 = arith.constant 0 : i32
      %dma_wait3A_490 = tpu.memref_slice %arg2[%arg0, %dma_wait3A_488, %dma_wait3A_489] : memref<2x10240x64xf32, #tpu.memory_space<hbm>> -> memref<1x10240x64xf32, #tpu.memory_space<hbm>>
      %dma_wait3A_491 = tpu.memref_squeeze %dma_wait3A_490 : memref<1x10240x64xf32, #tpu.memory_space<hbm>> -> memref<10240x64xf32, #tpu.memory_space<hbm>>
      %dma_wait3A_492 = arith.constant 0 : i32
      %dma_wait3A_493 = arith.constant 0 : i32
      %dma_wait3A_494 = tpu.memref_slice %dma_wait3A_491[%dma_wait3A_492, %dma_wait3A_493] : memref<10240x64xf32, #tpu.memory_space<hbm>> -> memref<10240x64xf32, #tpu.memory_space<hbm>>
      %dma_wait3A_495 = tpu.memref_slice %arg10[%dma_wait3A_480] : memref<4x!tpu.dma_semaphore, #tpu.memory_space<semaphore_mem>> -> memref<1x!tpu.dma_semaphore, #tpu.memory_space<semaphore_mem>>
      %dma_wait3A_496 = tpu.memref_squeeze %dma_wait3A_495 : memref<1x!tpu.dma_semaphore, #tpu.memory_space<semaphore_mem>> -> memref<!tpu.dma_semaphore, #tpu.memory_space<semaphore_mem>>
      tpu.wait_indirect_dma semaphore(%dma_wait3A_496 : memref<!tpu.dma_semaphore, #tpu.memory_space<semaphore_mem>>) src(%dma_wait3A_494 : memref<10240x64xf32, #tpu.memory_space<hbm>>) dst(%dma_wait3A_484 : memref<128x64xf32, #tpu.memory_space<vmem>>)
      %dma_start3A_497 = arith.constant 0 : i32
      %dma_start3A_498 = arith.constant 0 : i32
      %dma_start3A_499 = arith.constant 0 : i32
      %dma_start3A_500 = arith.constant 0 : i32
      %dma_start3A_501 = tpu.memref_slice %arg8[%dma_start3A_497, %dma_start3A_499, %dma_start3A_500] : memref<4x128x64xf32, #tpu.memory_space<vmem>> -> memref<1x128x64xf32, #tpu.memory_space<vmem>>
      %dma_start3A_502 = tpu.memref_squeeze %dma_start3A_501 : memref<1x128x64xf32, #tpu.memory_space<vmem>> -> memref<128x64xf32, #tpu.memory_space<vmem>>
      %dma_start3A_503 = arith.constant 0 : i32
      %dma_start3A_504 = tpu.memref_slice %arg7[%add3A_478, %dma_start3A_503] : memref<160x128xi32, #tpu.memory_space<vmem>> -> memref<1x128xi32, #tpu.memory_space<vmem>>
      %dma_start3A_505 = tpu.memref_squeeze %dma_start3A_504 : memref<1x128xi32, #tpu.memory_space<vmem>> -> memref<128xi32, #tpu.memory_space<vmem>>
      %dma_start3A_506 = arith.constant 0 : i32
      %dma_start3A_507 = arith.constant 0 : i32
      %dma_start3A_508 = tpu.memref_slice %arg9[%dma_start3A_506, %dma_start3A_507] : memref<10240x64xf32, #tpu.memory_space<vmem_shared>> -> memref<10240x64xf32, #tpu.memory_space<vmem_shared>>
      %dma_start3A_509 = tpu.memref_slice %arg11[%dma_start3A_498] : memref<4x!tpu.dma_semaphore, #tpu.memory_space<semaphore_mem>> -> memref<1x!tpu.dma_semaphore, #tpu.memory_space<semaphore_mem>>
      %dma_start3A_510 = tpu.memref_squeeze %dma_start3A_509 : memref<1x!tpu.dma_semaphore, #tpu.memory_space<semaphore_mem>> -> memref<!tpu.dma_semaphore, #tpu.memory_space<semaphore_mem>>
      tpu.enqueue_indirect_dma source(%dma_start3A_502 : memref<128x64xf32, #tpu.memory_space<vmem>>) target(%dma_start3A_508 : memref<10240x64xf32, #tpu.memory_space<vmem_shared>>) offsets(%dma_start3A_505 : memref<128xi32, #tpu.memory_space<vmem>>) semaphore(%dma_start3A_510 : memref<!tpu.dma_semaphore, #tpu.memory_space<semaphore_mem>>) {add = true}
      %mul3A_511 = arith.constant 4 : i32
      %mul3A_512 = arith.muli %scan3A_323, %mul3A_511 : i32
      %add3A_513 = arith.constant 1 : i32
      %add3A_514 = arith.addi %mul3A_512, %add3A_513 : i32
      %dma_wait3A_515 = arith.constant 1 : i32
      %dma_wait3A_516 = arith.constant 1 : i32
      %dma_wait3A_517 = arith.constant 0 : i32
      %dma_wait3A_518 = arith.constant 0 : i32
      %dma_wait3A_519 = tpu.memref_slice %arg8[%dma_wait3A_515, %dma_wait3A_517, %dma_wait3A_518] : memref<4x128x64xf32, #tpu.memory_space<vmem>> -> memref<1x128x64xf32, #tpu.memory_space<vmem>>
      %dma_wait3A_520 = tpu.memref_squeeze %dma_wait3A_519 : memref<1x128x64xf32, #tpu.memory_space<vmem>> -> memref<128x64xf32, #tpu.memory_space<vmem>>
      %dma_wait3A_521 = arith.constant 0 : i32
      %dma_wait3A_522 = tpu.memref_slice %arg6[%add3A_514, %dma_wait3A_521] : memref<160x128xi32, #tpu.memory_space<vmem>> -> memref<1x128xi32, #tpu.memory_space<vmem>>
      %dma_wait3A_523 = tpu.memref_squeeze %dma_wait3A_522 : memref<1x128xi32, #tpu.memory_space<vmem>> -> memref<128xi32, #tpu.memory_space<vmem>>
      %dma_wait3A_524 = arith.constant 0 : i32
      %dma_wait3A_525 = arith.constant 0 : i32
      %dma_wait3A_526 = tpu.memref_slice %arg2[%arg0, %dma_wait3A_524, %dma_wait3A_525] : memref<2x10240x64xf32, #tpu.memory_space<hbm>> -> memref<1x10240x64xf32, #tpu.memory_space<hbm>>
      %dma_wait3A_527 = tpu.memref_squeeze %dma_wait3A_526 : memref<1x10240x64xf32, #tpu.memory_space<hbm>> -> memref<10240x64xf32, #tpu.memory_space<hbm>>
      %dma_wait3A_528 = arith.constant 0 : i32
      %dma_wait3A_529 = arith.constant 0 : i32
      %dma_wait3A_530 = tpu.memref_slice %dma_wait3A_527[%dma_wait3A_528, %dma_wait3A_529] : memref<10240x64xf32, #tpu.memory_space<hbm>> -> memref<10240x64xf32, #tpu.memory_space<hbm>>
      %dma_wait3A_531 = tpu.memref_slice %arg10[%dma_wait3A_516] : memref<4x!tpu.dma_semaphore, #tpu.memory_space<semaphore_mem>> -> memref<1x!tpu.dma_semaphore, #tpu.memory_space<semaphore_mem>>
      %dma_wait3A_532 = tpu.memref_squeeze %dma_wait3A_531 : memref<1x!tpu.dma_semaphore, #tpu.memory_space<semaphore_mem>> -> memref<!tpu.dma_semaphore, #tpu.memory_space<semaphore_mem>>
      tpu.wait_indirect_dma semaphore(%dma_wait3A_532 : memref<!tpu.dma_semaphore, #tpu.memory_space<semaphore_mem>>) src(%dma_wait3A_530 : memref<10240x64xf32, #tpu.memory_space<hbm>>) dst(%dma_wait3A_520 : memref<128x64xf32, #tpu.memory_space<vmem>>)
      %dma_start3A_533 = arith.constant 1 : i32
      %dma_start3A_534 = arith.constant 1 : i32
      %dma_start3A_535 = arith.constant 0 : i32
      %dma_start3A_536 = arith.constant 0 : i32
      %dma_start3A_537 = tpu.memref_slice %arg8[%dma_start3A_533, %dma_start3A_535, %dma_start3A_536] : memref<4x128x64xf32, #tpu.memory_space<vmem>> -> memref<1x128x64xf32, #tpu.memory_space<vmem>>
      %dma_start3A_538 = tpu.memref_squeeze %dma_start3A_537 : memref<1x128x64xf32, #tpu.memory_space<vmem>> -> memref<128x64xf32, #tpu.memory_space<vmem>>
      %dma_start3A_539 = arith.constant 0 : i32
      %dma_start3A_540 = tpu.memref_slice %arg7[%add3A_514, %dma_start3A_539] : memref<160x128xi32, #tpu.memory_space<vmem>> -> memref<1x128xi32, #tpu.memory_space<vmem>>
      %dma_start3A_541 = tpu.memref_squeeze %dma_start3A_540 : memref<1x128xi32, #tpu.memory_space<vmem>> -> memref<128xi32, #tpu.memory_space<vmem>>
      %dma_start3A_542 = arith.constant 0 : i32
      %dma_start3A_543 = arith.constant 0 : i32
      %dma_start3A_544 = tpu.memref_slice %arg9[%dma_start3A_542, %dma_start3A_543] : memref<10240x64xf32, #tpu.memory_space<vmem_shared>> -> memref<10240x64xf32, #tpu.memory_space<vmem_shared>>
      %dma_start3A_545 = tpu.memref_slice %arg11[%dma_start3A_534] : memref<4x!tpu.dma_semaphore, #tpu.memory_space<semaphore_mem>> -> memref<1x!tpu.dma_semaphore, #tpu.memory_space<semaphore_mem>>
      %dma_start3A_546 = tpu.memref_squeeze %dma_start3A_545 : memref<1x!tpu.dma_semaphore, #tpu.memory_space<semaphore_mem>> -> memref<!tpu.dma_semaphore, #tpu.memory_space<semaphore_mem>>
      tpu.enqueue_indirect_dma source(%dma_start3A_538 : memref<128x64xf32, #tpu.memory_space<vmem>>) target(%dma_start3A_544 : memref<10240x64xf32, #tpu.memory_space<vmem_shared>>) offsets(%dma_start3A_541 : memref<128xi32, #tpu.memory_space<vmem>>) semaphore(%dma_start3A_546 : memref<!tpu.dma_semaphore, #tpu.memory_space<semaphore_mem>>) {add = true}
      %mul3A_547 = arith.constant 4 : i32
      %mul3A_548 = arith.muli %scan3A_323, %mul3A_547 : i32
      %add3A_549 = arith.constant 2 : i32
      %add3A_550 = arith.addi %mul3A_548, %add3A_549 : i32
      %dma_wait3A_551 = arith.constant 2 : i32
      %dma_wait3A_552 = arith.constant 2 : i32
      %dma_wait3A_553 = arith.constant 0 : i32
      %dma_wait3A_554 = arith.constant 0 : i32
      %dma_wait3A_555 = tpu.memref_slice %arg8[%dma_wait3A_551, %dma_wait3A_553, %dma_wait3A_554] : memref<4x128x64xf32, #tpu.memory_space<vmem>> -> memref<1x128x64xf32, #tpu.memory_space<vmem>>
      %dma_wait3A_556 = tpu.memref_squeeze %dma_wait3A_555 : memref<1x128x64xf32, #tpu.memory_space<vmem>> -> memref<128x64xf32, #tpu.memory_space<vmem>>
      %dma_wait3A_557 = arith.constant 0 : i32
      %dma_wait3A_558 = tpu.memref_slice %arg6[%add3A_550, %dma_wait3A_557] : memref<160x128xi32, #tpu.memory_space<vmem>> -> memref<1x128xi32, #tpu.memory_space<vmem>>
      %dma_wait3A_559 = tpu.memref_squeeze %dma_wait3A_558 : memref<1x128xi32, #tpu.memory_space<vmem>> -> memref<128xi32, #tpu.memory_space<vmem>>
      %dma_wait3A_560 = arith.constant 0 : i32
      %dma_wait3A_561 = arith.constant 0 : i32
      %dma_wait3A_562 = tpu.memref_slice %arg2[%arg0, %dma_wait3A_560, %dma_wait3A_561] : memref<2x10240x64xf32, #tpu.memory_space<hbm>> -> memref<1x10240x64xf32, #tpu.memory_space<hbm>>
      %dma_wait3A_563 = tpu.memref_squeeze %dma_wait3A_562 : memref<1x10240x64xf32, #tpu.memory_space<hbm>> -> memref<10240x64xf32, #tpu.memory_space<hbm>>
      %dma_wait3A_564 = arith.constant 0 : i32
      %dma_wait3A_565 = arith.constant 0 : i32
      %dma_wait3A_566 = tpu.memref_slice %dma_wait3A_563[%dma_wait3A_564, %dma_wait3A_565] : memref<10240x64xf32, #tpu.memory_space<hbm>> -> memref<10240x64xf32, #tpu.memory_space<hbm>>
      %dma_wait3A_567 = tpu.memref_slice %arg10[%dma_wait3A_552] : memref<4x!tpu.dma_semaphore, #tpu.memory_space<semaphore_mem>> -> memref<1x!tpu.dma_semaphore, #tpu.memory_space<semaphore_mem>>
      %dma_wait3A_568 = tpu.memref_squeeze %dma_wait3A_567 : memref<1x!tpu.dma_semaphore, #tpu.memory_space<semaphore_mem>> -> memref<!tpu.dma_semaphore, #tpu.memory_space<semaphore_mem>>
      tpu.wait_indirect_dma semaphore(%dma_wait3A_568 : memref<!tpu.dma_semaphore, #tpu.memory_space<semaphore_mem>>) src(%dma_wait3A_566 : memref<10240x64xf32, #tpu.memory_space<hbm>>) dst(%dma_wait3A_556 : memref<128x64xf32, #tpu.memory_space<vmem>>)
      %dma_start3A_569 = arith.constant 2 : i32
      %dma_start3A_570 = arith.constant 2 : i32
      %dma_start3A_571 = arith.constant 0 : i32
      %dma_start3A_572 = arith.constant 0 : i32
      %dma_start3A_573 = tpu.memref_slice %arg8[%dma_start3A_569, %dma_start3A_571, %dma_start3A_572] : memref<4x128x64xf32, #tpu.memory_space<vmem>> -> memref<1x128x64xf32, #tpu.memory_space<vmem>>
      %dma_start3A_574 = tpu.memref_squeeze %dma_start3A_573 : memref<1x128x64xf32, #tpu.memory_space<vmem>> -> memref<128x64xf32, #tpu.memory_space<vmem>>
      %dma_start3A_575 = arith.constant 0 : i32
      %dma_start3A_576 = tpu.memref_slice %arg7[%add3A_550, %dma_start3A_575] : memref<160x128xi32, #tpu.memory_space<vmem>> -> memref<1x128xi32, #tpu.memory_space<vmem>>
      %dma_start3A_577 = tpu.memref_squeeze %dma_start3A_576 : memref<1x128xi32, #tpu.memory_space<vmem>> -> memref<128xi32, #tpu.memory_space<vmem>>
      %dma_start3A_578 = arith.constant 0 : i32
      %dma_start3A_579 = arith.constant 0 : i32
      %dma_start3A_580 = tpu.memref_slice %arg9[%dma_start3A_578, %dma_start3A_579] : memref<10240x64xf32, #tpu.memory_space<vmem_shared>> -> memref<10240x64xf32, #tpu.memory_space<vmem_shared>>
      %dma_start3A_581 = tpu.memref_slice %arg11[%dma_start3A_570] : memref<4x!tpu.dma_semaphore, #tpu.memory_space<semaphore_mem>> -> memref<1x!tpu.dma_semaphore, #tpu.memory_space<semaphore_mem>>
      %dma_start3A_582 = tpu.memref_squeeze %dma_start3A_581 : memref<1x!tpu.dma_semaphore, #tpu.memory_space<semaphore_mem>> -> memref<!tpu.dma_semaphore, #tpu.memory_space<semaphore_mem>>
      tpu.enqueue_indirect_dma source(%dma_start3A_574 : memref<128x64xf32, #tpu.memory_space<vmem>>) target(%dma_start3A_580 : memref<10240x64xf32, #tpu.memory_space<vmem_shared>>) offsets(%dma_start3A_577 : memref<128xi32, #tpu.memory_space<vmem>>) semaphore(%dma_start3A_582 : memref<!tpu.dma_semaphore, #tpu.memory_space<semaphore_mem>>) {add = true}
      %mul3A_583 = arith.constant 4 : i32
      %mul3A_584 = arith.muli %scan3A_323, %mul3A_583 : i32
      %add3A_585 = arith.constant 3 : i32
      %add3A_586 = arith.addi %mul3A_584, %add3A_585 : i32
      %dma_wait3A_587 = arith.constant 3 : i32
      %dma_wait3A_588 = arith.constant 3 : i32
      %dma_wait3A_589 = arith.constant 0 : i32
      %dma_wait3A_590 = arith.constant 0 : i32
      %dma_wait3A_591 = tpu.memref_slice %arg8[%dma_wait3A_587, %dma_wait3A_589, %dma_wait3A_590] : memref<4x128x64xf32, #tpu.memory_space<vmem>> -> memref<1x128x64xf32, #tpu.memory_space<vmem>>
      %dma_wait3A_592 = tpu.memref_squeeze %dma_wait3A_591 : memref<1x128x64xf32, #tpu.memory_space<vmem>> -> memref<128x64xf32, #tpu.memory_space<vmem>>
      %dma_wait3A_593 = arith.constant 0 : i32
      %dma_wait3A_594 = tpu.memref_slice %arg6[%add3A_586, %dma_wait3A_593] : memref<160x128xi32, #tpu.memory_space<vmem>> -> memref<1x128xi32, #tpu.memory_space<vmem>>
      %dma_wait3A_595 = tpu.memref_squeeze %dma_wait3A_594 : memref<1x128xi32, #tpu.memory_space<vmem>> -> memref<128xi32, #tpu.memory_space<vmem>>
      %dma_wait3A_596 = arith.constant 0 : i32
      %dma_wait3A_597 = arith.constant 0 : i32
      %dma_wait3A_598 = tpu.memref_slice %arg2[%arg0, %dma_wait3A_596, %dma_wait3A_597] : memref<2x10240x64xf32, #tpu.memory_space<hbm>> -> memref<1x10240x64xf32, #tpu.memory_space<hbm>>
      %dma_wait3A_599 = tpu.memref_squeeze %dma_wait3A_598 : memref<1x10240x64xf32, #tpu.memory_space<hbm>> -> memref<10240x64xf32, #tpu.memory_space<hbm>>
      %dma_wait3A_600 = arith.constant 0 : i32
      %dma_wait3A_601 = arith.constant 0 : i32
      %dma_wait3A_602 = tpu.memref_slice %dma_wait3A_599[%dma_wait3A_600, %dma_wait3A_601] : memref<10240x64xf32, #tpu.memory_space<hbm>> -> memref<10240x64xf32, #tpu.memory_space<hbm>>
      %dma_wait3A_603 = tpu.memref_slice %arg10[%dma_wait3A_588] : memref<4x!tpu.dma_semaphore, #tpu.memory_space<semaphore_mem>> -> memref<1x!tpu.dma_semaphore, #tpu.memory_space<semaphore_mem>>
      %dma_wait3A_604 = tpu.memref_squeeze %dma_wait3A_603 : memref<1x!tpu.dma_semaphore, #tpu.memory_space<semaphore_mem>> -> memref<!tpu.dma_semaphore, #tpu.memory_space<semaphore_mem>>
      tpu.wait_indirect_dma semaphore(%dma_wait3A_604 : memref<!tpu.dma_semaphore, #tpu.memory_space<semaphore_mem>>) src(%dma_wait3A_602 : memref<10240x64xf32, #tpu.memory_space<hbm>>) dst(%dma_wait3A_592 : memref<128x64xf32, #tpu.memory_space<vmem>>)
      %dma_start3A_605 = arith.constant 3 : i32
      %dma_start3A_606 = arith.constant 3 : i32
      %dma_start3A_607 = arith.constant 0 : i32
      %dma_start3A_608 = arith.constant 0 : i32
      %dma_start3A_609 = tpu.memref_slice %arg8[%dma_start3A_605, %dma_start3A_607, %dma_start3A_608] : memref<4x128x64xf32, #tpu.memory_space<vmem>> -> memref<1x128x64xf32, #tpu.memory_space<vmem>>
      %dma_start3A_610 = tpu.memref_squeeze %dma_start3A_609 : memref<1x128x64xf32, #tpu.memory_space<vmem>> -> memref<128x64xf32, #tpu.memory_space<vmem>>
      %dma_start3A_611 = arith.constant 0 : i32
      %dma_start3A_612 = tpu.memref_slice %arg7[%add3A_586, %dma_start3A_611] : memref<160x128xi32, #tpu.memory_space<vmem>> -> memref<1x128xi32, #tpu.memory_space<vmem>>
      %dma_start3A_613 = tpu.memref_squeeze %dma_start3A_612 : memref<1x128xi32, #tpu.memory_space<vmem>> -> memref<128xi32, #tpu.memory_space<vmem>>
      %dma_start3A_614 = arith.constant 0 : i32
      %dma_start3A_615 = arith.constant 0 : i32
      %dma_start3A_616 = tpu.memref_slice %arg9[%dma_start3A_614, %dma_start3A_615] : memref<10240x64xf32, #tpu.memory_space<vmem_shared>> -> memref<10240x64xf32, #tpu.memory_space<vmem_shared>>
      %dma_start3A_617 = tpu.memref_slice %arg11[%dma_start3A_606] : memref<4x!tpu.dma_semaphore, #tpu.memory_space<semaphore_mem>> -> memref<1x!tpu.dma_semaphore, #tpu.memory_space<semaphore_mem>>
      %dma_start3A_618 = tpu.memref_squeeze %dma_start3A_617 : memref<1x!tpu.dma_semaphore, #tpu.memory_space<semaphore_mem>> -> memref<!tpu.dma_semaphore, #tpu.memory_space<semaphore_mem>>
      tpu.enqueue_indirect_dma source(%dma_start3A_610 : memref<128x64xf32, #tpu.memory_space<vmem>>) target(%dma_start3A_616 : memref<10240x64xf32, #tpu.memory_space<vmem_shared>>) offsets(%dma_start3A_613 : memref<128xi32, #tpu.memory_space<vmem>>) semaphore(%dma_start3A_618 : memref<!tpu.dma_semaphore, #tpu.memory_space<semaphore_mem>>) {add = true}
    }
    %scan3A_241 = arith.constant 39 : i32
    %dma_wait3A_242 = arith.constant 0 : i32
    %dma_wait3A_243 = arith.constant 156 : i32
    %dma_wait3A_244 = arith.constant 0 : i32
    %dma_wait3A_245 = arith.constant 0 : i32
    %dma_wait3A_246 = arith.constant 0 : i32
    %dma_wait3A_247 = tpu.memref_slice %arg8[%dma_wait3A_242, %dma_wait3A_245, %dma_wait3A_246] : memref<4x128x64xf32, #tpu.memory_space<vmem>> -> memref<1x128x64xf32, #tpu.memory_space<vmem>>
    %dma_wait3A_248 = tpu.memref_squeeze %dma_wait3A_247 : memref<1x128x64xf32, #tpu.memory_space<vmem>> -> memref<128x64xf32, #tpu.memory_space<vmem>>
    %dma_wait3A_249 = arith.constant 0 : i32
    %dma_wait3A_250 = tpu.memref_slice %arg7[%dma_wait3A_243, %dma_wait3A_249] : memref<160x128xi32, #tpu.memory_space<vmem>> -> memref<1x128xi32, #tpu.memory_space<vmem>>
    %dma_wait3A_251 = tpu.memref_squeeze %dma_wait3A_250 : memref<1x128xi32, #tpu.memory_space<vmem>> -> memref<128xi32, #tpu.memory_space<vmem>>
    %dma_wait3A_252 = arith.constant 0 : i32
    %dma_wait3A_253 = arith.constant 0 : i32
    %dma_wait3A_254 = tpu.memref_slice %arg9[%dma_wait3A_252, %dma_wait3A_253] : memref<10240x64xf32, #tpu.memory_space<vmem_shared>> -> memref<10240x64xf32, #tpu.memory_space<vmem_shared>>
    %dma_wait3A_255 = tpu.memref_slice %arg11[%dma_wait3A_244] : memref<4x!tpu.dma_semaphore, #tpu.memory_space<semaphore_mem>> -> memref<1x!tpu.dma_semaphore, #tpu.memory_space<semaphore_mem>>
    %dma_wait3A_256 = tpu.memref_squeeze %dma_wait3A_255 : memref<1x!tpu.dma_semaphore, #tpu.memory_space<semaphore_mem>> -> memref<!tpu.dma_semaphore, #tpu.memory_space<semaphore_mem>>
    tpu.wait_indirect_dma semaphore(%dma_wait3A_256 : memref<!tpu.dma_semaphore, #tpu.memory_space<semaphore_mem>>) src(%dma_wait3A_248 : memref<128x64xf32, #tpu.memory_space<vmem>>) dst(%dma_wait3A_254 : memref<10240x64xf32, #tpu.memory_space<vmem_shared>>)
    %dma_wait3A_257 = arith.constant 1 : i32
    %dma_wait3A_258 = arith.constant 157 : i32
    %dma_wait3A_259 = arith.constant 1 : i32
    %dma_wait3A_260 = arith.constant 0 : i32
    %dma_wait3A_261 = arith.constant 0 : i32
    %dma_wait3A_262 = tpu.memref_slice %arg8[%dma_wait3A_257, %dma_wait3A_260, %dma_wait3A_261] : memref<4x128x64xf32, #tpu.memory_space<vmem>> -> memref<1x128x64xf32, #tpu.memory_space<vmem>>
    %dma_wait3A_263 = tpu.memref_squeeze %dma_wait3A_262 : memref<1x128x64xf32, #tpu.memory_space<vmem>> -> memref<128x64xf32, #tpu.memory_space<vmem>>
    %dma_wait3A_264 = arith.constant 0 : i32
    %dma_wait3A_265 = tpu.memref_slice %arg7[%dma_wait3A_258, %dma_wait3A_264] : memref<160x128xi32, #tpu.memory_space<vmem>> -> memref<1x128xi32, #tpu.memory_space<vmem>>
    %dma_wait3A_266 = tpu.memref_squeeze %dma_wait3A_265 : memref<1x128xi32, #tpu.memory_space<vmem>> -> memref<128xi32, #tpu.memory_space<vmem>>
    %dma_wait3A_267 = arith.constant 0 : i32
    %dma_wait3A_268 = arith.constant 0 : i32
    %dma_wait3A_269 = tpu.memref_slice %arg9[%dma_wait3A_267, %dma_wait3A_268] : memref<10240x64xf32, #tpu.memory_space<vmem_shared>> -> memref<10240x64xf32, #tpu.memory_space<vmem_shared>>
    %dma_wait3A_270 = tpu.memref_slice %arg11[%dma_wait3A_259] : memref<4x!tpu.dma_semaphore, #tpu.memory_space<semaphore_mem>> -> memref<1x!tpu.dma_semaphore, #tpu.memory_space<semaphore_mem>>
    %dma_wait3A_271 = tpu.memref_squeeze %dma_wait3A_270 : memref<1x!tpu.dma_semaphore, #tpu.memory_space<semaphore_mem>> -> memref<!tpu.dma_semaphore, #tpu.memory_space<semaphore_mem>>
    tpu.wait_indirect_dma semaphore(%dma_wait3A_271 : memref<!tpu.dma_semaphore, #tpu.memory_space<semaphore_mem>>) src(%dma_wait3A_263 : memref<128x64xf32, #tpu.memory_space<vmem>>) dst(%dma_wait3A_269 : memref<10240x64xf32, #tpu.memory_space<vmem_shared>>)
    %dma_wait3A_272 = arith.constant 2 : i32
    %dma_wait3A_273 = arith.constant 158 : i32
    %dma_wait3A_274 = arith.constant 2 : i32
    %dma_wait3A_275 = arith.constant 0 : i32
    %dma_wait3A_276 = arith.constant 0 : i32
    %dma_wait3A_277 = tpu.memref_slice %arg8[%dma_wait3A_272, %dma_wait3A_275, %dma_wait3A_276] : memref<4x128x64xf32, #tpu.memory_space<vmem>> -> memref<1x128x64xf32, #tpu.memory_space<vmem>>
    %dma_wait3A_278 = tpu.memref_squeeze %dma_wait3A_277 : memref<1x128x64xf32, #tpu.memory_space<vmem>> -> memref<128x64xf32, #tpu.memory_space<vmem>>
    %dma_wait3A_279 = arith.constant 0 : i32
    %dma_wait3A_280 = tpu.memref_slice %arg7[%dma_wait3A_273, %dma_wait3A_279] : memref<160x128xi32, #tpu.memory_space<vmem>> -> memref<1x128xi32, #tpu.memory_space<vmem>>
    %dma_wait3A_281 = tpu.memref_squeeze %dma_wait3A_280 : memref<1x128xi32, #tpu.memory_space<vmem>> -> memref<128xi32, #tpu.memory_space<vmem>>
    %dma_wait3A_282 = arith.constant 0 : i32
    %dma_wait3A_283 = arith.constant 0 : i32
    %dma_wait3A_284 = tpu.memref_slice %arg9[%dma_wait3A_282, %dma_wait3A_283] : memref<10240x64xf32, #tpu.memory_space<vmem_shared>> -> memref<10240x64xf32, #tpu.memory_space<vmem_shared>>
    %dma_wait3A_285 = tpu.memref_slice %arg11[%dma_wait3A_274] : memref<4x!tpu.dma_semaphore, #tpu.memory_space<semaphore_mem>> -> memref<1x!tpu.dma_semaphore, #tpu.memory_space<semaphore_mem>>
    %dma_wait3A_286 = tpu.memref_squeeze %dma_wait3A_285 : memref<1x!tpu.dma_semaphore, #tpu.memory_space<semaphore_mem>> -> memref<!tpu.dma_semaphore, #tpu.memory_space<semaphore_mem>>
    tpu.wait_indirect_dma semaphore(%dma_wait3A_286 : memref<!tpu.dma_semaphore, #tpu.memory_space<semaphore_mem>>) src(%dma_wait3A_278 : memref<128x64xf32, #tpu.memory_space<vmem>>) dst(%dma_wait3A_284 : memref<10240x64xf32, #tpu.memory_space<vmem_shared>>)
    %dma_wait3A_287 = arith.constant 3 : i32
    %dma_wait3A_288 = arith.constant 159 : i32
    %dma_wait3A_289 = arith.constant 3 : i32
    %dma_wait3A_290 = arith.constant 0 : i32
    %dma_wait3A_291 = arith.constant 0 : i32
    %dma_wait3A_292 = tpu.memref_slice %arg8[%dma_wait3A_287, %dma_wait3A_290, %dma_wait3A_291] : memref<4x128x64xf32, #tpu.memory_space<vmem>> -> memref<1x128x64xf32, #tpu.memory_space<vmem>>
    %dma_wait3A_293 = tpu.memref_squeeze %dma_wait3A_292 : memref<1x128x64xf32, #tpu.memory_space<vmem>> -> memref<128x64xf32, #tpu.memory_space<vmem>>
    %dma_wait3A_294 = arith.constant 0 : i32
    %dma_wait3A_295 = tpu.memref_slice %arg7[%dma_wait3A_288, %dma_wait3A_294] : memref<160x128xi32, #tpu.memory_space<vmem>> -> memref<1x128xi32, #tpu.memory_space<vmem>>
    %dma_wait3A_296 = tpu.memref_squeeze %dma_wait3A_295 : memref<1x128xi32, #tpu.memory_space<vmem>> -> memref<128xi32, #tpu.memory_space<vmem>>
    %dma_wait3A_297 = arith.constant 0 : i32
    %dma_wait3A_298 = arith.constant 0 : i32
    %dma_wait3A_299 = tpu.memref_slice %arg9[%dma_wait3A_297, %dma_wait3A_298] : memref<10240x64xf32, #tpu.memory_space<vmem_shared>> -> memref<10240x64xf32, #tpu.memory_space<vmem_shared>>
    %dma_wait3A_300 = tpu.memref_slice %arg11[%dma_wait3A_289] : memref<4x!tpu.dma_semaphore, #tpu.memory_space<semaphore_mem>> -> memref<1x!tpu.dma_semaphore, #tpu.memory_space<semaphore_mem>>
    %dma_wait3A_301 = tpu.memref_squeeze %dma_wait3A_300 : memref<1x!tpu.dma_semaphore, #tpu.memory_space<semaphore_mem>> -> memref<!tpu.dma_semaphore, #tpu.memory_space<semaphore_mem>>
    tpu.wait_indirect_dma semaphore(%dma_wait3A_301 : memref<!tpu.dma_semaphore, #tpu.memory_space<semaphore_mem>>) src(%dma_wait3A_293 : memref<128x64xf32, #tpu.memory_space<vmem>>) dst(%dma_wait3A_299 : memref<10240x64xf32, #tpu.memory_space<vmem_shared>>)
    %barrier3A_302 = arith.constant 0 : index
    tpu.barrier barrier_id(%barrier3A_302)
    %mul3A_303 = arith.constant 640 : i32
    %mul3A_304 = arith.muli %arg1, %mul3A_303 : i32
    %add3A_305 = arith.constant 0 : i32
    %add3A_306 = arith.addi %mul3A_304, %add3A_305 : i32
    "tpu.region"() ({
      %run_scoped3A_323 = tpu.sem_alloc : memref<!tpu.dma_semaphore, #tpu.memory_space<semaphore_mem>>
      %dma_start3A_324 = arith.constant 0 : i32
      %dma_start3A_325 = arith.constant 0 : i32
      %dma_start3A_326 = tpu.memref_slice %arg5[%arg0, %dma_start3A_324, %dma_start3A_325] : memref<2x10240x64xf32, #tpu.memory_space<hbm>> -> memref<1x10240x64xf32, #tpu.memory_space<hbm>>
      %dma_start3A_327 = tpu.memref_squeeze %dma_start3A_326 : memref<1x10240x64xf32, #tpu.memory_space<hbm>> -> memref<10240x64xf32, #tpu.memory_space<hbm>>
      %dma_start3A_328 = arith.constant 0 : i32
      %dma_start3A_329 = tpu.memref_slice %dma_start3A_327[%add3A_306, %dma_start3A_328] : memref<10240x64xf32, #tpu.memory_space<hbm>> -> memref<128x64xf32, #tpu.memory_space<hbm>>
      %dma_start3A_330 = arith.constant 0 : i32
      %dma_start3A_331 = tpu.memref_slice %arg9[%add3A_306, %dma_start3A_330] : memref<10240x64xf32, #tpu.memory_space<vmem_shared>> -> memref<128x64xf32, #tpu.memory_space<vmem_shared>>
      tpu.enqueue_dma source(%dma_start3A_331 : memref<128x64xf32, #tpu.memory_space<vmem_shared>>) target(%dma_start3A_329 : memref<128x64xf32, #tpu.memory_space<hbm>>) target_semaphore(%run_scoped3A_323 : memref<!tpu.dma_semaphore, #tpu.memory_space<semaphore_mem>>)
      %dma_wait3A_332 = arith.constant 0 : i32
      %dma_wait3A_333 = arith.constant 0 : i32
      %dma_wait3A_334 = tpu.memref_slice %arg5[%arg0, %dma_wait3A_332, %dma_wait3A_333] : memref<2x10240x64xf32, #tpu.memory_space<hbm>> -> memref<1x10240x64xf32, #tpu.memory_space<hbm>>
      %dma_wait3A_335 = tpu.memref_squeeze %dma_wait3A_334 : memref<1x10240x64xf32, #tpu.memory_space<hbm>> -> memref<10240x64xf32, #tpu.memory_space<hbm>>
      %dma_wait3A_336 = arith.constant 0 : i32
      %dma_wait3A_337 = tpu.memref_slice %dma_wait3A_335[%add3A_306, %dma_wait3A_336] : memref<10240x64xf32, #tpu.memory_space<hbm>> -> memref<128x64xf32, #tpu.memory_space<hbm>>
      %dma_wait3A_338 = arith.constant 0 : i32
      %dma_wait3A_339 = tpu.memref_slice %arg9[%add3A_306, %dma_wait3A_338] : memref<10240x64xf32, #tpu.memory_space<vmem_shared>> -> memref<128x64xf32, #tpu.memory_space<vmem_shared>>
      tpu.wait_dma2 semaphore(%run_scoped3A_323 : memref<!tpu.dma_semaphore, #tpu.memory_space<semaphore_mem>>) src(%dma_wait3A_339 : memref<128x64xf32, #tpu.memory_space<vmem_shared>>) dst(%dma_wait3A_337 : memref<128x64xf32, #tpu.memory_space<hbm>>)
      tpu.yield
    }) : () -> ()
    %mul3A_307 = arith.constant 640 : i32
    %mul3A_308 = arith.muli %arg1, %mul3A_307 : i32
    %add3A_309 = arith.constant 128 : i32
    %add3A_310 = arith.addi %mul3A_308, %add3A_309 : i32
    "tpu.region"() ({
      %run_scoped3A_323 = tpu.sem_alloc : memref<!tpu.dma_semaphore, #tpu.memory_space<semaphore_mem>>
      %dma_start3A_324 = arith.constant 0 : i32
      %dma_start3A_325 = arith.constant 0 : i32
      %dma_start3A_326 = tpu.memref_slice %arg5[%arg0, %dma_start3A_324, %dma_start3A_325] : memref<2x10240x64xf32, #tpu.memory_space<hbm>> -> memref<1x10240x64xf32, #tpu.memory_space<hbm>>
      %dma_start3A_327 = tpu.memref_squeeze %dma_start3A_326 : memref<1x10240x64xf32, #tpu.memory_space<hbm>> -> memref<10240x64xf32, #tpu.memory_space<hbm>>
      %dma_start3A_328 = arith.constant 0 : i32
      %dma_start3A_329 = tpu.memref_slice %dma_start3A_327[%add3A_310, %dma_start3A_328] : memref<10240x64xf32, #tpu.memory_space<hbm>> -> memref<128x64xf32, #tpu.memory_space<hbm>>
      %dma_start3A_330 = arith.constant 0 : i32
      %dma_start3A_331 = tpu.memref_slice %arg9[%add3A_310, %dma_start3A_330] : memref<10240x64xf32, #tpu.memory_space<vmem_shared>> -> memref<128x64xf32, #tpu.memory_space<vmem_shared>>
      tpu.enqueue_dma source(%dma_start3A_331 : memref<128x64xf32, #tpu.memory_space<vmem_shared>>) target(%dma_start3A_329 : memref<128x64xf32, #tpu.memory_space<hbm>>) target_semaphore(%run_scoped3A_323 : memref<!tpu.dma_semaphore, #tpu.memory_space<semaphore_mem>>)
      %dma_wait3A_332 = arith.constant 0 : i32
      %dma_wait3A_333 = arith.constant 0 : i32
      %dma_wait3A_334 = tpu.memref_slice %arg5[%arg0, %dma_wait3A_332, %dma_wait3A_333] : memref<2x10240x64xf32, #tpu.memory_space<hbm>> -> memref<1x10240x64xf32, #tpu.memory_space<hbm>>
      %dma_wait3A_335 = tpu.memref_squeeze %dma_wait3A_334 : memref<1x10240x64xf32, #tpu.memory_space<hbm>> -> memref<10240x64xf32, #tpu.memory_space<hbm>>
      %dma_wait3A_336 = arith.constant 0 : i32
      %dma_wait3A_337 = tpu.memref_slice %dma_wait3A_335[%add3A_310, %dma_wait3A_336] : memref<10240x64xf32, #tpu.memory_space<hbm>> -> memref<128x64xf32, #tpu.memory_space<hbm>>
      %dma_wait3A_338 = arith.constant 0 : i32
      %dma_wait3A_339 = tpu.memref_slice %arg9[%add3A_310, %dma_wait3A_338] : memref<10240x64xf32, #tpu.memory_space<vmem_shared>> -> memref<128x64xf32, #tpu.memory_space<vmem_shared>>
      tpu.wait_dma2 semaphore(%run_scoped3A_323 : memref<!tpu.dma_semaphore, #tpu.memory_space<semaphore_mem>>) src(%dma_wait3A_339 : memref<128x64xf32, #tpu.memory_space<vmem_shared>>) dst(%dma_wait3A_337 : memref<128x64xf32, #tpu.memory_space<hbm>>)
      tpu.yield
    }) : () -> ()
    %mul3A_311 = arith.constant 640 : i32
    %mul3A_312 = arith.muli %arg1, %mul3A_311 : i32
    %add3A_313 = arith.constant 256 : i32
    %add3A_314 = arith.addi %mul3A_312, %add3A_313 : i32
    "tpu.region"() ({
      %run_scoped3A_323 = tpu.sem_alloc : memref<!tpu.dma_semaphore, #tpu.memory_space<semaphore_mem>>
      %dma_start3A_324 = arith.constant 0 : i32
      %dma_start3A_325 = arith.constant 0 : i32
      %dma_start3A_326 = tpu.memref_slice %arg5[%arg0, %dma_start3A_324, %dma_start3A_325] : memref<2x10240x64xf32, #tpu.memory_space<hbm>> -> memref<1x10240x64xf32, #tpu.memory_space<hbm>>
      %dma_start3A_327 = tpu.memref_squeeze %dma_start3A_326 : memref<1x10240x64xf32, #tpu.memory_space<hbm>> -> memref<10240x64xf32, #tpu.memory_space<hbm>>
      %dma_start3A_328 = arith.constant 0 : i32
      %dma_start3A_329 = tpu.memref_slice %dma_start3A_327[%add3A_314, %dma_start3A_328] : memref<10240x64xf32, #tpu.memory_space<hbm>> -> memref<128x64xf32, #tpu.memory_space<hbm>>
      %dma_start3A_330 = arith.constant 0 : i32
      %dma_start3A_331 = tpu.memref_slice %arg9[%add3A_314, %dma_start3A_330] : memref<10240x64xf32, #tpu.memory_space<vmem_shared>> -> memref<128x64xf32, #tpu.memory_space<vmem_shared>>
      tpu.enqueue_dma source(%dma_start3A_331 : memref<128x64xf32, #tpu.memory_space<vmem_shared>>) target(%dma_start3A_329 : memref<128x64xf32, #tpu.memory_space<hbm>>) target_semaphore(%run_scoped3A_323 : memref<!tpu.dma_semaphore, #tpu.memory_space<semaphore_mem>>)
      %dma_wait3A_332 = arith.constant 0 : i32
      %dma_wait3A_333 = arith.constant 0 : i32
      %dma_wait3A_334 = tpu.memref_slice %arg5[%arg0, %dma_wait3A_332, %dma_wait3A_333] : memref<2x10240x64xf32, #tpu.memory_space<hbm>> -> memref<1x10240x64xf32, #tpu.memory_space<hbm>>
      %dma_wait3A_335 = tpu.memref_squeeze %dma_wait3A_334 : memref<1x10240x64xf32, #tpu.memory_space<hbm>> -> memref<10240x64xf32, #tpu.memory_space<hbm>>
      %dma_wait3A_336 = arith.constant 0 : i32
      %dma_wait3A_337 = tpu.memref_slice %dma_wait3A_335[%add3A_314, %dma_wait3A_336] : memref<10240x64xf32, #tpu.memory_space<hbm>> -> memref<128x64xf32, #tpu.memory_space<hbm>>
      %dma_wait3A_338 = arith.constant 0 : i32
      %dma_wait3A_339 = tpu.memref_slice %arg9[%add3A_314, %dma_wait3A_338] : memref<10240x64xf32, #tpu.memory_space<vmem_shared>> -> memref<128x64xf32, #tpu.memory_space<vmem_shared>>
      tpu.wait_dma2 semaphore(%run_scoped3A_323 : memref<!tpu.dma_semaphore, #tpu.memory_space<semaphore_mem>>) src(%dma_wait3A_339 : memref<128x64xf32, #tpu.memory_space<vmem_shared>>) dst(%dma_wait3A_337 : memref<128x64xf32, #tpu.memory_space<hbm>>)
      tpu.yield
    }) : () -> ()
    %mul3A_315 = arith.constant 640 : i32
    %mul3A_316 = arith.muli %arg1, %mul3A_315 : i32
    %add3A_317 = arith.constant 384 : i32
    %add3A_318 = arith.addi %mul3A_316, %add3A_317 : i32
    "tpu.region"() ({
      %run_scoped3A_323 = tpu.sem_alloc : memref<!tpu.dma_semaphore, #tpu.memory_space<semaphore_mem>>
      %dma_start3A_324 = arith.constant 0 : i32
      %dma_start3A_325 = arith.constant 0 : i32
      %dma_start3A_326 = tpu.memref_slice %arg5[%arg0, %dma_start3A_324, %dma_start3A_325] : memref<2x10240x64xf32, #tpu.memory_space<hbm>> -> memref<1x10240x64xf32, #tpu.memory_space<hbm>>
      %dma_start3A_327 = tpu.memref_squeeze %dma_start3A_326 : memref<1x10240x64xf32, #tpu.memory_space<hbm>> -> memref<10240x64xf32, #tpu.memory_space<hbm>>
      %dma_start3A_328 = arith.constant 0 : i32
      %dma_start3A_329 = tpu.memref_slice %dma_start3A_327[%add3A_318, %dma_start3A_328] : memref<10240x64xf32, #tpu.memory_space<hbm>> -> memref<128x64xf32, #tpu.memory_space<hbm>>
      %dma_start3A_330 = arith.constant 0 : i32
      %dma_start3A_331 = tpu.memref_slice %arg9[%add3A_318, %dma_start3A_330] : memref<10240x64xf32, #tpu.memory_space<vmem_shared>> -> memref<128x64xf32, #tpu.memory_space<vmem_shared>>
      tpu.enqueue_dma source(%dma_start3A_331 : memref<128x64xf32, #tpu.memory_space<vmem_shared>>) target(%dma_start3A_329 : memref<128x64xf32, #tpu.memory_space<hbm>>) target_semaphore(%run_scoped3A_323 : memref<!tpu.dma_semaphore, #tpu.memory_space<semaphore_mem>>)
      %dma_wait3A_332 = arith.constant 0 : i32
      %dma_wait3A_333 = arith.constant 0 : i32
      %dma_wait3A_334 = tpu.memref_slice %arg5[%arg0, %dma_wait3A_332, %dma_wait3A_333] : memref<2x10240x64xf32, #tpu.memory_space<hbm>> -> memref<1x10240x64xf32, #tpu.memory_space<hbm>>
      %dma_wait3A_335 = tpu.memref_squeeze %dma_wait3A_334 : memref<1x10240x64xf32, #tpu.memory_space<hbm>> -> memref<10240x64xf32, #tpu.memory_space<hbm>>
      %dma_wait3A_336 = arith.constant 0 : i32
      %dma_wait3A_337 = tpu.memref_slice %dma_wait3A_335[%add3A_318, %dma_wait3A_336] : memref<10240x64xf32, #tpu.memory_space<hbm>> -> memref<128x64xf32, #tpu.memory_space<hbm>>
      %dma_wait3A_338 = arith.constant 0 : i32
      %dma_wait3A_339 = tpu.memref_slice %arg9[%add3A_318, %dma_wait3A_338] : memref<10240x64xf32, #tpu.memory_space<vmem_shared>> -> memref<128x64xf32, #tpu.memory_space<vmem_shared>>
      tpu.wait_dma2 semaphore(%run_scoped3A_323 : memref<!tpu.dma_semaphore, #tpu.memory_space<semaphore_mem>>) src(%dma_wait3A_339 : memref<128x64xf32, #tpu.memory_space<vmem_shared>>) dst(%dma_wait3A_337 : memref<128x64xf32, #tpu.memory_space<hbm>>)
      tpu.yield
    }) : () -> ()
    %mul3A_319 = arith.constant 640 : i32
    %mul3A_320 = arith.muli %arg1, %mul3A_319 : i32
    %add3A_321 = arith.constant 512 : i32
    %add3A_322 = arith.addi %mul3A_320, %add3A_321 : i32
    "tpu.region"() ({
      %run_scoped3A_323 = tpu.sem_alloc : memref<!tpu.dma_semaphore, #tpu.memory_space<semaphore_mem>>
      %dma_start3A_324 = arith.constant 0 : i32
      %dma_start3A_325 = arith.constant 0 : i32
      %dma_start3A_326 = tpu.memref_slice %arg5[%arg0, %dma_start3A_324, %dma_start3A_325] : memref<2x10240x64xf32, #tpu.memory_space<hbm>> -> memref<1x10240x64xf32, #tpu.memory_space<hbm>>
      %dma_start3A_327 = tpu.memref_squeeze %dma_start3A_326 : memref<1x10240x64xf32, #tpu.memory_space<hbm>> -> memref<10240x64xf32, #tpu.memory_space<hbm>>
      %dma_start3A_328 = arith.constant 0 : i32
      %dma_start3A_329 = tpu.memref_slice %dma_start3A_327[%add3A_322, %dma_start3A_328] : memref<10240x64xf32, #tpu.memory_space<hbm>> -> memref<128x64xf32, #tpu.memory_space<hbm>>
      %dma_start3A_330 = arith.constant 0 : i32
      %dma_start3A_331 = tpu.memref_slice %arg9[%add3A_322, %dma_start3A_330] : memref<10240x64xf32, #tpu.memory_space<vmem_shared>> -> memref<128x64xf32, #tpu.memory_space<vmem_shared>>
      tpu.enqueue_dma source(%dma_start3A_331 : memref<128x64xf32, #tpu.memory_space<vmem_shared>>) target(%dma_start3A_329 : memref<128x64xf32, #tpu.memory_space<hbm>>) target_semaphore(%run_scoped3A_323 : memref<!tpu.dma_semaphore, #tpu.memory_space<semaphore_mem>>)
      %dma_wait3A_332 = arith.constant 0 : i32
      %dma_wait3A_333 = arith.constant 0 : i32
      %dma_wait3A_334 = tpu.memref_slice %arg5[%arg0, %dma_wait3A_332, %dma_wait3A_333] : memref<2x10240x64xf32, #tpu.memory_space<hbm>> -> memref<1x10240x64xf32, #tpu.memory_space<hbm>>
      %dma_wait3A_335 = tpu.memref_squeeze %dma_wait3A_334 : memref<1x10240x64xf32, #tpu.memory_space<hbm>> -> memref<10240x64xf32, #tpu.memory_space<hbm>>
      %dma_wait3A_336 = arith.constant 0 : i32
      %dma_wait3A_337 = tpu.memref_slice %dma_wait3A_335[%add3A_322, %dma_wait3A_336] : memref<10240x64xf32, #tpu.memory_space<hbm>> -> memref<128x64xf32, #tpu.memory_space<hbm>>
      %dma_wait3A_338 = arith.constant 0 : i32
      %dma_wait3A_339 = tpu.memref_slice %arg9[%add3A_322, %dma_wait3A_338] : memref<10240x64xf32, #tpu.memory_space<vmem_shared>> -> memref<128x64xf32, #tpu.memory_space<vmem_shared>>
      tpu.wait_dma2 semaphore(%run_scoped3A_323 : memref<!tpu.dma_semaphore, #tpu.memory_space<semaphore_mem>>) src(%dma_wait3A_339 : memref<128x64xf32, #tpu.memory_space<vmem_shared>>) dst(%dma_wait3A_337 : memref<128x64xf32, #tpu.memory_space<hbm>>)
      tpu.yield
    }) : () -> ()
    return
  }
}

#map = affine_map<(d0, d1) -> (0, 0, 0)>
module attributes {stable_mosaic.version = 14 : i64} {
  func.func @_spmm_body(%arg0: i32, %arg1: i32, %arg2: memref<2x10240x64xf32, #tpu.memory_space<hbm>>, %arg3: memref<16x160x128xi32, #tpu.memory_space<hbm>>, %arg4: memref<16x160x128xi32, #tpu.memory_space<hbm>>, %arg5: memref<2x10240x64xf32, #tpu.memory_space<hbm>>, %arg6: memref<160x128xi32, #tpu.memory_space<vmem>>, %arg7: memref<160x128xi32, #tpu.memory_space<vmem>>, %arg8: memref<4x128x64xf32, #tpu.memory_space<vmem>>, %arg9: memref<10240x64xf32, #tpu.memory_space<vmem_shared>>, %arg10: memref<4x!tpu.dma_semaphore, #tpu.memory_space<semaphore_mem>>, %arg11: memref<4x!tpu.dma_semaphore, #tpu.memory_space<semaphore_mem>>) attributes {dimension_semantics = [#tpu.dimension_semantics<core_parallel>, #tpu.dimension_semantics<subcore_parallel>], iteration_bounds = array<i64: 2, 16>, scalar_prefetch = 0 : i64, scratch_operands = 6 : i64, tpu.core_type = #tpu.core_type<sc_vector_subcore>, window_params = [{transform_indices = #map}, {transform_indices = #map}, {transform_indices = #map}, {transform_indices = #map}]} {
    %broadcast_in_dim3A = arith.constant 0.000000e+00 : f32
    %broadcast_in_dim3A_0 = vector.broadcast %broadcast_in_dim3A : f32 to vector<16xf32>
    %scan3A = arith.constant 0 : i32
    %scan3A_1 = arith.constant 128 : i32
    %scan3A_2 = arith.addi %scan3A, %scan3A_1 : i32
    %scan3A_3 = arith.constant 1 : i32
    scf.for %scan3A_323 = %scan3A to %scan3A_2 step %scan3A_3  : i32 {
      %swap3A = arith.constant 0 : i32
      %swap3A_324 = arith.index_cast %swap3A : i32 to index
      %swap3A_325 = arith.index_cast %scan3A_323 : i32 to index
      %swap3A_326 = arith.constant 0 : index
      %swap3A_327 = tpu.vector_load %arg8[%swap3A_324, %swap3A_325, %swap3A_326] {strides = array<i32>} : memref<4x128x64xf32, #tpu.memory_space<vmem>>, vector<1x1x16xf32>,
      %swap3A_328 = vector.shape_cast %swap3A_327 : vector<1x1x16xf32> to vector<16xf32>
      %swap3A_329 = vector.shape_cast %broadcast_in_dim3A_0 : vector<16xf32> to vector<1x1x16xf32>
      tpu.vector_store %arg8[%swap3A_324, %swap3A_325, %swap3A_326], %swap3A_329 {strides = array<i32>} : memref<4x128x64xf32, #tpu.memory_space<vmem>>, vector<1x1x16xf32>,
      %swap3A_330 = arith.constant 0 : i32
      %swap3A_331 = arith.index_cast %swap3A_330 : i32 to index
      %swap3A_332 = arith.index_cast %scan3A_323 : i32 to index
      %swap3A_333 = arith.constant 16 : index
      %swap3A_334 = tpu.vector_load %arg8[%swap3A_331, %swap3A_332, %swap3A_333] {strides = array<i32>} : memref<4x128x64xf32, #tpu.memory_space<vmem>>, vector<1x1x16xf32>,
      %swap3A_335 = vector.shape_cast %swap3A_334 : vector<1x1x16xf32> to vector<16xf32>
      %swap3A_336 = vector.shape_cast %broadcast_in_dim3A_0 : vector<16xf32> to vector<1x1x16xf32>
      tpu.vector_store %arg8[%swap3A_331, %swap3A_332, %swap3A_333], %swap3A_336 {strides = array<i32>} : memref<4x128x64xf32, #tpu.memory_space<vmem>>, vector<1x1x16xf32>,
      %swap3A_337 = arith.constant 0 : i32
      %swap3A_338 = arith.index_cast %swap3A_337 : i32 to index
      %swap3A_339 = arith.index_cast %scan3A_323 : i32 to index
      %swap3A_340 = arith.constant 32 : index
      %swap3A_341 = tpu.vector_load %arg8[%swap3A_338, %swap3A_339, %swap3A_340] {strides = array<i32>} : memref<4x128x64xf32, #tpu.memory_space<vmem>>, vector<1x1x16xf32>,
      %swap3A_342 = vector.shape_cast %swap3A_341 : vector<1x1x16xf32> to vector<16xf32>
      %swap3A_343 = vector.shape_cast %broadcast_in_dim3A_0 : vector<16xf32> to vector<1x1x16xf32>
      tpu.vector_store %arg8[%swap3A_338, %swap3A_339, %swap3A_340], %swap3A_343 {strides = array<i32>} : memref<4x128x64xf32, #tpu.memory_space<vmem>>, vector<1x1x16xf32>,
      %swap3A_344 = arith.constant 0 : i32
      %swap3A_345 = arith.index_cast %swap3A_344 : i32 to index
      %swap3A_346 = arith.index_cast %scan3A_323 : i32 to index
      %swap3A_347 = arith.constant 48 : index
      %swap3A_348 = tpu.vector_load %arg8[%swap3A_345, %swap3A_346, %swap3A_347] {strides = array<i32>} : memref<4x128x64xf32, #tpu.memory_space<vmem>>, vector<1x1x16xf32>,
      %swap3A_349 = vector.shape_cast %swap3A_348 : vector<1x1x16xf32> to vector<16xf32>
      %swap3A_350 = vector.shape_cast %broadcast_in_dim3A_0 : vector<16xf32> to vector<1x1x16xf32>
      tpu.vector_store %arg8[%swap3A_345, %swap3A_346, %swap3A_347], %swap3A_350 {strides = array<i32>} : memref<4x128x64xf32, #tpu.memory_space<vmem>>, vector<1x1x16xf32>,
    }
    %scan3A_4 = arith.constant 128 : i32
    %mul3A = arith.constant 640 : i32
    %mul3A_5 = arith.muli %arg1, %mul3A : i32
    %add3A = arith.constant 0 : i32
    %add3A_6 = arith.addi %mul3A_5, %add3A : i32
    %run_scoped3A = arith.constant 0 : i32
    "tpu.region"() ({
      %run_scoped3A_323 = tpu.sem_alloc : memref<!tpu.dma_semaphore, #tpu.memory_space<semaphore_mem>>
      %dma_start3A_324 = arith.constant 0 : i32
      %dma_start3A_325 = arith.constant 0 : i32
      %dma_start3A_326 = tpu.memref_slice %arg8[%run_scoped3A, %dma_start3A_324, %dma_start3A_325] : memref<4x128x64xf32, #tpu.memory_space<vmem>> -> memref<1x128x64xf32, #tpu.memory_space<vmem>>
      %dma_start3A_327 = tpu.memref_squeeze %dma_start3A_326 : memref<1x128x64xf32, #tpu.memory_space<vmem>> -> memref<128x64xf32, #tpu.memory_space<vmem>>
      %dma_start3A_328 = arith.constant 0 : i32
      %dma_start3A_329 = tpu.memref_slice %arg9[%add3A_6, %dma_start3A_328] : memref<10240x64xf32, #tpu.memory_space<vmem_shared>> -> memref<128x64xf32, #tpu.memory_space<vmem_shared>>
      %dma_start3A_330 = arith.constant 0 : i32
      %dma_start3A_331 = tpu.memref_slice %arg9[%add3A_6, %dma_start3A_330] : memref<10240x64xf32, #tpu.memory_space<vmem_shared>> -> memref<128x64xf32, #tpu.memory_space<vmem_shared>>
      %dma_start3A_332 = arith.constant 0 : i32
      %dma_start3A_333 = arith.constant 0 : i32
      %dma_start3A_334 = tpu.memref_slice %arg8[%run_scoped3A, %dma_start3A_332, %dma_start3A_333] : memref<4x128x64xf32, #tpu.memory_space<vmem>> -> memref<1x128x64xf32, #tpu.memory_space<vmem>>
      %dma_start3A_335 = tpu.memref_squeeze %dma_start3A_334 : memref<1x128x64xf32, #tpu.memory_space<vmem>> -> memref<128x64xf32, #tpu.memory_space<vmem>>
      tpu.enqueue_dma source(%dma_start3A_335 : memref<128x64xf32, #tpu.memory_space<vmem>>) target(%dma_start3A_331 : memref<128x64xf32, #tpu.memory_space<vmem_shared>>) target_semaphore(%run_scoped3A_323 : memref<!tpu.dma_semaphore, #tpu.memory_space<semaphore_mem>>)
      %dma_wait3A_336 = arith.constant 0 : i32
      %dma_wait3A_337 = arith.constant 0 : i32
      %dma_wait3A_338 = tpu.memref_slice %arg8[%run_scoped3A, %dma_wait3A_336, %dma_wait3A_337] : memref<4x128x64xf32, #tpu.memory_space<vmem>> -> memref<1x128x64xf32, #tpu.memory_space<vmem>>
      %dma_wait3A_339 = tpu.memref_squeeze %dma_wait3A_338 : memref<1x128x64xf32, #tpu.memory_space<vmem>> -> memref<128x64xf32, #tpu.memory_space<vmem>>
      %dma_wait3A_340 = arith.constant 0 : i32
      %dma_wait3A_341 = tpu.memref_slice %arg9[%add3A_6, %dma_wait3A_340] : memref<10240x64xf32, #tpu.memory_space<vmem_shared>> -> memref<128x64xf32, #tpu.memory_space<vmem_shared>>
      %dma_wait3A_342 = arith.constant 0 : i32
      %dma_wait3A_343 = tpu.memref_slice %arg9[%add3A_6, %dma_wait3A_342] : memref<10240x64xf32, #tpu.memory_space<vmem_shared>> -> memref<128x64xf32, #tpu.memory_space<vmem_shared>>
      %dma_wait3A_344 = arith.constant 0 : i32
      %dma_wait3A_345 = arith.constant 0 : i32
      %dma_wait3A_346 = tpu.memref_slice %arg8[%run_scoped3A, %dma_wait3A_344, %dma_wait3A_345] : memref<4x128x64xf32, #tpu.memory_space<vmem>> -> memref<1x128x64xf32, #tpu.memory_space<vmem>>
      %dma_wait3A_347 = tpu.memref_squeeze %dma_wait3A_346 : memref<1x128x64xf32, #tpu.memory_space<vmem>> -> memref<128x64xf32, #tpu.memory_space<vmem>>
      tpu.wait_dma2 semaphore(%run_scoped3A_323 : memref<!tpu.dma_semaphore, #tpu.memory_space<semaphore_mem>>) src(%dma_wait3A_347 : memref<128x64xf32, #tpu.memory_space<vmem>>) dst(%dma_wait3A_343 : memref<128x64xf32, #tpu.memory_space<vmem_shared>>)
      tpu.yield
    }) : () -> ()
    %mul3A_7 = arith.constant 640 : i32
    %mul3A_8 = arith.muli %arg1, %mul3A_7 : i32
    %add3A_9 = arith.constant 128 : i32
    %add3A_10 = arith.addi %mul3A_8, %add3A_9 : i32
    %run_scoped3A_11 = arith.constant 0 : i32
    "tpu.region"() ({
      %run_scoped3A_323 = tpu.sem_alloc : memref<!tpu.dma_semaphore, #tpu.memory_space<semaphore_mem>>
      %dma_start3A_324 = arith.constant 0 : i32
      %dma_start3A_325 = arith.constant 0 : i32
      %dma_start3A_326 = tpu.memref_slice %arg8[%run_scoped3A_11, %dma_start3A_324, %dma_start3A_325] : memref<4x128x64xf32, #tpu.memory_space<vmem>> -> memref<1x128x64xf32, #tpu.memory_space<vmem>>
      %dma_start3A_327 = tpu.memref_squeeze %dma_start3A_326 : memref<1x128x64xf32, #tpu.memory_space<vmem>> -> memref<128x64xf32, #tpu.memory_space<vmem>>
      %dma_start3A_328 = arith.constant 0 : i32
      %dma_start3A_329 = tpu.memref_slice %arg9[%add3A_10, %dma_start3A_328] : memref<10240x64xf32, #tpu.memory_space<vmem_shared>> -> memref<128x64xf32, #tpu.memory_space<vmem_shared>>
      %dma_start3A_330 = arith.constant 0 : i32
      %dma_start3A_331 = tpu.memref_slice %arg9[%add3A_10, %dma_start3A_330] : memref<10240x64xf32, #tpu.memory_space<vmem_shared>> -> memref<128x64xf32, #tpu.memory_space<vmem_shared>>
      %dma_start3A_332 = arith.constant 0 : i32
      %dma_start3A_333 = arith.constant 0 : i32
      %dma_start3A_334 = tpu.memref_slice %arg8[%run_scoped3A_11, %dma_start3A_332, %dma_start3A_333] : memref<4x128x64xf32, #tpu.memory_space<vmem>> -> memref<1x128x64xf32, #tpu.memory_space<vmem>>
      %dma_start3A_335 = tpu.memref_squeeze %dma_start3A_334 : memref<1x128x64xf32, #tpu.memory_space<vmem>> -> memref<128x64xf32, #tpu.memory_space<vmem>>
      tpu.enqueue_dma source(%dma_start3A_335 : memref<128x64xf32, #tpu.memory_space<vmem>>) target(%dma_start3A_331 : memref<128x64xf32, #tpu.memory_space<vmem_shared>>) target_semaphore(%run_scoped3A_323 : memref<!tpu.dma_semaphore, #tpu.memory_space<semaphore_mem>>)
      %dma_wait3A_336 = arith.constant 0 : i32
      %dma_wait3A_337 = arith.constant 0 : i32
      %dma_wait3A_338 = tpu.memref_slice %arg8[%run_scoped3A_11, %dma_wait3A_336, %dma_wait3A_337] : memref<4x128x64xf32, #tpu.memory_space<vmem>> -> memref<1x128x64xf32, #tpu.memory_space<vmem>>
      %dma_wait3A_339 = tpu.memref_squeeze %dma_wait3A_338 : memref<1x128x64xf32, #tpu.memory_space<vmem>> -> memref<128x64xf32, #tpu.memory_space<vmem>>
      %dma_wait3A_340 = arith.constant 0 : i32
      %dma_wait3A_341 = tpu.memref_slice %arg9[%add3A_10, %dma_wait3A_340] : memref<10240x64xf32, #tpu.memory_space<vmem_shared>> -> memref<128x64xf32, #tpu.memory_space<vmem_shared>>
      %dma_wait3A_342 = arith.constant 0 : i32
      %dma_wait3A_343 = tpu.memref_slice %arg9[%add3A_10, %dma_wait3A_342] : memref<10240x64xf32, #tpu.memory_space<vmem_shared>> -> memref<128x64xf32, #tpu.memory_space<vmem_shared>>
      %dma_wait3A_344 = arith.constant 0 : i32
      %dma_wait3A_345 = arith.constant 0 : i32
      %dma_wait3A_346 = tpu.memref_slice %arg8[%run_scoped3A_11, %dma_wait3A_344, %dma_wait3A_345] : memref<4x128x64xf32, #tpu.memory_space<vmem>> -> memref<1x128x64xf32, #tpu.memory_space<vmem>>
      %dma_wait3A_347 = tpu.memref_squeeze %dma_wait3A_346 : memref<1x128x64xf32, #tpu.memory_space<vmem>> -> memref<128x64xf32, #tpu.memory_space<vmem>>
      tpu.wait_dma2 semaphore(%run_scoped3A_323 : memref<!tpu.dma_semaphore, #tpu.memory_space<semaphore_mem>>) src(%dma_wait3A_347 : memref<128x64xf32, #tpu.memory_space<vmem>>) dst(%dma_wait3A_343 : memref<128x64xf32, #tpu.memory_space<vmem_shared>>)
      tpu.yield
    }) : () -> ()
    %mul3A_12 = arith.constant 640 : i32
    %mul3A_13 = arith.muli %arg1, %mul3A_12 : i32
    %add3A_14 = arith.constant 256 : i32
    %add3A_15 = arith.addi %mul3A_13, %add3A_14 : i32
    %run_scoped3A_16 = arith.constant 0 : i32
    "tpu.region"() ({
      %run_scoped3A_323 = tpu.sem_alloc : memref<!tpu.dma_semaphore, #tpu.memory_space<semaphore_mem>>
      %dma_start3A_324 = arith.constant 0 : i32
      %dma_start3A_325 = arith.constant 0 : i32
      %dma_start3A_326 = tpu.memref_slice %arg8[%run_scoped3A_16, %dma_start3A_324, %dma_start3A_325] : memref<4x128x64xf32, #tpu.memory_space<vmem>> -> memref<1x128x64xf32, #tpu.memory_space<vmem>>
      %dma_start3A_327 = tpu.memref_squeeze %dma_start3A_326 : memref<1x128x64xf32, #tpu.memory_space<vmem>> -> memref<128x64xf32, #tpu.memory_space<vmem>>
      %dma_start3A_328 = arith.constant 0 : i32
      %dma_start3A_329 = tpu.memref_slice %arg9[%add3A_15, %dma_start3A_328] : memref<10240x64xf32, #tpu.memory_space<vmem_shared>> -> memref<128x64xf32, #tpu.memory_space<vmem_shared>>
      %dma_start3A_330 = arith.constant 0 : i32
      %dma_start3A_331 = tpu.memref_slice %arg9[%add3A_15, %dma_start3A_330] : memref<10240x64xf32, #tpu.memory_space<vmem_shared>> -> memref<128x64xf32, #tpu.memory_space<vmem_shared>>
      %dma_start3A_332 = arith.constant 0 : i32
      %dma_start3A_333 = arith.constant 0 : i32
      %dma_start3A_334 = tpu.memref_slice %arg8[%run_scoped3A_16, %dma_start3A_332, %dma_start3A_333] : memref<4x128x64xf32, #tpu.memory_space<vmem>> -> memref<1x128x64xf32, #tpu.memory_space<vmem>>
      %dma_start3A_335 = tpu.memref_squeeze %dma_start3A_334 : memref<1x128x64xf32, #tpu.memory_space<vmem>> -> memref<128x64xf32, #tpu.memory_space<vmem>>
      tpu.enqueue_dma source(%dma_start3A_335 : memref<128x64xf32, #tpu.memory_space<vmem>>) target(%dma_start3A_331 : memref<128x64xf32, #tpu.memory_space<vmem_shared>>) target_semaphore(%run_scoped3A_323 : memref<!tpu.dma_semaphore, #tpu.memory_space<semaphore_mem>>)
      %dma_wait3A_336 = arith.constant 0 : i32
      %dma_wait3A_337 = arith.constant 0 : i32
      %dma_wait3A_338 = tpu.memref_slice %arg8[%run_scoped3A_16, %dma_wait3A_336, %dma_wait3A_337] : memref<4x128x64xf32, #tpu.memory_space<vmem>> -> memref<1x128x64xf32, #tpu.memory_space<vmem>>
      %dma_wait3A_339 = tpu.memref_squeeze %dma_wait3A_338 : memref<1x128x64xf32, #tpu.memory_space<vmem>> -> memref<128x64xf32, #tpu.memory_space<vmem>>
      %dma_wait3A_340 = arith.constant 0 : i32
      %dma_wait3A_341 = tpu.memref_slice %arg9[%add3A_15, %dma_wait3A_340] : memref<10240x64xf32, #tpu.memory_space<vmem_shared>> -> memref<128x64xf32, #tpu.memory_space<vmem_shared>>
      %dma_wait3A_342 = arith.constant 0 : i32
      %dma_wait3A_343 = tpu.memref_slice %arg9[%add3A_15, %dma_wait3A_342] : memref<10240x64xf32, #tpu.memory_space<vmem_shared>> -> memref<128x64xf32, #tpu.memory_space<vmem_shared>>
      %dma_wait3A_344 = arith.constant 0 : i32
      %dma_wait3A_345 = arith.constant 0 : i32
      %dma_wait3A_346 = tpu.memref_slice %arg8[%run_scoped3A_16, %dma_wait3A_344, %dma_wait3A_345] : memref<4x128x64xf32, #tpu.memory_space<vmem>> -> memref<1x128x64xf32, #tpu.memory_space<vmem>>
      %dma_wait3A_347 = tpu.memref_squeeze %dma_wait3A_346 : memref<1x128x64xf32, #tpu.memory_space<vmem>> -> memref<128x64xf32, #tpu.memory_space<vmem>>
      tpu.wait_dma2 semaphore(%run_scoped3A_323 : memref<!tpu.dma_semaphore, #tpu.memory_space<semaphore_mem>>) src(%dma_wait3A_347 : memref<128x64xf32, #tpu.memory_space<vmem>>) dst(%dma_wait3A_343 : memref<128x64xf32, #tpu.memory_space<vmem_shared>>)
      tpu.yield
    }) : () -> ()
    %mul3A_17 = arith.constant 640 : i32
    %mul3A_18 = arith.muli %arg1, %mul3A_17 : i32
    %add3A_19 = arith.constant 384 : i32
    %add3A_20 = arith.addi %mul3A_18, %add3A_19 : i32
    %run_scoped3A_21 = arith.constant 0 : i32
    "tpu.region"() ({
      %run_scoped3A_323 = tpu.sem_alloc : memref<!tpu.dma_semaphore, #tpu.memory_space<semaphore_mem>>
      %dma_start3A_324 = arith.constant 0 : i32
      %dma_start3A_325 = arith.constant 0 : i32
      %dma_start3A_326 = tpu.memref_slice %arg8[%run_scoped3A_21, %dma_start3A_324, %dma_start3A_325] : memref<4x128x64xf32, #tpu.memory_space<vmem>> -> memref<1x128x64xf32, #tpu.memory_space<vmem>>
      %dma_start3A_327 = tpu.memref_squeeze %dma_start3A_326 : memref<1x128x64xf32, #tpu.memory_space<vmem>> -> memref<128x64xf32, #tpu.memory_space<vmem>>
      %dma_start3A_328 = arith.constant 0 : i32
      %dma_start3A_329 = tpu.memref_slice %arg9[%add3A_20, %dma_start3A_328] : memref<10240x64xf32, #tpu.memory_space<vmem_shared>> -> memref<128x64xf32, #tpu.memory_space<vmem_shared>>
      %dma_start3A_330 = arith.constant 0 : i32
      %dma_start3A_331 = tpu.memref_slice %arg9[%add3A_20, %dma_start3A_330] : memref<10240x64xf32, #tpu.memory_space<vmem_shared>> -> memref<128x64xf32, #tpu.memory_space<vmem_shared>>
      %dma_start3A_332 = arith.constant 0 : i32
      %dma_start3A_333 = arith.constant 0 : i32
      %dma_start3A_334 = tpu.memref_slice %arg8[%run_scoped3A_21, %dma_start3A_332, %dma_start3A_333] : memref<4x128x64xf32, #tpu.memory_space<vmem>> -> memref<1x128x64xf32, #tpu.memory_space<vmem>>
      %dma_start3A_335 = tpu.memref_squeeze %dma_start3A_334 : memref<1x128x64xf32, #tpu.memory_space<vmem>> -> memref<128x64xf32, #tpu.memory_space<vmem>>
      tpu.enqueue_dma source(%dma_start3A_335 : memref<128x64xf32, #tpu.memory_space<vmem>>) target(%dma_start3A_331 : memref<128x64xf32, #tpu.memory_space<vmem_shared>>) target_semaphore(%run_scoped3A_323 : memref<!tpu.dma_semaphore, #tpu.memory_space<semaphore_mem>>)
      %dma_wait3A_336 = arith.constant 0 : i32
      %dma_wait3A_337 = arith.constant 0 : i32
      %dma_wait3A_338 = tpu.memref_slice %arg8[%run_scoped3A_21, %dma_wait3A_336, %dma_wait3A_337] : memref<4x128x64xf32, #tpu.memory_space<vmem>> -> memref<1x128x64xf32, #tpu.memory_space<vmem>>
      %dma_wait3A_339 = tpu.memref_squeeze %dma_wait3A_338 : memref<1x128x64xf32, #tpu.memory_space<vmem>> -> memref<128x64xf32, #tpu.memory_space<vmem>>
      %dma_wait3A_340 = arith.constant 0 : i32
      %dma_wait3A_341 = tpu.memref_slice %arg9[%add3A_20, %dma_wait3A_340] : memref<10240x64xf32, #tpu.memory_space<vmem_shared>> -> memref<128x64xf32, #tpu.memory_space<vmem_shared>>
      %dma_wait3A_342 = arith.constant 0 : i32
      %dma_wait3A_343 = tpu.memref_slice %arg9[%add3A_20, %dma_wait3A_342] : memref<10240x64xf32, #tpu.memory_space<vmem_shared>> -> memref<128x64xf32, #tpu.memory_space<vmem_shared>>
      %dma_wait3A_344 = arith.constant 0 : i32
      %dma_wait3A_345 = arith.constant 0 : i32
      %dma_wait3A_346 = tpu.memref_slice %arg8[%run_scoped3A_21, %dma_wait3A_344, %dma_wait3A_345] : memref<4x128x64xf32, #tpu.memory_space<vmem>> -> memref<1x128x64xf32, #tpu.memory_space<vmem>>
      %dma_wait3A_347 = tpu.memref_squeeze %dma_wait3A_346 : memref<1x128x64xf32, #tpu.memory_space<vmem>> -> memref<128x64xf32, #tpu.memory_space<vmem>>
      tpu.wait_dma2 semaphore(%run_scoped3A_323 : memref<!tpu.dma_semaphore, #tpu.memory_space<semaphore_mem>>) src(%dma_wait3A_347 : memref<128x64xf32, #tpu.memory_space<vmem>>) dst(%dma_wait3A_343 : memref<128x64xf32, #tpu.memory_space<vmem_shared>>)
      tpu.yield
    }) : () -> ()
    %mul3A_22 = arith.constant 640 : i32
    %mul3A_23 = arith.muli %arg1, %mul3A_22 : i32
    %add3A_24 = arith.constant 512 : i32
    %add3A_25 = arith.addi %mul3A_23, %add3A_24 : i32
    %run_scoped3A_26 = arith.constant 0 : i32
    "tpu.region"() ({
      %run_scoped3A_323 = tpu.sem_alloc : memref<!tpu.dma_semaphore, #tpu.memory_space<semaphore_mem>>
      %dma_start3A_324 = arith.constant 0 : i32
      %dma_start3A_325 = arith.constant 0 : i32
      %dma_start3A_326 = tpu.memref_slice %arg8[%run_scoped3A_26, %dma_start3A_324, %dma_start3A_325] : memref<4x128x64xf32, #tpu.memory_space<vmem>> -> memref<1x128x64xf32, #tpu.memory_space<vmem>>
      %dma_start3A_327 = tpu.memref_squeeze %dma_start3A_326 : memref<1x128x64xf32, #tpu.memory_space<vmem>> -> memref<128x64xf32, #tpu.memory_space<vmem>>
      %dma_start3A_328 = arith.constant 0 : i32
      %dma_start3A_329 = tpu.memref_slice %arg9[%add3A_25, %dma_start3A_328] : memref<10240x64xf32, #tpu.memory_space<vmem_shared>> -> memref<128x64xf32, #tpu.memory_space<vmem_shared>>
      %dma_start3A_330 = arith.constant 0 : i32
      %dma_start3A_331 = tpu.memref_slice %arg9[%add3A_25, %dma_start3A_330] : memref<10240x64xf32, #tpu.memory_space<vmem_shared>> -> memref<128x64xf32, #tpu.memory_space<vmem_shared>>
      %dma_start3A_332 = arith.constant 0 : i32
      %dma_start3A_333 = arith.constant 0 : i32
      %dma_start3A_334 = tpu.memref_slice %arg8[%run_scoped3A_26, %dma_start3A_332, %dma_start3A_333] : memref<4x128x64xf32, #tpu.memory_space<vmem>> -> memref<1x128x64xf32, #tpu.memory_space<vmem>>
      %dma_start3A_335 = tpu.memref_squeeze %dma_start3A_334 : memref<1x128x64xf32, #tpu.memory_space<vmem>> -> memref<128x64xf32, #tpu.memory_space<vmem>>
      tpu.enqueue_dma source(%dma_start3A_335 : memref<128x64xf32, #tpu.memory_space<vmem>>) target(%dma_start3A_331 : memref<128x64xf32, #tpu.memory_space<vmem_shared>>) target_semaphore(%run_scoped3A_323 : memref<!tpu.dma_semaphore, #tpu.memory_space<semaphore_mem>>)
      %dma_wait3A_336 = arith.constant 0 : i32
      %dma_wait3A_337 = arith.constant 0 : i32
      %dma_wait3A_338 = tpu.memref_slice %arg8[%run_scoped3A_26, %dma_wait3A_336, %dma_wait3A_337] : memref<4x128x64xf32, #tpu.memory_space<vmem>> -> memref<1x128x64xf32, #tpu.memory_space<vmem>>
      %dma_wait3A_339 = tpu.memref_squeeze %dma_wait3A_338 : memref<1x128x64xf32, #tpu.memory_space<vmem>> -> memref<128x64xf32, #tpu.memory_space<vmem>>
      %dma_wait3A_340 = arith.constant 0 : i32
      %dma_wait3A_341 = tpu.memref_slice %arg9[%add3A_25, %dma_wait3A_340] : memref<10240x64xf32, #tpu.memory_space<vmem_shared>> -> memref<128x64xf32, #tpu.memory_space<vmem_shared>>
      %dma_wait3A_342 = arith.constant 0 : i32
      %dma_wait3A_343 = tpu.memref_slice %arg9[%add3A_25, %dma_wait3A_342] : memref<10240x64xf32, #tpu.memory_space<vmem_shared>> -> memref<128x64xf32, #tpu.memory_space<vmem_shared>>
      %dma_wait3A_344 = arith.constant 0 : i32
      %dma_wait3A_345 = arith.constant 0 : i32
      %dma_wait3A_346 = tpu.memref_slice %arg8[%run_scoped3A_26, %dma_wait3A_344, %dma_wait3A_345] : memref<4x128x64xf32, #tpu.memory_space<vmem>> -> memref<1x128x64xf32, #tpu.memory_space<vmem>>
      %dma_wait3A_347 = tpu.memref_squeeze %dma_wait3A_346 : memref<1x128x64xf32, #tpu.memory_space<vmem>> -> memref<128x64xf32, #tpu.memory_space<vmem>>
      tpu.wait_dma2 semaphore(%run_scoped3A_323 : memref<!tpu.dma_semaphore, #tpu.memory_space<semaphore_mem>>) src(%dma_wait3A_347 : memref<128x64xf32, #tpu.memory_space<vmem>>) dst(%dma_wait3A_343 : memref<128x64xf32, #tpu.memory_space<vmem_shared>>)
      tpu.yield
    }) : () -> ()
    %barrier3A = arith.constant 0 : index
    tpu.barrier barrier_id(%barrier3A)
    "tpu.region"() ({
      %run_scoped3A_323 = tpu.sem_alloc : memref<!tpu.dma_semaphore, #tpu.memory_space<semaphore_mem>>
      %dma_start3A_324 = arith.constant 0 : i32
      %dma_start3A_325 = arith.constant 0 : i32
      %dma_start3A_326 = tpu.memref_slice %arg3[%arg1, %dma_start3A_324, %dma_start3A_325] : memref<16x160x128xi32, #tpu.memory_space<hbm>> -> memref<1x160x128xi32, #tpu.memory_space<hbm>>
      %dma_start3A_327 = tpu.memref_squeeze %dma_start3A_326 : memref<1x160x128xi32, #tpu.memory_space<hbm>> -> memref<160x128xi32, #tpu.memory_space<hbm>>
      %dma_start3A_328 = arith.constant 0 : i32
      %dma_start3A_329 = arith.constant 0 : i32
      %dma_start3A_330 = tpu.memref_slice %arg3[%arg1, %dma_start3A_328, %dma_start3A_329] : memref<16x160x128xi32, #tpu.memory_space<hbm>> -> memref<1x160x128xi32, #tpu.memory_space<hbm>>
      %dma_start3A_331 = tpu.memref_squeeze %dma_start3A_330 : memref<1x160x128xi32, #tpu.memory_space<hbm>> -> memref<160x128xi32, #tpu.memory_space<hbm>>
      tpu.enqueue_dma source(%dma_start3A_331 : memref<160x128xi32, #tpu.memory_space<hbm>>) target(%arg6 : memref<160x128xi32, #tpu.memory_space<vmem>>) target_semaphore(%run_scoped3A_323 : memref<!tpu.dma_semaphore, #tpu.memory_space<semaphore_mem>>)
      %dma_wait3A_332 = arith.constant 0 : i32
      %dma_wait3A_333 = arith.constant 0 : i32
      %dma_wait3A_334 = tpu.memref_slice %arg3[%arg1, %dma_wait3A_332, %dma_wait3A_333] : memref<16x160x128xi32, #tpu.memory_space<hbm>> -> memref<1x160x128xi32, #tpu.memory_space<hbm>>
      %dma_wait3A_335 = tpu.memref_squeeze %dma_wait3A_334 : memref<1x160x128xi32, #tpu.memory_space<hbm>> -> memref<160x128xi32, #tpu.memory_space<hbm>>
      %dma_wait3A_336 = arith.constant 0 : i32
      %dma_wait3A_337 = arith.constant 0 : i32
      %dma_wait3A_338 = tpu.memref_slice %arg3[%arg1, %dma_wait3A_336, %dma_wait3A_337] : memref<16x160x128xi32, #tpu.memory_space<hbm>> -> memref<1x160x128xi32, #tpu.memory_space<hbm>>
      %dma_wait3A_339 = tpu.memref_squeeze %dma_wait3A_338 : memref<1x160x128xi32, #tpu.memory_space<hbm>> -> memref<160x128xi32, #tpu.memory_space<hbm>>
      tpu.wait_dma2 semaphore(%run_scoped3A_323 : memref<!tpu.dma_semaphore, #tpu.memory_space<semaphore_mem>>) src(%dma_wait3A_339 : memref<160x128xi32, #tpu.memory_space<hbm>>) dst(%arg6 : memref<160x128xi32, #tpu.memory_space<vmem>>)
      tpu.yield
    }) : () -> ()
    "tpu.region"() ({
      %run_scoped3A_323 = tpu.sem_alloc : memref<!tpu.dma_semaphore, #tpu.memory_space<semaphore_mem>>
      %dma_start3A_324 = arith.constant 0 : i32
      %dma_start3A_325 = arith.constant 0 : i32
      %dma_start3A_326 = tpu.memref_slice %arg4[%arg1, %dma_start3A_324, %dma_start3A_325] : memref<16x160x128xi32, #tpu.memory_space<hbm>> -> memref<1x160x128xi32, #tpu.memory_space<hbm>>
      %dma_start3A_327 = tpu.memref_squeeze %dma_start3A_326 : memref<1x160x128xi32, #tpu.memory_space<hbm>> -> memref<160x128xi32, #tpu.memory_space<hbm>>
      %dma_start3A_328 = arith.constant 0 : i32
      %dma_start3A_329 = arith.constant 0 : i32
      %dma_start3A_330 = tpu.memref_slice %arg4[%arg1, %dma_start3A_328, %dma_start3A_329] : memref<16x160x128xi32, #tpu.memory_space<hbm>> -> memref<1x160x128xi32, #tpu.memory_space<hbm>>
      %dma_start3A_331 = tpu.memref_squeeze %dma_start3A_330 : memref<1x160x128xi32, #tpu.memory_space<hbm>> -> memref<160x128xi32, #tpu.memory_space<hbm>>
      tpu.enqueue_dma source(%dma_start3A_331 : memref<160x128xi32, #tpu.memory_space<hbm>>) target(%arg7 : memref<160x128xi32, #tpu.memory_space<vmem>>) target_semaphore(%run_scoped3A_323 : memref<!tpu.dma_semaphore, #tpu.memory_space<semaphore_mem>>)
      %dma_wait3A_332 = arith.constant 0 : i32
      %dma_wait3A_333 = arith.constant 0 : i32
      %dma_wait3A_334 = tpu.memref_slice %arg4[%arg1, %dma_wait3A_332, %dma_wait3A_333] : memref<16x160x128xi32, #tpu.memory_space<hbm>> -> memref<1x160x128xi32, #tpu.memory_space<hbm>>
      %dma_wait3A_335 = tpu.memref_squeeze %dma_wait3A_334 : memref<1x160x128xi32, #tpu.memory_space<hbm>> -> memref<160x128xi32, #tpu.memory_space<hbm>>
      %dma_wait3A_336 = arith.constant 0 : i32
      %dma_wait3A_337 = arith.constant 0 : i32
      %dma_wait3A_338 = tpu.memref_slice %arg4[%arg1, %dma_wait3A_336, %dma_wait3A_337] : memref<16x160x128xi32, #tpu.memory_space<hbm>> -> memref<1x160x128xi32, #tpu.memory_space<hbm>>
      %dma_wait3A_339 = tpu.memref_squeeze %dma_wait3A_338 : memref<1x160x128xi32, #tpu.memory_space<hbm>> -> memref<160x128xi32, #tpu.memory_space<hbm>>
      tpu.wait_dma2 semaphore(%run_scoped3A_323 : memref<!tpu.dma_semaphore, #tpu.memory_space<semaphore_mem>>) src(%dma_wait3A_339 : memref<160x128xi32, #tpu.memory_space<hbm>>) dst(%arg7 : memref<160x128xi32, #tpu.memory_space<vmem>>)
      tpu.yield
    }) : () -> ()
    %dma_start3A = arith.constant 0 : i32
    %dma_start3A_27 = arith.constant 0 : i32
    %dma_start3A_28 = arith.constant 0 : i32
    %dma_start3A_29 = arith.constant 0 : i32
    %dma_start3A_30 = arith.constant 0 : i32
    %dma_start3A_31 = tpu.memref_slice %arg8[%dma_start3A_27, %dma_start3A_29, %dma_start3A_30] : memref<4x128x64xf32, #tpu.memory_space<vmem>> -> memref<1x128x64xf32, #tpu.memory_space<vmem>>
    %dma_start3A_32 = tpu.memref_squeeze %dma_start3A_31 : memref<1x128x64xf32, #tpu.memory_space<vmem>> -> memref<128x64xf32, #tpu.memory_space<vmem>>
    %dma_start3A_33 = arith.constant 0 : i32
    %dma_start3A_34 = tpu.memref_slice %arg6[%dma_start3A, %dma_start3A_33] : memref<160x128xi32, #tpu.memory_space<vmem>> -> memref<1x128xi32, #tpu.memory_space<vmem>>
    %dma_start3A_35 = tpu.memref_squeeze %dma_start3A_34 : memref<1x128xi32, #tpu.memory_space<vmem>> -> memref<128xi32, #tpu.memory_space<vmem>>
    %dma_start3A_36 = arith.constant 0 : i32
    %dma_start3A_37 = arith.constant 0 : i32
    %dma_start3A_38 = tpu.memref_slice %arg2[%arg0, %dma_start3A_36, %dma_start3A_37] : memref<2x10240x64xf32, #tpu.memory_space<hbm>> -> memref<1x10240x64xf32, #tpu.memory_space<hbm>>
    %dma_start3A_39 = tpu.memref_squeeze %dma_start3A_38 : memref<1x10240x64xf32, #tpu.memory_space<hbm>> -> memref<10240x64xf32, #tpu.memory_space<hbm>>
    %dma_start3A_40 = arith.constant 0 : i32
    %dma_start3A_41 = arith.constant 0 : i32
    %dma_start3A_42 = tpu.memref_slice %dma_start3A_39[%dma_start3A_40, %dma_start3A_41] : memref<10240x64xf32, #tpu.memory_space<hbm>> -> memref<10240x64xf32, #tpu.memory_space<hbm>>
    %dma_start3A_43 = tpu.memref_slice %arg10[%dma_start3A_28] : memref<4x!tpu.dma_semaphore, #tpu.memory_space<semaphore_mem>> -> memref<1x!tpu.dma_semaphore, #tpu.memory_space<semaphore_mem>>
    %dma_start3A_44 = tpu.memref_squeeze %dma_start3A_43 : memref<1x!tpu.dma_semaphore, #tpu.memory_space<semaphore_mem>> -> memref<!tpu.dma_semaphore, #tpu.memory_space<semaphore_mem>>
    tpu.enqueue_indirect_dma source(%dma_start3A_42 : memref<10240x64xf32, #tpu.memory_space<hbm>>) target(%dma_start3A_32 : memref<128x64xf32, #tpu.memory_space<vmem>>) offsets(%dma_start3A_35 : memref<128xi32, #tpu.memory_space<vmem>>) semaphore(%dma_start3A_44 : memref<!tpu.dma_semaphore, #tpu.memory_space<semaphore_mem>>)
    %dma_start3A_45 = arith.constant 1 : i32
    %dma_start3A_46 = arith.constant 1 : i32
    %dma_start3A_47 = arith.constant 1 : i32
    %dma_start3A_48 = arith.constant 0 : i32
    %dma_start3A_49 = arith.constant 0 : i32
    %dma_start3A_50 = tpu.memref_slice %arg8[%dma_start3A_46, %dma_start3A_48, %dma_start3A_49] : memref<4x128x64xf32, #tpu.memory_space<vmem>> -> memref<1x128x64xf32, #tpu.memory_space<vmem>>
    %dma_start3A_51 = tpu.memref_squeeze %dma_start3A_50 : memref<1x128x64xf32, #tpu.memory_space<vmem>> -> memref<128x64xf32, #tpu.memory_space<vmem>>
    %dma_start3A_52 = arith.constant 0 : i32
    %dma_start3A_53 = tpu.memref_slice %arg6[%dma_start3A_45, %dma_start3A_52] : memref<160x128xi32, #tpu.memory_space<vmem>> -> memref<1x128xi32, #tpu.memory_space<vmem>>
    %dma_start3A_54 = tpu.memref_squeeze %dma_start3A_53 : memref<1x128xi32, #tpu.memory_space<vmem>> -> memref<128xi32, #tpu.memory_space<vmem>>
    %dma_start3A_55 = arith.constant 0 : i32
    %dma_start3A_56 = arith.constant 0 : i32
    %dma_start3A_57 = tpu.memref_slice %arg2[%arg0, %dma_start3A_55, %dma_start3A_56] : memref<2x10240x64xf32, #tpu.memory_space<hbm>> -> memref<1x10240x64xf32, #tpu.memory_space<hbm>>
    %dma_start3A_58 = tpu.memref_squeeze %dma_start3A_57 : memref<1x10240x64xf32, #tpu.memory_space<hbm>> -> memref<10240x64xf32, #tpu.memory_space<hbm>>
    %dma_start3A_59 = arith.constant 0 : i32
    %dma_start3A_60 = arith.constant 0 : i32
    %dma_start3A_61 = tpu.memref_slice %dma_start3A_58[%dma_start3A_59, %dma_start3A_60] : memref<10240x64xf32, #tpu.memory_space<hbm>> -> memref<10240x64xf32, #tpu.memory_space<hbm>>
    %dma_start3A_62 = tpu.memref_slice %arg10[%dma_start3A_47] : memref<4x!tpu.dma_semaphore, #tpu.memory_space<semaphore_mem>> -> memref<1x!tpu.dma_semaphore, #tpu.memory_space<semaphore_mem>>
    %dma_start3A_63 = tpu.memref_squeeze %dma_start3A_62 : memref<1x!tpu.dma_semaphore, #tpu.memory_space<semaphore_mem>> -> memref<!tpu.dma_semaphore, #tpu.memory_space<semaphore_mem>>
    tpu.enqueue_indirect_dma source(%dma_start3A_61 : memref<10240x64xf32, #tpu.memory_space<hbm>>) target(%dma_start3A_51 : memref<128x64xf32, #tpu.memory_space<vmem>>) offsets(%dma_start3A_54 : memref<128xi32, #tpu.memory_space<vmem>>) semaphore(%dma_start3A_63 : memref<!tpu.dma_semaphore, #tpu.memory_space<semaphore_mem>>)
    %dma_start3A_64 = arith.constant 2 : i32
    %dma_start3A_65 = arith.constant 2 : i32
    %dma_start3A_66 = arith.constant 2 : i32
    %dma_start3A_67 = arith.constant 0 : i32
    %dma_start3A_68 = arith.constant 0 : i32
    %dma_start3A_69 = tpu.memref_slice %arg8[%dma_start3A_65, %dma_start3A_67, %dma_start3A_68] : memref<4x128x64xf32, #tpu.memory_space<vmem>> -> memref<1x128x64xf32, #tpu.memory_space<vmem>>
    %dma_start3A_70 = tpu.memref_squeeze %dma_start3A_69 : memref<1x128x64xf32, #tpu.memory_space<vmem>> -> memref<128x64xf32, #tpu.memory_space<vmem>>
    %dma_start3A_71 = arith.constant 0 : i32
    %dma_start3A_72 = tpu.memref_slice %arg6[%dma_start3A_64, %dma_start3A_71] : memref<160x128xi32, #tpu.memory_space<vmem>> -> memref<1x128xi32, #tpu.memory_space<vmem>>
    %dma_start3A_73 = tpu.memref_squeeze %dma_start3A_72 : memref<1x128xi32, #tpu.memory_space<vmem>> -> memref<128xi32, #tpu.memory_space<vmem>>
    %dma_start3A_74 = arith.constant 0 : i32
    %dma_start3A_75 = arith.constant 0 : i32
    %dma_start3A_76 = tpu.memref_slice %arg2[%arg0, %dma_start3A_74, %dma_start3A_75] : memref<2x10240x64xf32, #tpu.memory_space<hbm>> -> memref<1x10240x64xf32, #tpu.memory_space<hbm>>
    %dma_start3A_77 = tpu.memref_squeeze %dma_start3A_76 : memref<1x10240x64xf32, #tpu.memory_space<hbm>> -> memref<10240x64xf32, #tpu.memory_space<hbm>>
    %dma_start3A_78 = arith.constant 0 : i32
    %dma_start3A_79 = arith.constant 0 : i32
    %dma_start3A_80 = tpu.memref_slice %dma_start3A_77[%dma_start3A_78, %dma_start3A_79] : memref<10240x64xf32, #tpu.memory_space<hbm>> -> memref<10240x64xf32, #tpu.memory_space<hbm>>
    %dma_start3A_81 = tpu.memref_slice %arg10[%dma_start3A_66] : memref<4x!tpu.dma_semaphore, #tpu.memory_space<semaphore_mem>> -> memref<1x!tpu.dma_semaphore, #tpu.memory_space<semaphore_mem>>
    %dma_start3A_82 = tpu.memref_squeeze %dma_start3A_81 : memref<1x!tpu.dma_semaphore, #tpu.memory_space<semaphore_mem>> -> memref<!tpu.dma_semaphore, #tpu.memory_space<semaphore_mem>>
    tpu.enqueue_indirect_dma source(%dma_start3A_80 : memref<10240x64xf32, #tpu.memory_space<hbm>>) target(%dma_start3A_70 : memref<128x64xf32, #tpu.memory_space<vmem>>) offsets(%dma_start3A_73 : memref<128xi32, #tpu.memory_space<vmem>>) semaphore(%dma_start3A_82 : memref<!tpu.dma_semaphore, #tpu.memory_space<semaphore_mem>>)
    %dma_start3A_83 = arith.constant 3 : i32
    %dma_start3A_84 = arith.constant 3 : i32
    %dma_start3A_85 = arith.constant 3 : i32
    %dma_start3A_86 = arith.constant 0 : i32
    %dma_start3A_87 = arith.constant 0 : i32
    %dma_start3A_88 = tpu.memref_slice %arg8[%dma_start3A_84, %dma_start3A_86, %dma_start3A_87] : memref<4x128x64xf32, #tpu.memory_space<vmem>> -> memref<1x128x64xf32, #tpu.memory_space<vmem>>
    %dma_start3A_89 = tpu.memref_squeeze %dma_start3A_88 : memref<1x128x64xf32, #tpu.memory_space<vmem>> -> memref<128x64xf32, #tpu.memory_space<vmem>>
    %dma_start3A_90 = arith.constant 0 : i32
    %dma_start3A_91 = tpu.memref_slice %arg6[%dma_start3A_83, %dma_start3A_90] : memref<160x128xi32, #tpu.memory_space<vmem>> -> memref<1x128xi32, #tpu.memory_space<vmem>>
    %dma_start3A_92 = tpu.memref_squeeze %dma_start3A_91 : memref<1x128xi32, #tpu.memory_space<vmem>> -> memref<128xi32, #tpu.memory_space<vmem>>
    %dma_start3A_93 = arith.constant 0 : i32
    %dma_start3A_94 = arith.constant 0 : i32
    %dma_start3A_95 = tpu.memref_slice %arg2[%arg0, %dma_start3A_93, %dma_start3A_94] : memref<2x10240x64xf32, #tpu.memory_space<hbm>> -> memref<1x10240x64xf32, #tpu.memory_space<hbm>>
    %dma_start3A_96 = tpu.memref_squeeze %dma_start3A_95 : memref<1x10240x64xf32, #tpu.memory_space<hbm>> -> memref<10240x64xf32, #tpu.memory_space<hbm>>
    %dma_start3A_97 = arith.constant 0 : i32
    %dma_start3A_98 = arith.constant 0 : i32
    %dma_start3A_99 = tpu.memref_slice %dma_start3A_96[%dma_start3A_97, %dma_start3A_98] : memref<10240x64xf32, #tpu.memory_space<hbm>> -> memref<10240x64xf32, #tpu.memory_space<hbm>>
    %dma_start3A_100 = tpu.memref_slice %arg10[%dma_start3A_85] : memref<4x!tpu.dma_semaphore, #tpu.memory_space<semaphore_mem>> -> memref<1x!tpu.dma_semaphore, #tpu.memory_space<semaphore_mem>>
    %dma_start3A_101 = tpu.memref_squeeze %dma_start3A_100 : memref<1x!tpu.dma_semaphore, #tpu.memory_space<semaphore_mem>> -> memref<!tpu.dma_semaphore, #tpu.memory_space<semaphore_mem>>
    tpu.enqueue_indirect_dma source(%dma_start3A_99 : memref<10240x64xf32, #tpu.memory_space<hbm>>) target(%dma_start3A_89 : memref<128x64xf32, #tpu.memory_space<vmem>>) offsets(%dma_start3A_92 : memref<128xi32, #tpu.memory_space<vmem>>) semaphore(%dma_start3A_101 : memref<!tpu.dma_semaphore, #tpu.memory_space<semaphore_mem>>)
    %dma_wait3A = arith.constant 0 : i32
    %dma_wait3A_102 = arith.constant 0 : i32
    %dma_wait3A_103 = arith.constant 0 : i32
    %dma_wait3A_104 = arith.constant 0 : i32
    %dma_wait3A_105 = arith.constant 0 : i32
    %dma_wait3A_106 = tpu.memref_slice %arg8[%dma_wait3A_102, %dma_wait3A_104, %dma_wait3A_105] : memref<4x128x64xf32, #tpu.memory_space<vmem>> -> memref<1x128x64xf32, #tpu.memory_space<vmem>>
    %dma_wait3A_107 = tpu.memref_squeeze %dma_wait3A_106 : memref<1x128x64xf32, #tpu.memory_space<vmem>> -> memref<128x64xf32, #tpu.memory_space<vmem>>
    %dma_wait3A_108 = arith.constant 0 : i32
    %dma_wait3A_109 = tpu.memref_slice %arg6[%dma_wait3A, %dma_wait3A_108] : memref<160x128xi32, #tpu.memory_space<vmem>> -> memref<1x128xi32, #tpu.memory_space<vmem>>
    %dma_wait3A_110 = tpu.memref_squeeze %dma_wait3A_109 : memref<1x128xi32, #tpu.memory_space<vmem>> -> memref<128xi32, #tpu.memory_space<vmem>>
    %dma_wait3A_111 = arith.constant 0 : i32
    %dma_wait3A_112 = arith.constant 0 : i32
    %dma_wait3A_113 = tpu.memref_slice %arg2[%arg0, %dma_wait3A_111, %dma_wait3A_112] : memref<2x10240x64xf32, #tpu.memory_space<hbm>> -> memref<1x10240x64xf32, #tpu.memory_space<hbm>>
    %dma_wait3A_114 = tpu.memref_squeeze %dma_wait3A_113 : memref<1x10240x64xf32, #tpu.memory_space<hbm>> -> memref<10240x64xf32, #tpu.memory_space<hbm>>
    %dma_wait3A_115 = arith.constant 0 : i32
    %dma_wait3A_116 = arith.constant 0 : i32
    %dma_wait3A_117 = tpu.memref_slice %dma_wait3A_114[%dma_wait3A_115, %dma_wait3A_116] : memref<10240x64xf32, #tpu.memory_space<hbm>> -> memref<10240x64xf32, #tpu.memory_space<hbm>>
    %dma_wait3A_118 = tpu.memref_slice %arg10[%dma_wait3A_103] : memref<4x!tpu.dma_semaphore, #tpu.memory_space<semaphore_mem>> -> memref<1x!tpu.dma_semaphore, #tpu.memory_space<semaphore_mem>>
    %dma_wait3A_119 = tpu.memref_squeeze %dma_wait3A_118 : memref<1x!tpu.dma_semaphore, #tpu.memory_space<semaphore_mem>> -> memref<!tpu.dma_semaphore, #tpu.memory_space<semaphore_mem>>
    tpu.wait_indirect_dma semaphore(%dma_wait3A_119 : memref<!tpu.dma_semaphore, #tpu.memory_space<semaphore_mem>>) src(%dma_wait3A_117 : memref<10240x64xf32, #tpu.memory_space<hbm>>) dst(%dma_wait3A_107 : memref<128x64xf32, #tpu.memory_space<vmem>>)
    %dma_start3A_120 = arith.constant 0 : i32
    %dma_start3A_121 = arith.constant 0 : i32
    %dma_start3A_122 = arith.constant 0 : i32
    %dma_start3A_123 = arith.constant 0 : i32
    %dma_start3A_124 = arith.constant 0 : i32
    %dma_start3A_125 = tpu.memref_slice %arg8[%dma_start3A_120, %dma_start3A_123, %dma_start3A_124] : memref<4x128x64xf32, #tpu.memory_space<vmem>> -> memref<1x128x64xf32, #tpu.memory_space<vmem>>
    %dma_start3A_126 = tpu.memref_squeeze %dma_start3A_125 : memref<1x128x64xf32, #tpu.memory_space<vmem>> -> memref<128x64xf32, #tpu.memory_space<vmem>>
    %dma_start3A_127 = arith.constant 0 : i32
    %dma_start3A_128 = tpu.memref_slice %arg7[%dma_start3A_121, %dma_start3A_127] : memref<160x128xi32, #tpu.memory_space<vmem>> -> memref<1x128xi32, #tpu.memory_space<vmem>>
    %dma_start3A_129 = tpu.memref_squeeze %dma_start3A_128 : memref<1x128xi32, #tpu.memory_space<vmem>> -> memref<128xi32, #tpu.memory_space<vmem>>
    %dma_start3A_130 = arith.constant 0 : i32
    %dma_start3A_131 = arith.constant 0 : i32
    %dma_start3A_132 = tpu.memref_slice %arg9[%dma_start3A_130, %dma_start3A_131] : memref<10240x64xf32, #tpu.memory_space<vmem_shared>> -> memref<10240x64xf32, #tpu.memory_space<vmem_shared>>
    %dma_start3A_133 = tpu.memref_slice %arg11[%dma_start3A_122] : memref<4x!tpu.dma_semaphore, #tpu.memory_space<semaphore_mem>> -> memref<1x!tpu.dma_semaphore, #tpu.memory_space<semaphore_mem>>
    %dma_start3A_134 = tpu.memref_squeeze %dma_start3A_133 : memref<1x!tpu.dma_semaphore, #tpu.memory_space<semaphore_mem>> -> memref<!tpu.dma_semaphore, #tpu.memory_space<semaphore_mem>>
    tpu.enqueue_indirect_dma source(%dma_start3A_126 : memref<128x64xf32, #tpu.memory_space<vmem>>) target(%dma_start3A_132 : memref<10240x64xf32, #tpu.memory_space<vmem_shared>>) offsets(%dma_start3A_129 : memref<128xi32, #tpu.memory_space<vmem>>) semaphore(%dma_start3A_134 : memref<!tpu.dma_semaphore, #tpu.memory_space<semaphore_mem>>) {add = true}
    %dma_wait3A_135 = arith.constant 1 : i32
    %dma_wait3A_136 = arith.constant 1 : i32
    %dma_wait3A_137 = arith.constant 1 : i32
    %dma_wait3A_138 = arith.constant 0 : i32
    %dma_wait3A_139 = arith.constant 0 : i32
    %dma_wait3A_140 = tpu.memref_slice %arg8[%dma_wait3A_136, %dma_wait3A_138, %dma_wait3A_139] : memref<4x128x64xf32, #tpu.memory_space<vmem>> -> memref<1x128x64xf32, #tpu.memory_space<vmem>>
    %dma_wait3A_141 = tpu.memref_squeeze %dma_wait3A_140 : memref<1x128x64xf32, #tpu.memory_space<vmem>> -> memref<128x64xf32, #tpu.memory_space<vmem>>
    %dma_wait3A_142 = arith.constant 0 : i32
    %dma_wait3A_143 = tpu.memref_slice %arg6[%dma_wait3A_135, %dma_wait3A_142] : memref<160x128xi32, #tpu.memory_space<vmem>> -> memref<1x128xi32, #tpu.memory_space<vmem>>
    %dma_wait3A_144 = tpu.memref_squeeze %dma_wait3A_143 : memref<1x128xi32, #tpu.memory_space<vmem>> -> memref<128xi32, #tpu.memory_space<vmem>>
    %dma_wait3A_145 = arith.constant 0 : i32
    %dma_wait3A_146 = arith.constant 0 : i32
    %dma_wait3A_147 = tpu.memref_slice %arg2[%arg0, %dma_wait3A_145, %dma_wait3A_146] : memref<2x10240x64xf32, #tpu.memory_space<hbm>> -> memref<1x10240x64xf32, #tpu.memory_space<hbm>>
    %dma_wait3A_148 = tpu.memref_squeeze %dma_wait3A_147 : memref<1x10240x64xf32, #tpu.memory_space<hbm>> -> memref<10240x64xf32, #tpu.memory_space<hbm>>
    %dma_wait3A_149 = arith.constant 0 : i32
    %dma_wait3A_150 = arith.constant 0 : i32
    %dma_wait3A_151 = tpu.memref_slice %dma_wait3A_148[%dma_wait3A_149, %dma_wait3A_150] : memref<10240x64xf32, #tpu.memory_space<hbm>> -> memref<10240x64xf32, #tpu.memory_space<hbm>>
    %dma_wait3A_152 = tpu.memref_slice %arg10[%dma_wait3A_137] : memref<4x!tpu.dma_semaphore, #tpu.memory_space<semaphore_mem>> -> memref<1x!tpu.dma_semaphore, #tpu.memory_space<semaphore_mem>>
    %dma_wait3A_153 = tpu.memref_squeeze %dma_wait3A_152 : memref<1x!tpu.dma_semaphore, #tpu.memory_space<semaphore_mem>> -> memref<!tpu.dma_semaphore, #tpu.memory_space<semaphore_mem>>
    tpu.wait_indirect_dma semaphore(%dma_wait3A_153 : memref<!tpu.dma_semaphore, #tpu.memory_space<semaphore_mem>>) src(%dma_wait3A_151 : memref<10240x64xf32, #tpu.memory_space<hbm>>) dst(%dma_wait3A_141 : memref<128x64xf32, #tpu.memory_space<vmem>>)
    %dma_start3A_154 = arith.constant 1 : i32
    %dma_start3A_155 = arith.constant 1 : i32
    %dma_start3A_156 = arith.constant 1 : i32
    %dma_start3A_157 = arith.constant 0 : i32
    %dma_start3A_158 = arith.constant 0 : i32
    %dma_start3A_159 = tpu.memref_slice %arg8[%dma_start3A_154, %dma_start3A_157, %dma_start3A_158] : memref<4x128x64xf32, #tpu.memory_space<vmem>> -> memref<1x128x64xf32, #tpu.memory_space<vmem>>
    %dma_start3A_160 = tpu.memref_squeeze %dma_start3A_159 : memref<1x128x64xf32, #tpu.memory_space<vmem>> -> memref<128x64xf32, #tpu.memory_space<vmem>>
    %dma_start3A_161 = arith.constant 0 : i32
    %dma_start3A_162 = tpu.memref_slice %arg7[%dma_start3A_155, %dma_start3A_161] : memref<160x128xi32, #tpu.memory_space<vmem>> -> memref<1x128xi32, #tpu.memory_space<vmem>>
    %dma_start3A_163 = tpu.memref_squeeze %dma_start3A_162 : memref<1x128xi32, #tpu.memory_space<vmem>> -> memref<128xi32, #tpu.memory_space<vmem>>
    %dma_start3A_164 = arith.constant 0 : i32
    %dma_start3A_165 = arith.constant 0 : i32
    %dma_start3A_166 = tpu.memref_slice %arg9[%dma_start3A_164, %dma_start3A_165] : memref<10240x64xf32, #tpu.memory_space<vmem_shared>> -> memref<10240x64xf32, #tpu.memory_space<vmem_shared>>
    %dma_start3A_167 = tpu.memref_slice %arg11[%dma_start3A_156] : memref<4x!tpu.dma_semaphore, #tpu.memory_space<semaphore_mem>> -> memref<1x!tpu.dma_semaphore, #tpu.memory_space<semaphore_mem>>
    %dma_start3A_168 = tpu.memref_squeeze %dma_start3A_167 : memref<1x!tpu.dma_semaphore, #tpu.memory_space<semaphore_mem>> -> memref<!tpu.dma_semaphore, #tpu.memory_space<semaphore_mem>>
    tpu.enqueue_indirect_dma source(%dma_start3A_160 : memref<128x64xf32, #tpu.memory_space<vmem>>) target(%dma_start3A_166 : memref<10240x64xf32, #tpu.memory_space<vmem_shared>>) offsets(%dma_start3A_163 : memref<128xi32, #tpu.memory_space<vmem>>) semaphore(%dma_start3A_168 : memref<!tpu.dma_semaphore, #tpu.memory_space<semaphore_mem>>) {add = true}
    %dma_wait3A_169 = arith.constant 2 : i32
    %dma_wait3A_170 = arith.constant 2 : i32
    %dma_wait3A_171 = arith.constant 2 : i32
    %dma_wait3A_172 = arith.constant 0 : i32
    %dma_wait3A_173 = arith.constant 0 : i32
    %dma_wait3A_174 = tpu.memref_slice %arg8[%dma_wait3A_170, %dma_wait3A_172, %dma_wait3A_173] : memref<4x128x64xf32, #tpu.memory_space<vmem>> -> memref<1x128x64xf32, #tpu.memory_space<vmem>>
    %dma_wait3A_175 = tpu.memref_squeeze %dma_wait3A_174 : memref<1x128x64xf32, #tpu.memory_space<vmem>> -> memref<128x64xf32, #tpu.memory_space<vmem>>
    %dma_wait3A_176 = arith.constant 0 : i32
    %dma_wait3A_177 = tpu.memref_slice %arg6[%dma_wait3A_169, %dma_wait3A_176] : memref<160x128xi32, #tpu.memory_space<vmem>> -> memref<1x128xi32, #tpu.memory_space<vmem>>
    %dma_wait3A_178 = tpu.memref_squeeze %dma_wait3A_177 : memref<1x128xi32, #tpu.memory_space<vmem>> -> memref<128xi32, #tpu.memory_space<vmem>>
    %dma_wait3A_179 = arith.constant 0 : i32
    %dma_wait3A_180 = arith.constant 0 : i32
    %dma_wait3A_181 = tpu.memref_slice %arg2[%arg0, %dma_wait3A_179, %dma_wait3A_180] : memref<2x10240x64xf32, #tpu.memory_space<hbm>> -> memref<1x10240x64xf32, #tpu.memory_space<hbm>>
    %dma_wait3A_182 = tpu.memref_squeeze %dma_wait3A_181 : memref<1x10240x64xf32, #tpu.memory_space<hbm>> -> memref<10240x64xf32, #tpu.memory_space<hbm>>
    %dma_wait3A_183 = arith.constant 0 : i32
    %dma_wait3A_184 = arith.constant 0 : i32
    %dma_wait3A_185 = tpu.memref_slice %dma_wait3A_182[%dma_wait3A_183, %dma_wait3A_184] : memref<10240x64xf32, #tpu.memory_space<hbm>> -> memref<10240x64xf32, #tpu.memory_space<hbm>>
    %dma_wait3A_186 = tpu.memref_slice %arg10[%dma_wait3A_171] : memref<4x!tpu.dma_semaphore, #tpu.memory_space<semaphore_mem>> -> memref<1x!tpu.dma_semaphore, #tpu.memory_space<semaphore_mem>>
    %dma_wait3A_187 = tpu.memref_squeeze %dma_wait3A_186 : memref<1x!tpu.dma_semaphore, #tpu.memory_space<semaphore_mem>> -> memref<!tpu.dma_semaphore, #tpu.memory_space<semaphore_mem>>
    tpu.wait_indirect_dma semaphore(%dma_wait3A_187 : memref<!tpu.dma_semaphore, #tpu.memory_space<semaphore_mem>>) src(%dma_wait3A_185 : memref<10240x64xf32, #tpu.memory_space<hbm>>) dst(%dma_wait3A_175 : memref<128x64xf32, #tpu.memory_space<vmem>>)
    %dma_start3A_188 = arith.constant 2 : i32
    %dma_start3A_189 = arith.constant 2 : i32
    %dma_start3A_190 = arith.constant 2 : i32
    %dma_start3A_191 = arith.constant 0 : i32
    %dma_start3A_192 = arith.constant 0 : i32
    %dma_start3A_193 = tpu.memref_slice %arg8[%dma_start3A_188, %dma_start3A_191, %dma_start3A_192] : memref<4x128x64xf32, #tpu.memory_space<vmem>> -> memref<1x128x64xf32, #tpu.memory_space<vmem>>
    %dma_start3A_194 = tpu.memref_squeeze %dma_start3A_193 : memref<1x128x64xf32, #tpu.memory_space<vmem>> -> memref<128x64xf32, #tpu.memory_space<vmem>>
    %dma_start3A_195 = arith.constant 0 : i32
    %dma_start3A_196 = tpu.memref_slice %arg7[%dma_start3A_189, %dma_start3A_195] : memref<160x128xi32, #tpu.memory_space<vmem>> -> memref<1x128xi32, #tpu.memory_space<vmem>>
    %dma_start3A_197 = tpu.memref_squeeze %dma_start3A_196 : memref<1x128xi32, #tpu.memory_space<vmem>> -> memref<128xi32, #tpu.memory_space<vmem>>
    %dma_start3A_198 = arith.constant 0 : i32
    %dma_start3A_199 = arith.constant 0 : i32
    %dma_start3A_200 = tpu.memref_slice %arg9[%dma_start3A_198, %dma_start3A_199] : memref<10240x64xf32, #tpu.memory_space<vmem_shared>> -> memref<10240x64xf32, #tpu.memory_space<vmem_shared>>
    %dma_start3A_201 = tpu.memref_slice %arg11[%dma_start3A_190] : memref<4x!tpu.dma_semaphore, #tpu.memory_space<semaphore_mem>> -> memref<1x!tpu.dma_semaphore, #tpu.memory_space<semaphore_mem>>
    %dma_start3A_202 = tpu.memref_squeeze %dma_start3A_201 : memref<1x!tpu.dma_semaphore, #tpu.memory_space<semaphore_mem>> -> memref<!tpu.dma_semaphore, #tpu.memory_space<semaphore_mem>>
    tpu.enqueue_indirect_dma source(%dma_start3A_194 : memref<128x64xf32, #tpu.memory_space<vmem>>) target(%dma_start3A_200 : memref<10240x64xf32, #tpu.memory_space<vmem_shared>>) offsets(%dma_start3A_197 : memref<128xi32, #tpu.memory_space<vmem>>) semaphore(%dma_start3A_202 : memref<!tpu.dma_semaphore, #tpu.memory_space<semaphore_mem>>) {add = true}
    %dma_wait3A_203 = arith.constant 3 : i32
    %dma_wait3A_204 = arith.constant 3 : i32
    %dma_wait3A_205 = arith.constant 3 : i32
    %dma_wait3A_206 = arith.constant 0 : i32
    %dma_wait3A_207 = arith.constant 0 : i32
    %dma_wait3A_208 = tpu.memref_slice %arg8[%dma_wait3A_204, %dma_wait3A_206, %dma_wait3A_207] : memref<4x128x64xf32, #tpu.memory_space<vmem>> -> memref<1x128x64xf32, #tpu.memory_space<vmem>>
    %dma_wait3A_209 = tpu.memref_squeeze %dma_wait3A_208 : memref<1x128x64xf32, #tpu.memory_space<vmem>> -> memref<128x64xf32, #tpu.memory_space<vmem>>
    %dma_wait3A_210 = arith.constant 0 : i32
    %dma_wait3A_211 = tpu.memref_slice %arg6[%dma_wait3A_203, %dma_wait3A_210] : memref<160x128xi32, #tpu.memory_space<vmem>> -> memref<1x128xi32, #tpu.memory_space<vmem>>
    %dma_wait3A_212 = tpu.memref_squeeze %dma_wait3A_211 : memref<1x128xi32, #tpu.memory_space<vmem>> -> memref<128xi32, #tpu.memory_space<vmem>>
    %dma_wait3A_213 = arith.constant 0 : i32
    %dma_wait3A_214 = arith.constant 0 : i32
    %dma_wait3A_215 = tpu.memref_slice %arg2[%arg0, %dma_wait3A_213, %dma_wait3A_214] : memref<2x10240x64xf32, #tpu.memory_space<hbm>> -> memref<1x10240x64xf32, #tpu.memory_space<hbm>>
    %dma_wait3A_216 = tpu.memref_squeeze %dma_wait3A_215 : memref<1x10240x64xf32, #tpu.memory_space<hbm>> -> memref<10240x64xf32, #tpu.memory_space<hbm>>
    %dma_wait3A_217 = arith.constant 0 : i32
    %dma_wait3A_218 = arith.constant 0 : i32
    %dma_wait3A_219 = tpu.memref_slice %dma_wait3A_216[%dma_wait3A_217, %dma_wait3A_218] : memref<10240x64xf32, #tpu.memory_space<hbm>> -> memref<10240x64xf32, #tpu.memory_space<hbm>>
    %dma_wait3A_220 = tpu.memref_slice %arg10[%dma_wait3A_205] : memref<4x!tpu.dma_semaphore, #tpu.memory_space<semaphore_mem>> -> memref<1x!tpu.dma_semaphore, #tpu.memory_space<semaphore_mem>>
    %dma_wait3A_221 = tpu.memref_squeeze %dma_wait3A_220 : memref<1x!tpu.dma_semaphore, #tpu.memory_space<semaphore_mem>> -> memref<!tpu.dma_semaphore, #tpu.memory_space<semaphore_mem>>
    tpu.wait_indirect_dma semaphore(%dma_wait3A_221 : memref<!tpu.dma_semaphore, #tpu.memory_space<semaphore_mem>>) src(%dma_wait3A_219 : memref<10240x64xf32, #tpu.memory_space<hbm>>) dst(%dma_wait3A_209 : memref<128x64xf32, #tpu.memory_space<vmem>>)
    %dma_start3A_222 = arith.constant 3 : i32
    %dma_start3A_223 = arith.constant 3 : i32
    %dma_start3A_224 = arith.constant 3 : i32
    %dma_start3A_225 = arith.constant 0 : i32
    %dma_start3A_226 = arith.constant 0 : i32
    %dma_start3A_227 = tpu.memref_slice %arg8[%dma_start3A_222, %dma_start3A_225, %dma_start3A_226] : memref<4x128x64xf32, #tpu.memory_space<vmem>> -> memref<1x128x64xf32, #tpu.memory_space<vmem>>
    %dma_start3A_228 = tpu.memref_squeeze %dma_start3A_227 : memref<1x128x64xf32, #tpu.memory_space<vmem>> -> memref<128x64xf32, #tpu.memory_space<vmem>>
    %dma_start3A_229 = arith.constant 0 : i32
    %dma_start3A_230 = tpu.memref_slice %arg7[%dma_start3A_223, %dma_start3A_229] : memref<160x128xi32, #tpu.memory_space<vmem>> -> memref<1x128xi32, #tpu.memory_space<vmem>>
    %dma_start3A_231 = tpu.memref_squeeze %dma_start3A_230 : memref<1x128xi32, #tpu.memory_space<vmem>> -> memref<128xi32, #tpu.memory_space<vmem>>
    %dma_start3A_232 = arith.constant 0 : i32
    %dma_start3A_233 = arith.constant 0 : i32
    %dma_start3A_234 = tpu.memref_slice %arg9[%dma_start3A_232, %dma_start3A_233] : memref<10240x64xf32, #tpu.memory_space<vmem_shared>> -> memref<10240x64xf32, #tpu.memory_space<vmem_shared>>
    %dma_start3A_235 = tpu.memref_slice %arg11[%dma_start3A_224] : memref<4x!tpu.dma_semaphore, #tpu.memory_space<semaphore_mem>> -> memref<1x!tpu.dma_semaphore, #tpu.memory_space<semaphore_mem>>
    %dma_start3A_236 = tpu.memref_squeeze %dma_start3A_235 : memref<1x!tpu.dma_semaphore, #tpu.memory_space<semaphore_mem>> -> memref<!tpu.dma_semaphore, #tpu.memory_space<semaphore_mem>>
    tpu.enqueue_indirect_dma source(%dma_start3A_228 : memref<128x64xf32, #tpu.memory_space<vmem>>) target(%dma_start3A_234 : memref<10240x64xf32, #tpu.memory_space<vmem_shared>>) offsets(%dma_start3A_231 : memref<128xi32, #tpu.memory_space<vmem>>) semaphore(%dma_start3A_236 : memref<!tpu.dma_semaphore, #tpu.memory_space<semaphore_mem>>) {add = true}
    %scan3A_237 = arith.constant 1 : i32
    %scan3A_238 = arith.constant 39 : i32
    %scan3A_239 = arith.addi %scan3A_237, %scan3A_238 : i32
    %scan3A_240 = arith.constant 1 : i32
    scf.for %scan3A_323 = %scan3A_237 to %scan3A_239 step %scan3A_240  : i32 {
      %mul3A_324 = arith.constant 4 : i32
      %mul3A_325 = arith.muli %scan3A_323, %mul3A_324 : i32
      %add3A_326 = arith.constant 0 : i32
      %add3A_327 = arith.addi %mul3A_325, %add3A_326 : i32
      %sub3A = arith.constant 4 : i32
      %sub3A_328 = arith.subi %add3A_327, %sub3A : i32
      %dma_wait3A_329 = arith.constant 0 : i32
      %dma_wait3A_330 = arith.constant 0 : i32
      %dma_wait3A_331 = arith.constant 0 : i32
      %dma_wait3A_332 = arith.constant 0 : i32
      %dma_wait3A_333 = tpu.memref_slice %arg8[%dma_wait3A_329, %dma_wait3A_331, %dma_wait3A_332] : memref<4x128x64xf32, #tpu.memory_space<vmem>> -> memref<1x128x64xf32, #tpu.memory_space<vmem>>
      %dma_wait3A_334 = tpu.memref_squeeze %dma_wait3A_333 : memref<1x128x64xf32, #tpu.memory_space<vmem>> -> memref<128x64xf32, #tpu.memory_space<vmem>>
      %dma_wait3A_335 = arith.constant 0 : i32
      %dma_wait3A_336 = tpu.memref_slice %arg7[%sub3A_328, %dma_wait3A_335] : memref<160x128xi32, #tpu.memory_space<vmem>> -> memref<1x128xi32, #tpu.memory_space<vmem>>
      %dma_wait3A_337 = tpu.memref_squeeze %dma_wait3A_336 : memref<1x128xi32, #tpu.memory_space<vmem>> -> memref<128xi32, #tpu.memory_space<vmem>>
      %dma_wait3A_338 = arith.constant 0 : i32
      %dma_wait3A_339 = arith.constant 0 : i32
      %dma_wait3A_340 = tpu.memref_slice %arg9[%dma_wait3A_338, %dma_wait3A_339] : memref<10240x64xf32, #tpu.memory_space<vmem_shared>> -> memref<10240x64xf32, #tpu.memory_space<vmem_shared>>
      %dma_wait3A_341 = tpu.memref_slice %arg11[%dma_wait3A_330] : memref<4x!tpu.dma_semaphore, #tpu.memory_space<semaphore_mem>> -> memref<1x!tpu.dma_semaphore, #tpu.memory_space<semaphore_mem>>
      %dma_wait3A_342 = tpu.memref_squeeze %dma_wait3A_341 : memref<1x!tpu.dma_semaphore, #tpu.memory_space<semaphore_mem>> -> memref<!tpu.dma_semaphore, #tpu.memory_space<semaphore_mem>>
      tpu.wait_indirect_dma semaphore(%dma_wait3A_342 : memref<!tpu.dma_semaphore, #tpu.memory_space<semaphore_mem>>) src(%dma_wait3A_334 : memref<128x64xf32, #tpu.memory_space<vmem>>) dst(%dma_wait3A_340 : memref<10240x64xf32, #tpu.memory_space<vmem_shared>>)
      %dma_start3A_343 = arith.constant 0 : i32
      %dma_start3A_344 = arith.constant 0 : i32
      %dma_start3A_345 = arith.constant 0 : i32
      %dma_start3A_346 = arith.constant 0 : i32
      %dma_start3A_347 = tpu.memref_slice %arg8[%dma_start3A_343, %dma_start3A_345, %dma_start3A_346] : memref<4x128x64xf32, #tpu.memory_space<vmem>> -> memref<1x128x64xf32, #tpu.memory_space<vmem>>
      %dma_start3A_348 = tpu.memref_squeeze %dma_start3A_347 : memref<1x128x64xf32, #tpu.memory_space<vmem>> -> memref<128x64xf32, #tpu.memory_space<vmem>>
      %dma_start3A_349 = arith.constant 0 : i32
      %dma_start3A_350 = tpu.memref_slice %arg6[%add3A_327, %dma_start3A_349] : memref<160x128xi32, #tpu.memory_space<vmem>> -> memref<1x128xi32, #tpu.memory_space<vmem>>
      %dma_start3A_351 = tpu.memref_squeeze %dma_start3A_350 : memref<1x128xi32, #tpu.memory_space<vmem>> -> memref<128xi32, #tpu.memory_space<vmem>>
      %dma_start3A_352 = arith.constant 0 : i32
      %dma_start3A_353 = arith.constant 0 : i32
      %dma_start3A_354 = tpu.memref_slice %arg2[%arg0, %dma_start3A_352, %dma_start3A_353] : memref<2x10240x64xf32, #tpu.memory_space<hbm>> -> memref<1x10240x64xf32, #tpu.memory_space<hbm>>
      %dma_start3A_355 = tpu.memref_squeeze %dma_start3A_354 : memref<1x10240x64xf32, #tpu.memory_space<hbm>> -> memref<10240x64xf32, #tpu.memory_space<hbm>>
      %dma_start3A_356 = arith.constant 0 : i32
      %dma_start3A_357 = arith.constant 0 : i32
      %dma_start3A_358 = tpu.memref_slice %dma_start3A_355[%dma_start3A_356, %dma_start3A_357] : memref<10240x64xf32, #tpu.memory_space<hbm>> -> memref<10240x64xf32, #tpu.memory_space<hbm>>
      %dma_start3A_359 = tpu.memref_slice %arg10[%dma_start3A_344] : memref<4x!tpu.dma_semaphore, #tpu.memory_space<semaphore_mem>> -> memref<1x!tpu.dma_semaphore, #tpu.memory_space<semaphore_mem>>
      %dma_start3A_360 = tpu.memref_squeeze %dma_start3A_359 : memref<1x!tpu.dma_semaphore, #tpu.memory_space<semaphore_mem>> -> memref<!tpu.dma_semaphore, #tpu.memory_space<semaphore_mem>>
      tpu.enqueue_indirect_dma source(%dma_start3A_358 : memref<10240x64xf32, #tpu.memory_space<hbm>>) target(%dma_start3A_348 : memref<128x64xf32, #tpu.memory_space<vmem>>) offsets(%dma_start3A_351 : memref<128xi32, #tpu.memory_space<vmem>>) semaphore(%dma_start3A_360 : memref<!tpu.dma_semaphore, #tpu.memory_space<semaphore_mem>>)
      %mul3A_361 = arith.constant 4 : i32
      %mul3A_362 = arith.muli %scan3A_323, %mul3A_361 : i32
      %add3A_363 = arith.constant 1 : i32
      %add3A_364 = arith.addi %mul3A_362, %add3A_363 : i32
      %sub3A_365 = arith.constant 4 : i32
      %sub3A_366 = arith.subi %add3A_364, %sub3A_365 : i32
      %dma_wait3A_367 = arith.constant 1 : i32
      %dma_wait3A_368 = arith.constant 1 : i32
      %dma_wait3A_369 = arith.constant 0 : i32
      %dma_wait3A_370 = arith.constant 0 : i32
      %dma_wait3A_371 = tpu.memref_slice %arg8[%dma_wait3A_367, %dma_wait3A_369, %dma_wait3A_370] : memref<4x128x64xf32, #tpu.memory_space<vmem>> -> memref<1x128x64xf32, #tpu.memory_space<vmem>>
      %dma_wait3A_372 = tpu.memref_squeeze %dma_wait3A_371 : memref<1x128x64xf32, #tpu.memory_space<vmem>> -> memref<128x64xf32, #tpu.memory_space<vmem>>
      %dma_wait3A_373 = arith.constant 0 : i32
      %dma_wait3A_374 = tpu.memref_slice %arg7[%sub3A_366, %dma_wait3A_373] : memref<160x128xi32, #tpu.memory_space<vmem>> -> memref<1x128xi32, #tpu.memory_space<vmem>>
      %dma_wait3A_375 = tpu.memref_squeeze %dma_wait3A_374 : memref<1x128xi32, #tpu.memory_space<vmem>> -> memref<128xi32, #tpu.memory_space<vmem>>
      %dma_wait3A_376 = arith.constant 0 : i32
      %dma_wait3A_377 = arith.constant 0 : i32
      %dma_wait3A_378 = tpu.memref_slice %arg9[%dma_wait3A_376, %dma_wait3A_377] : memref<10240x64xf32, #tpu.memory_space<vmem_shared>> -> memref<10240x64xf32, #tpu.memory_space<vmem_shared>>
      %dma_wait3A_379 = tpu.memref_slice %arg11[%dma_wait3A_368] : memref<4x!tpu.dma_semaphore, #tpu.memory_space<semaphore_mem>> -> memref<1x!tpu.dma_semaphore, #tpu.memory_space<semaphore_mem>>
      %dma_wait3A_380 = tpu.memref_squeeze %dma_wait3A_379 : memref<1x!tpu.dma_semaphore, #tpu.memory_space<semaphore_mem>> -> memref<!tpu.dma_semaphore, #tpu.memory_space<semaphore_mem>>
      tpu.wait_indirect_dma semaphore(%dma_wait3A_380 : memref<!tpu.dma_semaphore, #tpu.memory_space<semaphore_mem>>) src(%dma_wait3A_372 : memref<128x64xf32, #tpu.memory_space<vmem>>) dst(%dma_wait3A_378 : memref<10240x64xf32, #tpu.memory_space<vmem_shared>>)
      %dma_start3A_381 = arith.constant 1 : i32
      %dma_start3A_382 = arith.constant 1 : i32
      %dma_start3A_383 = arith.constant 0 : i32
      %dma_start3A_384 = arith.constant 0 : i32
      %dma_start3A_385 = tpu.memref_slice %arg8[%dma_start3A_381, %dma_start3A_383, %dma_start3A_384] : memref<4x128x64xf32, #tpu.memory_space<vmem>> -> memref<1x128x64xf32, #tpu.memory_space<vmem>>
      %dma_start3A_386 = tpu.memref_squeeze %dma_start3A_385 : memref<1x128x64xf32, #tpu.memory_space<vmem>> -> memref<128x64xf32, #tpu.memory_space<vmem>>
      %dma_start3A_387 = arith.constant 0 : i32
      %dma_start3A_388 = tpu.memref_slice %arg6[%add3A_364, %dma_start3A_387] : memref<160x128xi32, #tpu.memory_space<vmem>> -> memref<1x128xi32, #tpu.memory_space<vmem>>
      %dma_start3A_389 = tpu.memref_squeeze %dma_start3A_388 : memref<1x128xi32, #tpu.memory_space<vmem>> -> memref<128xi32, #tpu.memory_space<vmem>>
      %dma_start3A_390 = arith.constant 0 : i32
      %dma_start3A_391 = arith.constant 0 : i32
      %dma_start3A_392 = tpu.memref_slice %arg2[%arg0, %dma_start3A_390, %dma_start3A_391] : memref<2x10240x64xf32, #tpu.memory_space<hbm>> -> memref<1x10240x64xf32, #tpu.memory_space<hbm>>
      %dma_start3A_393 = tpu.memref_squeeze %dma_start3A_392 : memref<1x10240x64xf32, #tpu.memory_space<hbm>> -> memref<10240x64xf32, #tpu.memory_space<hbm>>
      %dma_start3A_394 = arith.constant 0 : i32
      %dma_start3A_395 = arith.constant 0 : i32
      %dma_start3A_396 = tpu.memref_slice %dma_start3A_393[%dma_start3A_394, %dma_start3A_395] : memref<10240x64xf32, #tpu.memory_space<hbm>> -> memref<10240x64xf32, #tpu.memory_space<hbm>>
      %dma_start3A_397 = tpu.memref_slice %arg10[%dma_start3A_382] : memref<4x!tpu.dma_semaphore, #tpu.memory_space<semaphore_mem>> -> memref<1x!tpu.dma_semaphore, #tpu.memory_space<semaphore_mem>>
      %dma_start3A_398 = tpu.memref_squeeze %dma_start3A_397 : memref<1x!tpu.dma_semaphore, #tpu.memory_space<semaphore_mem>> -> memref<!tpu.dma_semaphore, #tpu.memory_space<semaphore_mem>>
      tpu.enqueue_indirect_dma source(%dma_start3A_396 : memref<10240x64xf32, #tpu.memory_space<hbm>>) target(%dma_start3A_386 : memref<128x64xf32, #tpu.memory_space<vmem>>) offsets(%dma_start3A_389 : memref<128xi32, #tpu.memory_space<vmem>>) semaphore(%dma_start3A_398 : memref<!tpu.dma_semaphore, #tpu.memory_space<semaphore_mem>>)
      %mul3A_399 = arith.constant 4 : i32
      %mul3A_400 = arith.muli %scan3A_323, %mul3A_399 : i32
      %add3A_401 = arith.constant 2 : i32
      %add3A_402 = arith.addi %mul3A_400, %add3A_401 : i32
      %sub3A_403 = arith.constant 4 : i32
      %sub3A_404 = arith.subi %add3A_402, %sub3A_403 : i32
      %dma_wait3A_405 = arith.constant 2 : i32
      %dma_wait3A_406 = arith.constant 2 : i32
      %dma_wait3A_407 = arith.constant 0 : i32
      %dma_wait3A_408 = arith.constant 0 : i32
      %dma_wait3A_409 = tpu.memref_slice %arg8[%dma_wait3A_405, %dma_wait3A_407, %dma_wait3A_408] : memref<4x128x64xf32, #tpu.memory_space<vmem>> -> memref<1x128x64xf32, #tpu.memory_space<vmem>>
      %dma_wait3A_410 = tpu.memref_squeeze %dma_wait3A_409 : memref<1x128x64xf32, #tpu.memory_space<vmem>> -> memref<128x64xf32, #tpu.memory_space<vmem>>
      %dma_wait3A_411 = arith.constant 0 : i32
      %dma_wait3A_412 = tpu.memref_slice %arg7[%sub3A_404, %dma_wait3A_411] : memref<160x128xi32, #tpu.memory_space<vmem>> -> memref<1x128xi32, #tpu.memory_space<vmem>>
      %dma_wait3A_413 = tpu.memref_squeeze %dma_wait3A_412 : memref<1x128xi32, #tpu.memory_space<vmem>> -> memref<128xi32, #tpu.memory_space<vmem>>
      %dma_wait3A_414 = arith.constant 0 : i32
      %dma_wait3A_415 = arith.constant 0 : i32
      %dma_wait3A_416 = tpu.memref_slice %arg9[%dma_wait3A_414, %dma_wait3A_415] : memref<10240x64xf32, #tpu.memory_space<vmem_shared>> -> memref<10240x64xf32, #tpu.memory_space<vmem_shared>>
      %dma_wait3A_417 = tpu.memref_slice %arg11[%dma_wait3A_406] : memref<4x!tpu.dma_semaphore, #tpu.memory_space<semaphore_mem>> -> memref<1x!tpu.dma_semaphore, #tpu.memory_space<semaphore_mem>>
      %dma_wait3A_418 = tpu.memref_squeeze %dma_wait3A_417 : memref<1x!tpu.dma_semaphore, #tpu.memory_space<semaphore_mem>> -> memref<!tpu.dma_semaphore, #tpu.memory_space<semaphore_mem>>
      tpu.wait_indirect_dma semaphore(%dma_wait3A_418 : memref<!tpu.dma_semaphore, #tpu.memory_space<semaphore_mem>>) src(%dma_wait3A_410 : memref<128x64xf32, #tpu.memory_space<vmem>>) dst(%dma_wait3A_416 : memref<10240x64xf32, #tpu.memory_space<vmem_shared>>)
      %dma_start3A_419 = arith.constant 2 : i32
      %dma_start3A_420 = arith.constant 2 : i32
      %dma_start3A_421 = arith.constant 0 : i32
      %dma_start3A_422 = arith.constant 0 : i32
      %dma_start3A_423 = tpu.memref_slice %arg8[%dma_start3A_419, %dma_start3A_421, %dma_start3A_422] : memref<4x128x64xf32, #tpu.memory_space<vmem>> -> memref<1x128x64xf32, #tpu.memory_space<vmem>>
      %dma_start3A_424 = tpu.memref_squeeze %dma_start3A_423 : memref<1x128x64xf32, #tpu.memory_space<vmem>> -> memref<128x64xf32, #tpu.memory_space<vmem>>
      %dma_start3A_425 = arith.constant 0 : i32
      %dma_start3A_426 = tpu.memref_slice %arg6[%add3A_402, %dma_start3A_425] : memref<160x128xi32, #tpu.memory_space<vmem>> -> memref<1x128xi32, #tpu.memory_space<vmem>>
      %dma_start3A_427 = tpu.memref_squeeze %dma_start3A_426 : memref<1x128xi32, #tpu.memory_space<vmem>> -> memref<128xi32, #tpu.memory_space<vmem>>
      %dma_start3A_428 = arith.constant 0 : i32
      %dma_start3A_429 = arith.constant 0 : i32
      %dma_start3A_430 = tpu.memref_slice %arg2[%arg0, %dma_start3A_428, %dma_start3A_429] : memref<2x10240x64xf32, #tpu.memory_space<hbm>> -> memref<1x10240x64xf32, #tpu.memory_space<hbm>>
      %dma_start3A_431 = tpu.memref_squeeze %dma_start3A_430 : memref<1x10240x64xf32, #tpu.memory_space<hbm>> -> memref<10240x64xf32, #tpu.memory_space<hbm>>
      %dma_start3A_432 = arith.constant 0 : i32
      %dma_start3A_433 = arith.constant 0 : i32
      %dma_start3A_434 = tpu.memref_slice %dma_start3A_431[%dma_start3A_432, %dma_start3A_433] : memref<10240x64xf32, #tpu.memory_space<hbm>> -> memref<10240x64xf32, #tpu.memory_space<hbm>>
      %dma_start3A_435 = tpu.memref_slice %arg10[%dma_start3A_420] : memref<4x!tpu.dma_semaphore, #tpu.memory_space<semaphore_mem>> -> memref<1x!tpu.dma_semaphore, #tpu.memory_space<semaphore_mem>>
      %dma_start3A_436 = tpu.memref_squeeze %dma_start3A_435 : memref<1x!tpu.dma_semaphore, #tpu.memory_space<semaphore_mem>> -> memref<!tpu.dma_semaphore, #tpu.memory_space<semaphore_mem>>
      tpu.enqueue_indirect_dma source(%dma_start3A_434 : memref<10240x64xf32, #tpu.memory_space<hbm>>) target(%dma_start3A_424 : memref<128x64xf32, #tpu.memory_space<vmem>>) offsets(%dma_start3A_427 : memref<128xi32, #tpu.memory_space<vmem>>) semaphore(%dma_start3A_436 : memref<!tpu.dma_semaphore, #tpu.memory_space<semaphore_mem>>)
      %mul3A_437 = arith.constant 4 : i32
      %mul3A_438 = arith.muli %scan3A_323, %mul3A_437 : i32
      %add3A_439 = arith.constant 3 : i32
      %add3A_440 = arith.addi %mul3A_438, %add3A_439 : i32
      %sub3A_441 = arith.constant 4 : i32
      %sub3A_442 = arith.subi %add3A_440, %sub3A_441 : i32
      %dma_wait3A_443 = arith.constant 3 : i32
      %dma_wait3A_444 = arith.constant 3 : i32
      %dma_wait3A_445 = arith.constant 0 : i32
      %dma_wait3A_446 = arith.constant 0 : i32
      %dma_wait3A_447 = tpu.memref_slice %arg8[%dma_wait3A_443, %dma_wait3A_445, %dma_wait3A_446] : memref<4x128x64xf32, #tpu.memory_space<vmem>> -> memref<1x128x64xf32, #tpu.memory_space<vmem>>
      %dma_wait3A_448 = tpu.memref_squeeze %dma_wait3A_447 : memref<1x128x64xf32, #tpu.memory_space<vmem>> -> memref<128x64xf32, #tpu.memory_space<vmem>>
      %dma_wait3A_449 = arith.constant 0 : i32
      %dma_wait3A_450 = tpu.memref_slice %arg7[%sub3A_442, %dma_wait3A_449] : memref<160x128xi32, #tpu.memory_space<vmem>> -> memref<1x128xi32, #tpu.memory_space<vmem>>
      %dma_wait3A_451 = tpu.memref_squeeze %dma_wait3A_450 : memref<1x128xi32, #tpu.memory_space<vmem>> -> memref<128xi32, #tpu.memory_space<vmem>>
      %dma_wait3A_452 = arith.constant 0 : i32
      %dma_wait3A_453 = arith.constant 0 : i32
      %dma_wait3A_454 = tpu.memref_slice %arg9[%dma_wait3A_452, %dma_wait3A_453] : memref<10240x64xf32, #tpu.memory_space<vmem_shared>> -> memref<10240x64xf32, #tpu.memory_space<vmem_shared>>
      %dma_wait3A_455 = tpu.memref_slice %arg11[%dma_wait3A_444] : memref<4x!tpu.dma_semaphore, #tpu.memory_space<semaphore_mem>> -> memref<1x!tpu.dma_semaphore, #tpu.memory_space<semaphore_mem>>
      %dma_wait3A_456 = tpu.memref_squeeze %dma_wait3A_455 : memref<1x!tpu.dma_semaphore, #tpu.memory_space<semaphore_mem>> -> memref<!tpu.dma_semaphore, #tpu.memory_space<semaphore_mem>>
      tpu.wait_indirect_dma semaphore(%dma_wait3A_456 : memref<!tpu.dma_semaphore, #tpu.memory_space<semaphore_mem>>) src(%dma_wait3A_448 : memref<128x64xf32, #tpu.memory_space<vmem>>) dst(%dma_wait3A_454 : memref<10240x64xf32, #tpu.memory_space<vmem_shared>>)
      %dma_start3A_457 = arith.constant 3 : i32
      %dma_start3A_458 = arith.constant 3 : i32
      %dma_start3A_459 = arith.constant 0 : i32
      %dma_start3A_460 = arith.constant 0 : i32
      %dma_start3A_461 = tpu.memref_slice %arg8[%dma_start3A_457, %dma_start3A_459, %dma_start3A_460] : memref<4x128x64xf32, #tpu.memory_space<vmem>> -> memref<1x128x64xf32, #tpu.memory_space<vmem>>
      %dma_start3A_462 = tpu.memref_squeeze %dma_start3A_461 : memref<1x128x64xf32, #tpu.memory_space<vmem>> -> memref<128x64xf32, #tpu.memory_space<vmem>>
      %dma_start3A_463 = arith.constant 0 : i32
      %dma_start3A_464 = tpu.memref_slice %arg6[%add3A_440, %dma_start3A_463] : memref<160x128xi32, #tpu.memory_space<vmem>> -> memref<1x128xi32, #tpu.memory_space<vmem>>
      %dma_start3A_465 = tpu.memref_squeeze %dma_start3A_464 : memref<1x128xi32, #tpu.memory_space<vmem>> -> memref<128xi32, #tpu.memory_space<vmem>>
      %dma_start3A_466 = arith.constant 0 : i32
      %dma_start3A_467 = arith.constant 0 : i32
      %dma_start3A_468 = tpu.memref_slice %arg2[%arg0, %dma_start3A_466, %dma_start3A_467] : memref<2x10240x64xf32, #tpu.memory_space<hbm>> -> memref<1x10240x64xf32, #tpu.memory_space<hbm>>
      %dma_start3A_469 = tpu.memref_squeeze %dma_start3A_468 : memref<1x10240x64xf32, #tpu.memory_space<hbm>> -> memref<10240x64xf32, #tpu.memory_space<hbm>>
      %dma_start3A_470 = arith.constant 0 : i32
      %dma_start3A_471 = arith.constant 0 : i32
      %dma_start3A_472 = tpu.memref_slice %dma_start3A_469[%dma_start3A_470, %dma_start3A_471] : memref<10240x64xf32, #tpu.memory_space<hbm>> -> memref<10240x64xf32, #tpu.memory_space<hbm>>
      %dma_start3A_473 = tpu.memref_slice %arg10[%dma_start3A_458] : memref<4x!tpu.dma_semaphore, #tpu.memory_space<semaphore_mem>> -> memref<1x!tpu.dma_semaphore, #tpu.memory_space<semaphore_mem>>
      %dma_start3A_474 = tpu.memref_squeeze %dma_start3A_473 : memref<1x!tpu.dma_semaphore, #tpu.memory_space<semaphore_mem>> -> memref<!tpu.dma_semaphore, #tpu.memory_space<semaphore_mem>>
      tpu.enqueue_indirect_dma source(%dma_start3A_472 : memref<10240x64xf32, #tpu.memory_space<hbm>>) target(%dma_start3A_462 : memref<128x64xf32, #tpu.memory_space<vmem>>) offsets(%dma_start3A_465 : memref<128xi32, #tpu.memory_space<vmem>>) semaphore(%dma_start3A_474 : memref<!tpu.dma_semaphore, #tpu.memory_space<semaphore_mem>>)
      %mul3A_475 = arith.constant 4 : i32
      %mul3A_476 = arith.muli %scan3A_323, %mul3A_475 : i32
      %add3A_477 = arith.constant 0 : i32
      %add3A_478 = arith.addi %mul3A_476, %add3A_477 : i32
      %dma_wait3A_479 = arith.constant 0 : i32
      %dma_wait3A_480 = arith.constant 0 : i32
      %dma_wait3A_481 = arith.constant 0 : i32
      %dma_wait3A_482 = arith.constant 0 : i32
      %dma_wait3A_483 = tpu.memref_slice %arg8[%dma_wait3A_479, %dma_wait3A_481, %dma_wait3A_482] : memref<4x128x64xf32, #tpu.memory_space<vmem>> -> memref<1x128x64xf32, #tpu.memory_space<vmem>>
      %dma_wait3A_484 = tpu.memref_squeeze %dma_wait3A_483 : memref<1x128x64xf32, #tpu.memory_space<vmem>> -> memref<128x64xf32, #tpu.memory_space<vmem>>
      %dma_wait3A_485 = arith.constant 0 : i32
      %dma_wait3A_486 = tpu.memref_slice %arg6[%add3A_478, %dma_wait3A_485] : memref<160x128xi32, #tpu.memory_space<vmem>> -> memref<1x128xi32, #tpu.memory_space<vmem>>
      %dma_wait3A_487 = tpu.memref_squeeze %dma_wait3A_486 : memref<1x128xi32, #tpu.memory_space<vmem>> -> memref<128xi32, #tpu.memory_space<vmem>>
      %dma_wait3A_488 = arith.constant 0 : i32
      %dma_wait3A_489 = arith.constant 0 : i32
      %dma_wait3A_490 = tpu.memref_slice %arg2[%arg0, %dma_wait3A_488, %dma_wait3A_489] : memref<2x10240x64xf32, #tpu.memory_space<hbm>> -> memref<1x10240x64xf32, #tpu.memory_space<hbm>>
      %dma_wait3A_491 = tpu.memref_squeeze %dma_wait3A_490 : memref<1x10240x64xf32, #tpu.memory_space<hbm>> -> memref<10240x64xf32, #tpu.memory_space<hbm>>
      %dma_wait3A_492 = arith.constant 0 : i32
      %dma_wait3A_493 = arith.constant 0 : i32
      %dma_wait3A_494 = tpu.memref_slice %dma_wait3A_491[%dma_wait3A_492, %dma_wait3A_493] : memref<10240x64xf32, #tpu.memory_space<hbm>> -> memref<10240x64xf32, #tpu.memory_space<hbm>>
      %dma_wait3A_495 = tpu.memref_slice %arg10[%dma_wait3A_480] : memref<4x!tpu.dma_semaphore, #tpu.memory_space<semaphore_mem>> -> memref<1x!tpu.dma_semaphore, #tpu.memory_space<semaphore_mem>>
      %dma_wait3A_496 = tpu.memref_squeeze %dma_wait3A_495 : memref<1x!tpu.dma_semaphore, #tpu.memory_space<semaphore_mem>> -> memref<!tpu.dma_semaphore, #tpu.memory_space<semaphore_mem>>
      tpu.wait_indirect_dma semaphore(%dma_wait3A_496 : memref<!tpu.dma_semaphore, #tpu.memory_space<semaphore_mem>>) src(%dma_wait3A_494 : memref<10240x64xf32, #tpu.memory_space<hbm>>) dst(%dma_wait3A_484 : memref<128x64xf32, #tpu.memory_space<vmem>>)
      %dma_start3A_497 = arith.constant 0 : i32
      %dma_start3A_498 = arith.constant 0 : i32
      %dma_start3A_499 = arith.constant 0 : i32
      %dma_start3A_500 = arith.constant 0 : i32
      %dma_start3A_501 = tpu.memref_slice %arg8[%dma_start3A_497, %dma_start3A_499, %dma_start3A_500] : memref<4x128x64xf32, #tpu.memory_space<vmem>> -> memref<1x128x64xf32, #tpu.memory_space<vmem>>
      %dma_start3A_502 = tpu.memref_squeeze %dma_start3A_501 : memref<1x128x64xf32, #tpu.memory_space<vmem>> -> memref<128x64xf32, #tpu.memory_space<vmem>>
      %dma_start3A_503 = arith.constant 0 : i32
      %dma_start3A_504 = tpu.memref_slice %arg7[%add3A_478, %dma_start3A_503] : memref<160x128xi32, #tpu.memory_space<vmem>> -> memref<1x128xi32, #tpu.memory_space<vmem>>
      %dma_start3A_505 = tpu.memref_squeeze %dma_start3A_504 : memref<1x128xi32, #tpu.memory_space<vmem>> -> memref<128xi32, #tpu.memory_space<vmem>>
      %dma_start3A_506 = arith.constant 0 : i32
      %dma_start3A_507 = arith.constant 0 : i32
      %dma_start3A_508 = tpu.memref_slice %arg9[%dma_start3A_506, %dma_start3A_507] : memref<10240x64xf32, #tpu.memory_space<vmem_shared>> -> memref<10240x64xf32, #tpu.memory_space<vmem_shared>>
      %dma_start3A_509 = tpu.memref_slice %arg11[%dma_start3A_498] : memref<4x!tpu.dma_semaphore, #tpu.memory_space<semaphore_mem>> -> memref<1x!tpu.dma_semaphore, #tpu.memory_space<semaphore_mem>>
      %dma_start3A_510 = tpu.memref_squeeze %dma_start3A_509 : memref<1x!tpu.dma_semaphore, #tpu.memory_space<semaphore_mem>> -> memref<!tpu.dma_semaphore, #tpu.memory_space<semaphore_mem>>
      tpu.enqueue_indirect_dma source(%dma_start3A_502 : memref<128x64xf32, #tpu.memory_space<vmem>>) target(%dma_start3A_508 : memref<10240x64xf32, #tpu.memory_space<vmem_shared>>) offsets(%dma_start3A_505 : memref<128xi32, #tpu.memory_space<vmem>>) semaphore(%dma_start3A_510 : memref<!tpu.dma_semaphore, #tpu.memory_space<semaphore_mem>>) {add = true}
      %mul3A_511 = arith.constant 4 : i32
      %mul3A_512 = arith.muli %scan3A_323, %mul3A_511 : i32
      %add3A_513 = arith.constant 1 : i32
      %add3A_514 = arith.addi %mul3A_512, %add3A_513 : i32
      %dma_wait3A_515 = arith.constant 1 : i32
      %dma_wait3A_516 = arith.constant 1 : i32
      %dma_wait3A_517 = arith.constant 0 : i32
      %dma_wait3A_518 = arith.constant 0 : i32
      %dma_wait3A_519 = tpu.memref_slice %arg8[%dma_wait3A_515, %dma_wait3A_517, %dma_wait3A_518] : memref<4x128x64xf32, #tpu.memory_space<vmem>> -> memref<1x128x64xf32, #tpu.memory_space<vmem>>
      %dma_wait3A_520 = tpu.memref_squeeze %dma_wait3A_519 : memref<1x128x64xf32, #tpu.memory_space<vmem>> -> memref<128x64xf32, #tpu.memory_space<vmem>>
      %dma_wait3A_521 = arith.constant 0 : i32
      %dma_wait3A_522 = tpu.memref_slice %arg6[%add3A_514, %dma_wait3A_521] : memref<160x128xi32, #tpu.memory_space<vmem>> -> memref<1x128xi32, #tpu.memory_space<vmem>>
      %dma_wait3A_523 = tpu.memref_squeeze %dma_wait3A_522 : memref<1x128xi32, #tpu.memory_space<vmem>> -> memref<128xi32, #tpu.memory_space<vmem>>
      %dma_wait3A_524 = arith.constant 0 : i32
      %dma_wait3A_525 = arith.constant 0 : i32
      %dma_wait3A_526 = tpu.memref_slice %arg2[%arg0, %dma_wait3A_524, %dma_wait3A_525] : memref<2x10240x64xf32, #tpu.memory_space<hbm>> -> memref<1x10240x64xf32, #tpu.memory_space<hbm>>
      %dma_wait3A_527 = tpu.memref_squeeze %dma_wait3A_526 : memref<1x10240x64xf32, #tpu.memory_space<hbm>> -> memref<10240x64xf32, #tpu.memory_space<hbm>>
      %dma_wait3A_528 = arith.constant 0 : i32
      %dma_wait3A_529 = arith.constant 0 : i32
      %dma_wait3A_530 = tpu.memref_slice %dma_wait3A_527[%dma_wait3A_528, %dma_wait3A_529] : memref<10240x64xf32, #tpu.memory_space<hbm>> -> memref<10240x64xf32, #tpu.memory_space<hbm>>
      %dma_wait3A_531 = tpu.memref_slice %arg10[%dma_wait3A_516] : memref<4x!tpu.dma_semaphore, #tpu.memory_space<semaphore_mem>> -> memref<1x!tpu.dma_semaphore, #tpu.memory_space<semaphore_mem>>
      %dma_wait3A_532 = tpu.memref_squeeze %dma_wait3A_531 : memref<1x!tpu.dma_semaphore, #tpu.memory_space<semaphore_mem>> -> memref<!tpu.dma_semaphore, #tpu.memory_space<semaphore_mem>>
      tpu.wait_indirect_dma semaphore(%dma_wait3A_532 : memref<!tpu.dma_semaphore, #tpu.memory_space<semaphore_mem>>) src(%dma_wait3A_530 : memref<10240x64xf32, #tpu.memory_space<hbm>>) dst(%dma_wait3A_520 : memref<128x64xf32, #tpu.memory_space<vmem>>)
      %dma_start3A_533 = arith.constant 1 : i32
      %dma_start3A_534 = arith.constant 1 : i32
      %dma_start3A_535 = arith.constant 0 : i32
      %dma_start3A_536 = arith.constant 0 : i32
      %dma_start3A_537 = tpu.memref_slice %arg8[%dma_start3A_533, %dma_start3A_535, %dma_start3A_536] : memref<4x128x64xf32, #tpu.memory_space<vmem>> -> memref<1x128x64xf32, #tpu.memory_space<vmem>>
      %dma_start3A_538 = tpu.memref_squeeze %dma_start3A_537 : memref<1x128x64xf32, #tpu.memory_space<vmem>> -> memref<128x64xf32, #tpu.memory_space<vmem>>
      %dma_start3A_539 = arith.constant 0 : i32
      %dma_start3A_540 = tpu.memref_slice %arg7[%add3A_514, %dma_start3A_539] : memref<160x128xi32, #tpu.memory_space<vmem>> -> memref<1x128xi32, #tpu.memory_space<vmem>>
      %dma_start3A_541 = tpu.memref_squeeze %dma_start3A_540 : memref<1x128xi32, #tpu.memory_space<vmem>> -> memref<128xi32, #tpu.memory_space<vmem>>
      %dma_start3A_542 = arith.constant 0 : i32
      %dma_start3A_543 = arith.constant 0 : i32
      %dma_start3A_544 = tpu.memref_slice %arg9[%dma_start3A_542, %dma_start3A_543] : memref<10240x64xf32, #tpu.memory_space<vmem_shared>> -> memref<10240x64xf32, #tpu.memory_space<vmem_shared>>
      %dma_start3A_545 = tpu.memref_slice %arg11[%dma_start3A_534] : memref<4x!tpu.dma_semaphore, #tpu.memory_space<semaphore_mem>> -> memref<1x!tpu.dma_semaphore, #tpu.memory_space<semaphore_mem>>
      %dma_start3A_546 = tpu.memref_squeeze %dma_start3A_545 : memref<1x!tpu.dma_semaphore, #tpu.memory_space<semaphore_mem>> -> memref<!tpu.dma_semaphore, #tpu.memory_space<semaphore_mem>>
      tpu.enqueue_indirect_dma source(%dma_start3A_538 : memref<128x64xf32, #tpu.memory_space<vmem>>) target(%dma_start3A_544 : memref<10240x64xf32, #tpu.memory_space<vmem_shared>>) offsets(%dma_start3A_541 : memref<128xi32, #tpu.memory_space<vmem>>) semaphore(%dma_start3A_546 : memref<!tpu.dma_semaphore, #tpu.memory_space<semaphore_mem>>) {add = true}
      %mul3A_547 = arith.constant 4 : i32
      %mul3A_548 = arith.muli %scan3A_323, %mul3A_547 : i32
      %add3A_549 = arith.constant 2 : i32
      %add3A_550 = arith.addi %mul3A_548, %add3A_549 : i32
      %dma_wait3A_551 = arith.constant 2 : i32
      %dma_wait3A_552 = arith.constant 2 : i32
      %dma_wait3A_553 = arith.constant 0 : i32
      %dma_wait3A_554 = arith.constant 0 : i32
      %dma_wait3A_555 = tpu.memref_slice %arg8[%dma_wait3A_551, %dma_wait3A_553, %dma_wait3A_554] : memref<4x128x64xf32, #tpu.memory_space<vmem>> -> memref<1x128x64xf32, #tpu.memory_space<vmem>>
      %dma_wait3A_556 = tpu.memref_squeeze %dma_wait3A_555 : memref<1x128x64xf32, #tpu.memory_space<vmem>> -> memref<128x64xf32, #tpu.memory_space<vmem>>
      %dma_wait3A_557 = arith.constant 0 : i32
      %dma_wait3A_558 = tpu.memref_slice %arg6[%add3A_550, %dma_wait3A_557] : memref<160x128xi32, #tpu.memory_space<vmem>> -> memref<1x128xi32, #tpu.memory_space<vmem>>
      %dma_wait3A_559 = tpu.memref_squeeze %dma_wait3A_558 : memref<1x128xi32, #tpu.memory_space<vmem>> -> memref<128xi32, #tpu.memory_space<vmem>>
      %dma_wait3A_560 = arith.constant 0 : i32
      %dma_wait3A_561 = arith.constant 0 : i32
      %dma_wait3A_562 = tpu.memref_slice %arg2[%arg0, %dma_wait3A_560, %dma_wait3A_561] : memref<2x10240x64xf32, #tpu.memory_space<hbm>> -> memref<1x10240x64xf32, #tpu.memory_space<hbm>>
      %dma_wait3A_563 = tpu.memref_squeeze %dma_wait3A_562 : memref<1x10240x64xf32, #tpu.memory_space<hbm>> -> memref<10240x64xf32, #tpu.memory_space<hbm>>
      %dma_wait3A_564 = arith.constant 0 : i32
      %dma_wait3A_565 = arith.constant 0 : i32
      %dma_wait3A_566 = tpu.memref_slice %dma_wait3A_563[%dma_wait3A_564, %dma_wait3A_565] : memref<10240x64xf32, #tpu.memory_space<hbm>> -> memref<10240x64xf32, #tpu.memory_space<hbm>>
      %dma_wait3A_567 = tpu.memref_slice %arg10[%dma_wait3A_552] : memref<4x!tpu.dma_semaphore, #tpu.memory_space<semaphore_mem>> -> memref<1x!tpu.dma_semaphore, #tpu.memory_space<semaphore_mem>>
      %dma_wait3A_568 = tpu.memref_squeeze %dma_wait3A_567 : memref<1x!tpu.dma_semaphore, #tpu.memory_space<semaphore_mem>> -> memref<!tpu.dma_semaphore, #tpu.memory_space<semaphore_mem>>
      tpu.wait_indirect_dma semaphore(%dma_wait3A_568 : memref<!tpu.dma_semaphore, #tpu.memory_space<semaphore_mem>>) src(%dma_wait3A_566 : memref<10240x64xf32, #tpu.memory_space<hbm>>) dst(%dma_wait3A_556 : memref<128x64xf32, #tpu.memory_space<vmem>>)
      %dma_start3A_569 = arith.constant 2 : i32
      %dma_start3A_570 = arith.constant 2 : i32
      %dma_start3A_571 = arith.constant 0 : i32
      %dma_start3A_572 = arith.constant 0 : i32
      %dma_start3A_573 = tpu.memref_slice %arg8[%dma_start3A_569, %dma_start3A_571, %dma_start3A_572] : memref<4x128x64xf32, #tpu.memory_space<vmem>> -> memref<1x128x64xf32, #tpu.memory_space<vmem>>
      %dma_start3A_574 = tpu.memref_squeeze %dma_start3A_573 : memref<1x128x64xf32, #tpu.memory_space<vmem>> -> memref<128x64xf32, #tpu.memory_space<vmem>>
      %dma_start3A_575 = arith.constant 0 : i32
      %dma_start3A_576 = tpu.memref_slice %arg7[%add3A_550, %dma_start3A_575] : memref<160x128xi32, #tpu.memory_space<vmem>> -> memref<1x128xi32, #tpu.memory_space<vmem>>
      %dma_start3A_577 = tpu.memref_squeeze %dma_start3A_576 : memref<1x128xi32, #tpu.memory_space<vmem>> -> memref<128xi32, #tpu.memory_space<vmem>>
      %dma_start3A_578 = arith.constant 0 : i32
      %dma_start3A_579 = arith.constant 0 : i32
      %dma_start3A_580 = tpu.memref_slice %arg9[%dma_start3A_578, %dma_start3A_579] : memref<10240x64xf32, #tpu.memory_space<vmem_shared>> -> memref<10240x64xf32, #tpu.memory_space<vmem_shared>>
      %dma_start3A_581 = tpu.memref_slice %arg11[%dma_start3A_570] : memref<4x!tpu.dma_semaphore, #tpu.memory_space<semaphore_mem>> -> memref<1x!tpu.dma_semaphore, #tpu.memory_space<semaphore_mem>>
      %dma_start3A_582 = tpu.memref_squeeze %dma_start3A_581 : memref<1x!tpu.dma_semaphore, #tpu.memory_space<semaphore_mem>> -> memref<!tpu.dma_semaphore, #tpu.memory_space<semaphore_mem>>
      tpu.enqueue_indirect_dma source(%dma_start3A_574 : memref<128x64xf32, #tpu.memory_space<vmem>>) target(%dma_start3A_580 : memref<10240x64xf32, #tpu.memory_space<vmem_shared>>) offsets(%dma_start3A_577 : memref<128xi32, #tpu.memory_space<vmem>>) semaphore(%dma_start3A_582 : memref<!tpu.dma_semaphore, #tpu.memory_space<semaphore_mem>>) {add = true}
      %mul3A_583 = arith.constant 4 : i32
      %mul3A_584 = arith.muli %scan3A_323, %mul3A_583 : i32
      %add3A_585 = arith.constant 3 : i32
      %add3A_586 = arith.addi %mul3A_584, %add3A_585 : i32
      %dma_wait3A_587 = arith.constant 3 : i32
      %dma_wait3A_588 = arith.constant 3 : i32
      %dma_wait3A_589 = arith.constant 0 : i32
      %dma_wait3A_590 = arith.constant 0 : i32
      %dma_wait3A_591 = tpu.memref_slice %arg8[%dma_wait3A_587, %dma_wait3A_589, %dma_wait3A_590] : memref<4x128x64xf32, #tpu.memory_space<vmem>> -> memref<1x128x64xf32, #tpu.memory_space<vmem>>
      %dma_wait3A_592 = tpu.memref_squeeze %dma_wait3A_591 : memref<1x128x64xf32, #tpu.memory_space<vmem>> -> memref<128x64xf32, #tpu.memory_space<vmem>>
      %dma_wait3A_593 = arith.constant 0 : i32
      %dma_wait3A_594 = tpu.memref_slice %arg6[%add3A_586, %dma_wait3A_593] : memref<160x128xi32, #tpu.memory_space<vmem>> -> memref<1x128xi32, #tpu.memory_space<vmem>>
      %dma_wait3A_595 = tpu.memref_squeeze %dma_wait3A_594 : memref<1x128xi32, #tpu.memory_space<vmem>> -> memref<128xi32, #tpu.memory_space<vmem>>
      %dma_wait3A_596 = arith.constant 0 : i32
      %dma_wait3A_597 = arith.constant 0 : i32
      %dma_wait3A_598 = tpu.memref_slice %arg2[%arg0, %dma_wait3A_596, %dma_wait3A_597] : memref<2x10240x64xf32, #tpu.memory_space<hbm>> -> memref<1x10240x64xf32, #tpu.memory_space<hbm>>
      %dma_wait3A_599 = tpu.memref_squeeze %dma_wait3A_598 : memref<1x10240x64xf32, #tpu.memory_space<hbm>> -> memref<10240x64xf32, #tpu.memory_space<hbm>>
      %dma_wait3A_600 = arith.constant 0 : i32
      %dma_wait3A_601 = arith.constant 0 : i32
      %dma_wait3A_602 = tpu.memref_slice %dma_wait3A_599[%dma_wait3A_600, %dma_wait3A_601] : memref<10240x64xf32, #tpu.memory_space<hbm>> -> memref<10240x64xf32, #tpu.memory_space<hbm>>
      %dma_wait3A_603 = tpu.memref_slice %arg10[%dma_wait3A_588] : memref<4x!tpu.dma_semaphore, #tpu.memory_space<semaphore_mem>> -> memref<1x!tpu.dma_semaphore, #tpu.memory_space<semaphore_mem>>
      %dma_wait3A_604 = tpu.memref_squeeze %dma_wait3A_603 : memref<1x!tpu.dma_semaphore, #tpu.memory_space<semaphore_mem>> -> memref<!tpu.dma_semaphore, #tpu.memory_space<semaphore_mem>>
      tpu.wait_indirect_dma semaphore(%dma_wait3A_604 : memref<!tpu.dma_semaphore, #tpu.memory_space<semaphore_mem>>) src(%dma_wait3A_602 : memref<10240x64xf32, #tpu.memory_space<hbm>>) dst(%dma_wait3A_592 : memref<128x64xf32, #tpu.memory_space<vmem>>)
      %dma_start3A_605 = arith.constant 3 : i32
      %dma_start3A_606 = arith.constant 3 : i32
      %dma_start3A_607 = arith.constant 0 : i32
      %dma_start3A_608 = arith.constant 0 : i32
      %dma_start3A_609 = tpu.memref_slice %arg8[%dma_start3A_605, %dma_start3A_607, %dma_start3A_608] : memref<4x128x64xf32, #tpu.memory_space<vmem>> -> memref<1x128x64xf32, #tpu.memory_space<vmem>>
      %dma_start3A_610 = tpu.memref_squeeze %dma_start3A_609 : memref<1x128x64xf32, #tpu.memory_space<vmem>> -> memref<128x64xf32, #tpu.memory_space<vmem>>
      %dma_start3A_611 = arith.constant 0 : i32
      %dma_start3A_612 = tpu.memref_slice %arg7[%add3A_586, %dma_start3A_611] : memref<160x128xi32, #tpu.memory_space<vmem>> -> memref<1x128xi32, #tpu.memory_space<vmem>>
      %dma_start3A_613 = tpu.memref_squeeze %dma_start3A_612 : memref<1x128xi32, #tpu.memory_space<vmem>> -> memref<128xi32, #tpu.memory_space<vmem>>
      %dma_start3A_614 = arith.constant 0 : i32
      %dma_start3A_615 = arith.constant 0 : i32
      %dma_start3A_616 = tpu.memref_slice %arg9[%dma_start3A_614, %dma_start3A_615] : memref<10240x64xf32, #tpu.memory_space<vmem_shared>> -> memref<10240x64xf32, #tpu.memory_space<vmem_shared>>
      %dma_start3A_617 = tpu.memref_slice %arg11[%dma_start3A_606] : memref<4x!tpu.dma_semaphore, #tpu.memory_space<semaphore_mem>> -> memref<1x!tpu.dma_semaphore, #tpu.memory_space<semaphore_mem>>
      %dma_start3A_618 = tpu.memref_squeeze %dma_start3A_617 : memref<1x!tpu.dma_semaphore, #tpu.memory_space<semaphore_mem>> -> memref<!tpu.dma_semaphore, #tpu.memory_space<semaphore_mem>>
      tpu.enqueue_indirect_dma source(%dma_start3A_610 : memref<128x64xf32, #tpu.memory_space<vmem>>) target(%dma_start3A_616 : memref<10240x64xf32, #tpu.memory_space<vmem_shared>>) offsets(%dma_start3A_613 : memref<128xi32, #tpu.memory_space<vmem>>) semaphore(%dma_start3A_618 : memref<!tpu.dma_semaphore, #tpu.memory_space<semaphore_mem>>) {add = true}
    }
    %scan3A_241 = arith.constant 39 : i32
    %dma_wait3A_242 = arith.constant 0 : i32
    %dma_wait3A_243 = arith.constant 156 : i32
    %dma_wait3A_244 = arith.constant 0 : i32
    %dma_wait3A_245 = arith.constant 0 : i32
    %dma_wait3A_246 = arith.constant 0 : i32
    %dma_wait3A_247 = tpu.memref_slice %arg8[%dma_wait3A_242, %dma_wait3A_245, %dma_wait3A_246] : memref<4x128x64xf32, #tpu.memory_space<vmem>> -> memref<1x128x64xf32, #tpu.memory_space<vmem>>
    %dma_wait3A_248 = tpu.memref_squeeze %dma_wait3A_247 : memref<1x128x64xf32, #tpu.memory_space<vmem>> -> memref<128x64xf32, #tpu.memory_space<vmem>>
    %dma_wait3A_249 = arith.constant 0 : i32
    %dma_wait3A_250 = tpu.memref_slice %arg7[%dma_wait3A_243, %dma_wait3A_249] : memref<160x128xi32, #tpu.memory_space<vmem>> -> memref<1x128xi32, #tpu.memory_space<vmem>>
    %dma_wait3A_251 = tpu.memref_squeeze %dma_wait3A_250 : memref<1x128xi32, #tpu.memory_space<vmem>> -> memref<128xi32, #tpu.memory_space<vmem>>
    %dma_wait3A_252 = arith.constant 0 : i32
    %dma_wait3A_253 = arith.constant 0 : i32
    %dma_wait3A_254 = tpu.memref_slice %arg9[%dma_wait3A_252, %dma_wait3A_253] : memref<10240x64xf32, #tpu.memory_space<vmem_shared>> -> memref<10240x64xf32, #tpu.memory_space<vmem_shared>>
    %dma_wait3A_255 = tpu.memref_slice %arg11[%dma_wait3A_244] : memref<4x!tpu.dma_semaphore, #tpu.memory_space<semaphore_mem>> -> memref<1x!tpu.dma_semaphore, #tpu.memory_space<semaphore_mem>>
    %dma_wait3A_256 = tpu.memref_squeeze %dma_wait3A_255 : memref<1x!tpu.dma_semaphore, #tpu.memory_space<semaphore_mem>> -> memref<!tpu.dma_semaphore, #tpu.memory_space<semaphore_mem>>
    tpu.wait_indirect_dma semaphore(%dma_wait3A_256 : memref<!tpu.dma_semaphore, #tpu.memory_space<semaphore_mem>>) src(%dma_wait3A_248 : memref<128x64xf32, #tpu.memory_space<vmem>>) dst(%dma_wait3A_254 : memref<10240x64xf32, #tpu.memory_space<vmem_shared>>)
    %dma_wait3A_257 = arith.constant 1 : i32
    %dma_wait3A_258 = arith.constant 157 : i32
    %dma_wait3A_259 = arith.constant 1 : i32
    %dma_wait3A_260 = arith.constant 0 : i32
    %dma_wait3A_261 = arith.constant 0 : i32
    %dma_wait3A_262 = tpu.memref_slice %arg8[%dma_wait3A_257, %dma_wait3A_260, %dma_wait3A_261] : memref<4x128x64xf32, #tpu.memory_space<vmem>> -> memref<1x128x64xf32, #tpu.memory_space<vmem>>
    %dma_wait3A_263 = tpu.memref_squeeze %dma_wait3A_262 : memref<1x128x64xf32, #tpu.memory_space<vmem>> -> memref<128x64xf32, #tpu.memory_space<vmem>>
    %dma_wait3A_264 = arith.constant 0 : i32
    %dma_wait3A_265 = tpu.memref_slice %arg7[%dma_wait3A_258, %dma_wait3A_264] : memref<160x128xi32, #tpu.memory_space<vmem>> -> memref<1x128xi32, #tpu.memory_space<vmem>>
    %dma_wait3A_266 = tpu.memref_squeeze %dma_wait3A_265 : memref<1x128xi32, #tpu.memory_space<vmem>> -> memref<128xi32, #tpu.memory_space<vmem>>
    %dma_wait3A_267 = arith.constant 0 : i32
    %dma_wait3A_268 = arith.constant 0 : i32
    %dma_wait3A_269 = tpu.memref_slice %arg9[%dma_wait3A_267, %dma_wait3A_268] : memref<10240x64xf32, #tpu.memory_space<vmem_shared>> -> memref<10240x64xf32, #tpu.memory_space<vmem_shared>>
    %dma_wait3A_270 = tpu.memref_slice %arg11[%dma_wait3A_259] : memref<4x!tpu.dma_semaphore, #tpu.memory_space<semaphore_mem>> -> memref<1x!tpu.dma_semaphore, #tpu.memory_space<semaphore_mem>>
    %dma_wait3A_271 = tpu.memref_squeeze %dma_wait3A_270 : memref<1x!tpu.dma_semaphore, #tpu.memory_space<semaphore_mem>> -> memref<!tpu.dma_semaphore, #tpu.memory_space<semaphore_mem>>
    tpu.wait_indirect_dma semaphore(%dma_wait3A_271 : memref<!tpu.dma_semaphore, #tpu.memory_space<semaphore_mem>>) src(%dma_wait3A_263 : memref<128x64xf32, #tpu.memory_space<vmem>>) dst(%dma_wait3A_269 : memref<10240x64xf32, #tpu.memory_space<vmem_shared>>)
    %dma_wait3A_272 = arith.constant 2 : i32
    %dma_wait3A_273 = arith.constant 158 : i32
    %dma_wait3A_274 = arith.constant 2 : i32
    %dma_wait3A_275 = arith.constant 0 : i32
    %dma_wait3A_276 = arith.constant 0 : i32
    %dma_wait3A_277 = tpu.memref_slice %arg8[%dma_wait3A_272, %dma_wait3A_275, %dma_wait3A_276] : memref<4x128x64xf32, #tpu.memory_space<vmem>> -> memref<1x128x64xf32, #tpu.memory_space<vmem>>
    %dma_wait3A_278 = tpu.memref_squeeze %dma_wait3A_277 : memref<1x128x64xf32, #tpu.memory_space<vmem>> -> memref<128x64xf32, #tpu.memory_space<vmem>>
    %dma_wait3A_279 = arith.constant 0 : i32
    %dma_wait3A_280 = tpu.memref_slice %arg7[%dma_wait3A_273, %dma_wait3A_279] : memref<160x128xi32, #tpu.memory_space<vmem>> -> memref<1x128xi32, #tpu.memory_space<vmem>>
    %dma_wait3A_281 = tpu.memref_squeeze %dma_wait3A_280 : memref<1x128xi32, #tpu.memory_space<vmem>> -> memref<128xi32, #tpu.memory_space<vmem>>
    %dma_wait3A_282 = arith.constant 0 : i32
    %dma_wait3A_283 = arith.constant 0 : i32
    %dma_wait3A_284 = tpu.memref_slice %arg9[%dma_wait3A_282, %dma_wait3A_283] : memref<10240x64xf32, #tpu.memory_space<vmem_shared>> -> memref<10240x64xf32, #tpu.memory_space<vmem_shared>>
    %dma_wait3A_285 = tpu.memref_slice %arg11[%dma_wait3A_274] : memref<4x!tpu.dma_semaphore, #tpu.memory_space<semaphore_mem>> -> memref<1x!tpu.dma_semaphore, #tpu.memory_space<semaphore_mem>>
    %dma_wait3A_286 = tpu.memref_squeeze %dma_wait3A_285 : memref<1x!tpu.dma_semaphore, #tpu.memory_space<semaphore_mem>> -> memref<!tpu.dma_semaphore, #tpu.memory_space<semaphore_mem>>
    tpu.wait_indirect_dma semaphore(%dma_wait3A_286 : memref<!tpu.dma_semaphore, #tpu.memory_space<semaphore_mem>>) src(%dma_wait3A_278 : memref<128x64xf32, #tpu.memory_space<vmem>>) dst(%dma_wait3A_284 : memref<10240x64xf32, #tpu.memory_space<vmem_shared>>)
    %dma_wait3A_287 = arith.constant 3 : i32
    %dma_wait3A_288 = arith.constant 159 : i32
    %dma_wait3A_289 = arith.constant 3 : i32
    %dma_wait3A_290 = arith.constant 0 : i32
    %dma_wait3A_291 = arith.constant 0 : i32
    %dma_wait3A_292 = tpu.memref_slice %arg8[%dma_wait3A_287, %dma_wait3A_290, %dma_wait3A_291] : memref<4x128x64xf32, #tpu.memory_space<vmem>> -> memref<1x128x64xf32, #tpu.memory_space<vmem>>
    %dma_wait3A_293 = tpu.memref_squeeze %dma_wait3A_292 : memref<1x128x64xf32, #tpu.memory_space<vmem>> -> memref<128x64xf32, #tpu.memory_space<vmem>>
    %dma_wait3A_294 = arith.constant 0 : i32
    %dma_wait3A_295 = tpu.memref_slice %arg7[%dma_wait3A_288, %dma_wait3A_294] : memref<160x128xi32, #tpu.memory_space<vmem>> -> memref<1x128xi32, #tpu.memory_space<vmem>>
    %dma_wait3A_296 = tpu.memref_squeeze %dma_wait3A_295 : memref<1x128xi32, #tpu.memory_space<vmem>> -> memref<128xi32, #tpu.memory_space<vmem>>
    %dma_wait3A_297 = arith.constant 0 : i32
    %dma_wait3A_298 = arith.constant 0 : i32
    %dma_wait3A_299 = tpu.memref_slice %arg9[%dma_wait3A_297, %dma_wait3A_298] : memref<10240x64xf32, #tpu.memory_space<vmem_shared>> -> memref<10240x64xf32, #tpu.memory_space<vmem_shared>>
    %dma_wait3A_300 = tpu.memref_slice %arg11[%dma_wait3A_289] : memref<4x!tpu.dma_semaphore, #tpu.memory_space<semaphore_mem>> -> memref<1x!tpu.dma_semaphore, #tpu.memory_space<semaphore_mem>>
    %dma_wait3A_301 = tpu.memref_squeeze %dma_wait3A_300 : memref<1x!tpu.dma_semaphore, #tpu.memory_space<semaphore_mem>> -> memref<!tpu.dma_semaphore, #tpu.memory_space<semaphore_mem>>
    tpu.wait_indirect_dma semaphore(%dma_wait3A_301 : memref<!tpu.dma_semaphore, #tpu.memory_space<semaphore_mem>>) src(%dma_wait3A_293 : memref<128x64xf32, #tpu.memory_space<vmem>>) dst(%dma_wait3A_299 : memref<10240x64xf32, #tpu.memory_space<vmem_shared>>)
    %barrier3A_302 = arith.constant 0 : index
    tpu.barrier barrier_id(%barrier3A_302)
    %mul3A_303 = arith.constant 640 : i32
    %mul3A_304 = arith.muli %arg1, %mul3A_303 : i32
    %add3A_305 = arith.constant 0 : i32
    %add3A_306 = arith.addi %mul3A_304, %add3A_305 : i32
    "tpu.region"() ({
      %run_scoped3A_323 = tpu.sem_alloc : memref<!tpu.dma_semaphore, #tpu.memory_space<semaphore_mem>>
      %dma_start3A_324 = arith.constant 0 : i32
      %dma_start3A_325 = arith.constant 0 : i32
      %dma_start3A_326 = tpu.memref_slice %arg5[%arg0, %dma_start3A_324, %dma_start3A_325] : memref<2x10240x64xf32, #tpu.memory_space<hbm>> -> memref<1x10240x64xf32, #tpu.memory_space<hbm>>
      %dma_start3A_327 = tpu.memref_squeeze %dma_start3A_326 : memref<1x10240x64xf32, #tpu.memory_space<hbm>> -> memref<10240x64xf32, #tpu.memory_space<hbm>>
      %dma_start3A_328 = arith.constant 0 : i32
      %dma_start3A_329 = tpu.memref_slice %dma_start3A_327[%add3A_306, %dma_start3A_328] : memref<10240x64xf32, #tpu.memory_space<hbm>> -> memref<128x64xf32, #tpu.memory_space<hbm>>
      %dma_start3A_330 = arith.constant 0 : i32
      %dma_start3A_331 = tpu.memref_slice %arg9[%add3A_306, %dma_start3A_330] : memref<10240x64xf32, #tpu.memory_space<vmem_shared>> -> memref<128x64xf32, #tpu.memory_space<vmem_shared>>
      tpu.enqueue_dma source(%dma_start3A_331 : memref<128x64xf32, #tpu.memory_space<vmem_shared>>) target(%dma_start3A_329 : memref<128x64xf32, #tpu.memory_space<hbm>>) target_semaphore(%run_scoped3A_323 : memref<!tpu.dma_semaphore, #tpu.memory_space<semaphore_mem>>)
      %dma_wait3A_332 = arith.constant 0 : i32
      %dma_wait3A_333 = arith.constant 0 : i32
      %dma_wait3A_334 = tpu.memref_slice %arg5[%arg0, %dma_wait3A_332, %dma_wait3A_333] : memref<2x10240x64xf32, #tpu.memory_space<hbm>> -> memref<1x10240x64xf32, #tpu.memory_space<hbm>>
      %dma_wait3A_335 = tpu.memref_squeeze %dma_wait3A_334 : memref<1x10240x64xf32, #tpu.memory_space<hbm>> -> memref<10240x64xf32, #tpu.memory_space<hbm>>
      %dma_wait3A_336 = arith.constant 0 : i32
      %dma_wait3A_337 = tpu.memref_slice %dma_wait3A_335[%add3A_306, %dma_wait3A_336] : memref<10240x64xf32, #tpu.memory_space<hbm>> -> memref<128x64xf32, #tpu.memory_space<hbm>>
      %dma_wait3A_338 = arith.constant 0 : i32
      %dma_wait3A_339 = tpu.memref_slice %arg9[%add3A_306, %dma_wait3A_338] : memref<10240x64xf32, #tpu.memory_space<vmem_shared>> -> memref<128x64xf32, #tpu.memory_space<vmem_shared>>
      tpu.wait_dma2 semaphore(%run_scoped3A_323 : memref<!tpu.dma_semaphore, #tpu.memory_space<semaphore_mem>>) src(%dma_wait3A_339 : memref<128x64xf32, #tpu.memory_space<vmem_shared>>) dst(%dma_wait3A_337 : memref<128x64xf32, #tpu.memory_space<hbm>>)
      tpu.yield
    }) : () -> ()
    %mul3A_307 = arith.constant 640 : i32
    %mul3A_308 = arith.muli %arg1, %mul3A_307 : i32
    %add3A_309 = arith.constant 128 : i32
    %add3A_310 = arith.addi %mul3A_308, %add3A_309 : i32
    "tpu.region"() ({
      %run_scoped3A_323 = tpu.sem_alloc : memref<!tpu.dma_semaphore, #tpu.memory_space<semaphore_mem>>
      %dma_start3A_324 = arith.constant 0 : i32
      %dma_start3A_325 = arith.constant 0 : i32
      %dma_start3A_326 = tpu.memref_slice %arg5[%arg0, %dma_start3A_324, %dma_start3A_325] : memref<2x10240x64xf32, #tpu.memory_space<hbm>> -> memref<1x10240x64xf32, #tpu.memory_space<hbm>>
      %dma_start3A_327 = tpu.memref_squeeze %dma_start3A_326 : memref<1x10240x64xf32, #tpu.memory_space<hbm>> -> memref<10240x64xf32, #tpu.memory_space<hbm>>
      %dma_start3A_328 = arith.constant 0 : i32
      %dma_start3A_329 = tpu.memref_slice %dma_start3A_327[%add3A_310, %dma_start3A_328] : memref<10240x64xf32, #tpu.memory_space<hbm>> -> memref<128x64xf32, #tpu.memory_space<hbm>>
      %dma_start3A_330 = arith.constant 0 : i32
      %dma_start3A_331 = tpu.memref_slice %arg9[%add3A_310, %dma_start3A_330] : memref<10240x64xf32, #tpu.memory_space<vmem_shared>> -> memref<128x64xf32, #tpu.memory_space<vmem_shared>>
      tpu.enqueue_dma source(%dma_start3A_331 : memref<128x64xf32, #tpu.memory_space<vmem_shared>>) target(%dma_start3A_329 : memref<128x64xf32, #tpu.memory_space<hbm>>) target_semaphore(%run_scoped3A_323 : memref<!tpu.dma_semaphore, #tpu.memory_space<semaphore_mem>>)
      %dma_wait3A_332 = arith.constant 0 : i32
      %dma_wait3A_333 = arith.constant 0 : i32
      %dma_wait3A_334 = tpu.memref_slice %arg5[%arg0, %dma_wait3A_332, %dma_wait3A_333] : memref<2x10240x64xf32, #tpu.memory_space<hbm>> -> memref<1x10240x64xf32, #tpu.memory_space<hbm>>
      %dma_wait3A_335 = tpu.memref_squeeze %dma_wait3A_334 : memref<1x10240x64xf32, #tpu.memory_space<hbm>> -> memref<10240x64xf32, #tpu.memory_space<hbm>>
      %dma_wait3A_336 = arith.constant 0 : i32
      %dma_wait3A_337 = tpu.memref_slice %dma_wait3A_335[%add3A_310, %dma_wait3A_336] : memref<10240x64xf32, #tpu.memory_space<hbm>> -> memref<128x64xf32, #tpu.memory_space<hbm>>
      %dma_wait3A_338 = arith.constant 0 : i32
      %dma_wait3A_339 = tpu.memref_slice %arg9[%add3A_310, %dma_wait3A_338] : memref<10240x64xf32, #tpu.memory_space<vmem_shared>> -> memref<128x64xf32, #tpu.memory_space<vmem_shared>>
      tpu.wait_dma2 semaphore(%run_scoped3A_323 : memref<!tpu.dma_semaphore, #tpu.memory_space<semaphore_mem>>) src(%dma_wait3A_339 : memref<128x64xf32, #tpu.memory_space<vmem_shared>>) dst(%dma_wait3A_337 : memref<128x64xf32, #tpu.memory_space<hbm>>)
      tpu.yield
    }) : () -> ()
    %mul3A_311 = arith.constant 640 : i32
    %mul3A_312 = arith.muli %arg1, %mul3A_311 : i32
    %add3A_313 = arith.constant 256 : i32
    %add3A_314 = arith.addi %mul3A_312, %add3A_313 : i32
    "tpu.region"() ({
      %run_scoped3A_323 = tpu.sem_alloc : memref<!tpu.dma_semaphore, #tpu.memory_space<semaphore_mem>>
      %dma_start3A_324 = arith.constant 0 : i32
      %dma_start3A_325 = arith.constant 0 : i32
      %dma_start3A_326 = tpu.memref_slice %arg5[%arg0, %dma_start3A_324, %dma_start3A_325] : memref<2x10240x64xf32, #tpu.memory_space<hbm>> -> memref<1x10240x64xf32, #tpu.memory_space<hbm>>
      %dma_start3A_327 = tpu.memref_squeeze %dma_start3A_326 : memref<1x10240x64xf32, #tpu.memory_space<hbm>> -> memref<10240x64xf32, #tpu.memory_space<hbm>>
      %dma_start3A_328 = arith.constant 0 : i32
      %dma_start3A_329 = tpu.memref_slice %dma_start3A_327[%add3A_314, %dma_start3A_328] : memref<10240x64xf32, #tpu.memory_space<hbm>> -> memref<128x64xf32, #tpu.memory_space<hbm>>
      %dma_start3A_330 = arith.constant 0 : i32
      %dma_start3A_331 = tpu.memref_slice %arg9[%add3A_314, %dma_start3A_330] : memref<10240x64xf32, #tpu.memory_space<vmem_shared>> -> memref<128x64xf32, #tpu.memory_space<vmem_shared>>
      tpu.enqueue_dma source(%dma_start3A_331 : memref<128x64xf32, #tpu.memory_space<vmem_shared>>) target(%dma_start3A_329 : memref<128x64xf32, #tpu.memory_space<hbm>>) target_semaphore(%run_scoped3A_323 : memref<!tpu.dma_semaphore, #tpu.memory_space<semaphore_mem>>)
      %dma_wait3A_332 = arith.constant 0 : i32
      %dma_wait3A_333 = arith.constant 0 : i32
      %dma_wait3A_334 = tpu.memref_slice %arg5[%arg0, %dma_wait3A_332, %dma_wait3A_333] : memref<2x10240x64xf32, #tpu.memory_space<hbm>> -> memref<1x10240x64xf32, #tpu.memory_space<hbm>>
      %dma_wait3A_335 = tpu.memref_squeeze %dma_wait3A_334 : memref<1x10240x64xf32, #tpu.memory_space<hbm>> -> memref<10240x64xf32, #tpu.memory_space<hbm>>
      %dma_wait3A_336 = arith.constant 0 : i32
      %dma_wait3A_337 = tpu.memref_slice %dma_wait3A_335[%add3A_314, %dma_wait3A_336] : memref<10240x64xf32, #tpu.memory_space<hbm>> -> memref<128x64xf32, #tpu.memory_space<hbm>>
      %dma_wait3A_338 = arith.constant 0 : i32
      %dma_wait3A_339 = tpu.memref_slice %arg9[%add3A_314, %dma_wait3A_338] : memref<10240x64xf32, #tpu.memory_space<vmem_shared>> -> memref<128x64xf32, #tpu.memory_space<vmem_shared>>
      tpu.wait_dma2 semaphore(%run_scoped3A_323 : memref<!tpu.dma_semaphore, #tpu.memory_space<semaphore_mem>>) src(%dma_wait3A_339 : memref<128x64xf32, #tpu.memory_space<vmem_shared>>) dst(%dma_wait3A_337 : memref<128x64xf32, #tpu.memory_space<hbm>>)
      tpu.yield
    }) : () -> ()
    %mul3A_315 = arith.constant 640 : i32
    %mul3A_316 = arith.muli %arg1, %mul3A_315 : i32
    %add3A_317 = arith.constant 384 : i32
    %add3A_318 = arith.addi %mul3A_316, %add3A_317 : i32
    "tpu.region"() ({
      %run_scoped3A_323 = tpu.sem_alloc : memref<!tpu.dma_semaphore, #tpu.memory_space<semaphore_mem>>
      %dma_start3A_324 = arith.constant 0 : i32
      %dma_start3A_325 = arith.constant 0 : i32
      %dma_start3A_326 = tpu.memref_slice %arg5[%arg0, %dma_start3A_324, %dma_start3A_325] : memref<2x10240x64xf32, #tpu.memory_space<hbm>> -> memref<1x10240x64xf32, #tpu.memory_space<hbm>>
      %dma_start3A_327 = tpu.memref_squeeze %dma_start3A_326 : memref<1x10240x64xf32, #tpu.memory_space<hbm>> -> memref<10240x64xf32, #tpu.memory_space<hbm>>
      %dma_start3A_328 = arith.constant 0 : i32
      %dma_start3A_329 = tpu.memref_slice %dma_start3A_327[%add3A_318, %dma_start3A_328] : memref<10240x64xf32, #tpu.memory_space<hbm>> -> memref<128x64xf32, #tpu.memory_space<hbm>>
      %dma_start3A_330 = arith.constant 0 : i32
      %dma_start3A_331 = tpu.memref_slice %arg9[%add3A_318, %dma_start3A_330] : memref<10240x64xf32, #tpu.memory_space<vmem_shared>> -> memref<128x64xf32, #tpu.memory_space<vmem_shared>>
      tpu.enqueue_dma source(%dma_start3A_331 : memref<128x64xf32, #tpu.memory_space<vmem_shared>>) target(%dma_start3A_329 : memref<128x64xf32, #tpu.memory_space<hbm>>) target_semaphore(%run_scoped3A_323 : memref<!tpu.dma_semaphore, #tpu.memory_space<semaphore_mem>>)
      %dma_wait3A_332 = arith.constant 0 : i32
      %dma_wait3A_333 = arith.constant 0 : i32
      %dma_wait3A_334 = tpu.memref_slice %arg5[%arg0, %dma_wait3A_332, %dma_wait3A_333] : memref<2x10240x64xf32, #tpu.memory_space<hbm>> -> memref<1x10240x64xf32, #tpu.memory_space<hbm>>
      %dma_wait3A_335 = tpu.memref_squeeze %dma_wait3A_334 : memref<1x10240x64xf32, #tpu.memory_space<hbm>> -> memref<10240x64xf32, #tpu.memory_space<hbm>>
      %dma_wait3A_336 = arith.constant 0 : i32
      %dma_wait3A_337 = tpu.memref_slice %dma_wait3A_335[%add3A_318, %dma_wait3A_336] : memref<10240x64xf32, #tpu.memory_space<hbm>> -> memref<128x64xf32, #tpu.memory_space<hbm>>
      %dma_wait3A_338 = arith.constant 0 : i32
      %dma_wait3A_339 = tpu.memref_slice %arg9[%add3A_318, %dma_wait3A_338] : memref<10240x64xf32, #tpu.memory_space<vmem_shared>> -> memref<128x64xf32, #tpu.memory_space<vmem_shared>>
      tpu.wait_dma2 semaphore(%run_scoped3A_323 : memref<!tpu.dma_semaphore, #tpu.memory_space<semaphore_mem>>) src(%dma_wait3A_339 : memref<128x64xf32, #tpu.memory_space<vmem_shared>>) dst(%dma_wait3A_337 : memref<128x64xf32, #tpu.memory_space<hbm>>)
      tpu.yield
    }) : () -> ()
    %mul3A_319 = arith.constant 640 : i32
    %mul3A_320 = arith.muli %arg1, %mul3A_319 : i32
    %add3A_321 = arith.constant 512 : i32
    %add3A_322 = arith.addi %mul3A_320, %add3A_321 : i32
    "tpu.region"() ({
      %run_scoped3A_323 = tpu.sem_alloc : memref<!tpu.dma_semaphore, #tpu.memory_space<semaphore_mem>>
      %dma_start3A_324 = arith.constant 0 : i32
      %dma_start3A_325 = arith.constant 0 : i32
      %dma_start3A_326 = tpu.memref_slice %arg5[%arg0, %dma_start3A_324, %dma_start3A_325] : memref<2x10240x64xf32, #tpu.memory_space<hbm>> -> memref<1x10240x64xf32, #tpu.memory_space<hbm>>
      %dma_start3A_327 = tpu.memref_squeeze %dma_start3A_326 : memref<1x10240x64xf32, #tpu.memory_space<hbm>> -> memref<10240x64xf32, #tpu.memory_space<hbm>>
      %dma_start3A_328 = arith.constant 0 : i32
      %dma_start3A_329 = tpu.memref_slice %dma_start3A_327[%add3A_322, %dma_start3A_328] : memref<10240x64xf32, #tpu.memory_space<hbm>> -> memref<128x64xf32, #tpu.memory_space<hbm>>
      %dma_start3A_330 = arith.constant 0 : i32
      %dma_start3A_331 = tpu.memref_slice %arg9[%add3A_322, %dma_start3A_330] : memref<10240x64xf32, #tpu.memory_space<vmem_shared>> -> memref<128x64xf32, #tpu.memory_space<vmem_shared>>
      tpu.enqueue_dma source(%dma_start3A_331 : memref<128x64xf32, #tpu.memory_space<vmem_shared>>) target(%dma_start3A_329 : memref<128x64xf32, #tpu.memory_space<hbm>>) target_semaphore(%run_scoped3A_323 : memref<!tpu.dma_semaphore, #tpu.memory_space<semaphore_mem>>)
      %dma_wait3A_332 = arith.constant 0 : i32
      %dma_wait3A_333 = arith.constant 0 : i32
      %dma_wait3A_334 = tpu.memref_slice %arg5[%arg0, %dma_wait3A_332, %dma_wait3A_333] : memref<2x10240x64xf32, #tpu.memory_space<hbm>> -> memref<1x10240x64xf32, #tpu.memory_space<hbm>>
      %dma_wait3A_335 = tpu.memref_squeeze %dma_wait3A_334 : memref<1x10240x64xf32, #tpu.memory_space<hbm>> -> memref<10240x64xf32, #tpu.memory_space<hbm>>
      %dma_wait3A_336 = arith.constant 0 : i32
      %dma_wait3A_337 = tpu.memref_slice %dma_wait3A_335[%add3A_322, %dma_wait3A_336] : memref<10240x64xf32, #tpu.memory_space<hbm>> -> memref<128x64xf32, #tpu.memory_space<hbm>>
      %dma_wait3A_338 = arith.constant 0 : i32
      %dma_wait3A_339 = tpu.memref_slice %arg9[%add3A_322, %dma_wait3A_338] : memref<10240x64xf32, #tpu.memory_space<vmem_shared>> -> memref<128x64xf32, #tpu.memory_space<vmem_shared>>
      tpu.wait_dma2 semaphore(%run_scoped3A_323 : memref<!tpu.dma_semaphore, #tpu.memory_space<semaphore_mem>>) src(%dma_wait3A_339 : memref<128x64xf32, #tpu.memory_space<vmem_shared>>) dst(%dma_wait3A_337 : memref<128x64xf32, #tpu.memory_space<hbm>>)
      tpu.yield
    }) : () -> ()
    return
  }
}

module attributes {stable_mosaic.version = 14 : i64} {
  func.func @_tc1_body(%arg0: i32, %arg1: i32, %arg2: memref<1024x128xf32, #tpu.memory_space<vmem>>, %arg3: memref<1x128x64xf32, #tpu.memory_space<vmem>>, %arg4: memref<2x2x1024xf32, #tpu.memory_space<vmem>>, %arg5: memref<1x1024x64xf32, #tpu.memory_space<vmem>>) attributes {dimension_semantics = [#tpu.dimension_semantics<arbitrary>, #tpu.dimension_semantics<arbitrary>], iteration_bounds = array<i64: 10, 2>, scalar_prefetch = 0 : i64, scratch_operands = 0 : i64, tpu.core_type = #tpu.core_type<tc>, window_params = [{transform_indices = @transform_0, window_bounds = array<i64: 1024, 128>}, {transform_indices = @transform_1, window_bounds = array<i64: 1, 128, 64>}, {transform_indices = @transform_2, window_bounds = array<i64: 2, 2, 1024>}, {transform_indices = @transform_3, window_bounds = array<i64: 1, 1024, 64>}]} {
    %get3A = arith.constant 0 : index
    %get3A_0 = arith.constant 0 : index
    %get3A_1 = arith.constant 0 : index
    %get3A_2 = vector.load %arg4[%get3A, %get3A_0, %get3A_1] : memref<2x2x1024xf32, #tpu.memory_space<vmem>>, vector<1x1x1024xf32>
    %get3A_3 = vector.shape_cast %get3A_2 : vector<1x1x1024xf32> to vector<1024xf32>
    %get3A_4 = arith.constant 1 : index
    %get3A_5 = arith.constant 0 : index
    %get3A_6 = arith.constant 0 : index
    %get3A_7 = vector.load %arg4[%get3A_4, %get3A_5, %get3A_6] : memref<2x2x1024xf32, #tpu.memory_space<vmem>>, vector<1x1x1024xf32>
    %get3A_8 = vector.shape_cast %get3A_7 : vector<1x1x1024xf32> to vector<1024xf32>
    %add3A = arith.addf %get3A_3, %get3A_8 : vector<1024xf32>
    %max3A = arith.constant 1.000000e+00 : f32
    %max3A_9 = vector.broadcast %max3A : f32 to vector<1024xf32>
    %max3A_10 = arith.maximumf %add3A, %max3A_9 : vector<1024xf32>
    %rsqrt3A = math.rsqrt %max3A_10 : vector<1024xf32>
    %get3A_11 = arith.constant 0 : index
    %get3A_12 = arith.constant 0 : index
    %get3A_13 = vector.load %arg2[%get3A_11, %get3A_12] : memref<1024x128xf32, #tpu.memory_space<vmem>>, vector<1024x128xf32>
    %get3A_14 = arith.constant 0 : index
    %get3A_15 = arith.constant 0 : index
    %get3A_16 = arith.constant 0 : index
    %get3A_17 = vector.load %arg3[%get3A_14, %get3A_15, %get3A_16] : memref<1x128x64xf32, #tpu.memory_space<vmem>>, vector<1x128x64xf32>
    %get3A_18 = vector.shape_cast %get3A_17 : vector<1x128x64xf32> to vector<128x64xf32>
    %dot_general3A = arith.constant dense<0.000000e+00> : vector<1024x64xf32>
    %dot_general3A_19 = tpu.matmul %get3A_13, %get3A_18, %dot_general3A {dimension_numbers = #tpu.dot_dimension_numbers<[1], [0], [0], [1], [0, 0, 1, 1], [], []>, transpose_lhs_hint = false} : vector<1024x128xf32>, vector<128x64xf32>, vector<1024x64xf32> -> vector<1024x64xf32>
    %broadcast_in_dim3A = vector.shape_cast %rsqrt3A : vector<1024xf32> to vector<1024x1xf32>
    %mul3A = vector.broadcast %broadcast_in_dim3A : vector<1024x1xf32> to vector<1024x64xf32>
    %mul3A_20 = arith.mulf %dot_general3A_19, %mul3A : vector<1024x64xf32>
    %swap3A = arith.constant 0 : index
    %swap3A_21 = arith.constant 0 : index
    %swap3A_22 = arith.constant 0 : index
    %swap3A_23 = vector.load %arg5[%swap3A, %swap3A_21, %swap3A_22] : memref<1x1024x64xf32, #tpu.memory_space<vmem>>, vector<1x1024x64xf32>
    %swap3A_24 = vector.shape_cast %swap3A_23 : vector<1x1024x64xf32> to vector<1024x64xf32>
    %swap3A_25 = vector.shape_cast %mul3A_20 : vector<1024x64xf32> to vector<1x1024x64xf32>
    tpu.vector_store %arg5[%swap3A, %swap3A_21, %swap3A_22], %swap3A_25 {strides = array<i32>} : memref<1x1024x64xf32, #tpu.memory_space<vmem>>, vector<1x1024x64xf32>,
    return
  }
  func.func @transform_0(%arg0: i32, %arg1: i32) -> (i32, i32) {
    %c0_i32 = arith.constant 0 : i32
    %c0_i32_0 = arith.constant 0 : i32
    return %arg0, %c0_i32 : i32, i32
  }
  func.func @transform_1(%arg0: i32, %arg1: i32) -> (i32, i32, i32) {
    %c0_i32 = arith.constant 0 : i32
    %c0_i32_0 = arith.constant 0 : i32
    %c0_i32_1 = arith.constant 0 : i32
    return %arg1, %c0_i32, %c0_i32_0 : i32, i32, i32
  }
  func.func @transform_2(%arg0: i32, %arg1: i32) -> (i32, i32, i32) {
    %c0_i32 = arith.constant 0 : i32
    %c0_i32_0 = arith.constant 0 : i32
    %c0_i32_1 = arith.constant 0 : i32
    return %c0_i32, %c0_i32_0, %arg0 : i32, i32, i32
  }
  func.func @transform_3(%arg0: i32, %arg1: i32) -> (i32, i32, i32) {
    %c0_i32 = arith.constant 0 : i32
    %c0_i32_0 = arith.constant 0 : i32
    return %arg1, %arg0, %c0_i32 : i32, i32, i32
  }
}

module attributes {stable_mosaic.version = 14 : i64} {
  func.func @_tc2_body(%arg0: i32, %arg1: i32, %arg2: memref<2x1024x64xf32, #tpu.memory_space<vmem>>, %arg3: memref<2x2x1024xf32, #tpu.memory_space<vmem>>, %arg4: memref<1x128xf32, #tpu.memory_space<vmem>>, %arg5: memref<1x128x64xf32, #tpu.memory_space<vmem>>, %arg6: memref<1x1024x64xf32, #tpu.memory_space<vmem>>) attributes {dimension_semantics = [#tpu.dimension_semantics<arbitrary>, #tpu.dimension_semantics<arbitrary>], iteration_bounds = array<i64: 10, 2>, scalar_prefetch = 0 : i64, scratch_operands = 0 : i64, tpu.core_type = #tpu.core_type<tc>, window_params = [{transform_indices = @transform_0, window_bounds = array<i64: 2, 1024, 64>}, {transform_indices = @transform_1, window_bounds = array<i64: 2, 2, 1024>}, {pipeline_mode = #tpu.pipeline_mode<synchronous>, transform_indices = @transform_2, window_bounds = array<i64: 1, 128>}, {transform_indices = @transform_3, window_bounds = array<i64: 1, 128, 64>}, {transform_indices = @transform_4, window_bounds = array<i64: 1, 1024, 64>}]} {
    %get3A = arith.constant 0 : index
    %get3A_0 = arith.constant 0 : index
    %get3A_1 = arith.constant 0 : index
    %get3A_2 = vector.load %arg3[%get3A, %get3A_0, %get3A_1] : memref<2x2x1024xf32, #tpu.memory_space<vmem>>, vector<1x1x1024xf32>
    %get3A_3 = vector.shape_cast %get3A_2 : vector<1x1x1024xf32> to vector<1024xf32>
    %get3A_4 = arith.constant 1 : index
    %get3A_5 = arith.constant 0 : index
    %get3A_6 = arith.constant 0 : index
    %get3A_7 = vector.load %arg3[%get3A_4, %get3A_5, %get3A_6] : memref<2x2x1024xf32, #tpu.memory_space<vmem>>, vector<1x1x1024xf32>
    %get3A_8 = vector.shape_cast %get3A_7 : vector<1x1x1024xf32> to vector<1024xf32>
    %add3A = arith.addf %get3A_3, %get3A_8 : vector<1024xf32>
    %get3A_9 = arith.constant 0 : index
    %get3A_10 = arith.constant 1 : index
    %get3A_11 = arith.constant 0 : index
    %get3A_12 = vector.load %arg3[%get3A_9, %get3A_10, %get3A_11] : memref<2x2x1024xf32, #tpu.memory_space<vmem>>, vector<1x1x1024xf32>
    %get3A_13 = vector.shape_cast %get3A_12 : vector<1x1x1024xf32> to vector<1024xf32>
    %get3A_14 = arith.constant 1 : index
    %get3A_15 = arith.constant 1 : index
    %get3A_16 = arith.constant 0 : index
    %get3A_17 = vector.load %arg3[%get3A_14, %get3A_15, %get3A_16] : memref<2x2x1024xf32, #tpu.memory_space<vmem>>, vector<1x1x1024xf32>
    %get3A_18 = vector.shape_cast %get3A_17 : vector<1x1x1024xf32> to vector<1024xf32>
    %add3A_19 = arith.addf %get3A_13, %get3A_18 : vector<1024xf32>
    %max3A = arith.constant 1.000000e+00 : f32
    %max3A_20 = vector.broadcast %max3A : f32 to vector<1024xf32>
    %max3A_21 = arith.maximumf %add3A, %max3A_20 : vector<1024xf32>
    %rsqrt3A = math.rsqrt %max3A_21 : vector<1024xf32>
    %max3A_22 = arith.constant 1.000000e+00 : f32
    %max3A_23 = vector.broadcast %max3A_22 : f32 to vector<1024xf32>
    %max3A_24 = arith.maximumf %add3A_19, %max3A_23 : vector<1024xf32>
    %rsqrt3A_25 = math.rsqrt %max3A_24 : vector<1024xf32>
    %get3A_26 = arith.constant 0 : index
    %get3A_27 = arith.constant 0 : index
    %get3A_28 = arith.constant 0 : index
    %get3A_29 = vector.load %arg2[%get3A_26, %get3A_27, %get3A_28] : memref<2x1024x64xf32, #tpu.memory_space<vmem>>, vector<1x1024x64xf32>
    %get3A_30 = vector.shape_cast %get3A_29 : vector<1x1024x64xf32> to vector<1024x64xf32>
    %get3A_31 = arith.constant 1 : index
    %get3A_32 = arith.constant 0 : index
    %get3A_33 = arith.constant 0 : index
    %get3A_34 = vector.load %arg2[%get3A_31, %get3A_32, %get3A_33] : memref<2x1024x64xf32, #tpu.memory_space<vmem>>, vector<1x1024x64xf32>
    %get3A_35 = vector.shape_cast %get3A_34 : vector<1x1024x64xf32> to vector<1024x64xf32>
    %concatenate3A = tpu.concatenate %get3A_30, %get3A_35 in 1 : vector<1024x64xf32>, vector<1024x64xf32> -> vector<1024x128xf32>
    %broadcast_in_dim3A = vector.shape_cast %rsqrt3A_25 : vector<1024xf32> to vector<1024x1xf32>
    %mul3A = vector.broadcast %broadcast_in_dim3A : vector<1024x1xf32> to vector<1024x128xf32>
    %mul3A_36 = arith.mulf %concatenate3A, %mul3A : vector<1024x128xf32>
    %get3A_37 = arith.constant 0 : index
    %get3A_38 = arith.constant 0 : index
    %get3A_39 = vector.load %arg4[%get3A_37, %get3A_38] : memref<1x128xf32, #tpu.memory_space<vmem>>, vector<1x128xf32>
    %get3A_40 = vector.shape_cast %get3A_39 : vector<1x128xf32> to vector<128xf32>
    %broadcast_in_dim3A_41 = vector.shape_cast %get3A_40 : vector<128xf32> to vector<1x128xf32>
    %add3A_42 = vector.broadcast %broadcast_in_dim3A_41 : vector<1x128xf32> to vector<1024x128xf32>
    %add3A_43 = arith.addf %mul3A_36, %add3A_42 : vector<1024x128xf32>
    %max3A_44 = arith.constant 0.000000e+00 : f32
    %max3A_45 = vector.broadcast %max3A_44 : f32 to vector<1024x128xf32>
    %max3A_46 = arith.maximumf %add3A_43, %max3A_45 : vector<1024x128xf32>
    %get3A_47 = arith.constant 0 : index
    %get3A_48 = arith.constant 0 : index
    %get3A_49 = arith.constant 0 : index
    %get3A_50 = vector.load %arg5[%get3A_47, %get3A_48, %get3A_49] : memref<1x128x64xf32, #tpu.memory_space<vmem>>, vector<1x128x64xf32>
    %get3A_51 = vector.shape_cast %get3A_50 : vector<1x128x64xf32> to vector<128x64xf32>
    %dot_general3A = arith.constant dense<0.000000e+00> : vector<1024x64xf32>
    %dot_general3A_52 = tpu.matmul %max3A_46, %get3A_51, %dot_general3A {dimension_numbers = #tpu.dot_dimension_numbers<[1], [0], [0], [1], [0, 0, 1, 1], [], []>, transpose_lhs_hint = false} : vector<1024x128xf32>, vector<128x64xf32>, vector<1024x64xf32> -> vector<1024x64xf32>
    %broadcast_in_dim3A_53 = vector.shape_cast %rsqrt3A : vector<1024xf32> to vector<1024x1xf32>
    %mul3A_54 = vector.broadcast %broadcast_in_dim3A_53 : vector<1024x1xf32> to vector<1024x64xf32>
    %mul3A_55 = arith.mulf %dot_general3A_52, %mul3A_54 : vector<1024x64xf32>
    %swap3A = arith.constant 0 : index
    %swap3A_56 = arith.constant 0 : index
    %swap3A_57 = arith.constant 0 : index
    %swap3A_58 = vector.load %arg6[%swap3A, %swap3A_56, %swap3A_57] : memref<1x1024x64xf32, #tpu.memory_space<vmem>>, vector<1x1024x64xf32>
    %swap3A_59 = vector.shape_cast %swap3A_58 : vector<1x1024x64xf32> to vector<1024x64xf32>
    %swap3A_60 = vector.shape_cast %mul3A_55 : vector<1024x64xf32> to vector<1x1024x64xf32>
    tpu.vector_store %arg6[%swap3A, %swap3A_56, %swap3A_57], %swap3A_60 {strides = array<i32>} : memref<1x1024x64xf32, #tpu.memory_space<vmem>>, vector<1x1024x64xf32>,
    return
  }
  func.func @transform_0(%arg0: i32, %arg1: i32) -> (i32, i32, i32) {
    %c0_i32 = arith.constant 0 : i32
    %c0_i32_0 = arith.constant 0 : i32
    %c0_i32_1 = arith.constant 0 : i32
    return %c0_i32, %arg0, %c0_i32_0 : i32, i32, i32
  }
  func.func @transform_1(%arg0: i32, %arg1: i32) -> (i32, i32, i32) {
    %c0_i32 = arith.constant 0 : i32
    %c0_i32_0 = arith.constant 0 : i32
    %c0_i32_1 = arith.constant 0 : i32
    return %c0_i32, %c0_i32_0, %arg0 : i32, i32, i32
  }
  func.func @transform_2(%arg0: i32, %arg1: i32) -> (i32, i32) {
    %c0_i32 = arith.constant 0 : i32
    %c0_i32_0 = arith.constant 0 : i32
    %c0_i32_1 = arith.constant 0 : i32
    return %c0_i32, %c0_i32_0 : i32, i32
  }
  func.func @transform_3(%arg0: i32, %arg1: i32) -> (i32, i32, i32) {
    %c0_i32 = arith.constant 0 : i32
    %c0_i32_0 = arith.constant 0 : i32
    %c0_i32_1 = arith.constant 0 : i32
    return %arg1, %c0_i32, %c0_i32_0 : i32, i32, i32
  }
  func.func @transform_4(%arg0: i32, %arg1: i32) -> (i32, i32, i32) {
    %c0_i32 = arith.constant 0 : i32
    %c0_i32_0 = arith.constant 0 : i32
    return %arg1, %arg0, %c0_i32 : i32, i32, i32
  }
}

module attributes {stable_mosaic.version = 14 : i64} {
  func.func @_tc3_body(%arg0: i32, %arg1: memref<2x1024x64xf32, #tpu.memory_space<vmem>>, %arg2: memref<2x2x1024xf32, #tpu.memory_space<vmem>>, %arg3: memref<1x128xf32, #tpu.memory_space<vmem>>, %arg4: memref<1024x128xf32, #tpu.memory_space<vmem>>) attributes {dimension_semantics = [#tpu.dimension_semantics<arbitrary>], iteration_bounds = array<i64: 10>, scalar_prefetch = 0 : i64, scratch_operands = 0 : i64, tpu.core_type = #tpu.core_type<tc>, window_params = [{transform_indices = @transform_0, window_bounds = array<i64: 2, 1024, 64>}, {transform_indices = @transform_1, window_bounds = array<i64: 2, 2, 1024>}, {pipeline_mode = #tpu.pipeline_mode<synchronous>, transform_indices = @transform_2, window_bounds = array<i64: 1, 128>}, {transform_indices = @transform_3, window_bounds = array<i64: 1024, 128>}]} {
    %get3A = arith.constant 0 : index
    %get3A_0 = arith.constant 1 : index
    %get3A_1 = arith.constant 0 : index
    %get3A_2 = vector.load %arg2[%get3A, %get3A_0, %get3A_1] : memref<2x2x1024xf32, #tpu.memory_space<vmem>>, vector<1x1x1024xf32>
    %get3A_3 = vector.shape_cast %get3A_2 : vector<1x1x1024xf32> to vector<1024xf32>
    %get3A_4 = arith.constant 1 : index
    %get3A_5 = arith.constant 1 : index
    %get3A_6 = arith.constant 0 : index
    %get3A_7 = vector.load %arg2[%get3A_4, %get3A_5, %get3A_6] : memref<2x2x1024xf32, #tpu.memory_space<vmem>>, vector<1x1x1024xf32>
    %get3A_8 = vector.shape_cast %get3A_7 : vector<1x1x1024xf32> to vector<1024xf32>
    %add3A = arith.addf %get3A_3, %get3A_8 : vector<1024xf32>
    %max3A = arith.constant 1.000000e+00 : f32
    %max3A_9 = vector.broadcast %max3A : f32 to vector<1024xf32>
    %max3A_10 = arith.maximumf %add3A, %max3A_9 : vector<1024xf32>
    %rsqrt3A = math.rsqrt %max3A_10 : vector<1024xf32>
    %get3A_11 = arith.constant 0 : index
    %get3A_12 = arith.constant 0 : index
    %get3A_13 = arith.constant 0 : index
    %get3A_14 = vector.load %arg1[%get3A_11, %get3A_12, %get3A_13] : memref<2x1024x64xf32, #tpu.memory_space<vmem>>, vector<1x1024x64xf32>
    %get3A_15 = vector.shape_cast %get3A_14 : vector<1x1024x64xf32> to vector<1024x64xf32>
    %get3A_16 = arith.constant 1 : index
    %get3A_17 = arith.constant 0 : index
    %get3A_18 = arith.constant 0 : index
    %get3A_19 = vector.load %arg1[%get3A_16, %get3A_17, %get3A_18] : memref<2x1024x64xf32, #tpu.memory_space<vmem>>, vector<1x1024x64xf32>
    %get3A_20 = vector.shape_cast %get3A_19 : vector<1x1024x64xf32> to vector<1024x64xf32>
    %concatenate3A = tpu.concatenate %get3A_15, %get3A_20 in 1 : vector<1024x64xf32>, vector<1024x64xf32> -> vector<1024x128xf32>
    %broadcast_in_dim3A = vector.shape_cast %rsqrt3A : vector<1024xf32> to vector<1024x1xf32>
    %mul3A = vector.broadcast %broadcast_in_dim3A : vector<1024x1xf32> to vector<1024x128xf32>
    %mul3A_21 = arith.mulf %concatenate3A, %mul3A : vector<1024x128xf32>
    %get3A_22 = arith.constant 0 : index
    %get3A_23 = arith.constant 0 : index
    %get3A_24 = vector.load %arg3[%get3A_22, %get3A_23] : memref<1x128xf32, #tpu.memory_space<vmem>>, vector<1x128xf32>
    %get3A_25 = vector.shape_cast %get3A_24 : vector<1x128xf32> to vector<128xf32>
    %broadcast_in_dim3A_26 = vector.shape_cast %get3A_25 : vector<128xf32> to vector<1x128xf32>
    %add3A_27 = vector.broadcast %broadcast_in_dim3A_26 : vector<1x128xf32> to vector<1024x128xf32>
    %add3A_28 = arith.addf %mul3A_21, %add3A_27 : vector<1024x128xf32>
    %swap3A = arith.constant 0 : index
    %swap3A_29 = arith.constant 0 : index
    %swap3A_30 = vector.load %arg4[%swap3A, %swap3A_29] : memref<1024x128xf32, #tpu.memory_space<vmem>>, vector<1024x128xf32>
    tpu.vector_store %arg4[%swap3A, %swap3A_29], %add3A_28 {strides = array<i32>} : memref<1024x128xf32, #tpu.memory_space<vmem>>, vector<1024x128xf32>,
    return
  }
  func.func @transform_0(%arg0: i32) -> (i32, i32, i32) {
    %c0_i32 = arith.constant 0 : i32
    %c0_i32_0 = arith.constant 0 : i32
    %c0_i32_1 = arith.constant 0 : i32
    return %c0_i32, %arg0, %c0_i32_0 : i32, i32, i32
  }
  func.func @transform_1(%arg0: i32) -> (i32, i32, i32) {
    %c0_i32 = arith.constant 0 : i32
    %c0_i32_0 = arith.constant 0 : i32
    %c0_i32_1 = arith.constant 0 : i32
    return %c0_i32, %c0_i32_0, %arg0 : i32, i32, i32
  }
  func.func @transform_2(%arg0: i32) -> (i32, i32) {
    %c0_i32 = arith.constant 0 : i32
    %c0_i32_0 = arith.constant 0 : i32
    %c0_i32_1 = arith.constant 0 : i32
    return %c0_i32, %c0_i32_0 : i32, i32
  }
  func.func @transform_3(%arg0: i32) -> (i32, i32) {
    %c0_i32 = arith.constant 0 : i32
    %c0_i32_0 = arith.constant 0 : i32
    return %arg0, %c0_i32 : i32, i32
  }
}

</mosaic_0001>

<sc_bundles>
// kernel: kernel.11.cloned.1.call-start
scs
__scs_entry_jumppad:
0x0: {  	(pc) =	sbr.rel $0x88, $3  }
0x1: {  	(tag) =	ssettag $0x0;
	lr =	simm.s32 $0x1  }
0x2: {  	[smem:$0x3F9B] =	sst lr;
	_ =	strace $0xD0000000  }
0x3: {  	_ = 	snop  }
0x4: {  	_ = 	snop  }
0x5: {  	_ = 	snop  }
0x6: {  	_ = 	snop  }
0x7: {  	_ = 	snop  }
__scs_overlays_trampoline_lowered:
0x8: {  	[smem:$0x3FAA] =	sst s0  }
0x9: {  	[smem:$0x3FAB] =	sst s1  }
0xa: {  	[smem:$0x3FAC] =	sst s2  }
0xb: {  	[smem:$0x3FAD] =	sst s3  }
0xc: {  	[smem:$0x3FAE] =	sst s4  }
0xd: {  	[smem:$0x3FAF] =	sst s5  }
0xe: {  	[smem:$0x3FB0] =	sst s6  }
0xf: {  	[smem:$0x3FB1] =	sst s7  }
0x10: {  	[smem:$0x3FB2] =	sst s8  }
0x11: {  	[smem:$0x3FB3] =	sst s9;
	s0 =	simm.s32 @!p0 $0x0  }
0x12: {  	s1 =	sld [smem:$0x3F99];
	s0 =	simm.s32 @p0 $0x1  }
0x13: {  	[smem:$0x3FB4] =	sst s0;
	s0 =	simm.s32 @!p1 $0x0  }
0x14: {  	s2 =	sld [smem:$0x3F98];
	s0 =	simm.s32 @p1 $0x1  }
0x15: {  	[smem:$0x3FB5] =	sst s0;
	s0 =	simm.s32 @!p2 $0x0  }
0x16: {  	s3 =	sld [smem:$0x3FDB];
	s0 =	simm.s32 @p2 $0x1  }
0x17: {  	s4 =	simm.s32 $0x1BF5;
	[smem:$0x3FB7] =	sst s0  }
0x18: {  	s0 =	sld [smem:$0x3F9A];
	_ =	swait.ge [sflag:s4], $0x0  }
0x19: {  	s7 =	sld [smem:$0x3F9B]  }
0x1a: {  	s8 =	sadd.s32 $0xFFFFE003, lr  }
0x1b: {  	s9 =	sadd.s32 $0xFFFFFEF7, lr;
	s5 =	simm.s32 $0xFFFFFFFF;
	p2 =	slt.u32 s8, $0xFFFFF086  }
0x1c: {  	p1 =	slt.u32 s9, $0xF7A;
	s5 =	simm.s32 @!p2 $0x0  }
0x1d: {  	s5 =	simm.s32 @p1 $0x1;
	p0 =	seq.s32 s7, s2  }
0x1e: {  	s7 =	smul.u32 @!p0 $0xF7A, s2;
	p2 =	seq.s32 @!p0 s5, $0x0  }
0x1f: {  	s9 =	smul.u32 $0xF7A, s1;
	s8 =	simm.s32 @!p0 $0x1BF5;
	p2 =	por !p2, p0  }
0x20: {  	[sflag:s8] =	ssyncset.s32 @!p0 $0xFFFFF086;
	s6 =	sadd.s32 @!p0 s3, s7;
	s7 =	simm.s32 @!p0 $0x108  }
0x21: {  	s3 =	sadd.s32 s3, s9;
	s6 =	sadd.s32 @!p0 $0x88, s6;
	s7 =	simm.s32 @p2 $0x1082  }
0x22: {  	[simem:s7], [sflag:s8] =	dma.local @!p0 [hbm:s6], $0xF7A  }
0x23: {  	s9 =	sor.u32 $0xD0000000, s2;
	s6 =	simm.s32 $0x108;
	_ =	swait.ge @!p0 [sflag:s8], $0x0  }
0x24: {  	s3 =	sadd.s32 $0x88, s3;
	s6 =	simm.s32 @!p1 $0x1082;
	[sflag:s4] =	ssyncset.s32 $0xFFFFF086  }
0x25: {  	[simem:s6], [sflag:s4] =	dma.local [hbm:s3], $0xF7A  }
0x26: {  	[smem:$0x3F9B] =	sst s1;
	(tag) =	ssettag s2;
	_ =	strace s9  }
0x27: {  	s1 =	sld [smem:$0x3FAB]  }
0x28: {  	s2 =	sld [smem:$0x3FAC]  }
0x29: {  	s4 =	sld [smem:$0x3FAE]  }
0x2a: {  	p0 =	seq.s32 s5, $0x0;
	s5 =	sld [smem:$0x3FAF]  }
0x2b: {  	s6 =	sld [smem:$0x3FB0]  }
0x2c: {  	s7 =	sld [smem:$0x3FB1]  }
0x2d: {  	s3 =	simm.s32 $0x108;
	s8 =	sld [smem:$0x3FB2]  }
0x2e: {  	s3 =	simm.s32 @!p0 $0x1082;
	s9 =	sld [smem:$0x3FB3]  }
0x2f: {  	lr =	sadd.s32 s0, s3;
	s0 =	sld [smem:$0x3FAA]  }
0x30: {  	s3 =	sld [smem:$0x3FAD]  }
0x31: {  	[smem:$0x3FB6] =	sst s10  }
0x32: {  	s10 =	sld [smem:$0x3FB4];
	_ =	sdelay $0x3  }
0x33: {  	p0 =	seq.s32 s10, $0x1;
	s10 =	sld [smem:$0x3FB6];
	_ =	sdelay $0x3  }
0x34: {  	[smem:$0x3FB6] =	sst s10  }
0x35: {  	s10 =	sld [smem:$0x3FB5];
	_ =	sdelay $0x3  }
0x36: {  	p1 =	seq.s32 s10, $0x1;
	s10 =	sld [smem:$0x3FB6];
	_ =	sdelay $0x3  }
0x37: {  	[smem:$0x3FB6] =	sst s10  }
0x38: {  	s10 =	sld [smem:$0x3FB7]  }
0x39: {  	_ = 	snop;
	(pc) =	sbr.ind lr, $3  }
0x3a: {  	_ = 	snop  }
0x3b: {  	_ = 	snop  }
0x3c: {  	p2 =	seq.s32 s10, $0x1;
	s10 =	sld [smem:$0x3FB6]  }
0x3d: {  	_ =	shalt  }
0x3e: {  	_ =	shalt  }
0x3f: {  	_ =	shalt  }
0x40: {  	_ =	shalt  }
0x41: {  	_ =	shalt  }
0x42: {  	_ =	shalt  }
0x43: {  	_ =	shalt  }
0x44: {  	_ =	shalt  }
0x45: {  	_ =	shalt  }
0x46: {  	_ =	shalt  }
0x47: {  	_ =	shalt  }
0x48: {  	_ =	shalt  }
0x49: {  	_ =	shalt  }
0x4a: {  	_ =	shalt  }
0x4b: {  	_ =	shalt  }
0x4c: {  	_ =	shalt  }
0x4d: {  	_ =	shalt  }
0x4e: {  	_ =	shalt  }
0x4f: {  	_ =	shalt  }
0x50: {  	_ =	shalt  }
0x51: {  	_ =	shalt  }
0x52: {  	_ =	shalt  }
0x53: {  	_ =	shalt  }
0x54: {  	_ =	shalt  }
0x55: {  	_ =	shalt  }
0x56: {  	_ =	shalt  }
0x57: {  	_ =	shalt  }
0x58: {  	_ =	shalt  }
0x59: {  	_ =	shalt  }
0x5a: {  	_ =	shalt  }
0x5b: {  	_ =	shalt  }
0x5c: {  	_ =	shalt  }
0x5d: {  	_ =	shalt  }
0x5e: {  	_ =	shalt  }
0x5f: {  	_ =	shalt  }
0x60: {  	_ =	shalt  }
0x61: {  	_ =	shalt  }
0x62: {  	_ =	shalt  }
0x63: {  	_ =	shalt  }
0x64: {  	_ =	shalt  }
0x65: {  	_ =	shalt  }
0x66: {  	_ =	shalt  }
0x67: {  	_ =	shalt  }
0x68: {  	_ =	shalt  }
0x69: {  	_ =	shalt  }
0x6a: {  	_ =	shalt  }
0x6b: {  	_ =	shalt  }
0x6c: {  	_ =	shalt  }
0x6d: {  	_ =	shalt  }
0x6e: {  	_ =	shalt  }
0x6f: {  	_ =	shalt  }
0x70: {  	_ =	shalt  }
0x71: {  	_ =	shalt  }
0x72: {  	_ =	shalt  }
0x73: {  	_ =	shalt  }
0x74: {  	_ =	shalt  }
0x75: {  	_ =	shalt  }
0x76: {  	_ =	shalt  }
0x77: {  	_ =	shalt  }
0x78: {  	_ =	shalt  }
0x79: {  	_ =	shalt  }
0x7a: {  	_ =	shalt  }
0x7b: {  	_ =	shalt  }
0x7c: {  	_ =	shalt  }
0x7d: {  	_ =	shalt  }
0x7e: {  	_ =	shalt  }
0x7f: {  	_ =	shalt  }
0x80: {  	_ =	shalt  }
0x81: {  	_ =	shalt  }
0x82: {  	_ =	shalt  }
0x83: {  	_ =	shalt  }
0x84: {  	_ =	shalt  }
0x85: {  	_ =	shalt  }
0x86: {  	_ =	shalt  }
0x87: {  	_ =	shalt  }
.Lfunc_end0:
.L_simem_size_0:
called_computation.1_lowered:
.L_overlay_start_0:
0x88: {  	s2 =	sld [smem:$0x3FD9]  }
0x89: {  	s3 =	sld [smem:$0x3FFE];
	_ =	sdelay $0x1  }
0x8a: {  	s1 =	srdreg.scid  }
0x8b: {  	s0 =	sand.u32 $0x1, s1  }
0x8c: {  	s17 =	sshll.u32 s0, $0xA;
	s2 =	sadd.s32 s3, s2  }
0x8d: {  	s2 =	sadd.s32 s2, s17  }
0x8e: {  	[smem:$0x3FC2] =	sst s2  }
0x8f: {  	_ = 	snop  }
0x90: {  	s2 =	sld [smem:$0x3FD0];
	(tm) =	ssettm $0x1  }
0x91: {  	s18 =	sld [smem:$0x3FFB];
	_ =	sdelay $0x3  }
0x92: {  	_ =	strace s18  }
0x93: {  	s3 =	sld [smem:$0x3FFC];
	_ =	sdelay $0x3  }
0x94: {  	_ =	strace s3  }
0x95: {  	s3 =	sld [smem:$0x3FFD];
	_ =	sdelay $0x3  }
0x96: {  	_ =	strace s3  }
0x97: {  	_ =	strace $0x8FFFFFFF  }
0x98: {  	s19 =	sld [smem:$0x3FDB];
	_ =	sdelay $0x1  }
0x99: {  	s4 =	simm.s32 $_scs_section_size  }
0x9a: {  	s5 =	simm.s32 $_size__tile_overlayer_lowered;
	s6 =	simm.s32 $_tile_overlayer_lowered  }
0x9b: {  	s22 =	simm.s32 $0x1BFF;
	s21 =	sshll.u32 s6, $0x1;
	s3 =	sadd.s32 s4, s19  }
0x9c: {  	s7 =	simm.s32 $0x0;
	s20 =	sshll.u32 s5, $0x1;
	s5 =	sadd.s32 s21, s3  }
0x9d: {  	[timem:s7], [sflag:s22] =	dma.local [hbm:s5], s20  }
0x9e: {  	_ =	swait.ge [sflag:s22], s20  }
0x9f: {  	s4 =	ssub.s32 $0x0, s20;
	[sflag:s22] =	ssyncset.done $0x0  }
0xa0: {  	[sflag:s22] =	ssyncadd.s32 s4;
	_ =	sdelay $0x1  }
0xa1: {  	s23 =	simm.s32 $0x1B8B  }
0xa2: {  	_ =	swait.ge [sflag:s23], $0x1  }
0xa3: {  	[sflag:s23] =	ssyncset.done $0x0  }
0xa4: {  	s25 =	simm.s32 $0x1B8E;
	s24 =	sld [smem:$0x3FFE];
	[sflag:s23] =	ssyncadd.s32 $0xFFFFFFFF  }
0xa5: {  	s26 =	simm.s32 $execute0_lowered;
	[smem:$0x3FD2] =	sst s25  }
0xa6: {  	s5 =	sshll.u32 s26, $0x1;
	_ =	strace $0x80000049;
	[dreg:$0x1] =	wrdreg $0xFFFFFFFF  }
0xa7: {  	s28 =	simm.s32 $_size_execute0_lowered;
	s3 =	sadd.s32 s3, s5;
	[dreg:$0x0] =	wrdreg $0x0  }
0xa8: {  	s5 =	sshll.u32 s28, $0x1;
	[dreg:$0x2] =	wrdreg s3  }
0xa9: {  	[dreg:$0x3] =	wrdreg s5  }
0xaa: {  	[dreg:$0x4] =	wrdreg $0xC0  }
0xab: {  	_ =	task [dreg:s7], $0x5FFFF  }
0xac: {  	[dreg:$0x1] =	wrdreg $0xFFFFFFFF  }
0xad: {  	[dreg:$0x0] =	wrdreg $0x60  }
0xae: {  	[dreg:$0x2] =	wrdreg s24  }
0xaf: {  	[dreg:$0x3] =	wrdreg s2  }
0xb0: {  	[dreg:$0x4] =	wrdreg $0x120000  }
0xb1: {  	[dreg:$0x5] =	wrdreg $0x9  }
0xb2: {  	_ =	task.clear_ibuf [dreg:s7], $0x6FFFF;
	_ =	strace $0x90000049  }
0xb3: {  	s29 =	simm.s32 $0x9;
	_ =	strace $0x8000004B  }
0xb4: {  	_ =	swait.ge [sflag:s29], $0x1  }
0xb5: {  	[sflag:s29] =	ssyncadd.s32 $0xFFFFFFFF  }
0xb6: {  	_ =	strace $0x9000004B  }
0xb7: {  	_ =	sfence  }
0xb8: {  	s30 =	sld [smem:$0x0];
	_ =	sdelay $0x2  }
0xb9: {  	s31 =	sshll.u32 s1, $0xD;
	s1 =	sshrl.u32 s1, $0x2  }
0xba: {  	s3 =	sand.u32 $0x4000, s31;
	s1 =	sadd.s32 s1, s30  }
0xbb: {  	s0 =	sor.u32 s3, s0;
	s1 =	sshll.u32 s1, $0x11  }
0xbc: {  	s0 =	sor.u32 s1, s0  }
0xbd: {  	s0 =	sadd.s32 $0x8F2B, s0  }
0xbe: {  	[sflag:s0] =	ssyncadd.remote.s32 $0x1  }
0xbf: {  	_ =	sfence.sel $0xFFFF  }
0xc0: {  	[dreg:$0x0] =	wrdreg $0xFFFFFFFF;
	(pc) =	sbr.abs _section_cstart, $3  }
0xc1: {  	[dreg:$0x1] =	wrdreg $0xFFFFFFFF  }
0xc2: {  	_ =	task.clear_ibuf [dreg:s7], $0x2FFFF;
	_ =	strace $0x9FFFFFFF  }
0xc3: {  	(tm) =	ssettm $0x7FFFFFFF  }
tec
execute0_lowered:
.L_overlay_start_1:
0x0: {  	(tag) =	ssettag $0x1  }
0x1: {  	s0 =	rddreg [dreg:$0x0]  }
0x2: {  	s1 =	rddreg [dreg:$0x1]  }
0x3: {  	s2 =	rddreg [dreg:$0x2]  }
0x4: {  	s6 =	stileid.u32;
	s4 =	srdreg.scid;
	s3 =	simm.s32 $0x0  }
0x5: {  	s17 =	simm.s32 $0xC000;
	s19 =	simm.s32 $0xE000;
	s28 =	simm.s32 $0x1  }
0x6: {  	s29 =	simm.s32 $0x2;
	s31 =	simm.s32 $0x3;
	s9 =	smul.u32 $0xA00, s6  }
0x7: {  	s30 =	simm.s32 $0x6;
	s4 =	sand.u32 $0x1, s4;
	s10 =	smul.u32 $0xA000, s6  }
0x8: {  	[smem:$0x7FF] =	sst s3;
	s5 =	smul.u32 $0x14000, s4;
	s4 =	ssub.s32 $0x2, s4  }
0x9: {  	_ =	strace $0x8000004A;
	s11 =	sadd.s32 s9, s0;
	s22 =	sshrl.u32 s4, $0x1  }
0xa: {  	s13 =	sadd.s32 $0x2000, s10;
	s14 =	sadd.s32 $0x4000, s10;
	s15 =	sadd.s32 $0x6000, s10  }
0xb: {  	s16 =	sadd.s32 $0x8000, s10;
	s1 =	sadd.s32 s1, s9;
	s23 =	sshrl.u32 s10, $0x3  }
0xc: {  	s0 =	sadd.s32 s5, s0;
	s12 =	ssub.s32 s4, s22;
	s4 =	sadd.s32 s10, s2  }
0xd: {  	s5 =	sadd.s32 s13, s2;
	s6 =	sadd.s32 s14, s2;
	s7 =	sadd.s32 s15, s2  }
0xe: {  	s8 =	sadd.s32 s16, s2;
	s11 =	sadd.s32 $0x1800, s11;
	[dreg:$0x5] =	wrdreg s1  }
0xf: {  	s25 =	sshrl.u32 s13, $0x3;
	s26 =	sshrl.u32 s14, $0x3;
	s18 =	sshrl.u32 s15, $0x3  }
0x10: {  	s24 =	sshrl.u32 s16, $0x3;
	s13 =	simm.s32 $0xA000;
	s14 =	simm.s32 $0x9  }
0x11: {  	s16 =	simm.s32 $0x80;
	s1 =	simm.s32 $0x4;
	[dreg:$0x4] =	wrdreg s11  }
0x12: {  	s11 =	sadd.s32 $0xB800, s0;
	s0 =	sadd.s32 $0x33800, s0;
	s12 =	smax.u32 s12, $0x1  }
0x13: {  	s20 =	sadd.s32 s23, s0;
	s21 =	sadd.s32 s25, s0;
	s22 =	sadd.s32 s26, s0  }
0x14: {  	s23 =	sadd.s32 s18, s0;
	s24 =	sadd.s32 s24, s0;
	s26 =	simm.s32 $0x10000  }
0x15: {  	v0 =	vimm.f32 $0.0e+00;
	s25 =	simm.s32 $0x5;
	s0 =	simm.s32 $0x7;
	s18 =	simm.s32 $0x8  }
.LBB2_1:
0x16: {  	s10 =	simm.s32 $0x100;
	s9 =	simm.s32 $0x0  }
.LBB2_2:
0x17: {  	p0 =	sne.s32 s10, $0x7F00;
	[tilespmem:s9+$0xA030] =	vst v0;
	s15 =	smov.u32 s10;
	s10 =	sadd.s32 $0x100, s10  }
.Ltmp0:
0x18: {  	[tilespmem:s9+$0xA020] =	vst v0;
	(pc) =	sbr.rel @p0 .LBB2_2-.Ltmp0, $3  }
0x19: {  	[tilespmem:s9+$0xA000] =	vst v0  }
0x1a: {  	[tilespmem:s9+$0xA010] =	vst v0;
	_ =	sdelay $0x1  }
0x1b: {  	s9 =	sshra.s32 s15, $0x2  }
0x1c: {  	[tilespmem:s9+$0xA030] =	vst v0  }
0x1d: {  	[tilespmem:s9+$0xA020] =	vst v0  }
0x1e: {  	[tilespmem:s9+$0xA000] =	vst v0  }
0x1f: {  	[tilespmem:s9+$0xA010] =	vst v0  }
0x20: {  	[spmem:s4] =	stream.linear.scatter [tilespmem:s13], [sflag:$0x9], $0x2000, $0x38;
	[tilespmem:$0x1C000] =	vst v63  }
0x21: {  	_ =	swait.ge [sflag:s14], $0x2000  }
0x22: {  	[sflag:s14] =	ssyncset.done $0x0  }
0x23: {  	[sflag:s14] =	ssyncadd.s32 $0xFFFFE000  }
0x24: {  	[spmem:s5] =	stream.linear.scatter [tilespmem:s13], [sflag:$0x9], $0x2000, $0x38;
	[tilespmem:$0x1C000] =	vst v63  }
0x25: {  	_ =	swait.ge [sflag:s14], $0x2000  }
0x26: {  	[sflag:s14] =	ssyncset.done $0x0  }
0x27: {  	[sflag:s14] =	ssyncadd.s32 $0xFFFFE000  }
0x28: {  	[spmem:s6] =	stream.linear.scatter [tilespmem:s13], [sflag:$0x9], $0x2000, $0x38;
	[tilespmem:$0x1C000] =	vst v63  }
0x29: {  	_ =	swait.ge [sflag:s14], $0x2000  }
0x2a: {  	[sflag:s14] =	ssyncset.done $0x0  }
0x2b: {  	[sflag:s14] =	ssyncadd.s32 $0xFFFFE000  }
0x2c: {  	[spmem:s7] =	stream.linear.scatter [tilespmem:s13], [sflag:$0x9], $0x2000, $0x38;
	[tilespmem:$0x1C000] =	vst v63  }
0x2d: {  	_ =	swait.ge [sflag:s14], $0x2000  }
0x2e: {  	[sflag:s14] =	ssyncset.done $0x0  }
0x2f: {  	[sflag:s14] =	ssyncadd.s32 $0xFFFFE000  }
0x30: {  	[spmem:s8] =	stream.linear.scatter [tilespmem:s13], [sflag:$0x9], $0x2000, $0x38;
	[tilespmem:$0x1C000] =	vst v63  }
0x31: {  	_ =	swait.ge [sflag:s14], $0x2000  }
0x32: {  	[sflag:s14] =	ssyncset.done $0x0  }
0x33: {  	[sflag:s14] =	ssyncadd.s32 $0xFFFFE000  }
0x34: {  	[bflag:$0x0] =	sbarrier.arrive $0xFFFF  }
0x35: {  	s9 =	simm.s32 $0x0;
	s10 =	rddreg [dreg:$0x4]  }
0x36: {  	[tilespmem:s9], [sflag:$0x9] =	stream.linear.gather [hbm4b:s10+s9], $0x5000, $0x38;
	[tilespmem:$0x1C000] =	vst v63  }
0x37: {  	_ =	swait.ge [sflag:s14], $0x5000  }
0x38: {  	[sflag:s14] =	ssyncset.done $0x0  }
0x39: {  	s15 =	simm.s32 $0x5000;
	s10 =	rddreg [dreg:$0x5];
	[sflag:s14] =	ssyncadd.s32 $0xFFFFB000  }
0x3a: {  	[tilespmem:s15], [sflag:$0x9] =	stream.linear.gather [hbm4b:s10+s9], $0x5000, $0x38;
	[tilespmem:$0x1C000] =	vst v63  }
0x3b: {  	_ =	swait.ge [sflag:s14], $0x5000  }
0x3c: {  	[sflag:s14] =	ssyncset.done $0x0  }
0x3d: {  	[sflag:s14] =	ssyncadd.s32 $0xFFFFB000  }
0x3e: {  	[tilespmem:s13], [sflag:$0x1] =	stream.indirect.gather [hbm4b:s11+s16], $0x40, s9, s16, $0xb8;
	[tilespmem:$0x1C000] =	vst v63  }
0x3f: {  	_ = 	snop  }
0x40: {  	[tilespmem:s17], [sflag:$0x2] =	stream.indirect.gather [hbm4b:s11+s16], $0x40, s16, s16, $0xb8;
	[tilespmem:$0x1C000] =	vst v63  }
0x41: {  	s10 =	simm.s32 $0x100  }
0x42: {  	[tilespmem:s19], [sflag:$0x3] =	stream.indirect.gather [hbm4b:s11+s16], $0x40, s10, s16, $0xb8;
	[tilespmem:$0x1C000] =	vst v63  }
0x43: {  	s10 =	simm.s32 $0x180  }
0x44: {  	[tilespmem:s26], [sflag:$0x4] =	stream.indirect.gather [hbm4b:s11+s16], $0x40, s10, s16, $0xb8;
	[tilespmem:$0x1C000] =	vst v63  }
0x45: {  	_ =	swait.ge [sflag:s28], $0x2000  }
0x46: {  	[sflag:s28] =	ssyncset.done $0x0  }
0x47: {  	[sflag:s28] =	ssyncadd.s32 $0xFFFFE000  }
0x48: {  	[spmem:s2] =	stream.indirect.scatter.add.f32 [tilespmem:s13], [sflag:$0x5], $0x40, s15, s16, $0xb8;
	[tilespmem:$0x1C000] =	vst v63  }
0x49: {  	_ =	swait.ge [sflag:s29], $0x2000  }
0x4a: {  	[sflag:s29] =	ssyncset.done $0x0  }
0x4b: {  	s10 =	simm.s32 $0x5080;
	[sflag:s29] =	ssyncadd.s32 $0xFFFFE000  }
0x4c: {  	[spmem:s2] =	stream.indirect.scatter.add.f32 [tilespmem:s17], [sflag:$0x6], $0x40, s10, s16, $0xb8;
	[tilespmem:$0x1C000] =	vst v63  }
0x4d: {  	_ =	swait.ge [sflag:s31], $0x2000  }
0x4e: {  	[sflag:s31] =	ssyncset.done $0x0  }
0x4f: {  	s15 =	simm.s32 $0x5100;
	[sflag:s31] =	ssyncadd.s32 $0xFFFFE000  }
0x50: {  	[spmem:s2] =	stream.indirect.scatter.add.f32 [tilespmem:s19], [sflag:$0x7], $0x40, s15, s16, $0xb8;
	[tilespmem:$0x1C000] =	vst v63  }
0x51: {  	_ =	swait.ge [sflag:s1], $0x2000  }
0x52: {  	[sflag:s1] =	ssyncset.done $0x0  }
0x53: {  	s10 =	simm.s32 $0x5180;
	[sflag:s1] =	ssyncadd.s32 $0xFFFFE000  }
0x54: {  	[spmem:s2] =	stream.indirect.scatter.add.f32 [tilespmem:s26], [sflag:$0x8], $0x40, s10, s16, $0xb8;
	[tilespmem:$0x1C000] =	vst v63  }
0x55: {  	_ =	swait.ge [sflag:s25], $0x2000  }
0x56: {  	[sflag:s25] =	ssyncset.done $0x0  }
0x57: {  	s15 =	simm.s32 $0x200;
	[sflag:s25] =	ssyncadd.s32 $0xFFFFE000  }
0x58: {  	[tilespmem:s13], [sflag:$0x1] =	stream.indirect.gather [hbm4b:s11+s16], $0x40, s15, s16, $0xb8;
	[tilespmem:$0x1C000] =	vst v63  }
0x59: {  	_ =	swait.ge [sflag:s30], $0x2000  }
0x5a: {  	[sflag:s30] =	ssyncset.done $0x0  }
0x5b: {  	s10 =	simm.s32 $0x280;
	[sflag:s30] =	ssyncadd.s32 $0xFFFFE000  }
0x5c: {  	[tilespmem:s17], [sflag:$0x2] =	stream.indirect.gather [hbm4b:s11+s16], $0x40, s10, s16, $0xb8;
	[tilespmem:$0x1C000] =	vst v63  }
0x5d: {  	_ =	swait.ge [sflag:s0], $0x2000  }
0x5e: {  	[sflag:s0] =	ssyncset.done $0x0  }
0x5f: {  	s15 =	simm.s32 $0x300;
	[sflag:s0] =	ssyncadd.s32 $0xFFFFE000  }
0x60: {  	[tilespmem:s19], [sflag:$0x3] =	stream.indirect.gather [hbm4b:s11+s16], $0x40, s15, s16, $0xb8;
	[tilespmem:$0x1C000] =	vst v63  }
0x61: {  	_ =	swait.ge [sflag:s18], $0x2000  }
0x62: {  	[sflag:s18] =	ssyncset.done $0x0  }
0x63: {  	s10 =	simm.s32 $0x380;
	[sflag:s18] =	ssyncadd.s32 $0xFFFFE000  }
0x64: {  	[tilespmem:s26], [sflag:$0x4] =	stream.indirect.gather [hbm4b:s11+s16], $0x40, s10, s16, $0xb8;
	[tilespmem:$0x1C000] =	vst v63  }
0x65: {  	_ =	swait.ge [sflag:s28], $0x2000  }
0x66: {  	[sflag:s28] =	ssyncset.done $0x0  }
0x67: {  	s15 =	simm.s32 $0x5200;
	[sflag:s28] =	ssyncadd.s32 $0xFFFFE000  }
0x68: {  	[spmem:s2] =	stream.indirect.scatter.add.f32 [tilespmem:s13], [sflag:$0x5], $0x40, s15, s16, $0xb8;
	[tilespmem:$0x1C000] =	vst v63  }
0x69: {  	_ =	swait.ge [sflag:s29], $0x2000  }
0x6a: {  	[sflag:s29] =	ssyncset.done $0x0  }
0x6b: {  	s10 =	simm.s32 $0x5280;
	[sflag:s29] =	ssyncadd.s32 $0xFFFFE000  }
0x6c: {  	[spmem:s2] =	stream.indirect.scatter.add.f32 [tilespmem:s17], [sflag:$0x6], $0x40, s10, s16, $0xb8;
	[tilespmem:$0x1C000] =	vst v63  }
0x6d: {  	_ =	swait.ge [sflag:s31], $0x2000  }
0x6e: {  	[sflag:s31] =	ssyncset.done $0x0  }
0x6f: {  	s15 =	simm.s32 $0x5300;
	[sflag:s31] =	ssyncadd.s32 $0xFFFFE000  }
0x70: {  	[spmem:s2] =	stream.indirect.scatter.add.f32 [tilespmem:s19], [sflag:$0x7], $0x40, s15, s16, $0xb8;
	[tilespmem:$0x1C000] =	vst v63  }
0x71: {  	_ =	swait.ge [sflag:s1], $0x2000  }
0x72: {  	[sflag:s1] =	ssyncset.done $0x0  }
0x73: {  	s9 =	simm.s32 $0x800;
	s10 =	simm.s32 $0x5380;
	[sflag:s1] =	ssyncadd.s32 $0xFFFFE000  }
.LBB2_4:
0x74: {  	[spmem:s2] =	stream.indirect.scatter.add.f32 [tilespmem:s26], [sflag:$0x8], $0x40, s10, s16, $0xb8;
	[tilespmem:$0x1C000] =	vst v63  }
0x75: {  	s10 =	smov.u32 s9  }
0x76: {  	p0 =	sne.s32 s9, $0x13000;
	s9 =	sadd.s32 $0x800, s9;
	_ =	swait.ge [sflag:s25], $0x2000  }
0x77: {  	s10 =	sshra.s32 s10, $0x2;
	[sflag:s25] =	ssyncset.done $0x0  }
0x78: {  	s15 =	sadd.s32 $0x200, s10;
	[sflag:s25] =	ssyncadd.s32 $0xFFFFE000  }
0x79: {  	[tilespmem:s13], [sflag:$0x1] =	stream.indirect.gather [hbm4b:s11+s16], $0x40, s15, s16, $0xb8;
	[tilespmem:$0x1C000] =	vst v63  }
0x7a: {  	_ =	swait.ge [sflag:s30], $0x2000  }
0x7b: {  	[sflag:s30] =	ssyncset.done $0x0  }
0x7c: {  	s15 =	sadd.s32 $0x280, s10;
	[sflag:s30] =	ssyncadd.s32 $0xFFFFE000  }
0x7d: {  	[tilespmem:s17], [sflag:$0x2] =	stream.indirect.gather [hbm4b:s11+s16], $0x40, s15, s16, $0xb8;
	[tilespmem:$0x1C000] =	vst v63  }
0x7e: {  	_ =	swait.ge [sflag:s0], $0x2000  }
0x7f: {  	[sflag:s0] =	ssyncset.done $0x0  }
0x80: {  	s15 =	sadd.s32 $0x300, s10;
	[sflag:s0] =	ssyncadd.s32 $0xFFFFE000  }
0x81: {  	[tilespmem:s19], [sflag:$0x3] =	stream.indirect.gather [hbm4b:s11+s16], $0x40, s15, s16, $0xb8;
	[tilespmem:$0x1C000] =	vst v63  }
0x82: {  	_ =	swait.ge [sflag:s18], $0x2000  }
0x83: {  	[sflag:s18] =	ssyncset.done $0x0  }
0x84: {  	s15 =	sadd.s32 $0x380, s10;
	[sflag:s18] =	ssyncadd.s32 $0xFFFFE000  }
0x85: {  	[tilespmem:s26], [sflag:$0x4] =	stream.indirect.gather [hbm4b:s11+s16], $0x40, s15, s16, $0xb8;
	[tilespmem:$0x1C000] =	vst v63  }
0x86: {  	_ =	swait.ge [sflag:s28], $0x2000  }
0x87: {  	[sflag:s28] =	ssyncset.done $0x0  }
0x88: {  	s15 =	sadd.s32 $0x5200, s10;
	[sflag:s28] =	ssyncadd.s32 $0xFFFFE000  }
0x89: {  	[spmem:s2] =	stream.indirect.scatter.add.f32 [tilespmem:s13], [sflag:$0x5], $0x40, s15, s16, $0xb8;
	[tilespmem:$0x1C000] =	vst v63  }
0x8a: {  	_ =	swait.ge [sflag:s29], $0x2000  }
0x8b: {  	[sflag:s29] =	ssyncset.done $0x0  }
0x8c: {  	s15 =	sadd.s32 $0x5280, s10;
	[sflag:s29] =	ssyncadd.s32 $0xFFFFE000  }
0x8d: {  	[spmem:s2] =	stream.indirect.scatter.add.f32 [tilespmem:s17], [sflag:$0x6], $0x40, s15, s16, $0xb8;
	[tilespmem:$0x1C000] =	vst v63  }
0x8e: {  	_ =	swait.ge [sflag:s31], $0x2000  }
0x8f: {  	[sflag:s31] =	ssyncset.done $0x0  }
.Ltmp1:
0x90: {  	s15 =	sadd.s32 $0x5300, s10;
	[sflag:s31] =	ssyncadd.s32 $0xFFFFE000;
	(pc) =	sbr.rel @p0 .LBB2_4-.Ltmp1, $4  }
0x91: {  	[spmem:s2] =	stream.indirect.scatter.add.f32 [tilespmem:s19], [sflag:$0x7], $0x40, s15, s16, $0xb8;
	[tilespmem:$0x1C000] =	vst v63  }
0x92: {  	_ =	swait.ge [sflag:s1], $0x2000  }
0x93: {  	[sflag:s1] =	ssyncset.done $0x0  }
0x94: {  	s10 =	sadd.s32 $0x5380, s10;
	[sflag:s1] =	ssyncadd.s32 $0xFFFFE000  }
0x95: {  	[spmem:s2] =	stream.indirect.scatter.add.f32 [tilespmem:s26], [sflag:$0x8], $0x40, s10, s16, $0xb8;
	[tilespmem:$0x1C000] =	vst v63  }
0x96: {  	_ =	swait.ge [sflag:s25], $0x2000  }
0x97: {  	[sflag:s25] =	ssyncset.done $0x0  }
0x98: {  	[sflag:s25] =	ssyncadd.s32 $0xFFFFE000  }
0x99: {  	_ =	swait.ge [sflag:s30], $0x2000  }
0x9a: {  	[sflag:s30] =	ssyncset.done $0x0  }
0x9b: {  	[sflag:s30] =	ssyncadd.s32 $0xFFFFE000  }
0x9c: {  	_ =	swait.ge [sflag:s0], $0x2000  }
0x9d: {  	[sflag:s0] =	ssyncset.done $0x0  }
0x9e: {  	[sflag:s0] =	ssyncadd.s32 $0xFFFFE000  }
0x9f: {  	_ =	swait.ge [sflag:s18], $0x2000  }
0xa0: {  	s9 =	stileid.u32;
	[sflag:s18] =	ssyncset.done $0x0  }
0xa1: {  	s9 =	sshll.u32 s9, $0x6;
	[sflag:s18] =	ssyncadd.s32 $0xFFFFE000  }
0xa2: {  	s15 =	sshrl.u32 s4, $0x3;
	s9 =	sor.u32 $0x1C09, s9;
	[bflag:$0x0] =	sbarrier.arrive $0xFFFF  }
0xa3: {  	[hbm:s20], [sflag:s9] =	dma.local [spmem:s15], $0x400  }
0xa4: {  	_ =	swait.ge [sflag:s14], $0x400  }
0xa5: {  	[sflag:s14] =	ssyncset.done $0x0  }
0xa6: {  	s15 =	sshrl.u32 s5, $0x3;
	[sflag:s14] =	ssyncadd.s32 $0xFFFFFC00  }
0xa7: {  	[hbm:s21], [sflag:s9] =	dma.local [spmem:s15], $0x400  }
0xa8: {  	_ =	swait.ge [sflag:s14], $0x400  }
0xa9: {  	[sflag:s14] =	ssyncset.done $0x0  }
0xaa: {  	s15 =	sshrl.u32 s6, $0x3;
	[sflag:s14] =	ssyncadd.s32 $0xFFFFFC00  }
0xab: {  	[hbm:s22], [sflag:s9] =	dma.local [spmem:s15], $0x400  }
0xac: {  	_ =	swait.ge [sflag:s14], $0x400  }
0xad: {  	[sflag:s14] =	ssyncset.done $0x0  }
0xae: {  	s15 =	sshrl.u32 s7, $0x3;
	[sflag:s14] =	ssyncadd.s32 $0xFFFFFC00  }
0xaf: {  	[hbm:s23], [sflag:s9] =	dma.local [spmem:s15], $0x400  }
0xb0: {  	s3 =	sadd.s32 $0x1, s3;
	_ =	swait.ge [sflag:s14], $0x400  }
0xb1: {  	p0 =	sne.s32 s3, s12;
	[sflag:s14] =	ssyncset.done $0x0  }
.Ltmp2:
0xb2: {  	s15 =	sshrl.u32 s8, $0x3;
	[sflag:s14] =	ssyncadd.s32 $0xFFFFFC00;
	(pc) =	sbr.rel @p0 .LBB2_1-.Ltmp2, $4  }
0xb3: {  	[hbm:s24], [sflag:s9] =	dma.local [spmem:s15], $0x400  }
0xb4: {  	_ =	swait.ge [sflag:s14], $0x400  }
0xb5: {  	[sflag:s14] =	ssyncset.done $0x0  }
0xb6: {  	[sflag:s14] =	ssyncadd.s32 $0xFFFFFC00  }
0xb7: {  	_ =	sfence.sel $0x180000  }
0xb8: {  	[bflag:$0x0] =	sbarrier.arrive $0xFFFF  }
0xb9: {  	_ =	strace $0x9000004A  }
0xba: {  	s0 =	stileid.u32;
	[bflag:$0x2] =	sbarrier.arrive $0xFFFF  }
0xbb: {  	p0 =	sne.s32 s0, $0x0;
	s0 =	rddreg [dreg:$0x3]  }
0xbc: {  	s0 =	sadd.s32 @!p0 $0x100000, s0  }
0xbd: {  	[sflag:s0] =	ssyncadd.tile.s32 @!p0 $0x1;
	_ =	shalt  }
.Lfunc_end2:
_tile_overlayer_lowered:
.L_overlay_start_2:
0xbe: {  	(tag) =	ssettag $0x2  }
0xbf: {  	s0 =	rddreg [dreg:$0x0];
	s2 =	stileid.u32  }
0xc0: {  	s1 =	rddreg [dreg:$0x1];
	p0 =	sne.s32 s2, $0x0  }
0xc1: {  	s3 =	rddreg [dreg:$0x2];
	[bflag:$0x3] =	sbarrier.arrive $0xFFFF;
	s2 =	simm.s32 @!p0 $0x1C09  }
0xc2: {  	[timem:s3], [sflag:s2] =	dma.local @!p0 [hbm:s0], s1  }
0xc3: {  	s0 =	simm.s32 @!p0 $0x9  }
0xc4: {  	_ =	swait.ge @!p0 [sflag:s0], s1  }
0xc5: {  	s1 =	ssub.s32 @!p0 $0x0, s1;
	[sflag:s0] =	ssyncset.done @!p0 $0x0  }
0xc6: {  	[sflag:s0] =	ssyncadd.s32 @!p0 s1  }
0xc7: {  	[bflag:$0x3] =	sbarrier.arrive $0xFFFF  }
0xc8: {  	_ =	shalt  }

// kernel: kernel.14.cloned.1.call-start
scs
__scs_entry_jumppad:
0x0: {  	(pc) =	sbr.rel $0x88, $3  }
0x1: {  	(tag) =	ssettag $0x0;
	lr =	simm.s32 $0x1  }
0x2: {  	[smem:$0x3F9B] =	sst lr;
	_ =	strace $0xD0000000  }
0x3: {  	_ = 	snop  }
0x4: {  	_ = 	snop  }
0x5: {  	_ = 	snop  }
0x6: {  	_ = 	snop  }
0x7: {  	_ = 	snop  }
__scs_overlays_trampoline_lowered:
0x8: {  	[smem:$0x3FAA] =	sst s0  }
0x9: {  	[smem:$0x3FAB] =	sst s1  }
0xa: {  	[smem:$0x3FAC] =	sst s2  }
0xb: {  	[smem:$0x3FAD] =	sst s3  }
0xc: {  	[smem:$0x3FAE] =	sst s4  }
0xd: {  	[smem:$0x3FAF] =	sst s5  }
0xe: {  	[smem:$0x3FB0] =	sst s6  }
0xf: {  	[smem:$0x3FB1] =	sst s7  }
0x10: {  	[smem:$0x3FB2] =	sst s8  }
0x11: {  	[smem:$0x3FB3] =	sst s9;
	s0 =	simm.s32 @!p0 $0x0  }
0x12: {  	s1 =	sld [smem:$0x3F99];
	s0 =	simm.s32 @p0 $0x1  }
0x13: {  	[smem:$0x3FB4] =	sst s0;
	s0 =	simm.s32 @!p1 $0x0  }
0x14: {  	s2 =	sld [smem:$0x3F98];
	s0 =	simm.s32 @p1 $0x1  }
0x15: {  	[smem:$0x3FB5] =	sst s0;
	s0 =	simm.s32 @!p2 $0x0  }
0x16: {  	s3 =	sld [smem:$0x3FDB];
	s0 =	simm.s32 @p2 $0x1  }
0x17: {  	s4 =	simm.s32 $0x1BF5;
	[smem:$0x3FB7] =	sst s0  }
0x18: {  	s0 =	sld [smem:$0x3F9A];
	_ =	swait.ge [sflag:s4], $0x0  }
0x19: {  	s7 =	sld [smem:$0x3F9B]  }
0x1a: {  	s8 =	sadd.s32 $0xFFFFE003, lr  }
0x1b: {  	s9 =	sadd.s32 $0xFFFFFEF7, lr;
	s5 =	simm.s32 $0xFFFFFFFF;
	p2 =	slt.u32 s8, $0xFFFFF086  }
0x1c: {  	p1 =	slt.u32 s9, $0xF7A;
	s5 =	simm.s32 @!p2 $0x0  }
0x1d: {  	s5 =	simm.s32 @p1 $0x1;
	p0 =	seq.s32 s7, s2  }
0x1e: {  	s7 =	smul.u32 @!p0 $0xF7A, s2;
	p2 =	seq.s32 @!p0 s5, $0x0  }
0x1f: {  	s9 =	smul.u32 $0xF7A, s1;
	s8 =	simm.s32 @!p0 $0x1BF5;
	p2 =	por !p2, p0  }
0x20: {  	[sflag:s8] =	ssyncset.s32 @!p0 $0xFFFFF086;
	s6 =	sadd.s32 @!p0 s3, s7;
	s7 =	simm.s32 @!p0 $0x108  }
0x21: {  	s3 =	sadd.s32 s3, s9;
	s6 =	sadd.s32 @!p0 $0x88, s6;
	s7 =	simm.s32 @p2 $0x1082  }
0x22: {  	[simem:s7], [sflag:s8] =	dma.local @!p0 [hbm:s6], $0xF7A  }
0x23: {  	s9 =	sor.u32 $0xD0000000, s2;
	s6 =	simm.s32 $0x108;
	_ =	swait.ge @!p0 [sflag:s8], $0x0  }
0x24: {  	s3 =	sadd.s32 $0x88, s3;
	s6 =	simm.s32 @!p1 $0x1082;
	[sflag:s4] =	ssyncset.s32 $0xFFFFF086  }
0x25: {  	[simem:s6], [sflag:s4] =	dma.local [hbm:s3], $0xF7A  }
0x26: {  	[smem:$0x3F9B] =	sst s1;
	(tag) =	ssettag s2;
	_ =	strace s9  }
0x27: {  	s1 =	sld [smem:$0x3FAB]  }
0x28: {  	s2 =	sld [smem:$0x3FAC]  }
0x29: {  	s4 =	sld [smem:$0x3FAE]  }
0x2a: {  	p0 =	seq.s32 s5, $0x0;
	s5 =	sld [smem:$0x3FAF]  }
0x2b: {  	s6 =	sld [smem:$0x3FB0]  }
0x2c: {  	s7 =	sld [smem:$0x3FB1]  }
0x2d: {  	s3 =	simm.s32 $0x108;
	s8 =	sld [smem:$0x3FB2]  }
0x2e: {  	s3 =	simm.s32 @!p0 $0x1082;
	s9 =	sld [smem:$0x3FB3]  }
0x2f: {  	lr =	sadd.s32 s0, s3;
	s0 =	sld [smem:$0x3FAA]  }
0x30: {  	s3 =	sld [smem:$0x3FAD]  }
0x31: {  	[smem:$0x3FB6] =	sst s10  }
0x32: {  	s10 =	sld [smem:$0x3FB4];
	_ =	sdelay $0x3  }
0x33: {  	p0 =	seq.s32 s10, $0x1;
	s10 =	sld [smem:$0x3FB6];
	_ =	sdelay $0x3  }
0x34: {  	[smem:$0x3FB6] =	sst s10  }
0x35: {  	s10 =	sld [smem:$0x3FB5];
	_ =	sdelay $0x3  }
0x36: {  	p1 =	seq.s32 s10, $0x1;
	s10 =	sld [smem:$0x3FB6];
	_ =	sdelay $0x3  }
0x37: {  	[smem:$0x3FB6] =	sst s10  }
0x38: {  	s10 =	sld [smem:$0x3FB7]  }
0x39: {  	_ = 	snop;
	(pc) =	sbr.ind lr, $3  }
0x3a: {  	_ = 	snop  }
0x3b: {  	_ = 	snop  }
0x3c: {  	p2 =	seq.s32 s10, $0x1;
	s10 =	sld [smem:$0x3FB6]  }
0x3d: {  	_ =	shalt  }
0x3e: {  	_ =	shalt  }
0x3f: {  	_ =	shalt  }
0x40: {  	_ =	shalt  }
0x41: {  	_ =	shalt  }
0x42: {  	_ =	shalt  }
0x43: {  	_ =	shalt  }
0x44: {  	_ =	shalt  }
0x45: {  	_ =	shalt  }
0x46: {  	_ =	shalt  }
0x47: {  	_ =	shalt  }
0x48: {  	_ =	shalt  }
0x49: {  	_ =	shalt  }
0x4a: {  	_ =	shalt  }
0x4b: {  	_ =	shalt  }
0x4c: {  	_ =	shalt  }
0x4d: {  	_ =	shalt  }
0x4e: {  	_ =	shalt  }
0x4f: {  	_ =	shalt  }
0x50: {  	_ =	shalt  }
0x51: {  	_ =	shalt  }
0x52: {  	_ =	shalt  }
0x53: {  	_ =	shalt  }
0x54: {  	_ =	shalt  }
0x55: {  	_ =	shalt  }
0x56: {  	_ =	shalt  }
0x57: {  	_ =	shalt  }
0x58: {  	_ =	shalt  }
0x59: {  	_ =	shalt  }
0x5a: {  	_ =	shalt  }
0x5b: {  	_ =	shalt  }
0x5c: {  	_ =	shalt  }
0x5d: {  	_ =	shalt  }
0x5e: {  	_ =	shalt  }
0x5f: {  	_ =	shalt  }
0x60: {  	_ =	shalt  }
0x61: {  	_ =	shalt  }
0x62: {  	_ =	shalt  }
0x63: {  	_ =	shalt  }
0x64: {  	_ =	shalt  }
0x65: {  	_ =	shalt  }
0x66: {  	_ =	shalt  }
0x67: {  	_ =	shalt  }
0x68: {  	_ =	shalt  }
0x69: {  	_ =	shalt  }
0x6a: {  	_ =	shalt  }
0x6b: {  	_ =	shalt  }
0x6c: {  	_ =	shalt  }
0x6d: {  	_ =	shalt  }
0x6e: {  	_ =	shalt  }
0x6f: {  	_ =	shalt  }
0x70: {  	_ =	shalt  }
0x71: {  	_ =	shalt  }
0x72: {  	_ =	shalt  }
0x73: {  	_ =	shalt  }
0x74: {  	_ =	shalt  }
0x75: {  	_ =	shalt  }
0x76: {  	_ =	shalt  }
0x77: {  	_ =	shalt  }
0x78: {  	_ =	shalt  }
0x79: {  	_ =	shalt  }
0x7a: {  	_ =	shalt  }
0x7b: {  	_ =	shalt  }
0x7c: {  	_ =	shalt  }
0x7d: {  	_ =	shalt  }
0x7e: {  	_ =	shalt  }
0x7f: {  	_ =	shalt  }
0x80: {  	_ =	shalt  }
0x81: {  	_ =	shalt  }
0x82: {  	_ =	shalt  }
0x83: {  	_ =	shalt  }
0x84: {  	_ =	shalt  }
0x85: {  	_ =	shalt  }
0x86: {  	_ =	shalt  }
0x87: {  	_ =	shalt  }
.Lfunc_end0:
.L_simem_size_0:
called_computation.2_lowered:
.L_overlay_start_0:
0x88: {  	s2 =	sld [smem:$0x3FD9]  }
0x89: {  	s3 =	sld [smem:$0x3FFE];
	_ =	sdelay $0x1  }
0x8a: {  	s1 =	srdreg.scid  }
0x8b: {  	s0 =	sand.u32 $0x1, s1  }
0x8c: {  	s17 =	sshll.u32 s0, $0xA;
	s2 =	sadd.s32 s3, s2  }
0x8d: {  	s2 =	sadd.s32 s2, s17  }
0x8e: {  	[smem:$0x3FC2] =	sst s2  }
0x8f: {  	_ = 	snop  }
0x90: {  	s2 =	sld [smem:$0x3FD0];
	(tm) =	ssettm $0x1  }
0x91: {  	s18 =	sld [smem:$0x3FFB];
	_ =	sdelay $0x3  }
0x92: {  	_ =	strace s18  }
0x93: {  	s3 =	sld [smem:$0x3FFC];
	_ =	sdelay $0x3  }
0x94: {  	_ =	strace s3  }
0x95: {  	s3 =	sld [smem:$0x3FFD];
	_ =	sdelay $0x3  }
0x96: {  	_ =	strace s3  }
0x97: {  	_ =	strace $0x8FFFFFFF  }
0x98: {  	s19 =	sld [smem:$0x3FDB];
	_ =	sdelay $0x1  }
0x99: {  	s4 =	simm.s32 $_scs_section_size  }
0x9a: {  	s5 =	simm.s32 $_size__tile_overlayer_lowered;
	s6 =	simm.s32 $_tile_overlayer_lowered  }
0x9b: {  	s22 =	simm.s32 $0x1BFF;
	s21 =	sshll.u32 s6, $0x1;
	s3 =	sadd.s32 s4, s19  }
0x9c: {  	s7 =	simm.s32 $0x0;
	s20 =	sshll.u32 s5, $0x1;
	s5 =	sadd.s32 s21, s3  }
0x9d: {  	[timem:s7], [sflag:s22] =	dma.local [hbm:s5], s20  }
0x9e: {  	_ =	swait.ge [sflag:s22], s20  }
0x9f: {  	s4 =	ssub.s32 $0x0, s20;
	[sflag:s22] =	ssyncset.done $0x0  }
0xa0: {  	[sflag:s22] =	ssyncadd.s32 s4;
	_ =	sdelay $0x1  }
0xa1: {  	s23 =	simm.s32 $0x1B8B  }
0xa2: {  	_ =	swait.ge [sflag:s23], $0x1  }
0xa3: {  	[sflag:s23] =	ssyncset.done $0x0  }
0xa4: {  	s25 =	simm.s32 $0x1B8E;
	s24 =	sld [smem:$0x3FFE];
	[sflag:s23] =	ssyncadd.s32 $0xFFFFFFFF  }
0xa5: {  	s26 =	simm.s32 $execute0_lowered;
	[smem:$0x3FD2] =	sst s25  }
0xa6: {  	s5 =	sshll.u32 s26, $0x1;
	_ =	strace $0x8000004C;
	[dreg:$0x1] =	wrdreg $0xFFFFFFFF  }
0xa7: {  	s28 =	simm.s32 $_size_execute0_lowered;
	s3 =	sadd.s32 s3, s5;
	[dreg:$0x0] =	wrdreg $0x0  }
0xa8: {  	s5 =	sshll.u32 s28, $0x1;
	[dreg:$0x2] =	wrdreg s3  }
0xa9: {  	[dreg:$0x3] =	wrdreg s5  }
0xaa: {  	[dreg:$0x4] =	wrdreg $0xC0  }
0xab: {  	_ =	task [dreg:s7], $0x5FFFF  }
0xac: {  	[dreg:$0x1] =	wrdreg $0xFFFFFFFF  }
0xad: {  	[dreg:$0x0] =	wrdreg $0x60  }
0xae: {  	[dreg:$0x2] =	wrdreg s24  }
0xaf: {  	[dreg:$0x3] =	wrdreg s2  }
0xb0: {  	[dreg:$0x4] =	wrdreg $0x120000  }
0xb1: {  	[dreg:$0x5] =	wrdreg $0x9  }
0xb2: {  	_ =	task.clear_ibuf [dreg:s7], $0x6FFFF;
	_ =	strace $0x9000004C  }
0xb3: {  	s29 =	simm.s32 $0x9;
	_ =	strace $0x8000004E  }
0xb4: {  	_ =	swait.ge [sflag:s29], $0x1  }
0xb5: {  	[sflag:s29] =	ssyncadd.s32 $0xFFFFFFFF  }
0xb6: {  	_ =	strace $0x9000004E  }
0xb7: {  	_ =	sfence  }
0xb8: {  	s30 =	sld [smem:$0x0];
	_ =	sdelay $0x2  }
0xb9: {  	s31 =	sshll.u32 s1, $0xD;
	s1 =	sshrl.u32 s1, $0x2  }
0xba: {  	s3 =	sand.u32 $0x4000, s31;
	s1 =	sadd.s32 s1, s30  }
0xbb: {  	s0 =	sor.u32 s3, s0;
	s1 =	sshll.u32 s1, $0x11  }
0xbc: {  	s0 =	sor.u32 s1, s0  }
0xbd: {  	s0 =	sadd.s32 $0x8F2B, s0  }
0xbe: {  	[sflag:s0] =	ssyncadd.remote.s32 $0x1  }
0xbf: {  	_ =	sfence.sel $0xFFFF  }
0xc0: {  	[dreg:$0x0] =	wrdreg $0xFFFFFFFF;
	(pc) =	sbr.abs _section_cstart, $3  }
0xc1: {  	[dreg:$0x1] =	wrdreg $0xFFFFFFFF  }
0xc2: {  	_ =	task.clear_ibuf [dreg:s7], $0x2FFFF;
	_ =	strace $0x9FFFFFFF  }
0xc3: {  	(tm) =	ssettm $0x7FFFFFFF  }
tec
execute0_lowered:
.L_overlay_start_1:
0x0: {  	(tag) =	ssettag $0x1  }
0x1: {  	s0 =	rddreg [dreg:$0x0]  }
0x2: {  	s1 =	rddreg [dreg:$0x1]  }
0x3: {  	s2 =	rddreg [dreg:$0x2]  }
0x4: {  	s6 =	stileid.u32;
	s4 =	srdreg.scid;
	s3 =	simm.s32 $0x0  }
0x5: {  	s17 =	simm.s32 $0xC000;
	s19 =	simm.s32 $0xE000;
	s28 =	simm.s32 $0x1  }
0x6: {  	s29 =	simm.s32 $0x2;
	s31 =	simm.s32 $0x3;
	s9 =	smul.u32 $0xA00, s6  }
0x7: {  	s30 =	simm.s32 $0x6;
	s4 =	sand.u32 $0x1, s4;
	s10 =	smul.u32 $0xA000, s6  }
0x8: {  	[smem:$0x7FF] =	sst s3;
	s5 =	smul.u32 $0x14000, s4;
	s4 =	ssub.s32 $0x2, s4  }
0x9: {  	_ =	strace $0x8000004D;
	s11 =	sadd.s32 s9, s0;
	s22 =	sshrl.u32 s4, $0x1  }
0xa: {  	s13 =	sadd.s32 $0x2000, s10;
	s14 =	sadd.s32 $0x4000, s10;
	s15 =	sadd.s32 $0x6000, s10  }
0xb: {  	s16 =	sadd.s32 $0x8000, s10;
	s1 =	sadd.s32 s1, s9;
	s23 =	sshrl.u32 s10, $0x3  }
0xc: {  	s0 =	sadd.s32 s5, s0;
	s12 =	ssub.s32 s4, s22;
	s4 =	sadd.s32 s10, s2  }
0xd: {  	s5 =	sadd.s32 s13, s2;
	s6 =	sadd.s32 s14, s2;
	s7 =	sadd.s32 s15, s2  }
0xe: {  	s8 =	sadd.s32 s16, s2;
	s11 =	sadd.s32 $0x1800, s11;
	[dreg:$0x5] =	wrdreg s1  }
0xf: {  	s25 =	sshrl.u32 s13, $0x3;
	s26 =	sshrl.u32 s14, $0x3;
	s18 =	sshrl.u32 s15, $0x3  }
0x10: {  	s24 =	sshrl.u32 s16, $0x3;
	s13 =	simm.s32 $0xA000;
	s14 =	simm.s32 $0x9  }
0x11: {  	s16 =	simm.s32 $0x80;
	s1 =	simm.s32 $0x4;
	[dreg:$0x4] =	wrdreg s11  }
0x12: {  	s11 =	sadd.s32 $0xB800, s0;
	s0 =	sadd.s32 $0x33800, s0;
	s12 =	smax.u32 s12, $0x1  }
0x13: {  	s20 =	sadd.s32 s23, s0;
	s21 =	sadd.s32 s25, s0;
	s22 =	sadd.s32 s26, s0  }
0x14: {  	s23 =	sadd.s32 s18, s0;
	s24 =	sadd.s32 s24, s0;
	s26 =	simm.s32 $0x10000  }
0x15: {  	v0 =	vimm.f32 $0.0e+00;
	s25 =	simm.s32 $0x5;
	s0 =	simm.s32 $0x7;
	s18 =	simm.s32 $0x8  }
.LBB2_1:
0x16: {  	s10 =	simm.s32 $0x100;
	s9 =	simm.s32 $0x0  }
.LBB2_2:
0x17: {  	p0 =	sne.s32 s10, $0x7F00;
	[tilespmem:s9+$0xA030] =	vst v0;
	s15 =	smov.u32 s10;
	s10 =	sadd.s32 $0x100, s10  }
.Ltmp0:
0x18: {  	[tilespmem:s9+$0xA020] =	vst v0;
	(pc) =	sbr.rel @p0 .LBB2_2-.Ltmp0, $3  }
0x19: {  	[tilespmem:s9+$0xA000] =	vst v0  }
0x1a: {  	[tilespmem:s9+$0xA010] =	vst v0;
	_ =	sdelay $0x1  }
0x1b: {  	s9 =	sshra.s32 s15, $0x2  }
0x1c: {  	[tilespmem:s9+$0xA030] =	vst v0  }
0x1d: {  	[tilespmem:s9+$0xA020] =	vst v0  }
0x1e: {  	[tilespmem:s9+$0xA000] =	vst v0  }
0x1f: {  	[tilespmem:s9+$0xA010] =	vst v0  }
0x20: {  	[spmem:s4] =	stream.linear.scatter [tilespmem:s13], [sflag:$0x9], $0x2000, $0x38;
	[tilespmem:$0x1C000] =	vst v63  }
0x21: {  	_ =	swait.ge [sflag:s14], $0x2000  }
0x22: {  	[sflag:s14] =	ssyncset.done $0x0  }
0x23: {  	[sflag:s14] =	ssyncadd.s32 $0xFFFFE000  }
0x24: {  	[spmem:s5] =	stream.linear.scatter [tilespmem:s13], [sflag:$0x9], $0x2000, $0x38;
	[tilespmem:$0x1C000] =	vst v63  }
0x25: {  	_ =	swait.ge [sflag:s14], $0x2000  }
0x26: {  	[sflag:s14] =	ssyncset.done $0x0  }
0x27: {  	[sflag:s14] =	ssyncadd.s32 $0xFFFFE000  }
0x28: {  	[spmem:s6] =	stream.linear.scatter [tilespmem:s13], [sflag:$0x9], $0x2000, $0x38;
	[tilespmem:$0x1C000] =	vst v63  }
0x29: {  	_ =	swait.ge [sflag:s14], $0x2000  }
0x2a: {  	[sflag:s14] =	ssyncset.done $0x0  }
0x2b: {  	[sflag:s14] =	ssyncadd.s32 $0xFFFFE000  }
0x2c: {  	[spmem:s7] =	stream.linear.scatter [tilespmem:s13], [sflag:$0x9], $0x2000, $0x38;
	[tilespmem:$0x1C000] =	vst v63  }
0x2d: {  	_ =	swait.ge [sflag:s14], $0x2000  }
0x2e: {  	[sflag:s14] =	ssyncset.done $0x0  }
0x2f: {  	[sflag:s14] =	ssyncadd.s32 $0xFFFFE000  }
0x30: {  	[spmem:s8] =	stream.linear.scatter [tilespmem:s13], [sflag:$0x9], $0x2000, $0x38;
	[tilespmem:$0x1C000] =	vst v63  }
0x31: {  	_ =	swait.ge [sflag:s14], $0x2000  }
0x32: {  	[sflag:s14] =	ssyncset.done $0x0  }
0x33: {  	[sflag:s14] =	ssyncadd.s32 $0xFFFFE000  }
0x34: {  	[bflag:$0x0] =	sbarrier.arrive $0xFFFF  }
0x35: {  	s9 =	simm.s32 $0x0;
	s10 =	rddreg [dreg:$0x4]  }
0x36: {  	[tilespmem:s9], [sflag:$0x9] =	stream.linear.gather [hbm4b:s10+s9], $0x5000, $0x38;
	[tilespmem:$0x1C000] =	vst v63  }
0x37: {  	_ =	swait.ge [sflag:s14], $0x5000  }
0x38: {  	[sflag:s14] =	ssyncset.done $0x0  }
0x39: {  	s15 =	simm.s32 $0x5000;
	s10 =	rddreg [dreg:$0x5];
	[sflag:s14] =	ssyncadd.s32 $0xFFFFB000  }
0x3a: {  	[tilespmem:s15], [sflag:$0x9] =	stream.linear.gather [hbm4b:s10+s9], $0x5000, $0x38;
	[tilespmem:$0x1C000] =	vst v63  }
0x3b: {  	_ =	swait.ge [sflag:s14], $0x5000  }
0x3c: {  	[sflag:s14] =	ssyncset.done $0x0  }
0x3d: {  	[sflag:s14] =	ssyncadd.s32 $0xFFFFB000  }
0x3e: {  	[tilespmem:s13], [sflag:$0x1] =	stream.indirect.gather [hbm4b:s11+s16], $0x40, s9, s16, $0xb8;
	[tilespmem:$0x1C000] =	vst v63  }
0x3f: {  	_ = 	snop  }
0x40: {  	[tilespmem:s17], [sflag:$0x2] =	stream.indirect.gather [hbm4b:s11+s16], $0x40, s16, s16, $0xb8;
	[tilespmem:$0x1C000] =	vst v63  }
0x41: {  	s10 =	simm.s32 $0x100  }
0x42: {  	[tilespmem:s19], [sflag:$0x3] =	stream.indirect.gather [hbm4b:s11+s16], $0x40, s10, s16, $0xb8;
	[tilespmem:$0x1C000] =	vst v63  }
0x43: {  	s10 =	simm.s32 $0x180  }
0x44: {  	[tilespmem:s26], [sflag:$0x4] =	stream.indirect.gather [hbm4b:s11+s16], $0x40, s10, s16, $0xb8;
	[tilespmem:$0x1C000] =	vst v63  }
0x45: {  	_ =	swait.ge [sflag:s28], $0x2000  }
0x46: {  	[sflag:s28] =	ssyncset.done $0x0  }
0x47: {  	[sflag:s28] =	ssyncadd.s32 $0xFFFFE000  }
0x48: {  	[spmem:s2] =	stream.indirect.scatter.add.f32 [tilespmem:s13], [sflag:$0x5], $0x40, s15, s16, $0xb8;
	[tilespmem:$0x1C000] =	vst v63  }
0x49: {  	_ =	swait.ge [sflag:s29], $0x2000  }
0x4a: {  	[sflag:s29] =	ssyncset.done $0x0  }
0x4b: {  	s10 =	simm.s32 $0x5080;
	[sflag:s29] =	ssyncadd.s32 $0xFFFFE000  }
0x4c: {  	[spmem:s2] =	stream.indirect.scatter.add.f32 [tilespmem:s17], [sflag:$0x6], $0x40, s10, s16, $0xb8;
	[tilespmem:$0x1C000] =	vst v63  }
0x4d: {  	_ =	swait.ge [sflag:s31], $0x2000  }
0x4e: {  	[sflag:s31] =	ssyncset.done $0x0  }
0x4f: {  	s15 =	simm.s32 $0x5100;
	[sflag:s31] =	ssyncadd.s32 $0xFFFFE000  }
0x50: {  	[spmem:s2] =	stream.indirect.scatter.add.f32 [tilespmem:s19], [sflag:$0x7], $0x40, s15, s16, $0xb8;
	[tilespmem:$0x1C000] =	vst v63  }
0x51: {  	_ =	swait.ge [sflag:s1], $0x2000  }
0x52: {  	[sflag:s1] =	ssyncset.done $0x0  }
0x53: {  	s10 =	simm.s32 $0x5180;
	[sflag:s1] =	ssyncadd.s32 $0xFFFFE000  }
0x54: {  	[spmem:s2] =	stream.indirect.scatter.add.f32 [tilespmem:s26], [sflag:$0x8], $0x40, s10, s16, $0xb8;
	[tilespmem:$0x1C000] =	vst v63  }
0x55: {  	_ =	swait.ge [sflag:s25], $0x2000  }
0x56: {  	[sflag:s25] =	ssyncset.done $0x0  }
0x57: {  	s15 =	simm.s32 $0x200;
	[sflag:s25] =	ssyncadd.s32 $0xFFFFE000  }
0x58: {  	[tilespmem:s13], [sflag:$0x1] =	stream.indirect.gather [hbm4b:s11+s16], $0x40, s15, s16, $0xb8;
	[tilespmem:$0x1C000] =	vst v63  }
0x59: {  	_ =	swait.ge [sflag:s30], $0x2000  }
0x5a: {  	[sflag:s30] =	ssyncset.done $0x0  }
0x5b: {  	s10 =	simm.s32 $0x280;
	[sflag:s30] =	ssyncadd.s32 $0xFFFFE000  }
0x5c: {  	[tilespmem:s17], [sflag:$0x2] =	stream.indirect.gather [hbm4b:s11+s16], $0x40, s10, s16, $0xb8;
	[tilespmem:$0x1C000] =	vst v63  }
0x5d: {  	_ =	swait.ge [sflag:s0], $0x2000  }
0x5e: {  	[sflag:s0] =	ssyncset.done $0x0  }
0x5f: {  	s15 =	simm.s32 $0x300;
	[sflag:s0] =	ssyncadd.s32 $0xFFFFE000  }
0x60: {  	[tilespmem:s19], [sflag:$0x3] =	stream.indirect.gather [hbm4b:s11+s16], $0x40, s15, s16, $0xb8;
	[tilespmem:$0x1C000] =	vst v63  }
0x61: {  	_ =	swait.ge [sflag:s18], $0x2000  }
0x62: {  	[sflag:s18] =	ssyncset.done $0x0  }
0x63: {  	s10 =	simm.s32 $0x380;
	[sflag:s18] =	ssyncadd.s32 $0xFFFFE000  }
0x64: {  	[tilespmem:s26], [sflag:$0x4] =	stream.indirect.gather [hbm4b:s11+s16], $0x40, s10, s16, $0xb8;
	[tilespmem:$0x1C000] =	vst v63  }
0x65: {  	_ =	swait.ge [sflag:s28], $0x2000  }
0x66: {  	[sflag:s28] =	ssyncset.done $0x0  }
0x67: {  	s15 =	simm.s32 $0x5200;
	[sflag:s28] =	ssyncadd.s32 $0xFFFFE000  }
0x68: {  	[spmem:s2] =	stream.indirect.scatter.add.f32 [tilespmem:s13], [sflag:$0x5], $0x40, s15, s16, $0xb8;
	[tilespmem:$0x1C000] =	vst v63  }
0x69: {  	_ =	swait.ge [sflag:s29], $0x2000  }
0x6a: {  	[sflag:s29] =	ssyncset.done $0x0  }
0x6b: {  	s10 =	simm.s32 $0x5280;
	[sflag:s29] =	ssyncadd.s32 $0xFFFFE000  }
0x6c: {  	[spmem:s2] =	stream.indirect.scatter.add.f32 [tilespmem:s17], [sflag:$0x6], $0x40, s10, s16, $0xb8;
	[tilespmem:$0x1C000] =	vst v63  }
0x6d: {  	_ =	swait.ge [sflag:s31], $0x2000  }
0x6e: {  	[sflag:s31] =	ssyncset.done $0x0  }
0x6f: {  	s15 =	simm.s32 $0x5300;
	[sflag:s31] =	ssyncadd.s32 $0xFFFFE000  }
0x70: {  	[spmem:s2] =	stream.indirect.scatter.add.f32 [tilespmem:s19], [sflag:$0x7], $0x40, s15, s16, $0xb8;
	[tilespmem:$0x1C000] =	vst v63  }
0x71: {  	_ =	swait.ge [sflag:s1], $0x2000  }
0x72: {  	[sflag:s1] =	ssyncset.done $0x0  }
0x73: {  	s9 =	simm.s32 $0x800;
	s10 =	simm.s32 $0x5380;
	[sflag:s1] =	ssyncadd.s32 $0xFFFFE000  }
.LBB2_4:
0x74: {  	[spmem:s2] =	stream.indirect.scatter.add.f32 [tilespmem:s26], [sflag:$0x8], $0x40, s10, s16, $0xb8;
	[tilespmem:$0x1C000] =	vst v63  }
0x75: {  	s10 =	smov.u32 s9  }
0x76: {  	p0 =	sne.s32 s9, $0x13000;
	s9 =	sadd.s32 $0x800, s9;
	_ =	swait.ge [sflag:s25], $0x2000  }
0x77: {  	s10 =	sshra.s32 s10, $0x2;
	[sflag:s25] =	ssyncset.done $0x0  }
0x78: {  	s15 =	sadd.s32 $0x200, s10;
	[sflag:s25] =	ssyncadd.s32 $0xFFFFE000  }
0x79: {  	[tilespmem:s13], [sflag:$0x1] =	stream.indirect.gather [hbm4b:s11+s16], $0x40, s15, s16, $0xb8;
	[tilespmem:$0x1C000] =	vst v63  }
0x7a: {  	_ =	swait.ge [sflag:s30], $0x2000  }
0x7b: {  	[sflag:s30] =	ssyncset.done $0x0  }
0x7c: {  	s15 =	sadd.s32 $0x280, s10;
	[sflag:s30] =	ssyncadd.s32 $0xFFFFE000  }
0x7d: {  	[tilespmem:s17], [sflag:$0x2] =	stream.indirect.gather [hbm4b:s11+s16], $0x40, s15, s16, $0xb8;
	[tilespmem:$0x1C000] =	vst v63  }
0x7e: {  	_ =	swait.ge [sflag:s0], $0x2000  }
0x7f: {  	[sflag:s0] =	ssyncset.done $0x0  }
0x80: {  	s15 =	sadd.s32 $0x300, s10;
	[sflag:s0] =	ssyncadd.s32 $0xFFFFE000  }
0x81: {  	[tilespmem:s19], [sflag:$0x3] =	stream.indirect.gather [hbm4b:s11+s16], $0x40, s15, s16, $0xb8;
	[tilespmem:$0x1C000] =	vst v63  }
0x82: {  	_ =	swait.ge [sflag:s18], $0x2000  }
0x83: {  	[sflag:s18] =	ssyncset.done $0x0  }
0x84: {  	s15 =	sadd.s32 $0x380, s10;
	[sflag:s18] =	ssyncadd.s32 $0xFFFFE000  }
0x85: {  	[tilespmem:s26], [sflag:$0x4] =	stream.indirect.gather [hbm4b:s11+s16], $0x40, s15, s16, $0xb8;
	[tilespmem:$0x1C000] =	vst v63  }
0x86: {  	_ =	swait.ge [sflag:s28], $0x2000  }
0x87: {  	[sflag:s28] =	ssyncset.done $0x0  }
0x88: {  	s15 =	sadd.s32 $0x5200, s10;
	[sflag:s28] =	ssyncadd.s32 $0xFFFFE000  }
0x89: {  	[spmem:s2] =	stream.indirect.scatter.add.f32 [tilespmem:s13], [sflag:$0x5], $0x40, s15, s16, $0xb8;
	[tilespmem:$0x1C000] =	vst v63  }
0x8a: {  	_ =	swait.ge [sflag:s29], $0x2000  }
0x8b: {  	[sflag:s29] =	ssyncset.done $0x0  }
0x8c: {  	s15 =	sadd.s32 $0x5280, s10;
	[sflag:s29] =	ssyncadd.s32 $0xFFFFE000  }
0x8d: {  	[spmem:s2] =	stream.indirect.scatter.add.f32 [tilespmem:s17], [sflag:$0x6], $0x40, s15, s16, $0xb8;
	[tilespmem:$0x1C000] =	vst v63  }
0x8e: {  	_ =	swait.ge [sflag:s31], $0x2000  }
0x8f: {  	[sflag:s31] =	ssyncset.done $0x0  }
.Ltmp1:
0x90: {  	s15 =	sadd.s32 $0x5300, s10;
	[sflag:s31] =	ssyncadd.s32 $0xFFFFE000;
	(pc) =	sbr.rel @p0 .LBB2_4-.Ltmp1, $4  }
0x91: {  	[spmem:s2] =	stream.indirect.scatter.add.f32 [tilespmem:s19], [sflag:$0x7], $0x40, s15, s16, $0xb8;
	[tilespmem:$0x1C000] =	vst v63  }
0x92: {  	_ =	swait.ge [sflag:s1], $0x2000  }
0x93: {  	[sflag:s1] =	ssyncset.done $0x0  }
0x94: {  	s10 =	sadd.s32 $0x5380, s10;
	[sflag:s1] =	ssyncadd.s32 $0xFFFFE000  }
0x95: {  	[spmem:s2] =	stream.indirect.scatter.add.f32 [tilespmem:s26], [sflag:$0x8], $0x40, s10, s16, $0xb8;
	[tilespmem:$0x1C000] =	vst v63  }
0x96: {  	_ =	swait.ge [sflag:s25], $0x2000  }
0x97: {  	[sflag:s25] =	ssyncset.done $0x0  }
0x98: {  	[sflag:s25] =	ssyncadd.s32 $0xFFFFE000  }
0x99: {  	_ =	swait.ge [sflag:s30], $0x2000  }
0x9a: {  	[sflag:s30] =	ssyncset.done $0x0  }
0x9b: {  	[sflag:s30] =	ssyncadd.s32 $0xFFFFE000  }
0x9c: {  	_ =	swait.ge [sflag:s0], $0x2000  }
0x9d: {  	[sflag:s0] =	ssyncset.done $0x0  }
0x9e: {  	[sflag:s0] =	ssyncadd.s32 $0xFFFFE000  }
0x9f: {  	_ =	swait.ge [sflag:s18], $0x2000  }
0xa0: {  	s9 =	stileid.u32;
	[sflag:s18] =	ssyncset.done $0x0  }
0xa1: {  	s9 =	sshll.u32 s9, $0x6;
	[sflag:s18] =	ssyncadd.s32 $0xFFFFE000  }
0xa2: {  	s15 =	sshrl.u32 s4, $0x3;
	s9 =	sor.u32 $0x1C09, s9;
	[bflag:$0x0] =	sbarrier.arrive $0xFFFF  }
0xa3: {  	[hbm:s20], [sflag:s9] =	dma.local [spmem:s15], $0x400  }
0xa4: {  	_ =	swait.ge [sflag:s14], $0x400  }
0xa5: {  	[sflag:s14] =	ssyncset.done $0x0  }
0xa6: {  	s15 =	sshrl.u32 s5, $0x3;
	[sflag:s14] =	ssyncadd.s32 $0xFFFFFC00  }
0xa7: {  	[hbm:s21], [sflag:s9] =	dma.local [spmem:s15], $0x400  }
0xa8: {  	_ =	swait.ge [sflag:s14], $0x400  }
0xa9: {  	[sflag:s14] =	ssyncset.done $0x0  }
0xaa: {  	s15 =	sshrl.u32 s6, $0x3;
	[sflag:s14] =	ssyncadd.s32 $0xFFFFFC00  }
0xab: {  	[hbm:s22], [sflag:s9] =	dma.local [spmem:s15], $0x400  }
0xac: {  	_ =	swait.ge [sflag:s14], $0x400  }
0xad: {  	[sflag:s14] =	ssyncset.done $0x0  }
0xae: {  	s15 =	sshrl.u32 s7, $0x3;
	[sflag:s14] =	ssyncadd.s32 $0xFFFFFC00  }
0xaf: {  	[hbm:s23], [sflag:s9] =	dma.local [spmem:s15], $0x400  }
0xb0: {  	s3 =	sadd.s32 $0x1, s3;
	_ =	swait.ge [sflag:s14], $0x400  }
0xb1: {  	p0 =	sne.s32 s3, s12;
	[sflag:s14] =	ssyncset.done $0x0  }
.Ltmp2:
0xb2: {  	s15 =	sshrl.u32 s8, $0x3;
	[sflag:s14] =	ssyncadd.s32 $0xFFFFFC00;
	(pc) =	sbr.rel @p0 .LBB2_1-.Ltmp2, $4  }
0xb3: {  	[hbm:s24], [sflag:s9] =	dma.local [spmem:s15], $0x400  }
0xb4: {  	_ =	swait.ge [sflag:s14], $0x400  }
0xb5: {  	[sflag:s14] =	ssyncset.done $0x0  }
0xb6: {  	[sflag:s14] =	ssyncadd.s32 $0xFFFFFC00  }
0xb7: {  	_ =	sfence.sel $0x180000  }
0xb8: {  	[bflag:$0x0] =	sbarrier.arrive $0xFFFF  }
0xb9: {  	_ =	strace $0x9000004D  }
0xba: {  	s0 =	stileid.u32;
	[bflag:$0x2] =	sbarrier.arrive $0xFFFF  }
0xbb: {  	p0 =	sne.s32 s0, $0x0;
	s0 =	rddreg [dreg:$0x3]  }
0xbc: {  	s0 =	sadd.s32 @!p0 $0x100000, s0  }
0xbd: {  	[sflag:s0] =	ssyncadd.tile.s32 @!p0 $0x1;
	_ =	shalt  }
.Lfunc_end2:
_tile_overlayer_lowered:
.L_overlay_start_2:
0xbe: {  	(tag) =	ssettag $0x2  }
0xbf: {  	s0 =	rddreg [dreg:$0x0];
	s2 =	stileid.u32  }
0xc0: {  	s1 =	rddreg [dreg:$0x1];
	p0 =	sne.s32 s2, $0x0  }
0xc1: {  	s3 =	rddreg [dreg:$0x2];
	[bflag:$0x3] =	sbarrier.arrive $0xFFFF;
	s2 =	simm.s32 @!p0 $0x1C09  }
0xc2: {  	[timem:s3], [sflag:s2] =	dma.local @!p0 [hbm:s0], s1  }
0xc3: {  	s0 =	simm.s32 @!p0 $0x9  }
0xc4: {  	_ =	swait.ge @!p0 [sflag:s0], s1  }
0xc5: {  	s1 =	ssub.s32 @!p0 $0x0, s1;
	[sflag:s0] =	ssyncset.done @!p0 $0x0  }
0xc6: {  	[sflag:s0] =	ssyncadd.s32 @!p0 s1  }
0xc7: {  	[bflag:$0x3] =	sbarrier.arrive $0xFFFF  }
0xc8: {  	_ =	shalt  }

// kernel: kernel.8.cloned.1.call-start
scs
__scs_entry_jumppad:
0x0: {  	(pc) =	sbr.rel $0x88, $3  }
0x1: {  	(tag) =	ssettag $0x0;
	lr =	simm.s32 $0x1  }
0x2: {  	[smem:$0x3F9B] =	sst lr;
	_ =	strace $0xD0000000  }
0x3: {  	_ = 	snop  }
0x4: {  	_ = 	snop  }
0x5: {  	_ = 	snop  }
0x6: {  	_ = 	snop  }
0x7: {  	_ = 	snop  }
__scs_overlays_trampoline_lowered:
0x8: {  	[smem:$0x3FAA] =	sst s0  }
0x9: {  	[smem:$0x3FAB] =	sst s1  }
0xa: {  	[smem:$0x3FAC] =	sst s2  }
0xb: {  	[smem:$0x3FAD] =	sst s3  }
0xc: {  	[smem:$0x3FAE] =	sst s4  }
0xd: {  	[smem:$0x3FAF] =	sst s5  }
0xe: {  	[smem:$0x3FB0] =	sst s6  }
0xf: {  	[smem:$0x3FB1] =	sst s7  }
0x10: {  	[smem:$0x3FB2] =	sst s8  }
0x11: {  	[smem:$0x3FB3] =	sst s9;
	s0 =	simm.s32 @!p0 $0x0  }
0x12: {  	s1 =	sld [smem:$0x3F99];
	s0 =	simm.s32 @p0 $0x1  }
0x13: {  	[smem:$0x3FB4] =	sst s0;
	s0 =	simm.s32 @!p1 $0x0  }
0x14: {  	s2 =	sld [smem:$0x3F98];
	s0 =	simm.s32 @p1 $0x1  }
0x15: {  	[smem:$0x3FB5] =	sst s0;
	s0 =	simm.s32 @!p2 $0x0  }
0x16: {  	s3 =	sld [smem:$0x3FDB];
	s0 =	simm.s32 @p2 $0x1  }
0x17: {  	s4 =	simm.s32 $0x1BF5;
	[smem:$0x3FB7] =	sst s0  }
0x18: {  	s0 =	sld [smem:$0x3F9A];
	_ =	swait.ge [sflag:s4], $0x0  }
0x19: {  	s7 =	sld [smem:$0x3F9B]  }
0x1a: {  	s8 =	sadd.s32 $0xFFFFE003, lr  }
0x1b: {  	s9 =	sadd.s32 $0xFFFFFEF7, lr;
	s5 =	simm.s32 $0xFFFFFFFF;
	p2 =	slt.u32 s8, $0xFFFFF086  }
0x1c: {  	p1 =	slt.u32 s9, $0xF7A;
	s5 =	simm.s32 @!p2 $0x0  }
0x1d: {  	s5 =	simm.s32 @p1 $0x1;
	p0 =	seq.s32 s7, s2  }
0x1e: {  	s7 =	smul.u32 @!p0 $0xF7A, s2;
	p2 =	seq.s32 @!p0 s5, $0x0  }
0x1f: {  	s9 =	smul.u32 $0xF7A, s1;
	s8 =	simm.s32 @!p0 $0x1BF5;
	p2 =	por !p2, p0  }
0x20: {  	[sflag:s8] =	ssyncset.s32 @!p0 $0xFFFFF086;
	s6 =	sadd.s32 @!p0 s3, s7;
	s7 =	simm.s32 @!p0 $0x108  }
0x21: {  	s3 =	sadd.s32 s3, s9;
	s6 =	sadd.s32 @!p0 $0x88, s6;
	s7 =	simm.s32 @p2 $0x1082  }
0x22: {  	[simem:s7], [sflag:s8] =	dma.local @!p0 [hbm:s6], $0xF7A  }
0x23: {  	s9 =	sor.u32 $0xD0000000, s2;
	s6 =	simm.s32 $0x108;
	_ =	swait.ge @!p0 [sflag:s8], $0x0  }
0x24: {  	s3 =	sadd.s32 $0x88, s3;
	s6 =	simm.s32 @!p1 $0x1082;
	[sflag:s4] =	ssyncset.s32 $0xFFFFF086  }
0x25: {  	[simem:s6], [sflag:s4] =	dma.local [hbm:s3], $0xF7A  }
0x26: {  	[smem:$0x3F9B] =	sst s1;
	(tag) =	ssettag s2;
	_ =	strace s9  }
0x27: {  	s1 =	sld [smem:$0x3FAB]  }
0x28: {  	s2 =	sld [smem:$0x3FAC]  }
0x29: {  	s4 =	sld [smem:$0x3FAE]  }
0x2a: {  	p0 =	seq.s32 s5, $0x0;
	s5 =	sld [smem:$0x3FAF]  }
0x2b: {  	s6 =	sld [smem:$0x3FB0]  }
0x2c: {  	s7 =	sld [smem:$0x3FB1]  }
0x2d: {  	s3 =	simm.s32 $0x108;
	s8 =	sld [smem:$0x3FB2]  }
0x2e: {  	s3 =	simm.s32 @!p0 $0x1082;
	s9 =	sld [smem:$0x3FB3]  }
0x2f: {  	lr =	sadd.s32 s0, s3;
	s0 =	sld [smem:$0x3FAA]  }
0x30: {  	s3 =	sld [smem:$0x3FAD]  }
0x31: {  	[smem:$0x3FB6] =	sst s10  }
0x32: {  	s10 =	sld [smem:$0x3FB4];
	_ =	sdelay $0x3  }
0x33: {  	p0 =	seq.s32 s10, $0x1;
	s10 =	sld [smem:$0x3FB6];
	_ =	sdelay $0x3  }
0x34: {  	[smem:$0x3FB6] =	sst s10  }
0x35: {  	s10 =	sld [smem:$0x3FB5];
	_ =	sdelay $0x3  }
0x36: {  	p1 =	seq.s32 s10, $0x1;
	s10 =	sld [smem:$0x3FB6];
	_ =	sdelay $0x3  }
0x37: {  	[smem:$0x3FB6] =	sst s10  }
0x38: {  	s10 =	sld [smem:$0x3FB7]  }
0x39: {  	_ = 	snop;
	(pc) =	sbr.ind lr, $3  }
0x3a: {  	_ = 	snop  }
0x3b: {  	_ = 	snop  }
0x3c: {  	p2 =	seq.s32 s10, $0x1;
	s10 =	sld [smem:$0x3FB6]  }
0x3d: {  	_ =	shalt  }
0x3e: {  	_ =	shalt  }
0x3f: {  	_ =	shalt  }
0x40: {  	_ =	shalt  }
0x41: {  	_ =	shalt  }
0x42: {  	_ =	shalt  }
0x43: {  	_ =	shalt  }
0x44: {  	_ =	shalt  }
0x45: {  	_ =	shalt  }
0x46: {  	_ =	shalt  }
0x47: {  	_ =	shalt  }
0x48: {  	_ =	shalt  }
0x49: {  	_ =	shalt  }
0x4a: {  	_ =	shalt  }
0x4b: {  	_ =	shalt  }
0x4c: {  	_ =	shalt  }
0x4d: {  	_ =	shalt  }
0x4e: {  	_ =	shalt  }
0x4f: {  	_ =	shalt  }
0x50: {  	_ =	shalt  }
0x51: {  	_ =	shalt  }
0x52: {  	_ =	shalt  }
0x53: {  	_ =	shalt  }
0x54: {  	_ =	shalt  }
0x55: {  	_ =	shalt  }
0x56: {  	_ =	shalt  }
0x57: {  	_ =	shalt  }
0x58: {  	_ =	shalt  }
0x59: {  	_ =	shalt  }
0x5a: {  	_ =	shalt  }
0x5b: {  	_ =	shalt  }
0x5c: {  	_ =	shalt  }
0x5d: {  	_ =	shalt  }
0x5e: {  	_ =	shalt  }
0x5f: {  	_ =	shalt  }
0x60: {  	_ =	shalt  }
0x61: {  	_ =	shalt  }
0x62: {  	_ =	shalt  }
0x63: {  	_ =	shalt  }
0x64: {  	_ =	shalt  }
0x65: {  	_ =	shalt  }
0x66: {  	_ =	shalt  }
0x67: {  	_ =	shalt  }
0x68: {  	_ =	shalt  }
0x69: {  	_ =	shalt  }
0x6a: {  	_ =	shalt  }
0x6b: {  	_ =	shalt  }
0x6c: {  	_ =	shalt  }
0x6d: {  	_ =	shalt  }
0x6e: {  	_ =	shalt  }
0x6f: {  	_ =	shalt  }
0x70: {  	_ =	shalt  }
0x71: {  	_ =	shalt  }
0x72: {  	_ =	shalt  }
0x73: {  	_ =	shalt  }
0x74: {  	_ =	shalt  }
0x75: {  	_ =	shalt  }
0x76: {  	_ =	shalt  }
0x77: {  	_ =	shalt  }
0x78: {  	_ =	shalt  }
0x79: {  	_ =	shalt  }
0x7a: {  	_ =	shalt  }
0x7b: {  	_ =	shalt  }
0x7c: {  	_ =	shalt  }
0x7d: {  	_ =	shalt  }
0x7e: {  	_ =	shalt  }
0x7f: {  	_ =	shalt  }
0x80: {  	_ =	shalt  }
0x81: {  	_ =	shalt  }
0x82: {  	_ =	shalt  }
0x83: {  	_ =	shalt  }
0x84: {  	_ =	shalt  }
0x85: {  	_ =	shalt  }
0x86: {  	_ =	shalt  }
0x87: {  	_ =	shalt  }
.Lfunc_end0:
.L_simem_size_0:
called_computation_lowered:
.L_overlay_start_0:
0x88: {  	s2 =	sld [smem:$0x3FD9]  }
0x89: {  	s3 =	sld [smem:$0x3FFE];
	_ =	sdelay $0x1  }
0x8a: {  	s1 =	srdreg.scid  }
0x8b: {  	s0 =	sand.u32 $0x1, s1  }
0x8c: {  	s17 =	sshll.u32 s0, $0xA;
	s2 =	sadd.s32 s3, s2  }
0x8d: {  	s2 =	sadd.s32 s2, s17  }
0x8e: {  	[smem:$0x3FC2] =	sst s2  }
0x8f: {  	_ = 	snop  }
0x90: {  	s2 =	sld [smem:$0x3FD0];
	(tm) =	ssettm $0x1  }
0x91: {  	s18 =	sld [smem:$0x3FFB];
	_ =	sdelay $0x3  }
0x92: {  	_ =	strace s18  }
0x93: {  	s3 =	sld [smem:$0x3FFC];
	_ =	sdelay $0x3  }
0x94: {  	_ =	strace s3  }
0x95: {  	s3 =	sld [smem:$0x3FFD];
	_ =	sdelay $0x3  }
0x96: {  	_ =	strace s3  }
0x97: {  	_ =	strace $0x8FFFFFFF  }
0x98: {  	s19 =	sld [smem:$0x3FDB];
	_ =	sdelay $0x1  }
0x99: {  	s4 =	simm.s32 $_scs_section_size  }
0x9a: {  	s5 =	simm.s32 $_size__tile_overlayer_lowered;
	s6 =	simm.s32 $_tile_overlayer_lowered  }
0x9b: {  	s22 =	simm.s32 $0x1BFF;
	s21 =	sshll.u32 s6, $0x1;
	s3 =	sadd.s32 s4, s19  }
0x9c: {  	s7 =	simm.s32 $0x0;
	s20 =	sshll.u32 s5, $0x1;
	s5 =	sadd.s32 s21, s3  }
0x9d: {  	[timem:s7], [sflag:s22] =	dma.local [hbm:s5], s20  }
0x9e: {  	_ =	swait.ge [sflag:s22], s20  }
0x9f: {  	s4 =	ssub.s32 $0x0, s20;
	[sflag:s22] =	ssyncset.done $0x0  }
0xa0: {  	[sflag:s22] =	ssyncadd.s32 s4;
	_ =	sdelay $0x1  }
0xa1: {  	s23 =	simm.s32 $0x1B8B  }
0xa2: {  	_ =	swait.ge [sflag:s23], $0x1  }
0xa3: {  	[sflag:s23] =	ssyncset.done $0x0  }
0xa4: {  	s25 =	simm.s32 $0x1B8E;
	s24 =	sld [smem:$0x3FFE];
	[sflag:s23] =	ssyncadd.s32 $0xFFFFFFFF  }
0xa5: {  	s26 =	simm.s32 $execute0_lowered;
	[smem:$0x3FD2] =	sst s25  }
0xa6: {  	s5 =	sshll.u32 s26, $0x1;
	_ =	strace $0x80000046;
	[dreg:$0x1] =	wrdreg $0xFFFFFFFF  }
0xa7: {  	s28 =	simm.s32 $_size_execute0_lowered;
	s3 =	sadd.s32 s3, s5;
	[dreg:$0x0] =	wrdreg $0x0  }
0xa8: {  	s5 =	sshll.u32 s28, $0x1;
	[dreg:$0x2] =	wrdreg s3  }
0xa9: {  	[dreg:$0x3] =	wrdreg s5  }
0xaa: {  	[dreg:$0x4] =	wrdreg $0xC0  }
0xab: {  	_ =	task [dreg:s7], $0x5FFFF  }
0xac: {  	[dreg:$0x1] =	wrdreg $0xFFFFFFFF  }
0xad: {  	[dreg:$0x0] =	wrdreg $0x60  }
0xae: {  	[dreg:$0x2] =	wrdreg s24  }
0xaf: {  	[dreg:$0x3] =	wrdreg s2  }
0xb0: {  	[dreg:$0x4] =	wrdreg $0x53000  }
0xb1: {  	[dreg:$0x5] =	wrdreg $0x55800  }
0xb2: {  	[dreg:$0x6] =	wrdreg $0x9  }
0xb3: {  	_ =	task.clear_ibuf [dreg:s7], $0x7FFFF;
	_ =	strace $0x90000046  }
0xb4: {  	s29 =	simm.s32 $0x9;
	_ =	strace $0x80000048  }
0xb5: {  	_ =	swait.ge [sflag:s29], $0x1  }
0xb6: {  	[sflag:s29] =	ssyncadd.s32 $0xFFFFFFFF  }
0xb7: {  	_ =	strace $0x90000048  }
0xb8: {  	_ =	sfence  }
0xb9: {  	s30 =	sld [smem:$0x0];
	_ =	sdelay $0x2  }
0xba: {  	s31 =	sshll.u32 s1, $0xD;
	s1 =	sshrl.u32 s1, $0x2  }
0xbb: {  	s3 =	sand.u32 $0x4000, s31;
	s1 =	sadd.s32 s1, s30  }
0xbc: {  	s0 =	sor.u32 s3, s0;
	s1 =	sshll.u32 s1, $0x11  }
0xbd: {  	s0 =	sor.u32 s1, s0  }
0xbe: {  	s0 =	sadd.s32 $0x8F2B, s0  }
0xbf: {  	[sflag:s0] =	ssyncadd.remote.s32 $0x1  }
0xc0: {  	_ =	sfence.sel $0xFFFF  }
0xc1: {  	[dreg:$0x0] =	wrdreg $0xFFFFFFFF;
	(pc) =	sbr.abs _section_cstart, $3  }
0xc2: {  	[dreg:$0x1] =	wrdreg $0xFFFFFFFF  }
0xc3: {  	_ =	task.clear_ibuf [dreg:s7], $0x2FFFF;
	_ =	strace $0x9FFFFFFF  }
0xc4: {  	(tm) =	ssettm $0x7FFFFFFF  }
0xc5: {  	_ =	shalt  }
tec
execute0_lowered:
.L_overlay_start_1:
0x0: {  	(tag) =	ssettag $0x1  }
0x1: {  	s0 =	rddreg [dreg:$0x0]  }
0x2: {  	s3 =	rddreg [dreg:$0x1]  }
0x3: {  	s1 =	rddreg [dreg:$0x2]  }
0x4: {  	s2 =	rddreg [dreg:$0x3]  }
0x5: {  	s4 =	srdreg.scid;
	s9 =	stileid.u32;
	s15 =	simm.s32 $0x80  }
0x6: {  	s16 =	simm.s32 $0x5000;
	s31 =	simm.s32 $0x1;
	s17 =	simm.s32 $0x2  }
0x7: {  	s18 =	simm.s32 $0xA;
	s19 =	simm.s32 $0x3;
	s20 =	simm.s32 $0xB  }
0x8: {  	s21 =	simm.s32 $0x4;
	s22 =	simm.s32 $0xC;
	s6 =	smul.u32 $0x500, s9  }
0x9: {  	s23 =	simm.s32 $0x5;
	s28 =	simm.s32 $0x7;
	s8 =	smul.u32 $0xA00, s9  }
0xa: {  	s29 =	simm.s32 $0xF;
	s7 =	sand.u32 $0x1, s4;
	s9 =	smul.u32 $0x280, s9  }
0xb: {  	s30 =	simm.s32 $0x8;
	s4 =	simm.s32 $0x0;
	s5 =	smul.u32 $0x5000, s7  }
0xc: {  	[smem:$0x7FF] =	sst s4;
	s24 =	ssub.s32 $0x2, s7;
	s7 =	smul.u32 $0x500, s7  }
0xd: {  	_ =	strace $0x80000047;
	s10 =	sadd.s32 s8, s0;
	s11 =	sshrl.u32 s24, $0x1  }
0xe: {  	s3 =	sadd.s32 s3, s8;
	s5 =	sadd.s32 s6, s5;
	s11 =	ssub.s32 s24, s11  }
0xf: {  	s6 =	sadd.s32 s9, s2;
	s10 =	sadd.s32 $0x1800, s10;
	s13 =	sadd.s32 s7, s3  }
0x10: {  	s24 =	simm.s32 $0xD;
	s3 =	simm.s32 $0x10;
	s5 =	sshrl.u32 s5, $0x3  }
0x11: {  	s26 =	smax.u32 s11, $0x1;
	s11 =	simm.s32 $0x11;
	s12 =	sadd.s32 s7, s10  }
0x12: {  	s10 =	simm.s32 $0x20;
	s7 =	simm.s32 $0x0;
	s0 =	sadd.s32 s5, s0  }
0x13: {  	s5 =	sadd.s32 s9, s1;
	[dreg:$0x7] =	wrdreg s26;
	s25 =	sadd.s32 $0xB800, s0  }
0x14: {  	s26 =	simm.s32 $0xE;
	s0 =	sadd.s32 $0xB810, s0;
	[dreg:$0x5] =	wrdreg s25  }
0x15: {  	v0 =	vimm.f32 $1.000000000e+00;
	v1 =	vimm.f32 $0.0e+00;
	[dreg:$0x6] =	wrdreg s0;
	s0 =	simm.s32 $0x9;
	s25 =	simm.s32 $0x6  }
.LBB2_1:
0x16: {  	[tilespmem:$0x5000] =	vst v0  }
0x17: {  	[tilespmem:$0x5010] =	vst v0  }
0x18: {  	[tilespmem:$0x5020] =	vst v0  }
0x19: {  	[tilespmem:$0x5030] =	vst v0  }
0x1a: {  	[tilespmem:$0x5040] =	vst v0  }
0x1b: {  	[tilespmem:$0x5050] =	vst v0  }
0x1c: {  	[tilespmem:$0x5060] =	vst v0  }
0x1d: {  	[tilespmem:$0x5070] =	vst v0  }
0x1e: {  	[tilespmem:$0x5080] =	vst v1  }
0x1f: {  	[tilespmem:$0x5090] =	vst v1  }
0x20: {  	[tilespmem:$0x50A0] =	vst v1  }
0x21: {  	[tilespmem:$0x50B0] =	vst v1  }
0x22: {  	[tilespmem:$0x50C0] =	vst v1  }
0x23: {  	[tilespmem:$0x50D0] =	vst v1  }
0x24: {  	[tilespmem:$0x50E0] =	vst v1  }
0x25: {  	[tilespmem:$0x50F0] =	vst v1  }
0x26: {  	[tilespmem:$0x5100] =	vst v1  }
0x27: {  	[tilespmem:$0x5110] =	vst v1  }
0x28: {  	[tilespmem:$0x5120] =	vst v1  }
0x29: {  	[tilespmem:$0x5130] =	vst v1  }
0x2a: {  	[tilespmem:$0x5140] =	vst v1  }
0x2b: {  	[tilespmem:$0x5150] =	vst v1  }
0x2c: {  	[tilespmem:$0x5160] =	vst v1  }
0x2d: {  	[tilespmem:$0x5170] =	vst v1  }
0x2e: {  	[tilespmem:$0x5180] =	vst v1  }
0x2f: {  	[tilespmem:$0x5190] =	vst v1  }
0x30: {  	[tilespmem:$0x51A0] =	vst v1  }
0x31: {  	[tilespmem:$0x51B0] =	vst v1  }
0x32: {  	[tilespmem:$0x51C0] =	vst v1  }
0x33: {  	[tilespmem:$0x51D0] =	vst v1  }
0x34: {  	[tilespmem:$0x51E0] =	vst v1  }
0x35: {  	[tilespmem:$0x51F0] =	vst v1  }
0x36: {  	[tilespmem:$0x5200] =	vst v1  }
0x37: {  	[tilespmem:$0x5210] =	vst v1  }
0x38: {  	[tilespmem:$0x5220] =	vst v1  }
0x39: {  	[tilespmem:$0x5230] =	vst v1  }
0x3a: {  	[tilespmem:$0x5240] =	vst v1  }
0x3b: {  	[tilespmem:$0x5250] =	vst v1  }
0x3c: {  	[tilespmem:$0x5260] =	vst v1  }
0x3d: {  	[tilespmem:$0x5270] =	vst v1  }
0x3e: {  	[tilespmem:$0x5280] =	vst v1  }
0x3f: {  	[tilespmem:$0x5290] =	vst v1  }
0x40: {  	[tilespmem:$0x52A0] =	vst v1  }
0x41: {  	[tilespmem:$0x52B0] =	vst v1  }
0x42: {  	[tilespmem:$0x52C0] =	vst v1  }
0x43: {  	[tilespmem:$0x52D0] =	vst v1  }
0x44: {  	[tilespmem:$0x52E0] =	vst v1  }
0x45: {  	[tilespmem:$0x52F0] =	vst v1;
	s8 =	simm.s32 $0x5080  }
0x46: {  	[spmem:s5] =	stream.linear.scatter [tilespmem:s8], [sflag:$0x11], $0x280, $0x38;
	[tilespmem:$0x5800] =	vst v63  }
0x47: {  	_ =	swait.ge [sflag:s11], $0x280  }
0x48: {  	[sflag:s11] =	ssyncset.done $0x0  }
0x49: {  	[sflag:s11] =	ssyncadd.s32 $0xFFFFFD80  }
0x4a: {  	[spmem:s6] =	stream.linear.scatter [tilespmem:s8], [sflag:$0x11], $0x280, $0x38;
	[tilespmem:$0x5800] =	vst v63  }
0x4b: {  	_ =	swait.ge [sflag:s11], $0x280  }
0x4c: {  	[sflag:s11] =	ssyncset.done $0x0  }
0x4d: {  	[sflag:s11] =	ssyncadd.s32 $0xFFFFFD80  }
0x4e: {  	[bflag:$0x0] =	sbarrier.arrive $0xFFFF  }
0x4f: {  	[tilespmem:s4], [sflag:$0x11] =	stream.linear.gather [hbm4b:s12+s4], $0x2800, $0x38;
	[tilespmem:$0x5800] =	vst v63  }
0x50: {  	_ =	swait.ge [sflag:s11], $0x2800  }
0x51: {  	[sflag:s11] =	ssyncset.done $0x0  }
0x52: {  	s14 =	simm.s32 $0x2800;
	[sflag:s11] =	ssyncadd.s32 $0xFFFFD800  }
0x53: {  	[tilespmem:s14], [sflag:$0x11] =	stream.linear.gather [hbm4b:s13+s4], $0x2800, $0x38;
	[tilespmem:$0x5800] =	vst v63  }
0x54: {  	_ =	swait.ge [sflag:s11], $0x2800  }
0x55: {  	[sflag:s11] =	ssyncset.done $0x0  }
0x56: {  	[sflag:s11] =	ssyncadd.s32 $0xFFFFD800  }
0x57: {  	[spmem:s1] =	stream.indirect.scatter.add.f32 [tilespmem:s16], [sflag:$0x1], $0x1, s4, s15, $0xb8;
	[tilespmem:$0x5800] =	vst v63  }
0x58: {  	_ = 	snop  }
0x59: {  	[spmem:s2] =	stream.indirect.scatter.add.f32 [tilespmem:s16], [sflag:$0x9], $0x1, s14, s15, $0xb8;
	[tilespmem:$0x5800] =	vst v63  }
0x5a: {  	_ = 	snop  }
0x5b: {  	[spmem:s1] =	stream.indirect.scatter.add.f32 [tilespmem:s16], [sflag:$0x2], $0x1, s15, s15, $0xb8;
	[tilespmem:$0x5800] =	vst v63  }
0x5c: {  	s9 =	simm.s32 $0x2880  }
0x5d: {  	[spmem:s2] =	stream.indirect.scatter.add.f32 [tilespmem:s16], [sflag:$0xA], $0x1, s9, s15, $0xb8;
	[tilespmem:$0x5800] =	vst v63  }
0x5e: {  	s14 =	simm.s32 $0x100  }
0x5f: {  	[spmem:s1] =	stream.indirect.scatter.add.f32 [tilespmem:s16], [sflag:$0x3], $0x1, s14, s15, $0xb8;
	[tilespmem:$0x5800] =	vst v63  }
0x60: {  	s9 =	simm.s32 $0x2900  }
0x61: {  	[spmem:s2] =	stream.indirect.scatter.add.f32 [tilespmem:s16], [sflag:$0xB], $0x1, s9, s15, $0xb8;
	[tilespmem:$0x5800] =	vst v63  }
0x62: {  	s14 =	simm.s32 $0x180  }
0x63: {  	[spmem:s1] =	stream.indirect.scatter.add.f32 [tilespmem:s16], [sflag:$0x4], $0x1, s14, s15, $0xb8;
	[tilespmem:$0x5800] =	vst v63  }
0x64: {  	s9 =	simm.s32 $0x2980  }
0x65: {  	[spmem:s2] =	stream.indirect.scatter.add.f32 [tilespmem:s16], [sflag:$0xC], $0x1, s9, s15, $0xb8;
	[tilespmem:$0x5800] =	vst v63  }
0x66: {  	s14 =	simm.s32 $0x200  }
0x67: {  	[spmem:s1] =	stream.indirect.scatter.add.f32 [tilespmem:s16], [sflag:$0x5], $0x1, s14, s15, $0xb8;
	[tilespmem:$0x5800] =	vst v63  }
0x68: {  	s9 =	simm.s32 $0x2A00  }
0x69: {  	[spmem:s2] =	stream.indirect.scatter.add.f32 [tilespmem:s16], [sflag:$0xD], $0x1, s9, s15, $0xb8;
	[tilespmem:$0x5800] =	vst v63  }
0x6a: {  	s14 =	simm.s32 $0x280  }
0x6b: {  	[spmem:s1] =	stream.indirect.scatter.add.f32 [tilespmem:s16], [sflag:$0x6], $0x1, s14, s15, $0xb8;
	[tilespmem:$0x5800] =	vst v63  }
0x6c: {  	s9 =	simm.s32 $0x2A80  }
0x6d: {  	[spmem:s2] =	stream.indirect.scatter.add.f32 [tilespmem:s16], [sflag:$0xE], $0x1, s9, s15, $0xb8;
	[tilespmem:$0x5800] =	vst v63  }
0x6e: {  	s14 =	simm.s32 $0x300  }
0x6f: {  	[spmem:s1] =	stream.indirect.scatter.add.f32 [tilespmem:s16], [sflag:$0x7], $0x1, s14, s15, $0xb8;
	[tilespmem:$0x5800] =	vst v63  }
0x70: {  	s9 =	simm.s32 $0x2B00  }
0x71: {  	[spmem:s2] =	stream.indirect.scatter.add.f32 [tilespmem:s16], [sflag:$0xF], $0x1, s9, s15, $0xb8;
	[tilespmem:$0x5800] =	vst v63  }
0x72: {  	s14 =	simm.s32 $0x380  }
0x73: {  	[spmem:s1] =	stream.indirect.scatter.add.f32 [tilespmem:s16], [sflag:$0x8], $0x1, s14, s15, $0xb8;
	[tilespmem:$0x5800] =	vst v63  }
0x74: {  	s9 =	simm.s32 $0x2B80  }
0x75: {  	[spmem:s2] =	stream.indirect.scatter.add.f32 [tilespmem:s16], [sflag:$0x10], $0x1, s9, s15, $0xb8;
	[tilespmem:$0x5800] =	vst v63  }
0x76: {  	_ =	swait.ge [sflag:s31], $0x80  }
0x77: {  	[sflag:s31] =	ssyncset.done $0x0  }
0x78: {  	[sflag:s31] =	ssyncadd.s32 $0xFFFFFF80  }
0x79: {  	_ =	swait.ge [sflag:s0], $0x80  }
0x7a: {  	[sflag:s0] =	ssyncset.done $0x0  }
0x7b: {  	s14 =	simm.s32 $0x400;
	[sflag:s0] =	ssyncadd.s32 $0xFFFFFF80  }
0x7c: {  	[spmem:s1] =	stream.indirect.scatter.add.f32 [tilespmem:s16], [sflag:$0x1], $0x1, s14, s15, $0xb8;
	[tilespmem:$0x5800] =	vst v63  }
0x7d: {  	s9 =	simm.s32 $0x2C00  }
0x7e: {  	[spmem:s2] =	stream.indirect.scatter.add.f32 [tilespmem:s16], [sflag:$0x9], $0x1, s9, s15, $0xb8;
	[tilespmem:$0x5800] =	vst v63  }
0x7f: {  	_ =	swait.ge [sflag:s17], $0x80  }
0x80: {  	[sflag:s17] =	ssyncset.done $0x0  }
0x81: {  	[sflag:s17] =	ssyncadd.s32 $0xFFFFFF80  }
0x82: {  	_ =	swait.ge [sflag:s18], $0x80  }
0x83: {  	[sflag:s18] =	ssyncset.done $0x0  }
0x84: {  	s14 =	simm.s32 $0x480;
	[sflag:s18] =	ssyncadd.s32 $0xFFFFFF80  }
0x85: {  	[spmem:s1] =	stream.indirect.scatter.add.f32 [tilespmem:s16], [sflag:$0x2], $0x1, s14, s15, $0xb8;
	[tilespmem:$0x5800] =	vst v63  }
0x86: {  	s9 =	simm.s32 $0x2C80  }
0x87: {  	[spmem:s2] =	stream.indirect.scatter.add.f32 [tilespmem:s16], [sflag:$0xA], $0x1, s9, s15, $0xb8;
	[tilespmem:$0x5800] =	vst v63  }
0x88: {  	_ =	swait.ge [sflag:s19], $0x80  }
0x89: {  	[sflag:s19] =	ssyncset.done $0x0  }
0x8a: {  	[sflag:s19] =	ssyncadd.s32 $0xFFFFFF80  }
0x8b: {  	_ =	swait.ge [sflag:s20], $0x80  }
0x8c: {  	[sflag:s20] =	ssyncset.done $0x0  }
0x8d: {  	s14 =	simm.s32 $0x500;
	[sflag:s20] =	ssyncadd.s32 $0xFFFFFF80  }
0x8e: {  	[spmem:s1] =	stream.indirect.scatter.add.f32 [tilespmem:s16], [sflag:$0x3], $0x1, s14, s15, $0xb8;
	[tilespmem:$0x5800] =	vst v63  }
0x8f: {  	s9 =	simm.s32 $0x2D00  }
0x90: {  	[spmem:s2] =	stream.indirect.scatter.add.f32 [tilespmem:s16], [sflag:$0xB], $0x1, s9, s15, $0xb8;
	[tilespmem:$0x5800] =	vst v63  }
0x91: {  	_ =	swait.ge [sflag:s21], $0x80  }
0x92: {  	[sflag:s21] =	ssyncset.done $0x0  }
0x93: {  	[sflag:s21] =	ssyncadd.s32 $0xFFFFFF80  }
0x94: {  	_ =	swait.ge [sflag:s22], $0x80  }
0x95: {  	[sflag:s22] =	ssyncset.done $0x0  }
0x96: {  	s14 =	simm.s32 $0x580;
	[sflag:s22] =	ssyncadd.s32 $0xFFFFFF80  }
0x97: {  	[spmem:s1] =	stream.indirect.scatter.add.f32 [tilespmem:s16], [sflag:$0x4], $0x1, s14, s15, $0xb8;
	[tilespmem:$0x5800] =	vst v63  }
0x98: {  	s9 =	simm.s32 $0x2D80  }
0x99: {  	[spmem:s2] =	stream.indirect.scatter.add.f32 [tilespmem:s16], [sflag:$0xC], $0x1, s9, s15, $0xb8;
	[tilespmem:$0x5800] =	vst v63  }
0x9a: {  	_ =	swait.ge [sflag:s23], $0x80  }
0x9b: {  	[sflag:s23] =	ssyncset.done $0x0  }
0x9c: {  	[sflag:s23] =	ssyncadd.s32 $0xFFFFFF80  }
0x9d: {  	_ =	swait.ge [sflag:s24], $0x80  }
0x9e: {  	[sflag:s24] =	ssyncset.done $0x0  }
0x9f: {  	s14 =	simm.s32 $0x600;
	[sflag:s24] =	ssyncadd.s32 $0xFFFFFF80  }
0xa0: {  	[spmem:s1] =	stream.indirect.scatter.add.f32 [tilespmem:s16], [sflag:$0x5], $0x1, s14, s15, $0xb8;
	[tilespmem:$0x5800] =	vst v63  }
0xa1: {  	s9 =	simm.s32 $0x2E00  }
0xa2: {  	[spmem:s2] =	stream.indirect.scatter.add.f32 [tilespmem:s16], [sflag:$0xD], $0x1, s9, s15, $0xb8;
	[tilespmem:$0x5800] =	vst v63  }
0xa3: {  	_ =	swait.ge [sflag:s25], $0x80  }
0xa4: {  	[sflag:s25] =	ssyncset.done $0x0  }
0xa5: {  	[sflag:s25] =	ssyncadd.s32 $0xFFFFFF80  }
0xa6: {  	_ =	swait.ge [sflag:s26], $0x80  }
0xa7: {  	[sflag:s26] =	ssyncset.done $0x0  }
0xa8: {  	s14 =	simm.s32 $0x680;
	[sflag:s26] =	ssyncadd.s32 $0xFFFFFF80  }
0xa9: {  	[spmem:s1] =	stream.indirect.scatter.add.f32 [tilespmem:s16], [sflag:$0x6], $0x1, s14, s15, $0xb8;
	[tilespmem:$0x5800] =	vst v63  }
0xaa: {  	s9 =	simm.s32 $0x2E80  }
0xab: {  	[spmem:s2] =	stream.indirect.scatter.add.f32 [tilespmem:s16], [sflag:$0xE], $0x1, s9, s15, $0xb8;
	[tilespmem:$0x5800] =	vst v63  }
0xac: {  	_ =	swait.ge [sflag:s28], $0x80  }
0xad: {  	[sflag:s28] =	ssyncset.done $0x0  }
0xae: {  	[sflag:s28] =	ssyncadd.s32 $0xFFFFFF80  }
0xaf: {  	_ =	swait.ge [sflag:s29], $0x80  }
0xb0: {  	[sflag:s29] =	ssyncset.done $0x0  }
0xb1: {  	s14 =	simm.s32 $0x700;
	[sflag:s29] =	ssyncadd.s32 $0xFFFFFF80  }
0xb2: {  	[spmem:s1] =	stream.indirect.scatter.add.f32 [tilespmem:s16], [sflag:$0x7], $0x1, s14, s15, $0xb8;
	[tilespmem:$0x5800] =	vst v63  }
0xb3: {  	s9 =	simm.s32 $0x2F00  }
0xb4: {  	[spmem:s2] =	stream.indirect.scatter.add.f32 [tilespmem:s16], [sflag:$0xF], $0x1, s9, s15, $0xb8;
	[tilespmem:$0x5800] =	vst v63  }
0xb5: {  	_ =	swait.ge [sflag:s30], $0x80  }
0xb6: {  	[sflag:s30] =	ssyncset.done $0x0  }
0xb7: {  	[sflag:s30] =	ssyncadd.s32 $0xFFFFFF80  }
0xb8: {  	_ =	swait.ge [sflag:s3], $0x80  }
0xb9: {  	[sflag:s3] =	ssyncset.done $0x0  }
0xba: {  	s14 =	simm.s32 $0x780;
	[sflag:s3] =	ssyncadd.s32 $0xFFFFFF80  }
0xbb: {  	[spmem:s1] =	stream.indirect.scatter.add.f32 [tilespmem:s16], [sflag:$0x8], $0x1, s14, s15, $0xb8;
	[tilespmem:$0x5800] =	vst v63  }
0xbc: {  	s8 =	simm.s32 $0x2F80;
	s14 =	simm.s32 $0x1000  }
.LBB2_2:
0xbd: {  	[spmem:s2] =	stream.indirect.scatter.add.f32 [tilespmem:s16], [sflag:$0x10], $0x1, s8, s15, $0xb8;
	[tilespmem:$0x5800] =	vst v63  }
0xbe: {  	s8 =	smov.u32 s14  }
0xbf: {  	p0 =	sne.s32 s14, $0x8000;
	s14 =	sadd.s32 $0x1000, s14;
	_ =	swait.ge [sflag:s31], $0x80  }
0xc0: {  	[sflag:s31] =	ssyncset.done $0x0  }
0xc1: {  	[sflag:s31] =	ssyncadd.s32 $0xFFFFFF80  }
0xc2: {  	_ =	swait.ge [sflag:s0], $0x80  }
0xc3: {  	s8 =	sshra.s32 s8, $0x2;
	[sflag:s0] =	ssyncset.done $0x0  }
0xc4: {  	s9 =	sadd.s32 $0x400, s8;
	[sflag:s0] =	ssyncadd.s32 $0xFFFFFF80  }
0xc5: {  	[spmem:s1] =	stream.indirect.scatter.add.f32 [tilespmem:s16], [sflag:$0x1], $0x1, s9, s15, $0xb8;
	[tilespmem:$0x5800] =	vst v63  }
0xc6: {  	s9 =	sadd.s32 $0x2C00, s8  }
0xc7: {  	[spmem:s2] =	stream.indirect.scatter.add.f32 [tilespmem:s16], [sflag:$0x9], $0x1, s9, s15, $0xb8;
	[tilespmem:$0x5800] =	vst v63  }
0xc8: {  	_ =	swait.ge [sflag:s17], $0x80  }
0xc9: {  	[sflag:s17] =	ssyncset.done $0x0  }
0xca: {  	[sflag:s17] =	ssyncadd.s32 $0xFFFFFF80  }
0xcb: {  	_ =	swait.ge [sflag:s18], $0x80  }
0xcc: {  	[sflag:s18] =	ssyncset.done $0x0  }
0xcd: {  	s9 =	sadd.s32 $0x480, s8;
	[sflag:s18] =	ssyncadd.s32 $0xFFFFFF80  }
0xce: {  	[spmem:s1] =	stream.indirect.scatter.add.f32 [tilespmem:s16], [sflag:$0x2], $0x1, s9, s15, $0xb8;
	[tilespmem:$0x5800] =	vst v63  }
0xcf: {  	s9 =	sadd.s32 $0x2C80, s8  }
0xd0: {  	[spmem:s2] =	stream.indirect.scatter.add.f32 [tilespmem:s16], [sflag:$0xA], $0x1, s9, s15, $0xb8;
	[tilespmem:$0x5800] =	vst v63  }
0xd1: {  	_ =	swait.ge [sflag:s19], $0x80  }
0xd2: {  	[sflag:s19] =	ssyncset.done $0x0  }
0xd3: {  	[sflag:s19] =	ssyncadd.s32 $0xFFFFFF80  }
0xd4: {  	_ =	swait.ge [sflag:s20], $0x80  }
0xd5: {  	[sflag:s20] =	ssyncset.done $0x0  }
0xd6: {  	s9 =	sadd.s32 $0x500, s8;
	[sflag:s20] =	ssyncadd.s32 $0xFFFFFF80  }
0xd7: {  	[spmem:s1] =	stream.indirect.scatter.add.f32 [tilespmem:s16], [sflag:$0x3], $0x1, s9, s15, $0xb8;
	[tilespmem:$0x5800] =	vst v63  }
0xd8: {  	s9 =	sadd.s32 $0x2D00, s8  }
0xd9: {  	[spmem:s2] =	stream.indirect.scatter.add.f32 [tilespmem:s16], [sflag:$0xB], $0x1, s9, s15, $0xb8;
	[tilespmem:$0x5800] =	vst v63  }
0xda: {  	_ =	swait.ge [sflag:s21], $0x80  }
0xdb: {  	[sflag:s21] =	ssyncset.done $0x0  }
0xdc: {  	[sflag:s21] =	ssyncadd.s32 $0xFFFFFF80  }
0xdd: {  	_ =	swait.ge [sflag:s22], $0x80  }
0xde: {  	[sflag:s22] =	ssyncset.done $0x0  }
0xdf: {  	s9 =	sadd.s32 $0x580, s8;
	[sflag:s22] =	ssyncadd.s32 $0xFFFFFF80  }
0xe0: {  	[spmem:s1] =	stream.indirect.scatter.add.f32 [tilespmem:s16], [sflag:$0x4], $0x1, s9, s15, $0xb8;
	[tilespmem:$0x5800] =	vst v63  }
0xe1: {  	s9 =	sadd.s32 $0x2D80, s8  }
0xe2: {  	[spmem:s2] =	stream.indirect.scatter.add.f32 [tilespmem:s16], [sflag:$0xC], $0x1, s9, s15, $0xb8;
	[tilespmem:$0x5800] =	vst v63  }
0xe3: {  	_ =	swait.ge [sflag:s23], $0x80  }
0xe4: {  	[sflag:s23] =	ssyncset.done $0x0  }
0xe5: {  	[sflag:s23] =	ssyncadd.s32 $0xFFFFFF80  }
0xe6: {  	_ =	swait.ge [sflag:s24], $0x80  }
0xe7: {  	[sflag:s24] =	ssyncset.done $0x0  }
0xe8: {  	s9 =	sadd.s32 $0x600, s8;
	[sflag:s24] =	ssyncadd.s32 $0xFFFFFF80  }
0xe9: {  	[spmem:s1] =	stream.indirect.scatter.add.f32 [tilespmem:s16], [sflag:$0x5], $0x1, s9, s15, $0xb8;
	[tilespmem:$0x5800] =	vst v63  }
0xea: {  	s9 =	sadd.s32 $0x2E00, s8  }
0xeb: {  	[spmem:s2] =	stream.indirect.scatter.add.f32 [tilespmem:s16], [sflag:$0xD], $0x1, s9, s15, $0xb8;
	[tilespmem:$0x5800] =	vst v63  }
0xec: {  	_ =	swait.ge [sflag:s25], $0x80  }
0xed: {  	[sflag:s25] =	ssyncset.done $0x0  }
0xee: {  	[sflag:s25] =	ssyncadd.s32 $0xFFFFFF80  }
0xef: {  	_ =	swait.ge [sflag:s26], $0x80  }
0xf0: {  	[sflag:s26] =	ssyncset.done $0x0  }
0xf1: {  	s9 =	sadd.s32 $0x680, s8;
	[sflag:s26] =	ssyncadd.s32 $0xFFFFFF80  }
0xf2: {  	[spmem:s1] =	stream.indirect.scatter.add.f32 [tilespmem:s16], [sflag:$0x6], $0x1, s9, s15, $0xb8;
	[tilespmem:$0x5800] =	vst v63  }
0xf3: {  	s9 =	sadd.s32 $0x2E80, s8  }
0xf4: {  	[spmem:s2] =	stream.indirect.scatter.add.f32 [tilespmem:s16], [sflag:$0xE], $0x1, s9, s15, $0xb8;
	[tilespmem:$0x5800] =	vst v63  }
0xf5: {  	_ =	swait.ge [sflag:s28], $0x80  }
0xf6: {  	[sflag:s28] =	ssyncset.done $0x0  }
0xf7: {  	[sflag:s28] =	ssyncadd.s32 $0xFFFFFF80  }
0xf8: {  	_ =	swait.ge [sflag:s29], $0x80  }
0xf9: {  	[sflag:s29] =	ssyncset.done $0x0  }
0xfa: {  	s9 =	sadd.s32 $0x700, s8;
	[sflag:s29] =	ssyncadd.s32 $0xFFFFFF80  }
0xfb: {  	[spmem:s1] =	stream.indirect.scatter.add.f32 [tilespmem:s16], [sflag:$0x7], $0x1, s9, s15, $0xb8;
	[tilespmem:$0x5800] =	vst v63  }
0xfc: {  	s9 =	sadd.s32 $0x2F00, s8  }
0xfd: {  	[spmem:s2] =	stream.indirect.scatter.add.f32 [tilespmem:s16], [sflag:$0xF], $0x1, s9, s15, $0xb8;
	[tilespmem:$0x5800] =	vst v63  }
0xfe: {  	_ =	swait.ge [sflag:s30], $0x80  }
0xff: {  	[sflag:s30] =	ssyncset.done $0x0  }
0x100: {  	[sflag:s30] =	ssyncadd.s32 $0xFFFFFF80  }
.Ltmp0:
0x101: {  	_ =	swait.ge [sflag:s3], $0x80;
	(pc) =	sbr.rel @p0 .LBB2_2-.Ltmp0, $4  }
0x102: {  	[sflag:s3] =	ssyncset.done $0x0  }
0x103: {  	s9 =	sadd.s32 $0x780, s8;
	[sflag:s3] =	ssyncadd.s32 $0xFFFFFF80  }
0x104: {  	[spmem:s1] =	stream.indirect.scatter.add.f32 [tilespmem:s16], [sflag:$0x8], $0x1, s9, s15, $0xb8;
	[tilespmem:$0x5800] =	vst v63  }
0x105: {  	s8 =	sadd.s32 $0x2F80, s8  }
0x106: {  	[spmem:s2] =	stream.indirect.scatter.add.f32 [tilespmem:s16], [sflag:$0x10], $0x1, s8, s15, $0xb8;
	[tilespmem:$0x5800] =	vst v63  }
0x107: {  	_ =	swait.ge [sflag:s31], $0x80  }
0x108: {  	[sflag:s31] =	ssyncset.done $0x0  }
0x109: {  	[sflag:s31] =	ssyncadd.s32 $0xFFFFFF80  }
0x10a: {  	_ =	swait.ge [sflag:s0], $0x80  }
0x10b: {  	[sflag:s0] =	ssyncset.done $0x0  }
0x10c: {  	[sflag:s0] =	ssyncadd.s32 $0xFFFFFF80  }
0x10d: {  	_ =	swait.ge [sflag:s17], $0x80  }
0x10e: {  	[sflag:s17] =	ssyncset.done $0x0  }
0x10f: {  	[sflag:s17] =	ssyncadd.s32 $0xFFFFFF80  }
0x110: {  	_ =	swait.ge [sflag:s18], $0x80  }
0x111: {  	[sflag:s18] =	ssyncset.done $0x0  }
0x112: {  	[sflag:s18] =	ssyncadd.s32 $0xFFFFFF80  }
0x113: {  	_ =	swait.ge [sflag:s19], $0x80  }
0x114: {  	[sflag:s19] =	ssyncset.done $0x0  }
0x115: {  	[sflag:s19] =	ssyncadd.s32 $0xFFFFFF80  }
0x116: {  	_ =	swait.ge [sflag:s20], $0x80  }
0x117: {  	[sflag:s20] =	ssyncset.done $0x0  }
0x118: {  	[sflag:s20] =	ssyncadd.s32 $0xFFFFFF80  }
0x119: {  	_ =	swait.ge [sflag:s21], $0x80  }
0x11a: {  	[sflag:s21] =	ssyncset.done $0x0  }
0x11b: {  	[sflag:s21] =	ssyncadd.s32 $0xFFFFFF80  }
0x11c: {  	_ =	swait.ge [sflag:s22], $0x80  }
0x11d: {  	[sflag:s22] =	ssyncset.done $0x0  }
0x11e: {  	[sflag:s22] =	ssyncadd.s32 $0xFFFFFF80  }
0x11f: {  	_ =	swait.ge [sflag:s23], $0x80  }
0x120: {  	[sflag:s23] =	ssyncset.done $0x0  }
0x121: {  	[sflag:s23] =	ssyncadd.s32 $0xFFFFFF80  }
0x122: {  	_ =	swait.ge [sflag:s24], $0x80  }
0x123: {  	[sflag:s24] =	ssyncset.done $0x0  }
0x124: {  	[sflag:s24] =	ssyncadd.s32 $0xFFFFFF80  }
0x125: {  	_ =	swait.ge [sflag:s25], $0x80  }
0x126: {  	[sflag:s25] =	ssyncset.done $0x0  }
0x127: {  	[sflag:s25] =	ssyncadd.s32 $0xFFFFFF80  }
0x128: {  	_ =	swait.ge [sflag:s26], $0x80  }
0x129: {  	[sflag:s26] =	ssyncset.done $0x0  }
0x12a: {  	[sflag:s26] =	ssyncadd.s32 $0xFFFFFF80  }
0x12b: {  	_ =	swait.ge [sflag:s28], $0x80  }
0x12c: {  	[sflag:s28] =	ssyncset.done $0x0  }
0x12d: {  	[sflag:s28] =	ssyncadd.s32 $0xFFFFFF80  }
0x12e: {  	_ =	swait.ge [sflag:s29], $0x80  }
0x12f: {  	[sflag:s29] =	ssyncset.done $0x0  }
0x130: {  	[sflag:s29] =	ssyncadd.s32 $0xFFFFFF80  }
0x131: {  	_ =	swait.ge [sflag:s30], $0x80  }
0x132: {  	[sflag:s30] =	ssyncset.done $0x0  }
0x133: {  	[sflag:s30] =	ssyncadd.s32 $0xFFFFFF80  }
0x134: {  	_ =	swait.ge [sflag:s3], $0x80  }
0x135: {  	[sflag:s3] =	ssyncset.done $0x0  }
0x136: {  	s9 =	stileid.u32;
	[sflag:s3] =	ssyncadd.s32 $0xFFFFFF80  }
0x137: {  	s8 =	sshll.u32 s9, $0x6;
	[bflag:$0x0] =	sbarrier.arrive $0xFFFF  }
0x138: {  	s9 =	sshrl.u32 s5, $0x3;
	s8 =	sor.u32 $0x1C11, s8;
	s14 =	rddreg [dreg:$0x5]  }
0x139: {  	[hbm:s14@s10], [sflag:s8] =	dma.strided [spmem:s9@s3], $0x50, s31, $0x10   }
0x13a: {  	_ =	swait.ge [sflag:s11], $0x50  }
0x13b: {  	[sflag:s11] =	ssyncset.done $0x0  }
0x13c: {  	s9 =	sshrl.u32 s6, $0x3;
	s14 =	rddreg [dreg:$0x6];
	[sflag:s11] =	ssyncadd.s32 $0xFFFFFFB0  }
0x13d: {  	[hbm:s14@s10], [sflag:s8] =	dma.strided [spmem:s9@s3], $0x50, s31, $0x10   }
0x13e: {  	_ =	swait.ge [sflag:s11], $0x50  }
0x13f: {  	s7 =	sadd.s32 $0x1, s7;
	s14 =	rddreg [dreg:$0x7]  }
0x140: {  	p0 =	sne.s32 s7, s14  }
.Ltmp1:
0x141: {  	_ = 	snop;
	(pc) =	sbr.rel @p0 .LBB2_1-.Ltmp1, $3  }
0x142: {  	_ =	sdelay $0x1  }
0x143: {  	[sflag:s11] =	ssyncset.done $0x0  }
0x144: {  	[sflag:s11] =	ssyncadd.s32 $0xFFFFFFB0  }
0x145: {  	_ =	sfence.sel $0x180000  }
0x146: {  	[bflag:$0x0] =	sbarrier.arrive $0xFFFF  }
0x147: {  	_ =	strace $0x90000047  }
0x148: {  	s0 =	stileid.u32;
	[bflag:$0x2] =	sbarrier.arrive $0xFFFF  }
0x149: {  	p0 =	sne.s32 s0, $0x0;
	s0 =	rddreg [dreg:$0x4]  }
0x14a: {  	s0 =	sadd.s32 @!p0 $0x100000, s0  }
0x14b: {  	[sflag:s0] =	ssyncadd.tile.s32 @!p0 $0x1;
	_ =	shalt  }
.Lfunc_end2:
_tile_overlayer_lowered:
.L_overlay_start_2:
0x14c: {  	(tag) =	ssettag $0x2  }
0x14d: {  	s0 =	rddreg [dreg:$0x0];
	s2 =	stileid.u32  }
0x14e: {  	s1 =	rddreg [dreg:$0x1];
	p0 =	sne.s32 s2, $0x0  }
0x14f: {  	s3 =	rddreg [dreg:$0x2];
	[bflag:$0x3] =	sbarrier.arrive $0xFFFF;
	s2 =	simm.s32 @!p0 $0x1C11  }
0x150: {  	[timem:s3], [sflag:s2] =	dma.local @!p0 [hbm:s0], s1  }
0x151: {  	s0 =	simm.s32 @!p0 $0x11  }
0x152: {  	_ =	swait.ge @!p0 [sflag:s0], s1  }
0x153: {  	s1 =	ssub.s32 @!p0 $0x0, s1;
	[sflag:s0] =	ssyncset.done @!p0 $0x0  }
0x154: {  	[sflag:s0] =	ssyncadd.s32 @!p0 s1  }
0x155: {  	[bflag:$0x3] =	sbarrier.arrive $0xFFFF  }
0x156: {  	_ =	shalt  }

</sc_bundles>
